<compile_context>
chip_gen: v7x
topology: tpu7x:2x2x1
jax: 0.10.2.dev20260603
libtpu: 0.0.44.dev20260713+nightly
codegen_flags: <defaults>
</compile_context>

<pallas_src>
import jax
import jax.numpy as jnp
from jax import lax
from jax.experimental import pallas as pl
from jax.experimental.pallas import tpu as pltpu
from jax.experimental.pallas import tpu_sc as plsc

N_NODES = 10000
N_EDGES = 320000
NODE_DIM = 128
EDGE_DIM = 16
HID = 48
HID_O = 40
ALPHA = 0.5

CHUNK = 128
N_CHUNKS = N_EDGES // CHUNK
NC, NS = 2, 16
NW = NC * NS
ROWS_PER_TILE = N_NODES // NS

_F32 = jnp.float32



def _nodeproj_body(x_ref, w_ref, pa_ref, pb_ref):
    p = jnp.dot(x_ref[...], w_ref[...], preferred_element_type=_F32)
    pa_ref[...] = p[:, :HID]
    pb_ref[...] = p[:, HID:]


def _node_proj(x, wcat):
    bn = 2000
    return pl.pallas_call(
        _nodeproj_body,
        grid=(N_NODES // bn,),
        in_specs=[
            pl.BlockSpec((bn, NODE_DIM), lambda i: (i, 0)),
            pl.BlockSpec((NODE_DIM, 2 * HID), lambda i: (0, 0)),
        ],
        out_specs=[
            pl.BlockSpec((bn, HID), lambda i: (i, 0)),
            pl.BlockSpec((bn, HID), lambda i: (i, 0)),
        ],
        out_shape=[jax.ShapeDtypeStruct((N_NODES, HID), _F32)] * 2,
    )(x, wcat)


def _edge_body(gt_ref, eat_ref, cpt_ref, b1_ref, w2t_ref, b2_ref, out_ref):
    m = jnp.dot(cpt_ref[...], eat_ref[...], preferred_element_type=_F32)
    h = jnp.maximum(gt_ref[...] + m + b1_ref[...].T, 0.0)
    out_ref[...] = (jnp.dot(w2t_ref[...], h, preferred_element_type=_F32)
                    + b2_ref[...].T)


def _edge_mlp(gsum_t, ea_t, cpt, b1p, w2t, b2p):
    be = 2560
    return pl.pallas_call(
        _edge_body,
        grid=(N_EDGES // be,),
        in_specs=[
            pl.BlockSpec((HID, be), lambda i: (0, i)),
            pl.BlockSpec((EDGE_DIM, be), lambda i: (0, i)),
            pl.BlockSpec((HID, EDGE_DIM), lambda i: (0, 0)),
            pl.BlockSpec((1, HID), lambda i: (0, 0)),
            pl.BlockSpec((EDGE_DIM, HID), lambda i: (0, 0)),
            pl.BlockSpec((1, EDGE_DIM), lambda i: (0, 0)),
        ],
        out_specs=pl.BlockSpec((EDGE_DIM, be), lambda i: (0, i)),
        out_shape=jax.ShapeDtypeStruct((EDGE_DIM, N_EDGES), _F32),
    )(gsum_t, ea_t, cpt, b1p, w2t, b2p)


def _nodeupd_body(x_ref, aggp_ref, o1x_ref, o1a_ref, ob1_ref, o2_ref, ob2_ref,
                  out_ref):
    agg = aggp_ref[0] + aggp_ref[1]
    t = (jnp.dot(x_ref[...], o1x_ref[...], preferred_element_type=_F32)
         + jnp.dot(agg, o1a_ref[...], preferred_element_type=_F32)
         + ob1_ref[...])
    h = jnp.maximum(t, 0.0)
    delta = jnp.dot(h, o2_ref[...], preferred_element_type=_F32) + ob2_ref[...]
    out_ref[...] = ALPHA * x_ref[...] + (1.0 - ALPHA) * jnp.maximum(delta, 0.0)


def _node_update(x, aggp, o1x, o1a, ob1, o2, ob2):
    bn = 2000
    return pl.pallas_call(
        _nodeupd_body,
        grid=(N_NODES // bn,),
        in_specs=[
            pl.BlockSpec((bn, NODE_DIM), lambda i: (i, 0)),
            pl.BlockSpec((2, bn, EDGE_DIM), lambda i: (0, i, 0)),
            pl.BlockSpec((NODE_DIM, HID_O), lambda i: (0, 0)),
            pl.BlockSpec((EDGE_DIM, HID_O), lambda i: (0, 0)),
            pl.BlockSpec((1, HID_O), lambda i: (0, 0)),
            pl.BlockSpec((HID_O, NODE_DIM), lambda i: (0, 0)),
            pl.BlockSpec((1, NODE_DIM), lambda i: (0, 0)),
        ],
        out_specs=pl.BlockSpec((bn, NODE_DIM), lambda i: (i, 0)),
        out_shape=jax.ShapeDtypeStruct((N_NODES, NODE_DIM), _F32),
    )(x, aggp, o1x, o1a, ob1, o2, ob2)



_MESH = plsc.VectorSubcoreMesh(core_axis_name="c", subcore_axis_name="s")

IDXR = 79
KG = 6
NGRP = 78 // KG
KS = 6
NGRPS = 78 // KS


def _worker_range():
    cid = lax.axis_index("c")
    sid = lax.axis_index("s")
    wid = cid * NS + sid
    start = (wid * N_CHUNKS) // NW
    nloc = ((wid + 1) * N_CHUNKS) // NW - start
    return cid, sid, start, nloc


def _sc_gather_body(ta, tb, dst2d, src2d, out, idx_a, idx_b,
                    buf_a, buf_b, sem_g, sem_w):
    cid, sid, start, nloc = _worker_range()

    pltpu.sync_copy(dst2d.at[pl.ds(start, IDXR)], idx_a)
    pltpu.sync_copy(src2d.at[pl.ds(start, IDXR)], idx_b)

    def do_adds(b):
        def add_row(j, carry2):
            for k in range(HID // 16):
                s = pl.ds(k * 16, 16)
                buf_a[b, j, s] = buf_a[b, j, s] + buf_b[b, j, s]
            return carry2

        lax.fori_loop(0, CHUNK, add_row, 0, unroll=False)

    def group(g, carry):
        r0 = g * KG
        cps = []
        for b in range(KG):
            cps.append(pltpu.async_copy(ta.at[idx_a.at[r0 + b]],
                                        buf_a.at[b], sem_g))
            cps.append(pltpu.async_copy(tb.at[idx_b.at[r0 + b]],
                                        buf_b.at[b], sem_g))
        for cp in cps:
            cp.wait()
        wps = []
        for b in range(KG):
            do_adds(b)
            dst_rows = pl.ds((start + r0 + b) * CHUNK, CHUNK)
            wps.append(pltpu.async_copy(buf_a.at[b], out.at[dst_rows], sem_w))
        for wp in wps:
            wp.wait()
        return carry

    lax.fori_loop(0, NGRP, group, 0, unroll=False)

    @pl.when(nloc == IDXR)
    def _tail():
        r = IDXR - 1
        cpa = pltpu.async_copy(ta.at[idx_a.at[r]], buf_a.at[0], sem_g)
        cpb = pltpu.async_copy(tb.at[idx_b.at[r]], buf_b.at[0], sem_g)
        cpa.wait()
        cpb.wait()
        do_adds(0)
        pltpu.sync_copy(buf_a.at[0], out.at[pl.ds((start + r) * CHUNK, CHUNK)])


_sc_gather = pl.kernel(
    _sc_gather_body,
    out_type=jax.ShapeDtypeStruct((N_EDGES, HID), _F32),
    mesh=_MESH,
    compiler_params=pltpu.CompilerParams(use_tc_tiling_on_sc=False),
    scratch_types=[
        pltpu.VMEM((IDXR, CHUNK), jnp.int32),
        pltpu.VMEM((IDXR, CHUNK), jnp.int32),
        pltpu.VMEM((KG, CHUNK, HID), _F32),
        pltpu.VMEM((KG, CHUNK, HID), _F32),
        pltpu.SemaphoreType.DMA,
        pltpu.SemaphoreType.DMA,
    ],
)


def _sc_scatter_body(e_hbm, dst2d, out, acc, idx, buf, zbuf, sem_l, sem_s):
    cid, sid, start, nloc = _worker_range()

    def zrow(i, carry):
        zbuf[i, :] = jnp.zeros((EDGE_DIM,), _F32)
        return carry

    lax.fori_loop(0, ROWS_PER_TILE, zrow, 0, unroll=False)
    rows = pl.ds(sid * ROWS_PER_TILE, ROWS_PER_TILE)
    pltpu.sync_copy(zbuf, acc.at[rows])
    pltpu.sync_copy(dst2d.at[pl.ds(start, IDXR)], idx)
    plsc.subcore_barrier()

    def group(g, carry):
        r0 = g * KS
        cps = []
        for b in range(KS):
            src_rows = pl.ds((start + r0 + b) * CHUNK, CHUNK)
            cps.append(pltpu.async_copy(e_hbm.at[src_rows], buf.at[b], sem_l))
        for cp in cps:
            cp.wait()
        sps = []
        for b in range(KS):
            sps.append(pltpu.async_copy(buf.at[b], acc.at[idx.at[r0 + b]],
                                        sem_s, add=True))
        for sp in sps:
            sp.wait()
        return carry

    lax.fori_loop(0, NGRPS, group, 0, unroll=False)

    @pl.when(nloc == IDXR)
    def _tail():
        r = IDXR - 1
        pltpu.sync_copy(e_hbm.at[pl.ds((start + r) * CHUNK, CHUNK)], buf.at[0])
        pltpu.sync_copy(buf.at[0], acc.at[idx.at[r]], add=True)

    plsc.subcore_barrier()
    pltpu.sync_copy(acc.at[rows], out.at[cid, rows])


_sc_scatter = pl.kernel(
    _sc_scatter_body,
    out_type=jax.ShapeDtypeStruct((NC, N_NODES, EDGE_DIM), _F32),
    mesh=_MESH,
    compiler_params=pltpu.CompilerParams(use_tc_tiling_on_sc=False),
    scratch_types=[
        pltpu.VMEM_SHARED((N_NODES, EDGE_DIM), _F32),
        pltpu.VMEM((IDXR, CHUNK), jnp.int32),
        pltpu.VMEM((KS, CHUNK, EDGE_DIM), _F32),
        pltpu.VMEM((ROWS_PER_TILE, EDGE_DIM), _F32),
        pltpu.SemaphoreType.DMA,
        pltpu.SemaphoreType.DMA,
    ],
)



def _layer(x, ea, dst2d, src2d, p):
    rel, obj = p["rel"], p["obj"]
    pad = HID - rel["W1"].shape[1]
    a = jnp.pad(rel["W1"][:NODE_DIM], ((0, 0), (0, pad)))
    b = jnp.pad(rel["W1"][NODE_DIM:2 * NODE_DIM], ((0, 0), (0, pad)))
    cpt = jnp.pad(rel["W1"][2 * NODE_DIM:], ((0, 0), (0, pad))).T
    wcat = jnp.concatenate([a, b], axis=1)
    b1p = jnp.pad(rel["b1"], (0, pad)).reshape(1, HID)
    w2t = jnp.pad(rel["W2"], ((0, pad), (0, 0))).T
    b2p = rel["b2"].reshape(1, EDGE_DIM)

    pa, pb = _node_proj(x, wcat)
    gsum = _sc_gather(pa, pb, dst2d, src2d)
    e_t = _edge_mlp(gsum.T, ea, cpt, b1p, w2t, b2p)
    aggp = _sc_scatter(e_t.T, dst2d)
    x_new = _node_update(
        x, aggp,
        obj["W1"][:NODE_DIM], obj["W1"][NODE_DIM:],
        obj["b1"].reshape(1, HID_O), obj["W2"], obj["b2"].reshape(1, NODE_DIM))
    return x_new, e_t


def kernel(x, edge_index, edge_attr, params):
    src2d = edge_index[0].reshape(N_CHUNKS, CHUNK)
    dst2d = edge_index[1].reshape(N_CHUNKS, CHUNK)
    ea_t = edge_attr.T
    e_ts = []
    for p in params:
        x, ea_t = _layer(x, ea_t, dst2d, src2d, p)
        e_ts.append(ea_t)
    e1, e2 = e_ts[0].T, e_ts[1].T
    return x, e2, (edge_attr, e1, e2)

# --- scband reference (transcript-rebuilt; emitter-appended) ---
"""Pipeline reference for scband-res-in-31112743092305 (READ-ONLY COPY).

The authoritative reference and input builder live on the scoring server;
editing this copy changes nothing except your own understanding.
"""

import jax, jax.numpy as jnp
import numpy as np

N_NODES = 10000
N_EDGES = 320000
NODE_DIM = 128
EDGE_DIM = 16
HID_R = 40
HID_O = 40
N_LAYERS = 2
ALPHA = 0.5


def _mlp(p, x):
    h = jnp.maximum(x @ p["W1"] + p["b1"], 0.0)
    return h @ p["W2"] + p["b2"]


def _make_layer_params(key):
    ks = jax.random.split(key, 8)
    rel_in = 2 * NODE_DIM + EDGE_DIM
    obj_in = NODE_DIM + EDGE_DIM
    rel = {
        "W1": jax.random.normal(ks[0], (rel_in, HID_R), dtype=jnp.float32) * (1.0 / np.sqrt(rel_in)),
        "b1": jnp.zeros((HID_R,), dtype=jnp.float32),
        "W2": jax.random.normal(ks[1], (HID_R, EDGE_DIM), dtype=jnp.float32) * (1.0 / np.sqrt(HID_R)),
        "b2": jnp.zeros((EDGE_DIM,), dtype=jnp.float32),
    }
    obj = {
        "W1": jax.random.normal(ks[2], (obj_in, HID_O), dtype=jnp.float32) * (1.0 / np.sqrt(obj_in)),
        "b1": jnp.zeros((HID_O,), dtype=jnp.float32),
        "W2": jax.random.normal(ks[3], (HID_O, NODE_DIM), dtype=jnp.float32) * (1.0 / np.sqrt(HID_O)),
        "b2": jnp.zeros((NODE_DIM,), dtype=jnp.float32),
    }
    return {"rel": rel, "obj": obj}


def setup_inputs(seed: int = 0) -> dict:
    key = jax.random.key(seed)
    ks = jax.random.split(key, 3 + N_LAYERS)
    x = jax.random.normal(ks[0], (N_NODES, NODE_DIM), dtype=jnp.float32)
    edge_index = jax.random.randint(ks[1], (2, N_EDGES), 0, N_NODES, dtype=jnp.int32)
    edge_attr = jax.random.normal(ks[2], (N_EDGES, EDGE_DIM), dtype=jnp.float32)
    params = [_make_layer_params(ks[3 + i]) for i in range(N_LAYERS)]
    return {"x": x, "edge_index": edge_index, "edge_attr": edge_attr, "params": params}


def _forward(x, edge_attr, params, edge_index):
    src = edge_index[0]
    dst = edge_index[1]
    edge_attrs = [edge_attr]
    for p in params:
        # InteractionNetwork (flow source_to_target): x_i = target feats, x_j = source feats
        x_i = jnp.take(x, dst, axis=0)
        x_j = jnp.take(x, src, axis=0)
        m = jnp.concatenate([x_i, x_j, edge_attr], axis=1)
        e_tilde = _mlp(p["rel"], m)
        agg = jax.ops.segment_sum(e_tilde, dst, num_segments=N_NODES)
        delta_x = _mlp(p["obj"], jnp.concatenate([x, agg], axis=1))
        # Skip1 residual: x = alpha * x + (1 - alpha) * relu(delta_x)
        x = ALPHA * x + (1.0 - ALPHA) * jnp.maximum(delta_x, 0.0)
        edge_attr = e_tilde
        edge_attrs.append(edge_attr)
    return x, edge_attr, edge_attrs


def reference(x, edge_index, edge_attr, params):
    x_out, e_out, edge_attrs = _forward(x, edge_attr, params, edge_index)
    return (x_out, e_out, tuple(edge_attrs))

if __name__ == "__main__":
    import jax
    _d = setup_inputs()
    print(jax.jit(kernel)(*tuple(_d.values())))

</pallas_src>

<mosaic_0001>
#map = affine_map<(d0, d1) -> (0, 0)>
module attributes {stable_mosaic.version = 14 : i64} {
  func.func @_sc_gather_body(%arg0: i32, %arg1: i32, %arg2: memref<10000x48xf32, #tpu.memory_space<hbm>>, %arg3: memref<10000x48xf32, #tpu.memory_space<hbm>>, %arg4: memref<2500x128xi32, #tpu.memory_space<hbm>>, %arg5: memref<2500x128xi32, #tpu.memory_space<hbm>>, %arg6: memref<320000x48xf32, #tpu.memory_space<hbm>>, %arg7: memref<79x128xi32, #tpu.memory_space<vmem>>, %arg8: memref<79x128xi32, #tpu.memory_space<vmem>>, %arg9: memref<6x128x48xf32, #tpu.memory_space<vmem>>, %arg10: memref<6x128x48xf32, #tpu.memory_space<vmem>>, %arg11: memref<!tpu.dma_semaphore, #tpu.memory_space<semaphore_mem>>, %arg12: memref<!tpu.dma_semaphore, #tpu.memory_space<semaphore_mem>>) attributes {dimension_semantics = [#tpu.dimension_semantics<core_parallel>, #tpu.dimension_semantics<subcore_parallel>], iteration_bounds = array<i64: 2, 16>, scalar_prefetch = 0 : i64, scratch_operands = 6 : i64, tpu.core_type = #tpu.core_type<sc_vector_subcore>, window_params = [{transform_indices = #map}, {transform_indices = #map}, {transform_indices = #map}, {transform_indices = #map}, {transform_indices = #map}]} {
    %mul3A = arith.constant 16 : i32
    %mul3A_0 = arith.muli %arg0, %mul3A : i32
    %add3A = arith.addi %mul3A_0, %arg1 : i32
    %mul3A_1 = arith.constant 2500 : i32
    %mul3A_2 = arith.muli %add3A, %mul3A_1 : i32
    %jit3A = arith.constant 32 : i32
    %div3A = arith.divsi %mul3A_2, %jit3A : i32
    %sign3A = arith.constant 0 : i32
    %sign3A_3 = arith.cmpi sgt, %mul3A_2, %sign3A : i32
    %sign3A_4 = arith.extui %sign3A_3 : i1 to i32
    %sign3A_5 = arith.constant 0 : i32
    %sign3A_6 = arith.cmpi slt, %mul3A_2, %sign3A_5 : i32
    %sign3A_7 = arith.extui %sign3A_6 : i1 to i32
    %sign3A_8 = arith.subi %sign3A_4, %sign3A_7 : i32
    %sign3A_9 = arith.constant 0 : i32
    %sign3A_10 = arith.cmpi sgt, %jit3A, %sign3A_9 : i32
    %sign3A_11 = arith.extui %sign3A_10 : i1 to i32
    %sign3A_12 = arith.constant 0 : i32
    %sign3A_13 = arith.cmpi slt, %jit3A, %sign3A_12 : i32
    %sign3A_14 = arith.extui %sign3A_13 : i1 to i32
    %sign3A_15 = arith.subi %sign3A_11, %sign3A_14 : i32
    %ne3A = arith.cmpi ne, %sign3A_8, %sign3A_15 : i32
    %rem3A = arith.remsi %mul3A_2, %jit3A : i32
    %ne3A_16 = arith.constant 0 : i32
    %ne3A_17 = arith.cmpi ne, %rem3A, %ne3A_16 : i32
    %and3A = arith.andi %ne3A, %ne3A_17 : i1
    %sub3A = arith.constant 1 : i32
    %sub3A_18 = arith.subi %div3A, %sub3A : i32
    %select_n3A = arith.select %and3A, %sub3A_18, %div3A : i32
    %add3A_19 = arith.constant 1 : i32
    %add3A_20 = arith.addi %add3A, %add3A_19 : i32
    %mul3A_21 = arith.constant 2500 : i32
    %mul3A_22 = arith.muli %add3A_20, %mul3A_21 : i32
    %jit3A_23 = arith.constant 32 : i32
    %div3A_24 = arith.divsi %mul3A_22, %jit3A_23 : i32
    %sign3A_25 = arith.constant 0 : i32
    %sign3A_26 = arith.cmpi sgt, %mul3A_22, %sign3A_25 : i32
    %sign3A_27 = arith.extui %sign3A_26 : i1 to i32
    %sign3A_28 = arith.constant 0 : i32
    %sign3A_29 = arith.cmpi slt, %mul3A_22, %sign3A_28 : i32
    %sign3A_30 = arith.extui %sign3A_29 : i1 to i32
    %sign3A_31 = arith.subi %sign3A_27, %sign3A_30 : i32
    %sign3A_32 = arith.constant 0 : i32
    %sign3A_33 = arith.cmpi sgt, %jit3A_23, %sign3A_32 : i32
    %sign3A_34 = arith.extui %sign3A_33 : i1 to i32
    %sign3A_35 = arith.constant 0 : i32
    %sign3A_36 = arith.cmpi slt, %jit3A_23, %sign3A_35 : i32
    %sign3A_37 = arith.extui %sign3A_36 : i1 to i32
    %sign3A_38 = arith.subi %sign3A_34, %sign3A_37 : i32
    %ne3A_39 = arith.cmpi ne, %sign3A_31, %sign3A_38 : i32
    %rem3A_40 = arith.remsi %mul3A_22, %jit3A_23 : i32
    %ne3A_41 = arith.constant 0 : i32
    %ne3A_42 = arith.cmpi ne, %rem3A_40, %ne3A_41 : i32
    %and3A_43 = arith.andi %ne3A_39, %ne3A_42 : i1
    %sub3A_44 = arith.constant 1 : i32
    %sub3A_45 = arith.subi %div3A_24, %sub3A_44 : i32
    %select_n3A_46 = arith.select %and3A_43, %sub3A_45, %div3A_24 : i32
    %sub3A_47 = arith.subi %select_n3A_46, %select_n3A : i32
    "tpu.region"() ({
      %run_scoped3A = tpu.sem_alloc : memref<!tpu.dma_semaphore, #tpu.memory_space<semaphore_mem>>
      %dma_start3A = arith.constant 0 : i32
      %dma_start3A_55 = tpu.memref_slice %arg4[%select_n3A, %dma_start3A] : memref<2500x128xi32, #tpu.memory_space<hbm>> -> memref<79x128xi32, #tpu.memory_space<hbm>>
      %dma_start3A_56 = arith.constant 0 : i32
      %dma_start3A_57 = tpu.memref_slice %arg4[%select_n3A, %dma_start3A_56] : memref<2500x128xi32, #tpu.memory_space<hbm>> -> memref<79x128xi32, #tpu.memory_space<hbm>>
      tpu.enqueue_dma source(%dma_start3A_57 : memref<79x128xi32, #tpu.memory_space<hbm>>) target(%arg7 : memref<79x128xi32, #tpu.memory_space<vmem>>) target_semaphore(%run_scoped3A : memref<!tpu.dma_semaphore, #tpu.memory_space<semaphore_mem>>)
      %dma_wait3A = arith.constant 0 : i32
      %dma_wait3A_58 = tpu.memref_slice %arg4[%select_n3A, %dma_wait3A] : memref<2500x128xi32, #tpu.memory_space<hbm>> -> memref<79x128xi32, #tpu.memory_space<hbm>>
      %dma_wait3A_59 = arith.constant 0 : i32
      %dma_wait3A_60 = tpu.memref_slice %arg4[%select_n3A, %dma_wait3A_59] : memref<2500x128xi32, #tpu.memory_space<hbm>> -> memref<79x128xi32, #tpu.memory_space<hbm>>
      tpu.wait_dma2 semaphore(%run_scoped3A : memref<!tpu.dma_semaphore, #tpu.memory_space<semaphore_mem>>) src(%dma_wait3A_60 : memref<79x128xi32, #tpu.memory_space<hbm>>) dst(%arg7 : memref<79x128xi32, #tpu.memory_space<vmem>>)
      tpu.yield
    }) : () -> ()
    "tpu.region"() ({
      %run_scoped3A = tpu.sem_alloc : memref<!tpu.dma_semaphore, #tpu.memory_space<semaphore_mem>>
      %dma_start3A = arith.constant 0 : i32
      %dma_start3A_55 = tpu.memref_slice %arg5[%select_n3A, %dma_start3A] : memref<2500x128xi32, #tpu.memory_space<hbm>> -> memref<79x128xi32, #tpu.memory_space<hbm>>
      %dma_start3A_56 = arith.constant 0 : i32
      %dma_start3A_57 = tpu.memref_slice %arg5[%select_n3A, %dma_start3A_56] : memref<2500x128xi32, #tpu.memory_space<hbm>> -> memref<79x128xi32, #tpu.memory_space<hbm>>
      tpu.enqueue_dma source(%dma_start3A_57 : memref<79x128xi32, #tpu.memory_space<hbm>>) target(%arg8 : memref<79x128xi32, #tpu.memory_space<vmem>>) target_semaphore(%run_scoped3A : memref<!tpu.dma_semaphore, #tpu.memory_space<semaphore_mem>>)
      %dma_wait3A = arith.constant 0 : i32
      %dma_wait3A_58 = tpu.memref_slice %arg5[%select_n3A, %dma_wait3A] : memref<2500x128xi32, #tpu.memory_space<hbm>> -> memref<79x128xi32, #tpu.memory_space<hbm>>
      %dma_wait3A_59 = arith.constant 0 : i32
      %dma_wait3A_60 = tpu.memref_slice %arg5[%select_n3A, %dma_wait3A_59] : memref<2500x128xi32, #tpu.memory_space<hbm>> -> memref<79x128xi32, #tpu.memory_space<hbm>>
      tpu.wait_dma2 semaphore(%run_scoped3A : memref<!tpu.dma_semaphore, #tpu.memory_space<semaphore_mem>>) src(%dma_wait3A_60 : memref<79x128xi32, #tpu.memory_space<hbm>>) dst(%arg8 : memref<79x128xi32, #tpu.memory_space<vmem>>)
      tpu.yield
    }) : () -> ()
    %scan3A = arith.constant 0 : i32
    %scan3A_48 = arith.constant 0 : i32
    %scan3A_49 = arith.constant 13 : i32
    %scan3A_50 = arith.addi %scan3A_48, %scan3A_49 : i32
    %scan3A_51 = arith.constant 1 : i32
    scf.for %scan3A_55 = %scan3A_48 to %scan3A_50 step %scan3A_51  : i32 {
      %mul3A_56 = arith.constant 6 : i32
      %mul3A_57 = arith.muli %scan3A_55, %mul3A_56 : i32
      %add3A_58 = arith.constant 0 : i32
      %add3A_59 = arith.addi %mul3A_57, %add3A_58 : i32
      %dma_start3A = arith.constant 0 : i32
      %dma_start3A_60 = arith.constant 0 : i32
      %dma_start3A_61 = arith.constant 0 : i32
      %dma_start3A_62 = tpu.memref_slice %arg9[%dma_start3A, %dma_start3A_60, %dma_start3A_61] : memref<6x128x48xf32, #tpu.memory_space<vmem>> -> memref<1x128x48xf32, #tpu.memory_space<vmem>>
      %dma_start3A_63 = tpu.memref_squeeze %dma_start3A_62 : memref<1x128x48xf32, #tpu.memory_space<vmem>> -> memref<128x48xf32, #tpu.memory_space<vmem>>
      %dma_start3A_64 = arith.constant 0 : i32
      %dma_start3A_65 = tpu.memref_slice %arg7[%add3A_59, %dma_start3A_64] : memref<79x128xi32, #tpu.memory_space<vmem>> -> memref<1x128xi32, #tpu.memory_space<vmem>>
      %dma_start3A_66 = tpu.memref_squeeze %dma_start3A_65 : memref<1x128xi32, #tpu.memory_space<vmem>> -> memref<128xi32, #tpu.memory_space<vmem>>
      %dma_start3A_67 = arith.constant 0 : i32
      %dma_start3A_68 = arith.constant 0 : i32
      %dma_start3A_69 = tpu.memref_slice %arg2[%dma_start3A_67, %dma_start3A_68] : memref<10000x48xf32, #tpu.memory_space<hbm>> -> memref<10000x48xf32, #tpu.memory_space<hbm>>
      tpu.enqueue_indirect_dma source(%dma_start3A_69 : memref<10000x48xf32, #tpu.memory_space<hbm>>) target(%dma_start3A_63 : memref<128x48xf32, #tpu.memory_space<vmem>>) offsets(%dma_start3A_66 : memref<128xi32, #tpu.memory_space<vmem>>) semaphore(%arg11 : memref<!tpu.dma_semaphore, #tpu.memory_space<semaphore_mem>>)
      %add3A_70 = arith.constant 0 : i32
      %add3A_71 = arith.addi %mul3A_57, %add3A_70 : i32
      %dma_start3A_72 = arith.constant 0 : i32
      %dma_start3A_73 = arith.constant 0 : i32
      %dma_start3A_74 = arith.constant 0 : i32
      %dma_start3A_75 = tpu.memref_slice %arg10[%dma_start3A_72, %dma_start3A_73, %dma_start3A_74] : memref<6x128x48xf32, #tpu.memory_space<vmem>> -> memref<1x128x48xf32, #tpu.memory_space<vmem>>
      %dma_start3A_76 = tpu.memref_squeeze %dma_start3A_75 : memref<1x128x48xf32, #tpu.memory_space<vmem>> -> memref<128x48xf32, #tpu.memory_space<vmem>>
      %dma_start3A_77 = arith.constant 0 : i32
      %dma_start3A_78 = tpu.memref_slice %arg8[%add3A_71, %dma_start3A_77] : memref<79x128xi32, #tpu.memory_space<vmem>> -> memref<1x128xi32, #tpu.memory_space<vmem>>
      %dma_start3A_79 = tpu.memref_squeeze %dma_start3A_78 : memref<1x128xi32, #tpu.memory_space<vmem>> -> memref<128xi32, #tpu.memory_space<vmem>>
      %dma_start3A_80 = arith.constant 0 : i32
      %dma_start3A_81 = arith.constant 0 : i32
      %dma_start3A_82 = tpu.memref_slice %arg3[%dma_start3A_80, %dma_start3A_81] : memref<10000x48xf32, #tpu.memory_space<hbm>> -> memref<10000x48xf32, #tpu.memory_space<hbm>>
      tpu.enqueue_indirect_dma source(%dma_start3A_82 : memref<10000x48xf32, #tpu.memory_space<hbm>>) target(%dma_start3A_76 : memref<128x48xf32, #tpu.memory_space<vmem>>) offsets(%dma_start3A_79 : memref<128xi32, #tpu.memory_space<vmem>>) semaphore(%arg11 : memref<!tpu.dma_semaphore, #tpu.memory_space<semaphore_mem>>)
      %add3A_83 = arith.constant 1 : i32
      %add3A_84 = arith.addi %mul3A_57, %add3A_83 : i32
      %dma_start3A_85 = arith.constant 1 : i32
      %dma_start3A_86 = arith.constant 0 : i32
      %dma_start3A_87 = arith.constant 0 : i32
      %dma_start3A_88 = tpu.memref_slice %arg9[%dma_start3A_85, %dma_start3A_86, %dma_start3A_87] : memref<6x128x48xf32, #tpu.memory_space<vmem>> -> memref<1x128x48xf32, #tpu.memory_space<vmem>>
      %dma_start3A_89 = tpu.memref_squeeze %dma_start3A_88 : memref<1x128x48xf32, #tpu.memory_space<vmem>> -> memref<128x48xf32, #tpu.memory_space<vmem>>
      %dma_start3A_90 = arith.constant 0 : i32
      %dma_start3A_91 = tpu.memref_slice %arg7[%add3A_84, %dma_start3A_90] : memref<79x128xi32, #tpu.memory_space<vmem>> -> memref<1x128xi32, #tpu.memory_space<vmem>>
      %dma_start3A_92 = tpu.memref_squeeze %dma_start3A_91 : memref<1x128xi32, #tpu.memory_space<vmem>> -> memref<128xi32, #tpu.memory_space<vmem>>
      %dma_start3A_93 = arith.constant 0 : i32
      %dma_start3A_94 = arith.constant 0 : i32
      %dma_start3A_95 = tpu.memref_slice %arg2[%dma_start3A_93, %dma_start3A_94] : memref<10000x48xf32, #tpu.memory_space<hbm>> -> memref<10000x48xf32, #tpu.memory_space<hbm>>
      tpu.enqueue_indirect_dma source(%dma_start3A_95 : memref<10000x48xf32, #tpu.memory_space<hbm>>) target(%dma_start3A_89 : memref<128x48xf32, #tpu.memory_space<vmem>>) offsets(%dma_start3A_92 : memref<128xi32, #tpu.memory_space<vmem>>) semaphore(%arg11 : memref<!tpu.dma_semaphore, #tpu.memory_space<semaphore_mem>>)
      %add3A_96 = arith.constant 1 : i32
      %add3A_97 = arith.addi %mul3A_57, %add3A_96 : i32
      %dma_start3A_98 = arith.constant 1 : i32
      %dma_start3A_99 = arith.constant 0 : i32
      %dma_start3A_100 = arith.constant 0 : i32
      %dma_start3A_101 = tpu.memref_slice %arg10[%dma_start3A_98, %dma_start3A_99, %dma_start3A_100] : memref<6x128x48xf32, #tpu.memory_space<vmem>> -> memref<1x128x48xf32, #tpu.memory_space<vmem>>
      %dma_start3A_102 = tpu.memref_squeeze %dma_start3A_101 : memref<1x128x48xf32, #tpu.memory_space<vmem>> -> memref<128x48xf32, #tpu.memory_space<vmem>>
      %dma_start3A_103 = arith.constant 0 : i32
      %dma_start3A_104 = tpu.memref_slice %arg8[%add3A_97, %dma_start3A_103] : memref<79x128xi32, #tpu.memory_space<vmem>> -> memref<1x128xi32, #tpu.memory_space<vmem>>
      %dma_start3A_105 = tpu.memref_squeeze %dma_start3A_104 : memref<1x128xi32, #tpu.memory_space<vmem>> -> memref<128xi32, #tpu.memory_space<vmem>>
      %dma_start3A_106 = arith.constant 0 : i32
      %dma_start3A_107 = arith.constant 0 : i32
      %dma_start3A_108 = tpu.memref_slice %arg3[%dma_start3A_106, %dma_start3A_107] : memref<10000x48xf32, #tpu.memory_space<hbm>> -> memref<10000x48xf32, #tpu.memory_space<hbm>>
      tpu.enqueue_indirect_dma source(%dma_start3A_108 : memref<10000x48xf32, #tpu.memory_space<hbm>>) target(%dma_start3A_102 : memref<128x48xf32, #tpu.memory_space<vmem>>) offsets(%dma_start3A_105 : memref<128xi32, #tpu.memory_space<vmem>>) semaphore(%arg11 : memref<!tpu.dma_semaphore, #tpu.memory_space<semaphore_mem>>)
      %add3A_109 = arith.constant 2 : i32
      %add3A_110 = arith.addi %mul3A_57, %add3A_109 : i32
      %dma_start3A_111 = arith.constant 2 : i32
      %dma_start3A_112 = arith.constant 0 : i32
      %dma_start3A_113 = arith.constant 0 : i32
      %dma_start3A_114 = tpu.memref_slice %arg9[%dma_start3A_111, %dma_start3A_112, %dma_start3A_113] : memref<6x128x48xf32, #tpu.memory_space<vmem>> -> memref<1x128x48xf32, #tpu.memory_space<vmem>>
      %dma_start3A_115 = tpu.memref_squeeze %dma_start3A_114 : memref<1x128x48xf32, #tpu.memory_space<vmem>> -> memref<128x48xf32, #tpu.memory_space<vmem>>
      %dma_start3A_116 = arith.constant 0 : i32
      %dma_start3A_117 = tpu.memref_slice %arg7[%add3A_110, %dma_start3A_116] : memref<79x128xi32, #tpu.memory_space<vmem>> -> memref<1x128xi32, #tpu.memory_space<vmem>>
      %dma_start3A_118 = tpu.memref_squeeze %dma_start3A_117 : memref<1x128xi32, #tpu.memory_space<vmem>> -> memref<128xi32, #tpu.memory_space<vmem>>
      %dma_start3A_119 = arith.constant 0 : i32
      %dma_start3A_120 = arith.constant 0 : i32
      %dma_start3A_121 = tpu.memref_slice %arg2[%dma_start3A_119, %dma_start3A_120] : memref<10000x48xf32, #tpu.memory_space<hbm>> -> memref<10000x48xf32, #tpu.memory_space<hbm>>
      tpu.enqueue_indirect_dma source(%dma_start3A_121 : memref<10000x48xf32, #tpu.memory_space<hbm>>) target(%dma_start3A_115 : memref<128x48xf32, #tpu.memory_space<vmem>>) offsets(%dma_start3A_118 : memref<128xi32, #tpu.memory_space<vmem>>) semaphore(%arg11 : memref<!tpu.dma_semaphore, #tpu.memory_space<semaphore_mem>>)
      %add3A_122 = arith.constant 2 : i32
      %add3A_123 = arith.addi %mul3A_57, %add3A_122 : i32
      %dma_start3A_124 = arith.constant 2 : i32
      %dma_start3A_125 = arith.constant 0 : i32
      %dma_start3A_126 = arith.constant 0 : i32
      %dma_start3A_127 = tpu.memref_slice %arg10[%dma_start3A_124, %dma_start3A_125, %dma_start3A_126] : memref<6x128x48xf32, #tpu.memory_space<vmem>> -> memref<1x128x48xf32, #tpu.memory_space<vmem>>
      %dma_start3A_128 = tpu.memref_squeeze %dma_start3A_127 : memref<1x128x48xf32, #tpu.memory_space<vmem>> -> memref<128x48xf32, #tpu.memory_space<vmem>>
      %dma_start3A_129 = arith.constant 0 : i32
      %dma_start3A_130 = tpu.memref_slice %arg8[%add3A_123, %dma_start3A_129] : memref<79x128xi32, #tpu.memory_space<vmem>> -> memref<1x128xi32, #tpu.memory_space<vmem>>
      %dma_start3A_131 = tpu.memref_squeeze %dma_start3A_130 : memref<1x128xi32, #tpu.memory_space<vmem>> -> memref<128xi32, #tpu.memory_space<vmem>>
      %dma_start3A_132 = arith.constant 0 : i32
      %dma_start3A_133 = arith.constant 0 : i32
      %dma_start3A_134 = tpu.memref_slice %arg3[%dma_start3A_132, %dma_start3A_133] : memref<10000x48xf32, #tpu.memory_space<hbm>> -> memref<10000x48xf32, #tpu.memory_space<hbm>>
      tpu.enqueue_indirect_dma source(%dma_start3A_134 : memref<10000x48xf32, #tpu.memory_space<hbm>>) target(%dma_start3A_128 : memref<128x48xf32, #tpu.memory_space<vmem>>) offsets(%dma_start3A_131 : memref<128xi32, #tpu.memory_space<vmem>>) semaphore(%arg11 : memref<!tpu.dma_semaphore, #tpu.memory_space<semaphore_mem>>)
      %add3A_135 = arith.constant 3 : i32
      %add3A_136 = arith.addi %mul3A_57, %add3A_135 : i32
      %dma_start3A_137 = arith.constant 3 : i32
      %dma_start3A_138 = arith.constant 0 : i32
      %dma_start3A_139 = arith.constant 0 : i32
      %dma_start3A_140 = tpu.memref_slice %arg9[%dma_start3A_137, %dma_start3A_138, %dma_start3A_139] : memref<6x128x48xf32, #tpu.memory_space<vmem>> -> memref<1x128x48xf32, #tpu.memory_space<vmem>>
      %dma_start3A_141 = tpu.memref_squeeze %dma_start3A_140 : memref<1x128x48xf32, #tpu.memory_space<vmem>> -> memref<128x48xf32, #tpu.memory_space<vmem>>
      %dma_start3A_142 = arith.constant 0 : i32
      %dma_start3A_143 = tpu.memref_slice %arg7[%add3A_136, %dma_start3A_142] : memref<79x128xi32, #tpu.memory_space<vmem>> -> memref<1x128xi32, #tpu.memory_space<vmem>>
      %dma_start3A_144 = tpu.memref_squeeze %dma_start3A_143 : memref<1x128xi32, #tpu.memory_space<vmem>> -> memref<128xi32, #tpu.memory_space<vmem>>
      %dma_start3A_145 = arith.constant 0 : i32
      %dma_start3A_146 = arith.constant 0 : i32
      %dma_start3A_147 = tpu.memref_slice %arg2[%dma_start3A_145, %dma_start3A_146] : memref<10000x48xf32, #tpu.memory_space<hbm>> -> memref<10000x48xf32, #tpu.memory_space<hbm>>
      tpu.enqueue_indirect_dma source(%dma_start3A_147 : memref<10000x48xf32, #tpu.memory_space<hbm>>) target(%dma_start3A_141 : memref<128x48xf32, #tpu.memory_space<vmem>>) offsets(%dma_start3A_144 : memref<128xi32, #tpu.memory_space<vmem>>) semaphore(%arg11 : memref<!tpu.dma_semaphore, #tpu.memory_space<semaphore_mem>>)
      %add3A_148 = arith.constant 3 : i32
      %add3A_149 = arith.addi %mul3A_57, %add3A_148 : i32
      %dma_start3A_150 = arith.constant 3 : i32
      %dma_start3A_151 = arith.constant 0 : i32
      %dma_start3A_152 = arith.constant 0 : i32
      %dma_start3A_153 = tpu.memref_slice %arg10[%dma_start3A_150, %dma_start3A_151, %dma_start3A_152] : memref<6x128x48xf32, #tpu.memory_space<vmem>> -> memref<1x128x48xf32, #tpu.memory_space<vmem>>
      %dma_start3A_154 = tpu.memref_squeeze %dma_start3A_153 : memref<1x128x48xf32, #tpu.memory_space<vmem>> -> memref<128x48xf32, #tpu.memory_space<vmem>>
      %dma_start3A_155 = arith.constant 0 : i32
      %dma_start3A_156 = tpu.memref_slice %arg8[%add3A_149, %dma_start3A_155] : memref<79x128xi32, #tpu.memory_space<vmem>> -> memref<1x128xi32, #tpu.memory_space<vmem>>
      %dma_start3A_157 = tpu.memref_squeeze %dma_start3A_156 : memref<1x128xi32, #tpu.memory_space<vmem>> -> memref<128xi32, #tpu.memory_space<vmem>>
      %dma_start3A_158 = arith.constant 0 : i32
      %dma_start3A_159 = arith.constant 0 : i32
      %dma_start3A_160 = tpu.memref_slice %arg3[%dma_start3A_158, %dma_start3A_159] : memref<10000x48xf32, #tpu.memory_space<hbm>> -> memref<10000x48xf32, #tpu.memory_space<hbm>>
      tpu.enqueue_indirect_dma source(%dma_start3A_160 : memref<10000x48xf32, #tpu.memory_space<hbm>>) target(%dma_start3A_154 : memref<128x48xf32, #tpu.memory_space<vmem>>) offsets(%dma_start3A_157 : memref<128xi32, #tpu.memory_space<vmem>>) semaphore(%arg11 : memref<!tpu.dma_semaphore, #tpu.memory_space<semaphore_mem>>)
      %add3A_161 = arith.constant 4 : i32
      %add3A_162 = arith.addi %mul3A_57, %add3A_161 : i32
      %dma_start3A_163 = arith.constant 4 : i32
      %dma_start3A_164 = arith.constant 0 : i32
      %dma_start3A_165 = arith.constant 0 : i32
      %dma_start3A_166 = tpu.memref_slice %arg9[%dma_start3A_163, %dma_start3A_164, %dma_start3A_165] : memref<6x128x48xf32, #tpu.memory_space<vmem>> -> memref<1x128x48xf32, #tpu.memory_space<vmem>>
      %dma_start3A_167 = tpu.memref_squeeze %dma_start3A_166 : memref<1x128x48xf32, #tpu.memory_space<vmem>> -> memref<128x48xf32, #tpu.memory_space<vmem>>
      %dma_start3A_168 = arith.constant 0 : i32
      %dma_start3A_169 = tpu.memref_slice %arg7[%add3A_162, %dma_start3A_168] : memref<79x128xi32, #tpu.memory_space<vmem>> -> memref<1x128xi32, #tpu.memory_space<vmem>>
      %dma_start3A_170 = tpu.memref_squeeze %dma_start3A_169 : memref<1x128xi32, #tpu.memory_space<vmem>> -> memref<128xi32, #tpu.memory_space<vmem>>
      %dma_start3A_171 = arith.constant 0 : i32
      %dma_start3A_172 = arith.constant 0 : i32
      %dma_start3A_173 = tpu.memref_slice %arg2[%dma_start3A_171, %dma_start3A_172] : memref<10000x48xf32, #tpu.memory_space<hbm>> -> memref<10000x48xf32, #tpu.memory_space<hbm>>
      tpu.enqueue_indirect_dma source(%dma_start3A_173 : memref<10000x48xf32, #tpu.memory_space<hbm>>) target(%dma_start3A_167 : memref<128x48xf32, #tpu.memory_space<vmem>>) offsets(%dma_start3A_170 : memref<128xi32, #tpu.memory_space<vmem>>) semaphore(%arg11 : memref<!tpu.dma_semaphore, #tpu.memory_space<semaphore_mem>>)
      %add3A_174 = arith.constant 4 : i32
      %add3A_175 = arith.addi %mul3A_57, %add3A_174 : i32
      %dma_start3A_176 = arith.constant 4 : i32
      %dma_start3A_177 = arith.constant 0 : i32
      %dma_start3A_178 = arith.constant 0 : i32
      %dma_start3A_179 = tpu.memref_slice %arg10[%dma_start3A_176, %dma_start3A_177, %dma_start3A_178] : memref<6x128x48xf32, #tpu.memory_space<vmem>> -> memref<1x128x48xf32, #tpu.memory_space<vmem>>
      %dma_start3A_180 = tpu.memref_squeeze %dma_start3A_179 : memref<1x128x48xf32, #tpu.memory_space<vmem>> -> memref<128x48xf32, #tpu.memory_space<vmem>>
      %dma_start3A_181 = arith.constant 0 : i32
      %dma_start3A_182 = tpu.memref_slice %arg8[%add3A_175, %dma_start3A_181] : memref<79x128xi32, #tpu.memory_space<vmem>> -> memref<1x128xi32, #tpu.memory_space<vmem>>
      %dma_start3A_183 = tpu.memref_squeeze %dma_start3A_182 : memref<1x128xi32, #tpu.memory_space<vmem>> -> memref<128xi32, #tpu.memory_space<vmem>>
      %dma_start3A_184 = arith.constant 0 : i32
      %dma_start3A_185 = arith.constant 0 : i32
      %dma_start3A_186 = tpu.memref_slice %arg3[%dma_start3A_184, %dma_start3A_185] : memref<10000x48xf32, #tpu.memory_space<hbm>> -> memref<10000x48xf32, #tpu.memory_space<hbm>>
      tpu.enqueue_indirect_dma source(%dma_start3A_186 : memref<10000x48xf32, #tpu.memory_space<hbm>>) target(%dma_start3A_180 : memref<128x48xf32, #tpu.memory_space<vmem>>) offsets(%dma_start3A_183 : memref<128xi32, #tpu.memory_space<vmem>>) semaphore(%arg11 : memref<!tpu.dma_semaphore, #tpu.memory_space<semaphore_mem>>)
      %add3A_187 = arith.constant 5 : i32
      %add3A_188 = arith.addi %mul3A_57, %add3A_187 : i32
      %dma_start3A_189 = arith.constant 5 : i32
      %dma_start3A_190 = arith.constant 0 : i32
      %dma_start3A_191 = arith.constant 0 : i32
      %dma_start3A_192 = tpu.memref_slice %arg9[%dma_start3A_189, %dma_start3A_190, %dma_start3A_191] : memref<6x128x48xf32, #tpu.memory_space<vmem>> -> memref<1x128x48xf32, #tpu.memory_space<vmem>>
      %dma_start3A_193 = tpu.memref_squeeze %dma_start3A_192 : memref<1x128x48xf32, #tpu.memory_space<vmem>> -> memref<128x48xf32, #tpu.memory_space<vmem>>
      %dma_start3A_194 = arith.constant 0 : i32
      %dma_start3A_195 = tpu.memref_slice %arg7[%add3A_188, %dma_start3A_194] : memref<79x128xi32, #tpu.memory_space<vmem>> -> memref<1x128xi32, #tpu.memory_space<vmem>>
      %dma_start3A_196 = tpu.memref_squeeze %dma_start3A_195 : memref<1x128xi32, #tpu.memory_space<vmem>> -> memref<128xi32, #tpu.memory_space<vmem>>
      %dma_start3A_197 = arith.constant 0 : i32
      %dma_start3A_198 = arith.constant 0 : i32
      %dma_start3A_199 = tpu.memref_slice %arg2[%dma_start3A_197, %dma_start3A_198] : memref<10000x48xf32, #tpu.memory_space<hbm>> -> memref<10000x48xf32, #tpu.memory_space<hbm>>
      tpu.enqueue_indirect_dma source(%dma_start3A_199 : memref<10000x48xf32, #tpu.memory_space<hbm>>) target(%dma_start3A_193 : memref<128x48xf32, #tpu.memory_space<vmem>>) offsets(%dma_start3A_196 : memref<128xi32, #tpu.memory_space<vmem>>) semaphore(%arg11 : memref<!tpu.dma_semaphore, #tpu.memory_space<semaphore_mem>>)
      %add3A_200 = arith.constant 5 : i32
      %add3A_201 = arith.addi %mul3A_57, %add3A_200 : i32
      %dma_start3A_202 = arith.constant 5 : i32
      %dma_start3A_203 = arith.constant 0 : i32
      %dma_start3A_204 = arith.constant 0 : i32
      %dma_start3A_205 = tpu.memref_slice %arg10[%dma_start3A_202, %dma_start3A_203, %dma_start3A_204] : memref<6x128x48xf32, #tpu.memory_space<vmem>> -> memref<1x128x48xf32, #tpu.memory_space<vmem>>
      %dma_start3A_206 = tpu.memref_squeeze %dma_start3A_205 : memref<1x128x48xf32, #tpu.memory_space<vmem>> -> memref<128x48xf32, #tpu.memory_space<vmem>>
      %dma_start3A_207 = arith.constant 0 : i32
      %dma_start3A_208 = tpu.memref_slice %arg8[%add3A_201, %dma_start3A_207] : memref<79x128xi32, #tpu.memory_space<vmem>> -> memref<1x128xi32, #tpu.memory_space<vmem>>
      %dma_start3A_209 = tpu.memref_squeeze %dma_start3A_208 : memref<1x128xi32, #tpu.memory_space<vmem>> -> memref<128xi32, #tpu.memory_space<vmem>>
      %dma_start3A_210 = arith.constant 0 : i32
      %dma_start3A_211 = arith.constant 0 : i32
      %dma_start3A_212 = tpu.memref_slice %arg3[%dma_start3A_210, %dma_start3A_211] : memref<10000x48xf32, #tpu.memory_space<hbm>> -> memref<10000x48xf32, #tpu.memory_space<hbm>>
      tpu.enqueue_indirect_dma source(%dma_start3A_212 : memref<10000x48xf32, #tpu.memory_space<hbm>>) target(%dma_start3A_206 : memref<128x48xf32, #tpu.memory_space<vmem>>) offsets(%dma_start3A_209 : memref<128xi32, #tpu.memory_space<vmem>>) semaphore(%arg11 : memref<!tpu.dma_semaphore, #tpu.memory_space<semaphore_mem>>)
      %dma_wait3A = arith.constant 0 : i32
      %dma_wait3A_213 = arith.constant 0 : i32
      %dma_wait3A_214 = arith.constant 0 : i32
      %dma_wait3A_215 = tpu.memref_slice %arg9[%dma_wait3A, %dma_wait3A_213, %dma_wait3A_214] : memref<6x128x48xf32, #tpu.memory_space<vmem>> -> memref<1x128x48xf32, #tpu.memory_space<vmem>>
      %dma_wait3A_216 = tpu.memref_squeeze %dma_wait3A_215 : memref<1x128x48xf32, #tpu.memory_space<vmem>> -> memref<128x48xf32, #tpu.memory_space<vmem>>
      %dma_wait3A_217 = arith.constant 0 : i32
      %dma_wait3A_218 = tpu.memref_slice %arg7[%add3A_59, %dma_wait3A_217] : memref<79x128xi32, #tpu.memory_space<vmem>> -> memref<1x128xi32, #tpu.memory_space<vmem>>
      %dma_wait3A_219 = tpu.memref_squeeze %dma_wait3A_218 : memref<1x128xi32, #tpu.memory_space<vmem>> -> memref<128xi32, #tpu.memory_space<vmem>>
      %dma_wait3A_220 = arith.constant 0 : i32
      %dma_wait3A_221 = arith.constant 0 : i32
      %dma_wait3A_222 = tpu.memref_slice %arg2[%dma_wait3A_220, %dma_wait3A_221] : memref<10000x48xf32, #tpu.memory_space<hbm>> -> memref<10000x48xf32, #tpu.memory_space<hbm>>
      tpu.wait_indirect_dma semaphore(%arg11 : memref<!tpu.dma_semaphore, #tpu.memory_space<semaphore_mem>>) src(%dma_wait3A_222 : memref<10000x48xf32, #tpu.memory_space<hbm>>) dst(%dma_wait3A_216 : memref<128x48xf32, #tpu.memory_space<vmem>>)
      %dma_wait3A_223 = arith.constant 0 : i32
      %dma_wait3A_224 = arith.constant 0 : i32
      %dma_wait3A_225 = arith.constant 0 : i32
      %dma_wait3A_226 = tpu.memref_slice %arg10[%dma_wait3A_223, %dma_wait3A_224, %dma_wait3A_225] : memref<6x128x48xf32, #tpu.memory_space<vmem>> -> memref<1x128x48xf32, #tpu.memory_space<vmem>>
      %dma_wait3A_227 = tpu.memref_squeeze %dma_wait3A_226 : memref<1x128x48xf32, #tpu.memory_space<vmem>> -> memref<128x48xf32, #tpu.memory_space<vmem>>
      %dma_wait3A_228 = arith.constant 0 : i32
      %dma_wait3A_229 = tpu.memref_slice %arg8[%add3A_71, %dma_wait3A_228] : memref<79x128xi32, #tpu.memory_space<vmem>> -> memref<1x128xi32, #tpu.memory_space<vmem>>
      %dma_wait3A_230 = tpu.memref_squeeze %dma_wait3A_229 : memref<1x128xi32, #tpu.memory_space<vmem>> -> memref<128xi32, #tpu.memory_space<vmem>>
      %dma_wait3A_231 = arith.constant 0 : i32
      %dma_wait3A_232 = arith.constant 0 : i32
      %dma_wait3A_233 = tpu.memref_slice %arg3[%dma_wait3A_231, %dma_wait3A_232] : memref<10000x48xf32, #tpu.memory_space<hbm>> -> memref<10000x48xf32, #tpu.memory_space<hbm>>
      tpu.wait_indirect_dma semaphore(%arg11 : memref<!tpu.dma_semaphore, #tpu.memory_space<semaphore_mem>>) src(%dma_wait3A_233 : memref<10000x48xf32, #tpu.memory_space<hbm>>) dst(%dma_wait3A_227 : memref<128x48xf32, #tpu.memory_space<vmem>>)
      %dma_wait3A_234 = arith.constant 1 : i32
      %dma_wait3A_235 = arith.constant 0 : i32
      %dma_wait3A_236 = arith.constant 0 : i32
      %dma_wait3A_237 = tpu.memref_slice %arg9[%dma_wait3A_234, %dma_wait3A_235, %dma_wait3A_236] : memref<6x128x48xf32, #tpu.memory_space<vmem>> -> memref<1x128x48xf32, #tpu.memory_space<vmem>>
      %dma_wait3A_238 = tpu.memref_squeeze %dma_wait3A_237 : memref<1x128x48xf32, #tpu.memory_space<vmem>> -> memref<128x48xf32, #tpu.memory_space<vmem>>
      %dma_wait3A_239 = arith.constant 0 : i32
      %dma_wait3A_240 = tpu.memref_slice %arg7[%add3A_84, %dma_wait3A_239] : memref<79x128xi32, #tpu.memory_space<vmem>> -> memref<1x128xi32, #tpu.memory_space<vmem>>
      %dma_wait3A_241 = tpu.memref_squeeze %dma_wait3A_240 : memref<1x128xi32, #tpu.memory_space<vmem>> -> memref<128xi32, #tpu.memory_space<vmem>>
      %dma_wait3A_242 = arith.constant 0 : i32
      %dma_wait3A_243 = arith.constant 0 : i32
      %dma_wait3A_244 = tpu.memref_slice %arg2[%dma_wait3A_242, %dma_wait3A_243] : memref<10000x48xf32, #tpu.memory_space<hbm>> -> memref<10000x48xf32, #tpu.memory_space<hbm>>
      tpu.wait_indirect_dma semaphore(%arg11 : memref<!tpu.dma_semaphore, #tpu.memory_space<semaphore_mem>>) src(%dma_wait3A_244 : memref<10000x48xf32, #tpu.memory_space<hbm>>) dst(%dma_wait3A_238 : memref<128x48xf32, #tpu.memory_space<vmem>>)
      %dma_wait3A_245 = arith.constant 1 : i32
      %dma_wait3A_246 = arith.constant 0 : i32
      %dma_wait3A_247 = arith.constant 0 : i32
      %dma_wait3A_248 = tpu.memref_slice %arg10[%dma_wait3A_245, %dma_wait3A_246, %dma_wait3A_247] : memref<6x128x48xf32, #tpu.memory_space<vmem>> -> memref<1x128x48xf32, #tpu.memory_space<vmem>>
      %dma_wait3A_249 = tpu.memref_squeeze %dma_wait3A_248 : memref<1x128x48xf32, #tpu.memory_space<vmem>> -> memref<128x48xf32, #tpu.memory_space<vmem>>
      %dma_wait3A_250 = arith.constant 0 : i32
      %dma_wait3A_251 = tpu.memref_slice %arg8[%add3A_97, %dma_wait3A_250] : memref<79x128xi32, #tpu.memory_space<vmem>> -> memref<1x128xi32, #tpu.memory_space<vmem>>
      %dma_wait3A_252 = tpu.memref_squeeze %dma_wait3A_251 : memref<1x128xi32, #tpu.memory_space<vmem>> -> memref<128xi32, #tpu.memory_space<vmem>>
      %dma_wait3A_253 = arith.constant 0 : i32
      %dma_wait3A_254 = arith.constant 0 : i32
      %dma_wait3A_255 = tpu.memref_slice %arg3[%dma_wait3A_253, %dma_wait3A_254] : memref<10000x48xf32, #tpu.memory_space<hbm>> -> memref<10000x48xf32, #tpu.memory_space<hbm>>
      tpu.wait_indirect_dma semaphore(%arg11 : memref<!tpu.dma_semaphore, #tpu.memory_space<semaphore_mem>>) src(%dma_wait3A_255 : memref<10000x48xf32, #tpu.memory_space<hbm>>) dst(%dma_wait3A_249 : memref<128x48xf32, #tpu.memory_space<vmem>>)
      %dma_wait3A_256 = arith.constant 2 : i32
      %dma_wait3A_257 = arith.constant 0 : i32
      %dma_wait3A_258 = arith.constant 0 : i32
      %dma_wait3A_259 = tpu.memref_slice %arg9[%dma_wait3A_256, %dma_wait3A_257, %dma_wait3A_258] : memref<6x128x48xf32, #tpu.memory_space<vmem>> -> memref<1x128x48xf32, #tpu.memory_space<vmem>>
      %dma_wait3A_260 = tpu.memref_squeeze %dma_wait3A_259 : memref<1x128x48xf32, #tpu.memory_space<vmem>> -> memref<128x48xf32, #tpu.memory_space<vmem>>
      %dma_wait3A_261 = arith.constant 0 : i32
      %dma_wait3A_262 = tpu.memref_slice %arg7[%add3A_110, %dma_wait3A_261] : memref<79x128xi32, #tpu.memory_space<vmem>> -> memref<1x128xi32, #tpu.memory_space<vmem>>
      %dma_wait3A_263 = tpu.memref_squeeze %dma_wait3A_262 : memref<1x128xi32, #tpu.memory_space<vmem>> -> memref<128xi32, #tpu.memory_space<vmem>>
      %dma_wait3A_264 = arith.constant 0 : i32
      %dma_wait3A_265 = arith.constant 0 : i32
      %dma_wait3A_266 = tpu.memref_slice %arg2[%dma_wait3A_264, %dma_wait3A_265] : memref<10000x48xf32, #tpu.memory_space<hbm>> -> memref<10000x48xf32, #tpu.memory_space<hbm>>
      tpu.wait_indirect_dma semaphore(%arg11 : memref<!tpu.dma_semaphore, #tpu.memory_space<semaphore_mem>>) src(%dma_wait3A_266 : memref<10000x48xf32, #tpu.memory_space<hbm>>) dst(%dma_wait3A_260 : memref<128x48xf32, #tpu.memory_space<vmem>>)
      %dma_wait3A_267 = arith.constant 2 : i32
      %dma_wait3A_268 = arith.constant 0 : i32
      %dma_wait3A_269 = arith.constant 0 : i32
      %dma_wait3A_270 = tpu.memref_slice %arg10[%dma_wait3A_267, %dma_wait3A_268, %dma_wait3A_269] : memref<6x128x48xf32, #tpu.memory_space<vmem>> -> memref<1x128x48xf32, #tpu.memory_space<vmem>>
      %dma_wait3A_271 = tpu.memref_squeeze %dma_wait3A_270 : memref<1x128x48xf32, #tpu.memory_space<vmem>> -> memref<128x48xf32, #tpu.memory_space<vmem>>
      %dma_wait3A_272 = arith.constant 0 : i32
      %dma_wait3A_273 = tpu.memref_slice %arg8[%add3A_123, %dma_wait3A_272] : memref<79x128xi32, #tpu.memory_space<vmem>> -> memref<1x128xi32, #tpu.memory_space<vmem>>
      %dma_wait3A_274 = tpu.memref_squeeze %dma_wait3A_273 : memref<1x128xi32, #tpu.memory_space<vmem>> -> memref<128xi32, #tpu.memory_space<vmem>>
      %dma_wait3A_275 = arith.constant 0 : i32
      %dma_wait3A_276 = arith.constant 0 : i32
      %dma_wait3A_277 = tpu.memref_slice %arg3[%dma_wait3A_275, %dma_wait3A_276] : memref<10000x48xf32, #tpu.memory_space<hbm>> -> memref<10000x48xf32, #tpu.memory_space<hbm>>
      tpu.wait_indirect_dma semaphore(%arg11 : memref<!tpu.dma_semaphore, #tpu.memory_space<semaphore_mem>>) src(%dma_wait3A_277 : memref<10000x48xf32, #tpu.memory_space<hbm>>) dst(%dma_wait3A_271 : memref<128x48xf32, #tpu.memory_space<vmem>>)
      %dma_wait3A_278 = arith.constant 3 : i32
      %dma_wait3A_279 = arith.constant 0 : i32
      %dma_wait3A_280 = arith.constant 0 : i32
      %dma_wait3A_281 = tpu.memref_slice %arg9[%dma_wait3A_278, %dma_wait3A_279, %dma_wait3A_280] : memref<6x128x48xf32, #tpu.memory_space<vmem>> -> memref<1x128x48xf32, #tpu.memory_space<vmem>>
      %dma_wait3A_282 = tpu.memref_squeeze %dma_wait3A_281 : memref<1x128x48xf32, #tpu.memory_space<vmem>> -> memref<128x48xf32, #tpu.memory_space<vmem>>
      %dma_wait3A_283 = arith.constant 0 : i32
      %dma_wait3A_284 = tpu.memref_slice %arg7[%add3A_136, %dma_wait3A_283] : memref<79x128xi32, #tpu.memory_space<vmem>> -> memref<1x128xi32, #tpu.memory_space<vmem>>
      %dma_wait3A_285 = tpu.memref_squeeze %dma_wait3A_284 : memref<1x128xi32, #tpu.memory_space<vmem>> -> memref<128xi32, #tpu.memory_space<vmem>>
      %dma_wait3A_286 = arith.constant 0 : i32
      %dma_wait3A_287 = arith.constant 0 : i32
      %dma_wait3A_288 = tpu.memref_slice %arg2[%dma_wait3A_286, %dma_wait3A_287] : memref<10000x48xf32, #tpu.memory_space<hbm>> -> memref<10000x48xf32, #tpu.memory_space<hbm>>
      tpu.wait_indirect_dma semaphore(%arg11 : memref<!tpu.dma_semaphore, #tpu.memory_space<semaphore_mem>>) src(%dma_wait3A_288 : memref<10000x48xf32, #tpu.memory_space<hbm>>) dst(%dma_wait3A_282 : memref<128x48xf32, #tpu.memory_space<vmem>>)
      %dma_wait3A_289 = arith.constant 3 : i32
      %dma_wait3A_290 = arith.constant 0 : i32
      %dma_wait3A_291 = arith.constant 0 : i32
      %dma_wait3A_292 = tpu.memref_slice %arg10[%dma_wait3A_289, %dma_wait3A_290, %dma_wait3A_291] : memref<6x128x48xf32, #tpu.memory_space<vmem>> -> memref<1x128x48xf32, #tpu.memory_space<vmem>>
      %dma_wait3A_293 = tpu.memref_squeeze %dma_wait3A_292 : memref<1x128x48xf32, #tpu.memory_space<vmem>> -> memref<128x48xf32, #tpu.memory_space<vmem>>
      %dma_wait3A_294 = arith.constant 0 : i32
      %dma_wait3A_295 = tpu.memref_slice %arg8[%add3A_149, %dma_wait3A_294] : memref<79x128xi32, #tpu.memory_space<vmem>> -> memref<1x128xi32, #tpu.memory_space<vmem>>
      %dma_wait3A_296 = tpu.memref_squeeze %dma_wait3A_295 : memref<1x128xi32, #tpu.memory_space<vmem>> -> memref<128xi32, #tpu.memory_space<vmem>>
      %dma_wait3A_297 = arith.constant 0 : i32
      %dma_wait3A_298 = arith.constant 0 : i32
      %dma_wait3A_299 = tpu.memref_slice %arg3[%dma_wait3A_297, %dma_wait3A_298] : memref<10000x48xf32, #tpu.memory_space<hbm>> -> memref<10000x48xf32, #tpu.memory_space<hbm>>
      tpu.wait_indirect_dma semaphore(%arg11 : memref<!tpu.dma_semaphore, #tpu.memory_space<semaphore_mem>>) src(%dma_wait3A_299 : memref<10000x48xf32, #tpu.memory_space<hbm>>) dst(%dma_wait3A_293 : memref<128x48xf32, #tpu.memory_space<vmem>>)
      %dma_wait3A_300 = arith.constant 4 : i32
      %dma_wait3A_301 = arith.constant 0 : i32
      %dma_wait3A_302 = arith.constant 0 : i32
      %dma_wait3A_303 = tpu.memref_slice %arg9[%dma_wait3A_300, %dma_wait3A_301, %dma_wait3A_302] : memref<6x128x48xf32, #tpu.memory_space<vmem>> -> memref<1x128x48xf32, #tpu.memory_space<vmem>>
      %dma_wait3A_304 = tpu.memref_squeeze %dma_wait3A_303 : memref<1x128x48xf32, #tpu.memory_space<vmem>> -> memref<128x48xf32, #tpu.memory_space<vmem>>
      %dma_wait3A_305 = arith.constant 0 : i32
      %dma_wait3A_306 = tpu.memref_slice %arg7[%add3A_162, %dma_wait3A_305] : memref<79x128xi32, #tpu.memory_space<vmem>> -> memref<1x128xi32, #tpu.memory_space<vmem>>
      %dma_wait3A_307 = tpu.memref_squeeze %dma_wait3A_306 : memref<1x128xi32, #tpu.memory_space<vmem>> -> memref<128xi32, #tpu.memory_space<vmem>>
      %dma_wait3A_308 = arith.constant 0 : i32
      %dma_wait3A_309 = arith.constant 0 : i32
      %dma_wait3A_310 = tpu.memref_slice %arg2[%dma_wait3A_308, %dma_wait3A_309] : memref<10000x48xf32, #tpu.memory_space<hbm>> -> memref<10000x48xf32, #tpu.memory_space<hbm>>
      tpu.wait_indirect_dma semaphore(%arg11 : memref<!tpu.dma_semaphore, #tpu.memory_space<semaphore_mem>>) src(%dma_wait3A_310 : memref<10000x48xf32, #tpu.memory_space<hbm>>) dst(%dma_wait3A_304 : memref<128x48xf32, #tpu.memory_space<vmem>>)
      %dma_wait3A_311 = arith.constant 4 : i32
      %dma_wait3A_312 = arith.constant 0 : i32
      %dma_wait3A_313 = arith.constant 0 : i32
      %dma_wait3A_314 = tpu.memref_slice %arg10[%dma_wait3A_311, %dma_wait3A_312, %dma_wait3A_313] : memref<6x128x48xf32, #tpu.memory_space<vmem>> -> memref<1x128x48xf32, #tpu.memory_space<vmem>>
      %dma_wait3A_315 = tpu.memref_squeeze %dma_wait3A_314 : memref<1x128x48xf32, #tpu.memory_space<vmem>> -> memref<128x48xf32, #tpu.memory_space<vmem>>
      %dma_wait3A_316 = arith.constant 0 : i32
      %dma_wait3A_317 = tpu.memref_slice %arg8[%add3A_175, %dma_wait3A_316] : memref<79x128xi32, #tpu.memory_space<vmem>> -> memref<1x128xi32, #tpu.memory_space<vmem>>
      %dma_wait3A_318 = tpu.memref_squeeze %dma_wait3A_317 : memref<1x128xi32, #tpu.memory_space<vmem>> -> memref<128xi32, #tpu.memory_space<vmem>>
      %dma_wait3A_319 = arith.constant 0 : i32
      %dma_wait3A_320 = arith.constant 0 : i32
      %dma_wait3A_321 = tpu.memref_slice %arg3[%dma_wait3A_319, %dma_wait3A_320] : memref<10000x48xf32, #tpu.memory_space<hbm>> -> memref<10000x48xf32, #tpu.memory_space<hbm>>
      tpu.wait_indirect_dma semaphore(%arg11 : memref<!tpu.dma_semaphore, #tpu.memory_space<semaphore_mem>>) src(%dma_wait3A_321 : memref<10000x48xf32, #tpu.memory_space<hbm>>) dst(%dma_wait3A_315 : memref<128x48xf32, #tpu.memory_space<vmem>>)
      %dma_wait3A_322 = arith.constant 5 : i32
      %dma_wait3A_323 = arith.constant 0 : i32
      %dma_wait3A_324 = arith.constant 0 : i32
      %dma_wait3A_325 = tpu.memref_slice %arg9[%dma_wait3A_322, %dma_wait3A_323, %dma_wait3A_324] : memref<6x128x48xf32, #tpu.memory_space<vmem>> -> memref<1x128x48xf32, #tpu.memory_space<vmem>>
      %dma_wait3A_326 = tpu.memref_squeeze %dma_wait3A_325 : memref<1x128x48xf32, #tpu.memory_space<vmem>> -> memref<128x48xf32, #tpu.memory_space<vmem>>
      %dma_wait3A_327 = arith.constant 0 : i32
      %dma_wait3A_328 = tpu.memref_slice %arg7[%add3A_188, %dma_wait3A_327] : memref<79x128xi32, #tpu.memory_space<vmem>> -> memref<1x128xi32, #tpu.memory_space<vmem>>
      %dma_wait3A_329 = tpu.memref_squeeze %dma_wait3A_328 : memref<1x128xi32, #tpu.memory_space<vmem>> -> memref<128xi32, #tpu.memory_space<vmem>>
      %dma_wait3A_330 = arith.constant 0 : i32
      %dma_wait3A_331 = arith.constant 0 : i32
      %dma_wait3A_332 = tpu.memref_slice %arg2[%dma_wait3A_330, %dma_wait3A_331] : memref<10000x48xf32, #tpu.memory_space<hbm>> -> memref<10000x48xf32, #tpu.memory_space<hbm>>
      tpu.wait_indirect_dma semaphore(%arg11 : memref<!tpu.dma_semaphore, #tpu.memory_space<semaphore_mem>>) src(%dma_wait3A_332 : memref<10000x48xf32, #tpu.memory_space<hbm>>) dst(%dma_wait3A_326 : memref<128x48xf32, #tpu.memory_space<vmem>>)
      %dma_wait3A_333 = arith.constant 5 : i32
      %dma_wait3A_334 = arith.constant 0 : i32
      %dma_wait3A_335 = arith.constant 0 : i32
      %dma_wait3A_336 = tpu.memref_slice %arg10[%dma_wait3A_333, %dma_wait3A_334, %dma_wait3A_335] : memref<6x128x48xf32, #tpu.memory_space<vmem>> -> memref<1x128x48xf32, #tpu.memory_space<vmem>>
      %dma_wait3A_337 = tpu.memref_squeeze %dma_wait3A_336 : memref<1x128x48xf32, #tpu.memory_space<vmem>> -> memref<128x48xf32, #tpu.memory_space<vmem>>
      %dma_wait3A_338 = arith.constant 0 : i32
      %dma_wait3A_339 = tpu.memref_slice %arg8[%add3A_201, %dma_wait3A_338] : memref<79x128xi32, #tpu.memory_space<vmem>> -> memref<1x128xi32, #tpu.memory_space<vmem>>
      %dma_wait3A_340 = tpu.memref_squeeze %dma_wait3A_339 : memref<1x128xi32, #tpu.memory_space<vmem>> -> memref<128xi32, #tpu.memory_space<vmem>>
      %dma_wait3A_341 = arith.constant 0 : i32
      %dma_wait3A_342 = arith.constant 0 : i32
      %dma_wait3A_343 = tpu.memref_slice %arg3[%dma_wait3A_341, %dma_wait3A_342] : memref<10000x48xf32, #tpu.memory_space<hbm>> -> memref<10000x48xf32, #tpu.memory_space<hbm>>
      tpu.wait_indirect_dma semaphore(%arg11 : memref<!tpu.dma_semaphore, #tpu.memory_space<semaphore_mem>>) src(%dma_wait3A_343 : memref<10000x48xf32, #tpu.memory_space<hbm>>) dst(%dma_wait3A_337 : memref<128x48xf32, #tpu.memory_space<vmem>>)
      %scan3A_344 = arith.constant 0 : i32
      %scan3A_345 = arith.constant 0 : i32
      %scan3A_346 = arith.constant 128 : i32
      %scan3A_347 = arith.addi %scan3A_345, %scan3A_346 : i32
      %scan3A_348 = arith.constant 1 : i32
      scf.for %scan3A_566 = %scan3A_345 to %scan3A_347 step %scan3A_348  : i32 {
        %get3A = arith.constant 0 : i32
        %get3A_567 = arith.index_cast %get3A : i32 to index
        %get3A_568 = arith.index_cast %scan3A_566 : i32 to index
        %get3A_569 = arith.constant 0 : index
        %get3A_570 = tpu.vector_load %arg9[%get3A_567, %get3A_568, %get3A_569] {strides = array<i32>} : memref<6x128x48xf32, #tpu.memory_space<vmem>>, vector<1x1x16xf32>,
        %get3A_571 = vector.shape_cast %get3A_570 : vector<1x1x16xf32> to vector<16xf32>
        %get3A_572 = arith.constant 0 : i32
        %get3A_573 = arith.index_cast %get3A_572 : i32 to index
        %get3A_574 = arith.index_cast %scan3A_566 : i32 to index
        %get3A_575 = arith.constant 0 : index
        %get3A_576 = tpu.vector_load %arg10[%get3A_573, %get3A_574, %get3A_575] {strides = array<i32>} : memref<6x128x48xf32, #tpu.memory_space<vmem>>, vector<1x1x16xf32>,
        %get3A_577 = vector.shape_cast %get3A_576 : vector<1x1x16xf32> to vector<16xf32>
        %add3A_578 = arith.addf %get3A_571, %get3A_577 : vector<16xf32>
        %swap3A = arith.constant 0 : i32
        %swap3A_579 = arith.index_cast %swap3A : i32 to index
        %swap3A_580 = arith.index_cast %scan3A_566 : i32 to index
        %swap3A_581 = arith.constant 0 : index
        %swap3A_582 = tpu.vector_load %arg9[%swap3A_579, %swap3A_580, %swap3A_581] {strides = array<i32>} : memref<6x128x48xf32, #tpu.memory_space<vmem>>, vector<1x1x16xf32>,
        %swap3A_583 = vector.shape_cast %swap3A_582 : vector<1x1x16xf32> to vector<16xf32>
        %swap3A_584 = vector.shape_cast %add3A_578 : vector<16xf32> to vector<1x1x16xf32>
        tpu.vector_store %arg9[%swap3A_579, %swap3A_580, %swap3A_581], %swap3A_584 {strides = array<i32>} : memref<6x128x48xf32, #tpu.memory_space<vmem>>, vector<1x1x16xf32>,
        %get3A_585 = arith.constant 0 : i32
        %get3A_586 = arith.index_cast %get3A_585 : i32 to index
        %get3A_587 = arith.index_cast %scan3A_566 : i32 to index
        %get3A_588 = arith.constant 16 : index
        %get3A_589 = tpu.vector_load %arg9[%get3A_586, %get3A_587, %get3A_588] {strides = array<i32>} : memref<6x128x48xf32, #tpu.memory_space<vmem>>, vector<1x1x16xf32>,
        %get3A_590 = vector.shape_cast %get3A_589 : vector<1x1x16xf32> to vector<16xf32>
        %get3A_591 = arith.constant 0 : i32
        %get3A_592 = arith.index_cast %get3A_591 : i32 to index
        %get3A_593 = arith.index_cast %scan3A_566 : i32 to index
        %get3A_594 = arith.constant 16 : index
        %get3A_595 = tpu.vector_load %arg10[%get3A_592, %get3A_593, %get3A_594] {strides = array<i32>} : memref<6x128x48xf32, #tpu.memory_space<vmem>>, vector<1x1x16xf32>,
        %get3A_596 = vector.shape_cast %get3A_595 : vector<1x1x16xf32> to vector<16xf32>
        %add3A_597 = arith.addf %get3A_590, %get3A_596 : vector<16xf32>
        %swap3A_598 = arith.constant 0 : i32
        %swap3A_599 = arith.index_cast %swap3A_598 : i32 to index
        %swap3A_600 = arith.index_cast %scan3A_566 : i32 to index
        %swap3A_601 = arith.constant 16 : index
        %swap3A_602 = tpu.vector_load %arg9[%swap3A_599, %swap3A_600, %swap3A_601] {strides = array<i32>} : memref<6x128x48xf32, #tpu.memory_space<vmem>>, vector<1x1x16xf32>,
        %swap3A_603 = vector.shape_cast %swap3A_602 : vector<1x1x16xf32> to vector<16xf32>
        %swap3A_604 = vector.shape_cast %add3A_597 : vector<16xf32> to vector<1x1x16xf32>
        tpu.vector_store %arg9[%swap3A_599, %swap3A_600, %swap3A_601], %swap3A_604 {strides = array<i32>} : memref<6x128x48xf32, #tpu.memory_space<vmem>>, vector<1x1x16xf32>,
        %get3A_605 = arith.constant 0 : i32
        %get3A_606 = arith.index_cast %get3A_605 : i32 to index
        %get3A_607 = arith.index_cast %scan3A_566 : i32 to index
        %get3A_608 = arith.constant 32 : index
        %get3A_609 = tpu.vector_load %arg9[%get3A_606, %get3A_607, %get3A_608] {strides = array<i32>} : memref<6x128x48xf32, #tpu.memory_space<vmem>>, vector<1x1x16xf32>,
        %get3A_610 = vector.shape_cast %get3A_609 : vector<1x1x16xf32> to vector<16xf32>
        %get3A_611 = arith.constant 0 : i32
        %get3A_612 = arith.index_cast %get3A_611 : i32 to index
        %get3A_613 = arith.index_cast %scan3A_566 : i32 to index
        %get3A_614 = arith.constant 32 : index
        %get3A_615 = tpu.vector_load %arg10[%get3A_612, %get3A_613, %get3A_614] {strides = array<i32>} : memref<6x128x48xf32, #tpu.memory_space<vmem>>, vector<1x1x16xf32>,
        %get3A_616 = vector.shape_cast %get3A_615 : vector<1x1x16xf32> to vector<16xf32>
        %add3A_617 = arith.addf %get3A_610, %get3A_616 : vector<16xf32>
        %swap3A_618 = arith.constant 0 : i32
        %swap3A_619 = arith.index_cast %swap3A_618 : i32 to index
        %swap3A_620 = arith.index_cast %scan3A_566 : i32 to index
        %swap3A_621 = arith.constant 32 : index
        %swap3A_622 = tpu.vector_load %arg9[%swap3A_619, %swap3A_620, %swap3A_621] {strides = array<i32>} : memref<6x128x48xf32, #tpu.memory_space<vmem>>, vector<1x1x16xf32>,
        %swap3A_623 = vector.shape_cast %swap3A_622 : vector<1x1x16xf32> to vector<16xf32>
        %swap3A_624 = vector.shape_cast %add3A_617 : vector<16xf32> to vector<1x1x16xf32>
        tpu.vector_store %arg9[%swap3A_619, %swap3A_620, %swap3A_621], %swap3A_624 {strides = array<i32>} : memref<6x128x48xf32, #tpu.memory_space<vmem>>, vector<1x1x16xf32>,
      }
      %scan3A_349 = arith.constant 128 : i32
      %add3A_350 = arith.addi %select_n3A, %mul3A_57 : i32
      %add3A_351 = arith.constant 0 : i32
      %add3A_352 = arith.addi %add3A_350, %add3A_351 : i32
      %mul3A_353 = arith.constant 128 : i32
      %mul3A_354 = arith.muli %add3A_352, %mul3A_353 : i32
      %dma_start3A_355 = arith.constant 0 : i32
      %dma_start3A_356 = arith.constant 0 : i32
      %dma_start3A_357 = arith.constant 0 : i32
      %dma_start3A_358 = tpu.memref_slice %arg9[%dma_start3A_355, %dma_start3A_356, %dma_start3A_357] : memref<6x128x48xf32, #tpu.memory_space<vmem>> -> memref<1x128x48xf32, #tpu.memory_space<vmem>>
      %dma_start3A_359 = tpu.memref_squeeze %dma_start3A_358 : memref<1x128x48xf32, #tpu.memory_space<vmem>> -> memref<128x48xf32, #tpu.memory_space<vmem>>
      %dma_start3A_360 = arith.constant 0 : i32
      %dma_start3A_361 = tpu.memref_slice %arg6[%mul3A_354, %dma_start3A_360] : memref<320000x48xf32, #tpu.memory_space<hbm>> -> memref<128x48xf32, #tpu.memory_space<hbm>>
      %dma_start3A_362 = arith.constant 0 : i32
      %dma_start3A_363 = tpu.memref_slice %arg6[%mul3A_354, %dma_start3A_362] : memref<320000x48xf32, #tpu.memory_space<hbm>> -> memref<128x48xf32, #tpu.memory_space<hbm>>
      %dma_start3A_364 = arith.constant 0 : i32
      %dma_start3A_365 = arith.constant 0 : i32
      %dma_start3A_366 = tpu.memref_slice %arg9[%dma_start3A_355, %dma_start3A_364, %dma_start3A_365] : memref<6x128x48xf32, #tpu.memory_space<vmem>> -> memref<1x128x48xf32, #tpu.memory_space<vmem>>
      %dma_start3A_367 = tpu.memref_squeeze %dma_start3A_366 : memref<1x128x48xf32, #tpu.memory_space<vmem>> -> memref<128x48xf32, #tpu.memory_space<vmem>>
      tpu.enqueue_dma source(%dma_start3A_367 : memref<128x48xf32, #tpu.memory_space<vmem>>) target(%dma_start3A_363 : memref<128x48xf32, #tpu.memory_space<hbm>>) target_semaphore(%arg12 : memref<!tpu.dma_semaphore, #tpu.memory_space<semaphore_mem>>)
      %scan3A_368 = arith.constant 0 : i32
      %scan3A_369 = arith.constant 0 : i32
      %scan3A_370 = arith.constant 128 : i32
      %scan3A_371 = arith.addi %scan3A_369, %scan3A_370 : i32
      %scan3A_372 = arith.constant 1 : i32
      scf.for %scan3A_566 = %scan3A_369 to %scan3A_371 step %scan3A_372  : i32 {
        %get3A = arith.constant 1 : i32
        %get3A_567 = arith.index_cast %get3A : i32 to index
        %get3A_568 = arith.index_cast %scan3A_566 : i32 to index
        %get3A_569 = arith.constant 0 : index
        %get3A_570 = tpu.vector_load %arg9[%get3A_567, %get3A_568, %get3A_569] {strides = array<i32>} : memref<6x128x48xf32, #tpu.memory_space<vmem>>, vector<1x1x16xf32>,
        %get3A_571 = vector.shape_cast %get3A_570 : vector<1x1x16xf32> to vector<16xf32>
        %get3A_572 = arith.constant 1 : i32
        %get3A_573 = arith.index_cast %get3A_572 : i32 to index
        %get3A_574 = arith.index_cast %scan3A_566 : i32 to index
        %get3A_575 = arith.constant 0 : index
        %get3A_576 = tpu.vector_load %arg10[%get3A_573, %get3A_574, %get3A_575] {strides = array<i32>} : memref<6x128x48xf32, #tpu.memory_space<vmem>>, vector<1x1x16xf32>,
        %get3A_577 = vector.shape_cast %get3A_576 : vector<1x1x16xf32> to vector<16xf32>
        %add3A_578 = arith.addf %get3A_571, %get3A_577 : vector<16xf32>
        %swap3A = arith.constant 1 : i32
        %swap3A_579 = arith.index_cast %swap3A : i32 to index
        %swap3A_580 = arith.index_cast %scan3A_566 : i32 to index
        %swap3A_581 = arith.constant 0 : index
        %swap3A_582 = tpu.vector_load %arg9[%swap3A_579, %swap3A_580, %swap3A_581] {strides = array<i32>} : memref<6x128x48xf32, #tpu.memory_space<vmem>>, vector<1x1x16xf32>,
        %swap3A_583 = vector.shape_cast %swap3A_582 : vector<1x1x16xf32> to vector<16xf32>
        %swap3A_584 = vector.shape_cast %add3A_578 : vector<16xf32> to vector<1x1x16xf32>
        tpu.vector_store %arg9[%swap3A_579, %swap3A_580, %swap3A_581], %swap3A_584 {strides = array<i32>} : memref<6x128x48xf32, #tpu.memory_space<vmem>>, vector<1x1x16xf32>,
        %get3A_585 = arith.constant 1 : i32
        %get3A_586 = arith.index_cast %get3A_585 : i32 to index
        %get3A_587 = arith.index_cast %scan3A_566 : i32 to index
        %get3A_588 = arith.constant 16 : index
        %get3A_589 = tpu.vector_load %arg9[%get3A_586, %get3A_587, %get3A_588] {strides = array<i32>} : memref<6x128x48xf32, #tpu.memory_space<vmem>>, vector<1x1x16xf32>,
        %get3A_590 = vector.shape_cast %get3A_589 : vector<1x1x16xf32> to vector<16xf32>
        %get3A_591 = arith.constant 1 : i32
        %get3A_592 = arith.index_cast %get3A_591 : i32 to index
        %get3A_593 = arith.index_cast %scan3A_566 : i32 to index
        %get3A_594 = arith.constant 16 : index
        %get3A_595 = tpu.vector_load %arg10[%get3A_592, %get3A_593, %get3A_594] {strides = array<i32>} : memref<6x128x48xf32, #tpu.memory_space<vmem>>, vector<1x1x16xf32>,
        %get3A_596 = vector.shape_cast %get3A_595 : vector<1x1x16xf32> to vector<16xf32>
        %add3A_597 = arith.addf %get3A_590, %get3A_596 : vector<16xf32>
        %swap3A_598 = arith.constant 1 : i32
        %swap3A_599 = arith.index_cast %swap3A_598 : i32 to index
        %swap3A_600 = arith.index_cast %scan3A_566 : i32 to index
        %swap3A_601 = arith.constant 16 : index
        %swap3A_602 = tpu.vector_load %arg9[%swap3A_599, %swap3A_600, %swap3A_601] {strides = array<i32>} : memref<6x128x48xf32, #tpu.memory_space<vmem>>, vector<1x1x16xf32>,
        %swap3A_603 = vector.shape_cast %swap3A_602 : vector<1x1x16xf32> to vector<16xf32>
        %swap3A_604 = vector.shape_cast %add3A_597 : vector<16xf32> to vector<1x1x16xf32>
        tpu.vector_store %arg9[%swap3A_599, %swap3A_600, %swap3A_601], %swap3A_604 {strides = array<i32>} : memref<6x128x48xf32, #tpu.memory_space<vmem>>, vector<1x1x16xf32>,
        %get3A_605 = arith.constant 1 : i32
        %get3A_606 = arith.index_cast %get3A_605 : i32 to index
        %get3A_607 = arith.index_cast %scan3A_566 : i32 to index
        %get3A_608 = arith.constant 32 : index
        %get3A_609 = tpu.vector_load %arg9[%get3A_606, %get3A_607, %get3A_608] {strides = array<i32>} : memref<6x128x48xf32, #tpu.memory_space<vmem>>, vector<1x1x16xf32>,
        %get3A_610 = vector.shape_cast %get3A_609 : vector<1x1x16xf32> to vector<16xf32>
        %get3A_611 = arith.constant 1 : i32
        %get3A_612 = arith.index_cast %get3A_611 : i32 to index
        %get3A_613 = arith.index_cast %scan3A_566 : i32 to index
        %get3A_614 = arith.constant 32 : index
        %get3A_615 = tpu.vector_load %arg10[%get3A_612, %get3A_613, %get3A_614] {strides = array<i32>} : memref<6x128x48xf32, #tpu.memory_space<vmem>>, vector<1x1x16xf32>,
        %get3A_616 = vector.shape_cast %get3A_615 : vector<1x1x16xf32> to vector<16xf32>
        %add3A_617 = arith.addf %get3A_610, %get3A_616 : vector<16xf32>
        %swap3A_618 = arith.constant 1 : i32
        %swap3A_619 = arith.index_cast %swap3A_618 : i32 to index
        %swap3A_620 = arith.index_cast %scan3A_566 : i32 to index
        %swap3A_621 = arith.constant 32 : index
        %swap3A_622 = tpu.vector_load %arg9[%swap3A_619, %swap3A_620, %swap3A_621] {strides = array<i32>} : memref<6x128x48xf32, #tpu.memory_space<vmem>>, vector<1x1x16xf32>,
        %swap3A_623 = vector.shape_cast %swap3A_622 : vector<1x1x16xf32> to vector<16xf32>
        %swap3A_624 = vector.shape_cast %add3A_617 : vector<16xf32> to vector<1x1x16xf32>
        tpu.vector_store %arg9[%swap3A_619, %swap3A_620, %swap3A_621], %swap3A_624 {strides = array<i32>} : memref<6x128x48xf32, #tpu.memory_space<vmem>>, vector<1x1x16xf32>,
      }
      %scan3A_373 = arith.constant 128 : i32
      %add3A_374 = arith.addi %select_n3A, %mul3A_57 : i32
      %add3A_375 = arith.constant 1 : i32
      %add3A_376 = arith.addi %add3A_374, %add3A_375 : i32
      %mul3A_377 = arith.constant 128 : i32
      %mul3A_378 = arith.muli %add3A_376, %mul3A_377 : i32
      %dma_start3A_379 = arith.constant 1 : i32
      %dma_start3A_380 = arith.constant 0 : i32
      %dma_start3A_381 = arith.constant 0 : i32
      %dma_start3A_382 = tpu.memref_slice %arg9[%dma_start3A_379, %dma_start3A_380, %dma_start3A_381] : memref<6x128x48xf32, #tpu.memory_space<vmem>> -> memref<1x128x48xf32, #tpu.memory_space<vmem>>
      %dma_start3A_383 = tpu.memref_squeeze %dma_start3A_382 : memref<1x128x48xf32, #tpu.memory_space<vmem>> -> memref<128x48xf32, #tpu.memory_space<vmem>>
      %dma_start3A_384 = arith.constant 0 : i32
      %dma_start3A_385 = tpu.memref_slice %arg6[%mul3A_378, %dma_start3A_384] : memref<320000x48xf32, #tpu.memory_space<hbm>> -> memref<128x48xf32, #tpu.memory_space<hbm>>
      %dma_start3A_386 = arith.constant 0 : i32
      %dma_start3A_387 = tpu.memref_slice %arg6[%mul3A_378, %dma_start3A_386] : memref<320000x48xf32, #tpu.memory_space<hbm>> -> memref<128x48xf32, #tpu.memory_space<hbm>>
      %dma_start3A_388 = arith.constant 0 : i32
      %dma_start3A_389 = arith.constant 0 : i32
      %dma_start3A_390 = tpu.memref_slice %arg9[%dma_start3A_379, %dma_start3A_388, %dma_start3A_389] : memref<6x128x48xf32, #tpu.memory_space<vmem>> -> memref<1x128x48xf32, #tpu.memory_space<vmem>>
      %dma_start3A_391 = tpu.memref_squeeze %dma_start3A_390 : memref<1x128x48xf32, #tpu.memory_space<vmem>> -> memref<128x48xf32, #tpu.memory_space<vmem>>
      tpu.enqueue_dma source(%dma_start3A_391 : memref<128x48xf32, #tpu.memory_space<vmem>>) target(%dma_start3A_387 : memref<128x48xf32, #tpu.memory_space<hbm>>) target_semaphore(%arg12 : memref<!tpu.dma_semaphore, #tpu.memory_space<semaphore_mem>>)
      %scan3A_392 = arith.constant 0 : i32
      %scan3A_393 = arith.constant 0 : i32
      %scan3A_394 = arith.constant 128 : i32
      %scan3A_395 = arith.addi %scan3A_393, %scan3A_394 : i32
      %scan3A_396 = arith.constant 1 : i32
      scf.for %scan3A_566 = %scan3A_393 to %scan3A_395 step %scan3A_396  : i32 {
        %get3A = arith.constant 2 : i32
        %get3A_567 = arith.index_cast %get3A : i32 to index
        %get3A_568 = arith.index_cast %scan3A_566 : i32 to index
        %get3A_569 = arith.constant 0 : index
        %get3A_570 = tpu.vector_load %arg9[%get3A_567, %get3A_568, %get3A_569] {strides = array<i32>} : memref<6x128x48xf32, #tpu.memory_space<vmem>>, vector<1x1x16xf32>,
        %get3A_571 = vector.shape_cast %get3A_570 : vector<1x1x16xf32> to vector<16xf32>
        %get3A_572 = arith.constant 2 : i32
        %get3A_573 = arith.index_cast %get3A_572 : i32 to index
        %get3A_574 = arith.index_cast %scan3A_566 : i32 to index
        %get3A_575 = arith.constant 0 : index
        %get3A_576 = tpu.vector_load %arg10[%get3A_573, %get3A_574, %get3A_575] {strides = array<i32>} : memref<6x128x48xf32, #tpu.memory_space<vmem>>, vector<1x1x16xf32>,
        %get3A_577 = vector.shape_cast %get3A_576 : vector<1x1x16xf32> to vector<16xf32>
        %add3A_578 = arith.addf %get3A_571, %get3A_577 : vector<16xf32>
        %swap3A = arith.constant 2 : i32
        %swap3A_579 = arith.index_cast %swap3A : i32 to index
        %swap3A_580 = arith.index_cast %scan3A_566 : i32 to index
        %swap3A_581 = arith.constant 0 : index
        %swap3A_582 = tpu.vector_load %arg9[%swap3A_579, %swap3A_580, %swap3A_581] {strides = array<i32>} : memref<6x128x48xf32, #tpu.memory_space<vmem>>, vector<1x1x16xf32>,
        %swap3A_583 = vector.shape_cast %swap3A_582 : vector<1x1x16xf32> to vector<16xf32>
        %swap3A_584 = vector.shape_cast %add3A_578 : vector<16xf32> to vector<1x1x16xf32>
        tpu.vector_store %arg9[%swap3A_579, %swap3A_580, %swap3A_581], %swap3A_584 {strides = array<i32>} : memref<6x128x48xf32, #tpu.memory_space<vmem>>, vector<1x1x16xf32>,
        %get3A_585 = arith.constant 2 : i32
        %get3A_586 = arith.index_cast %get3A_585 : i32 to index
        %get3A_587 = arith.index_cast %scan3A_566 : i32 to index
        %get3A_588 = arith.constant 16 : index
        %get3A_589 = tpu.vector_load %arg9[%get3A_586, %get3A_587, %get3A_588] {strides = array<i32>} : memref<6x128x48xf32, #tpu.memory_space<vmem>>, vector<1x1x16xf32>,
        %get3A_590 = vector.shape_cast %get3A_589 : vector<1x1x16xf32> to vector<16xf32>
        %get3A_591 = arith.constant 2 : i32
        %get3A_592 = arith.index_cast %get3A_591 : i32 to index
        %get3A_593 = arith.index_cast %scan3A_566 : i32 to index
        %get3A_594 = arith.constant 16 : index
        %get3A_595 = tpu.vector_load %arg10[%get3A_592, %get3A_593, %get3A_594] {strides = array<i32>} : memref<6x128x48xf32, #tpu.memory_space<vmem>>, vector<1x1x16xf32>,
        %get3A_596 = vector.shape_cast %get3A_595 : vector<1x1x16xf32> to vector<16xf32>
        %add3A_597 = arith.addf %get3A_590, %get3A_596 : vector<16xf32>
        %swap3A_598 = arith.constant 2 : i32
        %swap3A_599 = arith.index_cast %swap3A_598 : i32 to index
        %swap3A_600 = arith.index_cast %scan3A_566 : i32 to index
        %swap3A_601 = arith.constant 16 : index
        %swap3A_602 = tpu.vector_load %arg9[%swap3A_599, %swap3A_600, %swap3A_601] {strides = array<i32>} : memref<6x128x48xf32, #tpu.memory_space<vmem>>, vector<1x1x16xf32>,
        %swap3A_603 = vector.shape_cast %swap3A_602 : vector<1x1x16xf32> to vector<16xf32>
        %swap3A_604 = vector.shape_cast %add3A_597 : vector<16xf32> to vector<1x1x16xf32>
        tpu.vector_store %arg9[%swap3A_599, %swap3A_600, %swap3A_601], %swap3A_604 {strides = array<i32>} : memref<6x128x48xf32, #tpu.memory_space<vmem>>, vector<1x1x16xf32>,
        %get3A_605 = arith.constant 2 : i32
        %get3A_606 = arith.index_cast %get3A_605 : i32 to index
        %get3A_607 = arith.index_cast %scan3A_566 : i32 to index
        %get3A_608 = arith.constant 32 : index
        %get3A_609 = tpu.vector_load %arg9[%get3A_606, %get3A_607, %get3A_608] {strides = array<i32>} : memref<6x128x48xf32, #tpu.memory_space<vmem>>, vector<1x1x16xf32>,
        %get3A_610 = vector.shape_cast %get3A_609 : vector<1x1x16xf32> to vector<16xf32>
        %get3A_611 = arith.constant 2 : i32
        %get3A_612 = arith.index_cast %get3A_611 : i32 to index
        %get3A_613 = arith.index_cast %scan3A_566 : i32 to index
        %get3A_614 = arith.constant 32 : index
        %get3A_615 = tpu.vector_load %arg10[%get3A_612, %get3A_613, %get3A_614] {strides = array<i32>} : memref<6x128x48xf32, #tpu.memory_space<vmem>>, vector<1x1x16xf32>,
        %get3A_616 = vector.shape_cast %get3A_615 : vector<1x1x16xf32> to vector<16xf32>
        %add3A_617 = arith.addf %get3A_610, %get3A_616 : vector<16xf32>
        %swap3A_618 = arith.constant 2 : i32
        %swap3A_619 = arith.index_cast %swap3A_618 : i32 to index
        %swap3A_620 = arith.index_cast %scan3A_566 : i32 to index
        %swap3A_621 = arith.constant 32 : index
        %swap3A_622 = tpu.vector_load %arg9[%swap3A_619, %swap3A_620, %swap3A_621] {strides = array<i32>} : memref<6x128x48xf32, #tpu.memory_space<vmem>>, vector<1x1x16xf32>,
        %swap3A_623 = vector.shape_cast %swap3A_622 : vector<1x1x16xf32> to vector<16xf32>
        %swap3A_624 = vector.shape_cast %add3A_617 : vector<16xf32> to vector<1x1x16xf32>
        tpu.vector_store %arg9[%swap3A_619, %swap3A_620, %swap3A_621], %swap3A_624 {strides = array<i32>} : memref<6x128x48xf32, #tpu.memory_space<vmem>>, vector<1x1x16xf32>,
      }
      %scan3A_397 = arith.constant 128 : i32
      %add3A_398 = arith.addi %select_n3A, %mul3A_57 : i32
      %add3A_399 = arith.constant 2 : i32
      %add3A_400 = arith.addi %add3A_398, %add3A_399 : i32
      %mul3A_401 = arith.constant 128 : i32
      %mul3A_402 = arith.muli %add3A_400, %mul3A_401 : i32
      %dma_start3A_403 = arith.constant 2 : i32
      %dma_start3A_404 = arith.constant 0 : i32
      %dma_start3A_405 = arith.constant 0 : i32
      %dma_start3A_406 = tpu.memref_slice %arg9[%dma_start3A_403, %dma_start3A_404, %dma_start3A_405] : memref<6x128x48xf32, #tpu.memory_space<vmem>> -> memref<1x128x48xf32, #tpu.memory_space<vmem>>
      %dma_start3A_407 = tpu.memref_squeeze %dma_start3A_406 : memref<1x128x48xf32, #tpu.memory_space<vmem>> -> memref<128x48xf32, #tpu.memory_space<vmem>>
      %dma_start3A_408 = arith.constant 0 : i32
      %dma_start3A_409 = tpu.memref_slice %arg6[%mul3A_402, %dma_start3A_408] : memref<320000x48xf32, #tpu.memory_space<hbm>> -> memref<128x48xf32, #tpu.memory_space<hbm>>
      %dma_start3A_410 = arith.constant 0 : i32
      %dma_start3A_411 = tpu.memref_slice %arg6[%mul3A_402, %dma_start3A_410] : memref<320000x48xf32, #tpu.memory_space<hbm>> -> memref<128x48xf32, #tpu.memory_space<hbm>>
      %dma_start3A_412 = arith.constant 0 : i32
      %dma_start3A_413 = arith.constant 0 : i32
      %dma_start3A_414 = tpu.memref_slice %arg9[%dma_start3A_403, %dma_start3A_412, %dma_start3A_413] : memref<6x128x48xf32, #tpu.memory_space<vmem>> -> memref<1x128x48xf32, #tpu.memory_space<vmem>>
      %dma_start3A_415 = tpu.memref_squeeze %dma_start3A_414 : memref<1x128x48xf32, #tpu.memory_space<vmem>> -> memref<128x48xf32, #tpu.memory_space<vmem>>
      tpu.enqueue_dma source(%dma_start3A_415 : memref<128x48xf32, #tpu.memory_space<vmem>>) target(%dma_start3A_411 : memref<128x48xf32, #tpu.memory_space<hbm>>) target_semaphore(%arg12 : memref<!tpu.dma_semaphore, #tpu.memory_space<semaphore_mem>>)
      %scan3A_416 = arith.constant 0 : i32
      %scan3A_417 = arith.constant 0 : i32
      %scan3A_418 = arith.constant 128 : i32
      %scan3A_419 = arith.addi %scan3A_417, %scan3A_418 : i32
      %scan3A_420 = arith.constant 1 : i32
      scf.for %scan3A_566 = %scan3A_417 to %scan3A_419 step %scan3A_420  : i32 {
        %get3A = arith.constant 3 : i32
        %get3A_567 = arith.index_cast %get3A : i32 to index
        %get3A_568 = arith.index_cast %scan3A_566 : i32 to index
        %get3A_569 = arith.constant 0 : index
        %get3A_570 = tpu.vector_load %arg9[%get3A_567, %get3A_568, %get3A_569] {strides = array<i32>} : memref<6x128x48xf32, #tpu.memory_space<vmem>>, vector<1x1x16xf32>,
        %get3A_571 = vector.shape_cast %get3A_570 : vector<1x1x16xf32> to vector<16xf32>
        %get3A_572 = arith.constant 3 : i32
        %get3A_573 = arith.index_cast %get3A_572 : i32 to index
        %get3A_574 = arith.index_cast %scan3A_566 : i32 to index
        %get3A_575 = arith.constant 0 : index
        %get3A_576 = tpu.vector_load %arg10[%get3A_573, %get3A_574, %get3A_575] {strides = array<i32>} : memref<6x128x48xf32, #tpu.memory_space<vmem>>, vector<1x1x16xf32>,
        %get3A_577 = vector.shape_cast %get3A_576 : vector<1x1x16xf32> to vector<16xf32>
        %add3A_578 = arith.addf %get3A_571, %get3A_577 : vector<16xf32>
        %swap3A = arith.constant 3 : i32
        %swap3A_579 = arith.index_cast %swap3A : i32 to index
        %swap3A_580 = arith.index_cast %scan3A_566 : i32 to index
        %swap3A_581 = arith.constant 0 : index
        %swap3A_582 = tpu.vector_load %arg9[%swap3A_579, %swap3A_580, %swap3A_581] {strides = array<i32>} : memref<6x128x48xf32, #tpu.memory_space<vmem>>, vector<1x1x16xf32>,
        %swap3A_583 = vector.shape_cast %swap3A_582 : vector<1x1x16xf32> to vector<16xf32>
        %swap3A_584 = vector.shape_cast %add3A_578 : vector<16xf32> to vector<1x1x16xf32>
        tpu.vector_store %arg9[%swap3A_579, %swap3A_580, %swap3A_581], %swap3A_584 {strides = array<i32>} : memref<6x128x48xf32, #tpu.memory_space<vmem>>, vector<1x1x16xf32>,
        %get3A_585 = arith.constant 3 : i32
        %get3A_586 = arith.index_cast %get3A_585 : i32 to index
        %get3A_587 = arith.index_cast %scan3A_566 : i32 to index
        %get3A_588 = arith.constant 16 : index
        %get3A_589 = tpu.vector_load %arg9[%get3A_586, %get3A_587, %get3A_588] {strides = array<i32>} : memref<6x128x48xf32, #tpu.memory_space<vmem>>, vector<1x1x16xf32>,
        %get3A_590 = vector.shape_cast %get3A_589 : vector<1x1x16xf32> to vector<16xf32>
        %get3A_591 = arith.constant 3 : i32
        %get3A_592 = arith.index_cast %get3A_591 : i32 to index
        %get3A_593 = arith.index_cast %scan3A_566 : i32 to index
        %get3A_594 = arith.constant 16 : index
        %get3A_595 = tpu.vector_load %arg10[%get3A_592, %get3A_593, %get3A_594] {strides = array<i32>} : memref<6x128x48xf32, #tpu.memory_space<vmem>>, vector<1x1x16xf32>,
        %get3A_596 = vector.shape_cast %get3A_595 : vector<1x1x16xf32> to vector<16xf32>
        %add3A_597 = arith.addf %get3A_590, %get3A_596 : vector<16xf32>
        %swap3A_598 = arith.constant 3 : i32
        %swap3A_599 = arith.index_cast %swap3A_598 : i32 to index
        %swap3A_600 = arith.index_cast %scan3A_566 : i32 to index
        %swap3A_601 = arith.constant 16 : index
        %swap3A_602 = tpu.vector_load %arg9[%swap3A_599, %swap3A_600, %swap3A_601] {strides = array<i32>} : memref<6x128x48xf32, #tpu.memory_space<vmem>>, vector<1x1x16xf32>,
        %swap3A_603 = vector.shape_cast %swap3A_602 : vector<1x1x16xf32> to vector<16xf32>
        %swap3A_604 = vector.shape_cast %add3A_597 : vector<16xf32> to vector<1x1x16xf32>
        tpu.vector_store %arg9[%swap3A_599, %swap3A_600, %swap3A_601], %swap3A_604 {strides = array<i32>} : memref<6x128x48xf32, #tpu.memory_space<vmem>>, vector<1x1x16xf32>,
        %get3A_605 = arith.constant 3 : i32
        %get3A_606 = arith.index_cast %get3A_605 : i32 to index
        %get3A_607 = arith.index_cast %scan3A_566 : i32 to index
        %get3A_608 = arith.constant 32 : index
        %get3A_609 = tpu.vector_load %arg9[%get3A_606, %get3A_607, %get3A_608] {strides = array<i32>} : memref<6x128x48xf32, #tpu.memory_space<vmem>>, vector<1x1x16xf32>,
        %get3A_610 = vector.shape_cast %get3A_609 : vector<1x1x16xf32> to vector<16xf32>
        %get3A_611 = arith.constant 3 : i32
        %get3A_612 = arith.index_cast %get3A_611 : i32 to index
        %get3A_613 = arith.index_cast %scan3A_566 : i32 to index
        %get3A_614 = arith.constant 32 : index
        %get3A_615 = tpu.vector_load %arg10[%get3A_612, %get3A_613, %get3A_614] {strides = array<i32>} : memref<6x128x48xf32, #tpu.memory_space<vmem>>, vector<1x1x16xf32>,
        %get3A_616 = vector.shape_cast %get3A_615 : vector<1x1x16xf32> to vector<16xf32>
        %add3A_617 = arith.addf %get3A_610, %get3A_616 : vector<16xf32>
        %swap3A_618 = arith.constant 3 : i32
        %swap3A_619 = arith.index_cast %swap3A_618 : i32 to index
        %swap3A_620 = arith.index_cast %scan3A_566 : i32 to index
        %swap3A_621 = arith.constant 32 : index
        %swap3A_622 = tpu.vector_load %arg9[%swap3A_619, %swap3A_620, %swap3A_621] {strides = array<i32>} : memref<6x128x48xf32, #tpu.memory_space<vmem>>, vector<1x1x16xf32>,
        %swap3A_623 = vector.shape_cast %swap3A_622 : vector<1x1x16xf32> to vector<16xf32>
        %swap3A_624 = vector.shape_cast %add3A_617 : vector<16xf32> to vector<1x1x16xf32>
        tpu.vector_store %arg9[%swap3A_619, %swap3A_620, %swap3A_621], %swap3A_624 {strides = array<i32>} : memref<6x128x48xf32, #tpu.memory_space<vmem>>, vector<1x1x16xf32>,
      }
      %scan3A_421 = arith.constant 128 : i32
      %add3A_422 = arith.addi %select_n3A, %mul3A_57 : i32
      %add3A_423 = arith.constant 3 : i32
      %add3A_424 = arith.addi %add3A_422, %add3A_423 : i32
      %mul3A_425 = arith.constant 128 : i32
      %mul3A_426 = arith.muli %add3A_424, %mul3A_425 : i32
      %dma_start3A_427 = arith.constant 3 : i32
      %dma_start3A_428 = arith.constant 0 : i32
      %dma_start3A_429 = arith.constant 0 : i32
      %dma_start3A_430 = tpu.memref_slice %arg9[%dma_start3A_427, %dma_start3A_428, %dma_start3A_429] : memref<6x128x48xf32, #tpu.memory_space<vmem>> -> memref<1x128x48xf32, #tpu.memory_space<vmem>>
      %dma_start3A_431 = tpu.memref_squeeze %dma_start3A_430 : memref<1x128x48xf32, #tpu.memory_space<vmem>> -> memref<128x48xf32, #tpu.memory_space<vmem>>
      %dma_start3A_432 = arith.constant 0 : i32
      %dma_start3A_433 = tpu.memref_slice %arg6[%mul3A_426, %dma_start3A_432] : memref<320000x48xf32, #tpu.memory_space<hbm>> -> memref<128x48xf32, #tpu.memory_space<hbm>>
      %dma_start3A_434 = arith.constant 0 : i32
      %dma_start3A_435 = tpu.memref_slice %arg6[%mul3A_426, %dma_start3A_434] : memref<320000x48xf32, #tpu.memory_space<hbm>> -> memref<128x48xf32, #tpu.memory_space<hbm>>
      %dma_start3A_436 = arith.constant 0 : i32
      %dma_start3A_437 = arith.constant 0 : i32
      %dma_start3A_438 = tpu.memref_slice %arg9[%dma_start3A_427, %dma_start3A_436, %dma_start3A_437] : memref<6x128x48xf32, #tpu.memory_space<vmem>> -> memref<1x128x48xf32, #tpu.memory_space<vmem>>
      %dma_start3A_439 = tpu.memref_squeeze %dma_start3A_438 : memref<1x128x48xf32, #tpu.memory_space<vmem>> -> memref<128x48xf32, #tpu.memory_space<vmem>>
      tpu.enqueue_dma source(%dma_start3A_439 : memref<128x48xf32, #tpu.memory_space<vmem>>) target(%dma_start3A_435 : memref<128x48xf32, #tpu.memory_space<hbm>>) target_semaphore(%arg12 : memref<!tpu.dma_semaphore, #tpu.memory_space<semaphore_mem>>)
      %scan3A_440 = arith.constant 0 : i32
      %scan3A_441 = arith.constant 0 : i32
      %scan3A_442 = arith.constant 128 : i32
      %scan3A_443 = arith.addi %scan3A_441, %scan3A_442 : i32
      %scan3A_444 = arith.constant 1 : i32
      scf.for %scan3A_566 = %scan3A_441 to %scan3A_443 step %scan3A_444  : i32 {
        %get3A = arith.constant 4 : i32
        %get3A_567 = arith.index_cast %get3A : i32 to index
        %get3A_568 = arith.index_cast %scan3A_566 : i32 to index
        %get3A_569 = arith.constant 0 : index
        %get3A_570 = tpu.vector_load %arg9[%get3A_567, %get3A_568, %get3A_569] {strides = array<i32>} : memref<6x128x48xf32, #tpu.memory_space<vmem>>, vector<1x1x16xf32>,
        %get3A_571 = vector.shape_cast %get3A_570 : vector<1x1x16xf32> to vector<16xf32>
        %get3A_572 = arith.constant 4 : i32
        %get3A_573 = arith.index_cast %get3A_572 : i32 to index
        %get3A_574 = arith.index_cast %scan3A_566 : i32 to index
        %get3A_575 = arith.constant 0 : index
        %get3A_576 = tpu.vector_load %arg10[%get3A_573, %get3A_574, %get3A_575] {strides = array<i32>} : memref<6x128x48xf32, #tpu.memory_space<vmem>>, vector<1x1x16xf32>,
        %get3A_577 = vector.shape_cast %get3A_576 : vector<1x1x16xf32> to vector<16xf32>
        %add3A_578 = arith.addf %get3A_571, %get3A_577 : vector<16xf32>
        %swap3A = arith.constant 4 : i32
        %swap3A_579 = arith.index_cast %swap3A : i32 to index
        %swap3A_580 = arith.index_cast %scan3A_566 : i32 to index
        %swap3A_581 = arith.constant 0 : index
        %swap3A_582 = tpu.vector_load %arg9[%swap3A_579, %swap3A_580, %swap3A_581] {strides = array<i32>} : memref<6x128x48xf32, #tpu.memory_space<vmem>>, vector<1x1x16xf32>,
        %swap3A_583 = vector.shape_cast %swap3A_582 : vector<1x1x16xf32> to vector<16xf32>
        %swap3A_584 = vector.shape_cast %add3A_578 : vector<16xf32> to vector<1x1x16xf32>
        tpu.vector_store %arg9[%swap3A_579, %swap3A_580, %swap3A_581], %swap3A_584 {strides = array<i32>} : memref<6x128x48xf32, #tpu.memory_space<vmem>>, vector<1x1x16xf32>,
        %get3A_585 = arith.constant 4 : i32
        %get3A_586 = arith.index_cast %get3A_585 : i32 to index
        %get3A_587 = arith.index_cast %scan3A_566 : i32 to index
        %get3A_588 = arith.constant 16 : index
        %get3A_589 = tpu.vector_load %arg9[%get3A_586, %get3A_587, %get3A_588] {strides = array<i32>} : memref<6x128x48xf32, #tpu.memory_space<vmem>>, vector<1x1x16xf32>,
        %get3A_590 = vector.shape_cast %get3A_589 : vector<1x1x16xf32> to vector<16xf32>
        %get3A_591 = arith.constant 4 : i32
        %get3A_592 = arith.index_cast %get3A_591 : i32 to index
        %get3A_593 = arith.index_cast %scan3A_566 : i32 to index
        %get3A_594 = arith.constant 16 : index
        %get3A_595 = tpu.vector_load %arg10[%get3A_592, %get3A_593, %get3A_594] {strides = array<i32>} : memref<6x128x48xf32, #tpu.memory_space<vmem>>, vector<1x1x16xf32>,
        %get3A_596 = vector.shape_cast %get3A_595 : vector<1x1x16xf32> to vector<16xf32>
        %add3A_597 = arith.addf %get3A_590, %get3A_596 : vector<16xf32>
        %swap3A_598 = arith.constant 4 : i32
        %swap3A_599 = arith.index_cast %swap3A_598 : i32 to index
        %swap3A_600 = arith.index_cast %scan3A_566 : i32 to index
        %swap3A_601 = arith.constant 16 : index
        %swap3A_602 = tpu.vector_load %arg9[%swap3A_599, %swap3A_600, %swap3A_601] {strides = array<i32>} : memref<6x128x48xf32, #tpu.memory_space<vmem>>, vector<1x1x16xf32>,
        %swap3A_603 = vector.shape_cast %swap3A_602 : vector<1x1x16xf32> to vector<16xf32>
        %swap3A_604 = vector.shape_cast %add3A_597 : vector<16xf32> to vector<1x1x16xf32>
        tpu.vector_store %arg9[%swap3A_599, %swap3A_600, %swap3A_601], %swap3A_604 {strides = array<i32>} : memref<6x128x48xf32, #tpu.memory_space<vmem>>, vector<1x1x16xf32>,
        %get3A_605 = arith.constant 4 : i32
        %get3A_606 = arith.index_cast %get3A_605 : i32 to index
        %get3A_607 = arith.index_cast %scan3A_566 : i32 to index
        %get3A_608 = arith.constant 32 : index
        %get3A_609 = tpu.vector_load %arg9[%get3A_606, %get3A_607, %get3A_608] {strides = array<i32>} : memref<6x128x48xf32, #tpu.memory_space<vmem>>, vector<1x1x16xf32>,
        %get3A_610 = vector.shape_cast %get3A_609 : vector<1x1x16xf32> to vector<16xf32>
        %get3A_611 = arith.constant 4 : i32
        %get3A_612 = arith.index_cast %get3A_611 : i32 to index
        %get3A_613 = arith.index_cast %scan3A_566 : i32 to index
        %get3A_614 = arith.constant 32 : index
        %get3A_615 = tpu.vector_load %arg10[%get3A_612, %get3A_613, %get3A_614] {strides = array<i32>} : memref<6x128x48xf32, #tpu.memory_space<vmem>>, vector<1x1x16xf32>,
        %get3A_616 = vector.shape_cast %get3A_615 : vector<1x1x16xf32> to vector<16xf32>
        %add3A_617 = arith.addf %get3A_610, %get3A_616 : vector<16xf32>
        %swap3A_618 = arith.constant 4 : i32
        %swap3A_619 = arith.index_cast %swap3A_618 : i32 to index
        %swap3A_620 = arith.index_cast %scan3A_566 : i32 to index
        %swap3A_621 = arith.constant 32 : index
        %swap3A_622 = tpu.vector_load %arg9[%swap3A_619, %swap3A_620, %swap3A_621] {strides = array<i32>} : memref<6x128x48xf32, #tpu.memory_space<vmem>>, vector<1x1x16xf32>,
        %swap3A_623 = vector.shape_cast %swap3A_622 : vector<1x1x16xf32> to vector<16xf32>
        %swap3A_624 = vector.shape_cast %add3A_617 : vector<16xf32> to vector<1x1x16xf32>
        tpu.vector_store %arg9[%swap3A_619, %swap3A_620, %swap3A_621], %swap3A_624 {strides = array<i32>} : memref<6x128x48xf32, #tpu.memory_space<vmem>>, vector<1x1x16xf32>,
      }
      %scan3A_445 = arith.constant 128 : i32
      %add3A_446 = arith.addi %select_n3A, %mul3A_57 : i32
      %add3A_447 = arith.constant 4 : i32
      %add3A_448 = arith.addi %add3A_446, %add3A_447 : i32
      %mul3A_449 = arith.constant 128 : i32
      %mul3A_450 = arith.muli %add3A_448, %mul3A_449 : i32
      %dma_start3A_451 = arith.constant 4 : i32
      %dma_start3A_452 = arith.constant 0 : i32
      %dma_start3A_453 = arith.constant 0 : i32
      %dma_start3A_454 = tpu.memref_slice %arg9[%dma_start3A_451, %dma_start3A_452, %dma_start3A_453] : memref<6x128x48xf32, #tpu.memory_space<vmem>> -> memref<1x128x48xf32, #tpu.memory_space<vmem>>
      %dma_start3A_455 = tpu.memref_squeeze %dma_start3A_454 : memref<1x128x48xf32, #tpu.memory_space<vmem>> -> memref<128x48xf32, #tpu.memory_space<vmem>>
      %dma_start3A_456 = arith.constant 0 : i32
      %dma_start3A_457 = tpu.memref_slice %arg6[%mul3A_450, %dma_start3A_456] : memref<320000x48xf32, #tpu.memory_space<hbm>> -> memref<128x48xf32, #tpu.memory_space<hbm>>
      %dma_start3A_458 = arith.constant 0 : i32
      %dma_start3A_459 = tpu.memref_slice %arg6[%mul3A_450, %dma_start3A_458] : memref<320000x48xf32, #tpu.memory_space<hbm>> -> memref<128x48xf32, #tpu.memory_space<hbm>>
      %dma_start3A_460 = arith.constant 0 : i32
      %dma_start3A_461 = arith.constant 0 : i32
      %dma_start3A_462 = tpu.memref_slice %arg9[%dma_start3A_451, %dma_start3A_460, %dma_start3A_461] : memref<6x128x48xf32, #tpu.memory_space<vmem>> -> memref<1x128x48xf32, #tpu.memory_space<vmem>>
      %dma_start3A_463 = tpu.memref_squeeze %dma_start3A_462 : memref<1x128x48xf32, #tpu.memory_space<vmem>> -> memref<128x48xf32, #tpu.memory_space<vmem>>
      tpu.enqueue_dma source(%dma_start3A_463 : memref<128x48xf32, #tpu.memory_space<vmem>>) target(%dma_start3A_459 : memref<128x48xf32, #tpu.memory_space<hbm>>) target_semaphore(%arg12 : memref<!tpu.dma_semaphore, #tpu.memory_space<semaphore_mem>>)
      %scan3A_464 = arith.constant 0 : i32
      %scan3A_465 = arith.constant 0 : i32
      %scan3A_466 = arith.constant 128 : i32
      %scan3A_467 = arith.addi %scan3A_465, %scan3A_466 : i32
      %scan3A_468 = arith.constant 1 : i32
      scf.for %scan3A_566 = %scan3A_465 to %scan3A_467 step %scan3A_468  : i32 {
        %get3A = arith.constant 5 : i32
        %get3A_567 = arith.index_cast %get3A : i32 to index
        %get3A_568 = arith.index_cast %scan3A_566 : i32 to index
        %get3A_569 = arith.constant 0 : index
        %get3A_570 = tpu.vector_load %arg9[%get3A_567, %get3A_568, %get3A_569] {strides = array<i32>} : memref<6x128x48xf32, #tpu.memory_space<vmem>>, vector<1x1x16xf32>,
        %get3A_571 = vector.shape_cast %get3A_570 : vector<1x1x16xf32> to vector<16xf32>
        %get3A_572 = arith.constant 5 : i32
        %get3A_573 = arith.index_cast %get3A_572 : i32 to index
        %get3A_574 = arith.index_cast %scan3A_566 : i32 to index
        %get3A_575 = arith.constant 0 : index
        %get3A_576 = tpu.vector_load %arg10[%get3A_573, %get3A_574, %get3A_575] {strides = array<i32>} : memref<6x128x48xf32, #tpu.memory_space<vmem>>, vector<1x1x16xf32>,
        %get3A_577 = vector.shape_cast %get3A_576 : vector<1x1x16xf32> to vector<16xf32>
        %add3A_578 = arith.addf %get3A_571, %get3A_577 : vector<16xf32>
        %swap3A = arith.constant 5 : i32
        %swap3A_579 = arith.index_cast %swap3A : i32 to index
        %swap3A_580 = arith.index_cast %scan3A_566 : i32 to index
        %swap3A_581 = arith.constant 0 : index
        %swap3A_582 = tpu.vector_load %arg9[%swap3A_579, %swap3A_580, %swap3A_581] {strides = array<i32>} : memref<6x128x48xf32, #tpu.memory_space<vmem>>, vector<1x1x16xf32>,
        %swap3A_583 = vector.shape_cast %swap3A_582 : vector<1x1x16xf32> to vector<16xf32>
        %swap3A_584 = vector.shape_cast %add3A_578 : vector<16xf32> to vector<1x1x16xf32>
        tpu.vector_store %arg9[%swap3A_579, %swap3A_580, %swap3A_581], %swap3A_584 {strides = array<i32>} : memref<6x128x48xf32, #tpu.memory_space<vmem>>, vector<1x1x16xf32>,
        %get3A_585 = arith.constant 5 : i32
        %get3A_586 = arith.index_cast %get3A_585 : i32 to index
        %get3A_587 = arith.index_cast %scan3A_566 : i32 to index
        %get3A_588 = arith.constant 16 : index
        %get3A_589 = tpu.vector_load %arg9[%get3A_586, %get3A_587, %get3A_588] {strides = array<i32>} : memref<6x128x48xf32, #tpu.memory_space<vmem>>, vector<1x1x16xf32>,
        %get3A_590 = vector.shape_cast %get3A_589 : vector<1x1x16xf32> to vector<16xf32>
        %get3A_591 = arith.constant 5 : i32
        %get3A_592 = arith.index_cast %get3A_591 : i32 to index
        %get3A_593 = arith.index_cast %scan3A_566 : i32 to index
        %get3A_594 = arith.constant 16 : index
        %get3A_595 = tpu.vector_load %arg10[%get3A_592, %get3A_593, %get3A_594] {strides = array<i32>} : memref<6x128x48xf32, #tpu.memory_space<vmem>>, vector<1x1x16xf32>,
        %get3A_596 = vector.shape_cast %get3A_595 : vector<1x1x16xf32> to vector<16xf32>
        %add3A_597 = arith.addf %get3A_590, %get3A_596 : vector<16xf32>
        %swap3A_598 = arith.constant 5 : i32
        %swap3A_599 = arith.index_cast %swap3A_598 : i32 to index
        %swap3A_600 = arith.index_cast %scan3A_566 : i32 to index
        %swap3A_601 = arith.constant 16 : index
        %swap3A_602 = tpu.vector_load %arg9[%swap3A_599, %swap3A_600, %swap3A_601] {strides = array<i32>} : memref<6x128x48xf32, #tpu.memory_space<vmem>>, vector<1x1x16xf32>,
        %swap3A_603 = vector.shape_cast %swap3A_602 : vector<1x1x16xf32> to vector<16xf32>
        %swap3A_604 = vector.shape_cast %add3A_597 : vector<16xf32> to vector<1x1x16xf32>
        tpu.vector_store %arg9[%swap3A_599, %swap3A_600, %swap3A_601], %swap3A_604 {strides = array<i32>} : memref<6x128x48xf32, #tpu.memory_space<vmem>>, vector<1x1x16xf32>,
        %get3A_605 = arith.constant 5 : i32
        %get3A_606 = arith.index_cast %get3A_605 : i32 to index
        %get3A_607 = arith.index_cast %scan3A_566 : i32 to index
        %get3A_608 = arith.constant 32 : index
        %get3A_609 = tpu.vector_load %arg9[%get3A_606, %get3A_607, %get3A_608] {strides = array<i32>} : memref<6x128x48xf32, #tpu.memory_space<vmem>>, vector<1x1x16xf32>,
        %get3A_610 = vector.shape_cast %get3A_609 : vector<1x1x16xf32> to vector<16xf32>
        %get3A_611 = arith.constant 5 : i32
        %get3A_612 = arith.index_cast %get3A_611 : i32 to index
        %get3A_613 = arith.index_cast %scan3A_566 : i32 to index
        %get3A_614 = arith.constant 32 : index
        %get3A_615 = tpu.vector_load %arg10[%get3A_612, %get3A_613, %get3A_614] {strides = array<i32>} : memref<6x128x48xf32, #tpu.memory_space<vmem>>, vector<1x1x16xf32>,
        %get3A_616 = vector.shape_cast %get3A_615 : vector<1x1x16xf32> to vector<16xf32>
        %add3A_617 = arith.addf %get3A_610, %get3A_616 : vector<16xf32>
        %swap3A_618 = arith.constant 5 : i32
        %swap3A_619 = arith.index_cast %swap3A_618 : i32 to index
        %swap3A_620 = arith.index_cast %scan3A_566 : i32 to index
        %swap3A_621 = arith.constant 32 : index
        %swap3A_622 = tpu.vector_load %arg9[%swap3A_619, %swap3A_620, %swap3A_621] {strides = array<i32>} : memref<6x128x48xf32, #tpu.memory_space<vmem>>, vector<1x1x16xf32>,
        %swap3A_623 = vector.shape_cast %swap3A_622 : vector<1x1x16xf32> to vector<16xf32>
        %swap3A_624 = vector.shape_cast %add3A_617 : vector<16xf32> to vector<1x1x16xf32>
        tpu.vector_store %arg9[%swap3A_619, %swap3A_620, %swap3A_621], %swap3A_624 {strides = array<i32>} : memref<6x128x48xf32, #tpu.memory_space<vmem>>, vector<1x1x16xf32>,
      }
      %scan3A_469 = arith.constant 128 : i32
      %add3A_470 = arith.addi %select_n3A, %mul3A_57 : i32
      %add3A_471 = arith.constant 5 : i32
      %add3A_472 = arith.addi %add3A_470, %add3A_471 : i32
      %mul3A_473 = arith.constant 128 : i32
      %mul3A_474 = arith.muli %add3A_472, %mul3A_473 : i32
      %dma_start3A_475 = arith.constant 5 : i32
      %dma_start3A_476 = arith.constant 0 : i32
      %dma_start3A_477 = arith.constant 0 : i32
      %dma_start3A_478 = tpu.memref_slice %arg9[%dma_start3A_475, %dma_start3A_476, %dma_start3A_477] : memref<6x128x48xf32, #tpu.memory_space<vmem>> -> memref<1x128x48xf32, #tpu.memory_space<vmem>>
      %dma_start3A_479 = tpu.memref_squeeze %dma_start3A_478 : memref<1x128x48xf32, #tpu.memory_space<vmem>> -> memref<128x48xf32, #tpu.memory_space<vmem>>
      %dma_start3A_480 = arith.constant 0 : i32
      %dma_start3A_481 = tpu.memref_slice %arg6[%mul3A_474, %dma_start3A_480] : memref<320000x48xf32, #tpu.memory_space<hbm>> -> memref<128x48xf32, #tpu.memory_space<hbm>>
      %dma_start3A_482 = arith.constant 0 : i32
      %dma_start3A_483 = tpu.memref_slice %arg6[%mul3A_474, %dma_start3A_482] : memref<320000x48xf32, #tpu.memory_space<hbm>> -> memref<128x48xf32, #tpu.memory_space<hbm>>
      %dma_start3A_484 = arith.constant 0 : i32
      %dma_start3A_485 = arith.constant 0 : i32
      %dma_start3A_486 = tpu.memref_slice %arg9[%dma_start3A_475, %dma_start3A_484, %dma_start3A_485] : memref<6x128x48xf32, #tpu.memory_space<vmem>> -> memref<1x128x48xf32, #tpu.memory_space<vmem>>
      %dma_start3A_487 = tpu.memref_squeeze %dma_start3A_486 : memref<1x128x48xf32, #tpu.memory_space<vmem>> -> memref<128x48xf32, #tpu.memory_space<vmem>>
      tpu.enqueue_dma source(%dma_start3A_487 : memref<128x48xf32, #tpu.memory_space<vmem>>) target(%dma_start3A_483 : memref<128x48xf32, #tpu.memory_space<hbm>>) target_semaphore(%arg12 : memref<!tpu.dma_semaphore, #tpu.memory_space<semaphore_mem>>)
      %dma_wait3A_488 = arith.constant 0 : i32
      %dma_wait3A_489 = arith.constant 0 : i32
      %dma_wait3A_490 = arith.constant 0 : i32
      %dma_wait3A_491 = tpu.memref_slice %arg9[%dma_wait3A_488, %dma_wait3A_489, %dma_wait3A_490] : memref<6x128x48xf32, #tpu.memory_space<vmem>> -> memref<1x128x48xf32, #tpu.memory_space<vmem>>
      %dma_wait3A_492 = tpu.memref_squeeze %dma_wait3A_491 : memref<1x128x48xf32, #tpu.memory_space<vmem>> -> memref<128x48xf32, #tpu.memory_space<vmem>>
      %dma_wait3A_493 = arith.constant 0 : i32
      %dma_wait3A_494 = tpu.memref_slice %arg6[%mul3A_354, %dma_wait3A_493] : memref<320000x48xf32, #tpu.memory_space<hbm>> -> memref<128x48xf32, #tpu.memory_space<hbm>>
      %dma_wait3A_495 = arith.constant 0 : i32
      %dma_wait3A_496 = tpu.memref_slice %arg6[%mul3A_354, %dma_wait3A_495] : memref<320000x48xf32, #tpu.memory_space<hbm>> -> memref<128x48xf32, #tpu.memory_space<hbm>>
      %dma_wait3A_497 = arith.constant 0 : i32
      %dma_wait3A_498 = arith.constant 0 : i32
      %dma_wait3A_499 = tpu.memref_slice %arg9[%dma_wait3A_488, %dma_wait3A_497, %dma_wait3A_498] : memref<6x128x48xf32, #tpu.memory_space<vmem>> -> memref<1x128x48xf32, #tpu.memory_space<vmem>>
      %dma_wait3A_500 = tpu.memref_squeeze %dma_wait3A_499 : memref<1x128x48xf32, #tpu.memory_space<vmem>> -> memref<128x48xf32, #tpu.memory_space<vmem>>
      tpu.wait_dma2 semaphore(%arg12 : memref<!tpu.dma_semaphore, #tpu.memory_space<semaphore_mem>>) src(%dma_wait3A_500 : memref<128x48xf32, #tpu.memory_space<vmem>>) dst(%dma_wait3A_496 : memref<128x48xf32, #tpu.memory_space<hbm>>)
      %dma_wait3A_501 = arith.constant 1 : i32
      %dma_wait3A_502 = arith.constant 0 : i32
      %dma_wait3A_503 = arith.constant 0 : i32
      %dma_wait3A_504 = tpu.memref_slice %arg9[%dma_wait3A_501, %dma_wait3A_502, %dma_wait3A_503] : memref<6x128x48xf32, #tpu.memory_space<vmem>> -> memref<1x128x48xf32, #tpu.memory_space<vmem>>
      %dma_wait3A_505 = tpu.memref_squeeze %dma_wait3A_504 : memref<1x128x48xf32, #tpu.memory_space<vmem>> -> memref<128x48xf32, #tpu.memory_space<vmem>>
      %dma_wait3A_506 = arith.constant 0 : i32
      %dma_wait3A_507 = tpu.memref_slice %arg6[%mul3A_378, %dma_wait3A_506] : memref<320000x48xf32, #tpu.memory_space<hbm>> -> memref<128x48xf32, #tpu.memory_space<hbm>>
      %dma_wait3A_508 = arith.constant 0 : i32
      %dma_wait3A_509 = tpu.memref_slice %arg6[%mul3A_378, %dma_wait3A_508] : memref<320000x48xf32, #tpu.memory_space<hbm>> -> memref<128x48xf32, #tpu.memory_space<hbm>>
      %dma_wait3A_510 = arith.constant 0 : i32
      %dma_wait3A_511 = arith.constant 0 : i32
      %dma_wait3A_512 = tpu.memref_slice %arg9[%dma_wait3A_501, %dma_wait3A_510, %dma_wait3A_511] : memref<6x128x48xf32, #tpu.memory_space<vmem>> -> memref<1x128x48xf32, #tpu.memory_space<vmem>>
      %dma_wait3A_513 = tpu.memref_squeeze %dma_wait3A_512 : memref<1x128x48xf32, #tpu.memory_space<vmem>> -> memref<128x48xf32, #tpu.memory_space<vmem>>
      tpu.wait_dma2 semaphore(%arg12 : memref<!tpu.dma_semaphore, #tpu.memory_space<semaphore_mem>>) src(%dma_wait3A_513 : memref<128x48xf32, #tpu.memory_space<vmem>>) dst(%dma_wait3A_509 : memref<128x48xf32, #tpu.memory_space<hbm>>)
      %dma_wait3A_514 = arith.constant 2 : i32
      %dma_wait3A_515 = arith.constant 0 : i32
      %dma_wait3A_516 = arith.constant 0 : i32
      %dma_wait3A_517 = tpu.memref_slice %arg9[%dma_wait3A_514, %dma_wait3A_515, %dma_wait3A_516] : memref<6x128x48xf32, #tpu.memory_space<vmem>> -> memref<1x128x48xf32, #tpu.memory_space<vmem>>
      %dma_wait3A_518 = tpu.memref_squeeze %dma_wait3A_517 : memref<1x128x48xf32, #tpu.memory_space<vmem>> -> memref<128x48xf32, #tpu.memory_space<vmem>>
      %dma_wait3A_519 = arith.constant 0 : i32
      %dma_wait3A_520 = tpu.memref_slice %arg6[%mul3A_402, %dma_wait3A_519] : memref<320000x48xf32, #tpu.memory_space<hbm>> -> memref<128x48xf32, #tpu.memory_space<hbm>>
      %dma_wait3A_521 = arith.constant 0 : i32
      %dma_wait3A_522 = tpu.memref_slice %arg6[%mul3A_402, %dma_wait3A_521] : memref<320000x48xf32, #tpu.memory_space<hbm>> -> memref<128x48xf32, #tpu.memory_space<hbm>>
      %dma_wait3A_523 = arith.constant 0 : i32
      %dma_wait3A_524 = arith.constant 0 : i32
      %dma_wait3A_525 = tpu.memref_slice %arg9[%dma_wait3A_514, %dma_wait3A_523, %dma_wait3A_524] : memref<6x128x48xf32, #tpu.memory_space<vmem>> -> memref<1x128x48xf32, #tpu.memory_space<vmem>>
      %dma_wait3A_526 = tpu.memref_squeeze %dma_wait3A_525 : memref<1x128x48xf32, #tpu.memory_space<vmem>> -> memref<128x48xf32, #tpu.memory_space<vmem>>
      tpu.wait_dma2 semaphore(%arg12 : memref<!tpu.dma_semaphore, #tpu.memory_space<semaphore_mem>>) src(%dma_wait3A_526 : memref<128x48xf32, #tpu.memory_space<vmem>>) dst(%dma_wait3A_522 : memref<128x48xf32, #tpu.memory_space<hbm>>)
      %dma_wait3A_527 = arith.constant 3 : i32
      %dma_wait3A_528 = arith.constant 0 : i32
      %dma_wait3A_529 = arith.constant 0 : i32
      %dma_wait3A_530 = tpu.memref_slice %arg9[%dma_wait3A_527, %dma_wait3A_528, %dma_wait3A_529] : memref<6x128x48xf32, #tpu.memory_space<vmem>> -> memref<1x128x48xf32, #tpu.memory_space<vmem>>
      %dma_wait3A_531 = tpu.memref_squeeze %dma_wait3A_530 : memref<1x128x48xf32, #tpu.memory_space<vmem>> -> memref<128x48xf32, #tpu.memory_space<vmem>>
      %dma_wait3A_532 = arith.constant 0 : i32
      %dma_wait3A_533 = tpu.memref_slice %arg6[%mul3A_426, %dma_wait3A_532] : memref<320000x48xf32, #tpu.memory_space<hbm>> -> memref<128x48xf32, #tpu.memory_space<hbm>>
      %dma_wait3A_534 = arith.constant 0 : i32
      %dma_wait3A_535 = tpu.memref_slice %arg6[%mul3A_426, %dma_wait3A_534] : memref<320000x48xf32, #tpu.memory_space<hbm>> -> memref<128x48xf32, #tpu.memory_space<hbm>>
      %dma_wait3A_536 = arith.constant 0 : i32
      %dma_wait3A_537 = arith.constant 0 : i32
      %dma_wait3A_538 = tpu.memref_slice %arg9[%dma_wait3A_527, %dma_wait3A_536, %dma_wait3A_537] : memref<6x128x48xf32, #tpu.memory_space<vmem>> -> memref<1x128x48xf32, #tpu.memory_space<vmem>>
      %dma_wait3A_539 = tpu.memref_squeeze %dma_wait3A_538 : memref<1x128x48xf32, #tpu.memory_space<vmem>> -> memref<128x48xf32, #tpu.memory_space<vmem>>
      tpu.wait_dma2 semaphore(%arg12 : memref<!tpu.dma_semaphore, #tpu.memory_space<semaphore_mem>>) src(%dma_wait3A_539 : memref<128x48xf32, #tpu.memory_space<vmem>>) dst(%dma_wait3A_535 : memref<128x48xf32, #tpu.memory_space<hbm>>)
      %dma_wait3A_540 = arith.constant 4 : i32
      %dma_wait3A_541 = arith.constant 0 : i32
      %dma_wait3A_542 = arith.constant 0 : i32
      %dma_wait3A_543 = tpu.memref_slice %arg9[%dma_wait3A_540, %dma_wait3A_541, %dma_wait3A_542] : memref<6x128x48xf32, #tpu.memory_space<vmem>> -> memref<1x128x48xf32, #tpu.memory_space<vmem>>
      %dma_wait3A_544 = tpu.memref_squeeze %dma_wait3A_543 : memref<1x128x48xf32, #tpu.memory_space<vmem>> -> memref<128x48xf32, #tpu.memory_space<vmem>>
      %dma_wait3A_545 = arith.constant 0 : i32
      %dma_wait3A_546 = tpu.memref_slice %arg6[%mul3A_450, %dma_wait3A_545] : memref<320000x48xf32, #tpu.memory_space<hbm>> -> memref<128x48xf32, #tpu.memory_space<hbm>>
      %dma_wait3A_547 = arith.constant 0 : i32
      %dma_wait3A_548 = tpu.memref_slice %arg6[%mul3A_450, %dma_wait3A_547] : memref<320000x48xf32, #tpu.memory_space<hbm>> -> memref<128x48xf32, #tpu.memory_space<hbm>>
      %dma_wait3A_549 = arith.constant 0 : i32
      %dma_wait3A_550 = arith.constant 0 : i32
      %dma_wait3A_551 = tpu.memref_slice %arg9[%dma_wait3A_540, %dma_wait3A_549, %dma_wait3A_550] : memref<6x128x48xf32, #tpu.memory_space<vmem>> -> memref<1x128x48xf32, #tpu.memory_space<vmem>>
      %dma_wait3A_552 = tpu.memref_squeeze %dma_wait3A_551 : memref<1x128x48xf32, #tpu.memory_space<vmem>> -> memref<128x48xf32, #tpu.memory_space<vmem>>
      tpu.wait_dma2 semaphore(%arg12 : memref<!tpu.dma_semaphore, #tpu.memory_space<semaphore_mem>>) src(%dma_wait3A_552 : memref<128x48xf32, #tpu.memory_space<vmem>>) dst(%dma_wait3A_548 : memref<128x48xf32, #tpu.memory_space<hbm>>)
      %dma_wait3A_553 = arith.constant 5 : i32
      %dma_wait3A_554 = arith.constant 0 : i32
      %dma_wait3A_555 = arith.constant 0 : i32
      %dma_wait3A_556 = tpu.memref_slice %arg9[%dma_wait3A_553, %dma_wait3A_554, %dma_wait3A_555] : memref<6x128x48xf32, #tpu.memory_space<vmem>> -> memref<1x128x48xf32, #tpu.memory_space<vmem>>
      %dma_wait3A_557 = tpu.memref_squeeze %dma_wait3A_556 : memref<1x128x48xf32, #tpu.memory_space<vmem>> -> memref<128x48xf32, #tpu.memory_space<vmem>>
      %dma_wait3A_558 = arith.constant 0 : i32
      %dma_wait3A_559 = tpu.memref_slice %arg6[%mul3A_474, %dma_wait3A_558] : memref<320000x48xf32, #tpu.memory_space<hbm>> -> memref<128x48xf32, #tpu.memory_space<hbm>>
      %dma_wait3A_560 = arith.constant 0 : i32
      %dma_wait3A_561 = tpu.memref_slice %arg6[%mul3A_474, %dma_wait3A_560] : memref<320000x48xf32, #tpu.memory_space<hbm>> -> memref<128x48xf32, #tpu.memory_space<hbm>>
      %dma_wait3A_562 = arith.constant 0 : i32
      %dma_wait3A_563 = arith.constant 0 : i32
      %dma_wait3A_564 = tpu.memref_slice %arg9[%dma_wait3A_553, %dma_wait3A_562, %dma_wait3A_563] : memref<6x128x48xf32, #tpu.memory_space<vmem>> -> memref<1x128x48xf32, #tpu.memory_space<vmem>>
      %dma_wait3A_565 = tpu.memref_squeeze %dma_wait3A_564 : memref<1x128x48xf32, #tpu.memory_space<vmem>> -> memref<128x48xf32, #tpu.memory_space<vmem>>
      tpu.wait_dma2 semaphore(%arg12 : memref<!tpu.dma_semaphore, #tpu.memory_space<semaphore_mem>>) src(%dma_wait3A_565 : memref<128x48xf32, #tpu.memory_space<vmem>>) dst(%dma_wait3A_561 : memref<128x48xf32, #tpu.memory_space<hbm>>)
    }
    %scan3A_52 = arith.constant 13 : i32
    %eq3A = arith.constant 79 : i32
    %eq3A_53 = arith.cmpi eq, %sub3A_47, %eq3A : i32
    %convert_element_type3A = arith.extui %eq3A_53 : i1 to i32
    %cond3A = arith.constant 0 : i32
    %cond3A_54 = arith.cmpi ne, %convert_element_type3A, %cond3A : i32
    scf.if %cond3A_54 {
      %dma_start3A = arith.constant 78 : i32
      %dma_start3A_55 = arith.constant 0 : i32
      %dma_start3A_56 = arith.constant 0 : i32
      %dma_start3A_57 = arith.constant 0 : i32
      %dma_start3A_58 = tpu.memref_slice %arg9[%dma_start3A_55, %dma_start3A_56, %dma_start3A_57] : memref<6x128x48xf32, #tpu.memory_space<vmem>> -> memref<1x128x48xf32, #tpu.memory_space<vmem>>
      %dma_start3A_59 = tpu.memref_squeeze %dma_start3A_58 : memref<1x128x48xf32, #tpu.memory_space<vmem>> -> memref<128x48xf32, #tpu.memory_space<vmem>>
      %dma_start3A_60 = arith.constant 0 : i32
      %dma_start3A_61 = tpu.memref_slice %arg7[%dma_start3A, %dma_start3A_60] : memref<79x128xi32, #tpu.memory_space<vmem>> -> memref<1x128xi32, #tpu.memory_space<vmem>>
      %dma_start3A_62 = tpu.memref_squeeze %dma_start3A_61 : memref<1x128xi32, #tpu.memory_space<vmem>> -> memref<128xi32, #tpu.memory_space<vmem>>
      %dma_start3A_63 = arith.constant 0 : i32
      %dma_start3A_64 = arith.constant 0 : i32
      %dma_start3A_65 = tpu.memref_slice %arg2[%dma_start3A_63, %dma_start3A_64] : memref<10000x48xf32, #tpu.memory_space<hbm>> -> memref<10000x48xf32, #tpu.memory_space<hbm>>
      tpu.enqueue_indirect_dma source(%dma_start3A_65 : memref<10000x48xf32, #tpu.memory_space<hbm>>) target(%dma_start3A_59 : memref<128x48xf32, #tpu.memory_space<vmem>>) offsets(%dma_start3A_62 : memref<128xi32, #tpu.memory_space<vmem>>) semaphore(%arg11 : memref<!tpu.dma_semaphore, #tpu.memory_space<semaphore_mem>>)
      %dma_start3A_66 = arith.constant 78 : i32
      %dma_start3A_67 = arith.constant 0 : i32
      %dma_start3A_68 = arith.constant 0 : i32
      %dma_start3A_69 = arith.constant 0 : i32
      %dma_start3A_70 = tpu.memref_slice %arg10[%dma_start3A_67, %dma_start3A_68, %dma_start3A_69] : memref<6x128x48xf32, #tpu.memory_space<vmem>> -> memref<1x128x48xf32, #tpu.memory_space<vmem>>
      %dma_start3A_71 = tpu.memref_squeeze %dma_start3A_70 : memref<1x128x48xf32, #tpu.memory_space<vmem>> -> memref<128x48xf32, #tpu.memory_space<vmem>>
      %dma_start3A_72 = arith.constant 0 : i32
      %dma_start3A_73 = tpu.memref_slice %arg8[%dma_start3A_66, %dma_start3A_72] : memref<79x128xi32, #tpu.memory_space<vmem>> -> memref<1x128xi32, #tpu.memory_space<vmem>>
      %dma_start3A_74 = tpu.memref_squeeze %dma_start3A_73 : memref<1x128xi32, #tpu.memory_space<vmem>> -> memref<128xi32, #tpu.memory_space<vmem>>
      %dma_start3A_75 = arith.constant 0 : i32
      %dma_start3A_76 = arith.constant 0 : i32
      %dma_start3A_77 = tpu.memref_slice %arg3[%dma_start3A_75, %dma_start3A_76] : memref<10000x48xf32, #tpu.memory_space<hbm>> -> memref<10000x48xf32, #tpu.memory_space<hbm>>
      tpu.enqueue_indirect_dma source(%dma_start3A_77 : memref<10000x48xf32, #tpu.memory_space<hbm>>) target(%dma_start3A_71 : memref<128x48xf32, #tpu.memory_space<vmem>>) offsets(%dma_start3A_74 : memref<128xi32, #tpu.memory_space<vmem>>) semaphore(%arg11 : memref<!tpu.dma_semaphore, #tpu.memory_space<semaphore_mem>>)
      %dma_wait3A = arith.constant 78 : i32
      %dma_wait3A_78 = arith.constant 0 : i32
      %dma_wait3A_79 = arith.constant 0 : i32
      %dma_wait3A_80 = arith.constant 0 : i32
      %dma_wait3A_81 = tpu.memref_slice %arg9[%dma_wait3A_78, %dma_wait3A_79, %dma_wait3A_80] : memref<6x128x48xf32, #tpu.memory_space<vmem>> -> memref<1x128x48xf32, #tpu.memory_space<vmem>>
      %dma_wait3A_82 = tpu.memref_squeeze %dma_wait3A_81 : memref<1x128x48xf32, #tpu.memory_space<vmem>> -> memref<128x48xf32, #tpu.memory_space<vmem>>
      %dma_wait3A_83 = arith.constant 0 : i32
      %dma_wait3A_84 = tpu.memref_slice %arg7[%dma_wait3A, %dma_wait3A_83] : memref<79x128xi32, #tpu.memory_space<vmem>> -> memref<1x128xi32, #tpu.memory_space<vmem>>
      %dma_wait3A_85 = tpu.memref_squeeze %dma_wait3A_84 : memref<1x128xi32, #tpu.memory_space<vmem>> -> memref<128xi32, #tpu.memory_space<vmem>>
      %dma_wait3A_86 = arith.constant 0 : i32
      %dma_wait3A_87 = arith.constant 0 : i32
      %dma_wait3A_88 = tpu.memref_slice %arg2[%dma_wait3A_86, %dma_wait3A_87] : memref<10000x48xf32, #tpu.memory_space<hbm>> -> memref<10000x48xf32, #tpu.memory_space<hbm>>
      tpu.wait_indirect_dma semaphore(%arg11 : memref<!tpu.dma_semaphore, #tpu.memory_space<semaphore_mem>>) src(%dma_wait3A_88 : memref<10000x48xf32, #tpu.memory_space<hbm>>) dst(%dma_wait3A_82 : memref<128x48xf32, #tpu.memory_space<vmem>>)
      %dma_wait3A_89 = arith.constant 78 : i32
      %dma_wait3A_90 = arith.constant 0 : i32
      %dma_wait3A_91 = arith.constant 0 : i32
      %dma_wait3A_92 = arith.constant 0 : i32
      %dma_wait3A_93 = tpu.memref_slice %arg10[%dma_wait3A_90, %dma_wait3A_91, %dma_wait3A_92] : memref<6x128x48xf32, #tpu.memory_space<vmem>> -> memref<1x128x48xf32, #tpu.memory_space<vmem>>
      %dma_wait3A_94 = tpu.memref_squeeze %dma_wait3A_93 : memref<1x128x48xf32, #tpu.memory_space<vmem>> -> memref<128x48xf32, #tpu.memory_space<vmem>>
      %dma_wait3A_95 = arith.constant 0 : i32
      %dma_wait3A_96 = tpu.memref_slice %arg8[%dma_wait3A_89, %dma_wait3A_95] : memref<79x128xi32, #tpu.memory_space<vmem>> -> memref<1x128xi32, #tpu.memory_space<vmem>>
      %dma_wait3A_97 = tpu.memref_squeeze %dma_wait3A_96 : memref<1x128xi32, #tpu.memory_space<vmem>> -> memref<128xi32, #tpu.memory_space<vmem>>
      %dma_wait3A_98 = arith.constant 0 : i32
      %dma_wait3A_99 = arith.constant 0 : i32
      %dma_wait3A_100 = tpu.memref_slice %arg3[%dma_wait3A_98, %dma_wait3A_99] : memref<10000x48xf32, #tpu.memory_space<hbm>> -> memref<10000x48xf32, #tpu.memory_space<hbm>>
      tpu.wait_indirect_dma semaphore(%arg11 : memref<!tpu.dma_semaphore, #tpu.memory_space<semaphore_mem>>) src(%dma_wait3A_100 : memref<10000x48xf32, #tpu.memory_space<hbm>>) dst(%dma_wait3A_94 : memref<128x48xf32, #tpu.memory_space<vmem>>)
      %scan3A_101 = arith.constant 0 : i32
      %scan3A_102 = arith.constant 0 : i32
      %scan3A_103 = arith.constant 128 : i32
      %scan3A_104 = arith.addi %scan3A_102, %scan3A_103 : i32
      %scan3A_105 = arith.constant 1 : i32
      scf.for %scan3A_111 = %scan3A_102 to %scan3A_104 step %scan3A_105  : i32 {
        %get3A = arith.constant 0 : i32
        %get3A_112 = arith.index_cast %get3A : i32 to index
        %get3A_113 = arith.index_cast %scan3A_111 : i32 to index
        %get3A_114 = arith.constant 0 : index
        %get3A_115 = tpu.vector_load %arg9[%get3A_112, %get3A_113, %get3A_114] {strides = array<i32>} : memref<6x128x48xf32, #tpu.memory_space<vmem>>, vector<1x1x16xf32>,
        %get3A_116 = vector.shape_cast %get3A_115 : vector<1x1x16xf32> to vector<16xf32>
        %get3A_117 = arith.constant 0 : i32
        %get3A_118 = arith.index_cast %get3A_117 : i32 to index
        %get3A_119 = arith.index_cast %scan3A_111 : i32 to index
        %get3A_120 = arith.constant 0 : index
        %get3A_121 = tpu.vector_load %arg10[%get3A_118, %get3A_119, %get3A_120] {strides = array<i32>} : memref<6x128x48xf32, #tpu.memory_space<vmem>>, vector<1x1x16xf32>,
        %get3A_122 = vector.shape_cast %get3A_121 : vector<1x1x16xf32> to vector<16xf32>
        %add3A_123 = arith.addf %get3A_116, %get3A_122 : vector<16xf32>
        %swap3A = arith.constant 0 : i32
        %swap3A_124 = arith.index_cast %swap3A : i32 to index
        %swap3A_125 = arith.index_cast %scan3A_111 : i32 to index
        %swap3A_126 = arith.constant 0 : index
        %swap3A_127 = tpu.vector_load %arg9[%swap3A_124, %swap3A_125, %swap3A_126] {strides = array<i32>} : memref<6x128x48xf32, #tpu.memory_space<vmem>>, vector<1x1x16xf32>,
        %swap3A_128 = vector.shape_cast %swap3A_127 : vector<1x1x16xf32> to vector<16xf32>
        %swap3A_129 = vector.shape_cast %add3A_123 : vector<16xf32> to vector<1x1x16xf32>
        tpu.vector_store %arg9[%swap3A_124, %swap3A_125, %swap3A_126], %swap3A_129 {strides = array<i32>} : memref<6x128x48xf32, #tpu.memory_space<vmem>>, vector<1x1x16xf32>,
        %get3A_130 = arith.constant 0 : i32
        %get3A_131 = arith.index_cast %get3A_130 : i32 to index
        %get3A_132 = arith.index_cast %scan3A_111 : i32 to index
        %get3A_133 = arith.constant 16 : index
        %get3A_134 = tpu.vector_load %arg9[%get3A_131, %get3A_132, %get3A_133] {strides = array<i32>} : memref<6x128x48xf32, #tpu.memory_space<vmem>>, vector<1x1x16xf32>,
        %get3A_135 = vector.shape_cast %get3A_134 : vector<1x1x16xf32> to vector<16xf32>
        %get3A_136 = arith.constant 0 : i32
        %get3A_137 = arith.index_cast %get3A_136 : i32 to index
        %get3A_138 = arith.index_cast %scan3A_111 : i32 to index
        %get3A_139 = arith.constant 16 : index
        %get3A_140 = tpu.vector_load %arg10[%get3A_137, %get3A_138, %get3A_139] {strides = array<i32>} : memref<6x128x48xf32, #tpu.memory_space<vmem>>, vector<1x1x16xf32>,
        %get3A_141 = vector.shape_cast %get3A_140 : vector<1x1x16xf32> to vector<16xf32>
        %add3A_142 = arith.addf %get3A_135, %get3A_141 : vector<16xf32>
        %swap3A_143 = arith.constant 0 : i32
        %swap3A_144 = arith.index_cast %swap3A_143 : i32 to index
        %swap3A_145 = arith.index_cast %scan3A_111 : i32 to index
        %swap3A_146 = arith.constant 16 : index
        %swap3A_147 = tpu.vector_load %arg9[%swap3A_144, %swap3A_145, %swap3A_146] {strides = array<i32>} : memref<6x128x48xf32, #tpu.memory_space<vmem>>, vector<1x1x16xf32>,
        %swap3A_148 = vector.shape_cast %swap3A_147 : vector<1x1x16xf32> to vector<16xf32>
        %swap3A_149 = vector.shape_cast %add3A_142 : vector<16xf32> to vector<1x1x16xf32>
        tpu.vector_store %arg9[%swap3A_144, %swap3A_145, %swap3A_146], %swap3A_149 {strides = array<i32>} : memref<6x128x48xf32, #tpu.memory_space<vmem>>, vector<1x1x16xf32>,
        %get3A_150 = arith.constant 0 : i32
        %get3A_151 = arith.index_cast %get3A_150 : i32 to index
        %get3A_152 = arith.index_cast %scan3A_111 : i32 to index
        %get3A_153 = arith.constant 32 : index
        %get3A_154 = tpu.vector_load %arg9[%get3A_151, %get3A_152, %get3A_153] {strides = array<i32>} : memref<6x128x48xf32, #tpu.memory_space<vmem>>, vector<1x1x16xf32>,
        %get3A_155 = vector.shape_cast %get3A_154 : vector<1x1x16xf32> to vector<16xf32>
        %get3A_156 = arith.constant 0 : i32
        %get3A_157 = arith.index_cast %get3A_156 : i32 to index
        %get3A_158 = arith.index_cast %scan3A_111 : i32 to index
        %get3A_159 = arith.constant 32 : index
        %get3A_160 = tpu.vector_load %arg10[%get3A_157, %get3A_158, %get3A_159] {strides = array<i32>} : memref<6x128x48xf32, #tpu.memory_space<vmem>>, vector<1x1x16xf32>,
        %get3A_161 = vector.shape_cast %get3A_160 : vector<1x1x16xf32> to vector<16xf32>
        %add3A_162 = arith.addf %get3A_155, %get3A_161 : vector<16xf32>
        %swap3A_163 = arith.constant 0 : i32
        %swap3A_164 = arith.index_cast %swap3A_163 : i32 to index
        %swap3A_165 = arith.index_cast %scan3A_111 : i32 to index
        %swap3A_166 = arith.constant 32 : index
        %swap3A_167 = tpu.vector_load %arg9[%swap3A_164, %swap3A_165, %swap3A_166] {strides = array<i32>} : memref<6x128x48xf32, #tpu.memory_space<vmem>>, vector<1x1x16xf32>,
        %swap3A_168 = vector.shape_cast %swap3A_167 : vector<1x1x16xf32> to vector<16xf32>
        %swap3A_169 = vector.shape_cast %add3A_162 : vector<16xf32> to vector<1x1x16xf32>
        tpu.vector_store %arg9[%swap3A_164, %swap3A_165, %swap3A_166], %swap3A_169 {strides = array<i32>} : memref<6x128x48xf32, #tpu.memory_space<vmem>>, vector<1x1x16xf32>,
      }
      %scan3A_106 = arith.constant 128 : i32
      %add3A_107 = arith.constant 78 : i32
      %add3A_108 = arith.addi %select_n3A, %add3A_107 : i32
      %mul3A_109 = arith.constant 128 : i32
      %mul3A_110 = arith.muli %add3A_108, %mul3A_109 : i32
      %run_scoped3A = arith.constant 0 : i32
      "tpu.region"() ({
        %run_scoped3A_111 = tpu.sem_alloc : memref<!tpu.dma_semaphore, #tpu.memory_space<semaphore_mem>>
        %dma_start3A_112 = arith.constant 0 : i32
        %dma_start3A_113 = arith.constant 0 : i32
        %dma_start3A_114 = tpu.memref_slice %arg9[%run_scoped3A, %dma_start3A_112, %dma_start3A_113] : memref<6x128x48xf32, #tpu.memory_space<vmem>> -> memref<1x128x48xf32, #tpu.memory_space<vmem>>
        %dma_start3A_115 = tpu.memref_squeeze %dma_start3A_114 : memref<1x128x48xf32, #tpu.memory_space<vmem>> -> memref<128x48xf32, #tpu.memory_space<vmem>>
        %dma_start3A_116 = arith.constant 0 : i32
        %dma_start3A_117 = tpu.memref_slice %arg6[%mul3A_110, %dma_start3A_116] : memref<320000x48xf32, #tpu.memory_space<hbm>> -> memref<128x48xf32, #tpu.memory_space<hbm>>
        %dma_start3A_118 = arith.constant 0 : i32
        %dma_start3A_119 = tpu.memref_slice %arg6[%mul3A_110, %dma_start3A_118] : memref<320000x48xf32, #tpu.memory_space<hbm>> -> memref<128x48xf32, #tpu.memory_space<hbm>>
        %dma_start3A_120 = arith.constant 0 : i32
        %dma_start3A_121 = arith.constant 0 : i32
        %dma_start3A_122 = tpu.memref_slice %arg9[%run_scoped3A, %dma_start3A_120, %dma_start3A_121] : memref<6x128x48xf32, #tpu.memory_space<vmem>> -> memref<1x128x48xf32, #tpu.memory_space<vmem>>
        %dma_start3A_123 = tpu.memref_squeeze %dma_start3A_122 : memref<1x128x48xf32, #tpu.memory_space<vmem>> -> memref<128x48xf32, #tpu.memory_space<vmem>>
        tpu.enqueue_dma source(%dma_start3A_123 : memref<128x48xf32, #tpu.memory_space<vmem>>) target(%dma_start3A_119 : memref<128x48xf32, #tpu.memory_space<hbm>>) target_semaphore(%run_scoped3A_111 : memref<!tpu.dma_semaphore, #tpu.memory_space<semaphore_mem>>)
        %dma_wait3A_124 = arith.constant 0 : i32
        %dma_wait3A_125 = arith.constant 0 : i32
        %dma_wait3A_126 = tpu.memref_slice %arg9[%run_scoped3A, %dma_wait3A_124, %dma_wait3A_125] : memref<6x128x48xf32, #tpu.memory_space<vmem>> -> memref<1x128x48xf32, #tpu.memory_space<vmem>>
        %dma_wait3A_127 = tpu.memref_squeeze %dma_wait3A_126 : memref<1x128x48xf32, #tpu.memory_space<vmem>> -> memref<128x48xf32, #tpu.memory_space<vmem>>
        %dma_wait3A_128 = arith.constant 0 : i32
        %dma_wait3A_129 = tpu.memref_slice %arg6[%mul3A_110, %dma_wait3A_128] : memref<320000x48xf32, #tpu.memory_space<hbm>> -> memref<128x48xf32, #tpu.memory_space<hbm>>
        %dma_wait3A_130 = arith.constant 0 : i32
        %dma_wait3A_131 = tpu.memref_slice %arg6[%mul3A_110, %dma_wait3A_130] : memref<320000x48xf32, #tpu.memory_space<hbm>> -> memref<128x48xf32, #tpu.memory_space<hbm>>
        %dma_wait3A_132 = arith.constant 0 : i32
        %dma_wait3A_133 = arith.constant 0 : i32
        %dma_wait3A_134 = tpu.memref_slice %arg9[%run_scoped3A, %dma_wait3A_132, %dma_wait3A_133] : memref<6x128x48xf32, #tpu.memory_space<vmem>> -> memref<1x128x48xf32, #tpu.memory_space<vmem>>
        %dma_wait3A_135 = tpu.memref_squeeze %dma_wait3A_134 : memref<1x128x48xf32, #tpu.memory_space<vmem>> -> memref<128x48xf32, #tpu.memory_space<vmem>>
        tpu.wait_dma2 semaphore(%run_scoped3A_111 : memref<!tpu.dma_semaphore, #tpu.memory_space<semaphore_mem>>) src(%dma_wait3A_135 : memref<128x48xf32, #tpu.memory_space<vmem>>) dst(%dma_wait3A_131 : memref<128x48xf32, #tpu.memory_space<hbm>>)
        tpu.yield
      }) : () -> ()
    } else {
    }
    return
  }
}

#map = affine_map<(d0, d1) -> (0, 0)>
#map1 = affine_map<(d0, d1) -> (0, 0, 0)>
module attributes {stable_mosaic.version = 14 : i64} {
  func.func @_sc_scatter_body(%arg0: i32, %arg1: i32, %arg2: memref<320000x16xf32, #tpu.memory_space<hbm>>, %arg3: memref<2500x128xi32, #tpu.memory_space<hbm>>, %arg4: memref<2x10000x16xf32, #tpu.memory_space<hbm>>, %arg5: memref<10000x16xf32, #tpu.memory_space<vmem_shared>>, %arg6: memref<79x128xi32, #tpu.memory_space<vmem>>, %arg7: memref<6x128x16xf32, #tpu.memory_space<vmem>>, %arg8: memref<625x16xf32, #tpu.memory_space<vmem>>, %arg9: memref<!tpu.dma_semaphore, #tpu.memory_space<semaphore_mem>>, %arg10: memref<!tpu.dma_semaphore, #tpu.memory_space<semaphore_mem>>) attributes {dimension_semantics = [#tpu.dimension_semantics<core_parallel>, #tpu.dimension_semantics<subcore_parallel>], iteration_bounds = array<i64: 2, 16>, scalar_prefetch = 0 : i64, scratch_operands = 6 : i64, tpu.core_type = #tpu.core_type<sc_vector_subcore>, window_params = [{transform_indices = #map}, {transform_indices = #map}, {transform_indices = #map1}]} {
    %mul3A = arith.constant 16 : i32
    %mul3A_0 = arith.muli %arg0, %mul3A : i32
    %add3A = arith.addi %mul3A_0, %arg1 : i32
    %mul3A_1 = arith.constant 2500 : i32
    %mul3A_2 = arith.muli %add3A, %mul3A_1 : i32
    %jit3A = arith.constant 32 : i32
    %div3A = arith.divsi %mul3A_2, %jit3A : i32
    %sign3A = arith.constant 0 : i32
    %sign3A_3 = arith.cmpi sgt, %mul3A_2, %sign3A : i32
    %sign3A_4 = arith.extui %sign3A_3 : i1 to i32
    %sign3A_5 = arith.constant 0 : i32
    %sign3A_6 = arith.cmpi slt, %mul3A_2, %sign3A_5 : i32
    %sign3A_7 = arith.extui %sign3A_6 : i1 to i32
    %sign3A_8 = arith.subi %sign3A_4, %sign3A_7 : i32
    %sign3A_9 = arith.constant 0 : i32
    %sign3A_10 = arith.cmpi sgt, %jit3A, %sign3A_9 : i32
    %sign3A_11 = arith.extui %sign3A_10 : i1 to i32
    %sign3A_12 = arith.constant 0 : i32
    %sign3A_13 = arith.cmpi slt, %jit3A, %sign3A_12 : i32
    %sign3A_14 = arith.extui %sign3A_13 : i1 to i32
    %sign3A_15 = arith.subi %sign3A_11, %sign3A_14 : i32
    %ne3A = arith.cmpi ne, %sign3A_8, %sign3A_15 : i32
    %rem3A = arith.remsi %mul3A_2, %jit3A : i32
    %ne3A_16 = arith.constant 0 : i32
    %ne3A_17 = arith.cmpi ne, %rem3A, %ne3A_16 : i32
    %and3A = arith.andi %ne3A, %ne3A_17 : i1
    %sub3A = arith.constant 1 : i32
    %sub3A_18 = arith.subi %div3A, %sub3A : i32
    %select_n3A = arith.select %and3A, %sub3A_18, %div3A : i32
    %add3A_19 = arith.constant 1 : i32
    %add3A_20 = arith.addi %add3A, %add3A_19 : i32
    %mul3A_21 = arith.constant 2500 : i32
    %mul3A_22 = arith.muli %add3A_20, %mul3A_21 : i32
    %jit3A_23 = arith.constant 32 : i32
    %div3A_24 = arith.divsi %mul3A_22, %jit3A_23 : i32
    %sign3A_25 = arith.constant 0 : i32
    %sign3A_26 = arith.cmpi sgt, %mul3A_22, %sign3A_25 : i32
    %sign3A_27 = arith.extui %sign3A_26 : i1 to i32
    %sign3A_28 = arith.constant 0 : i32
    %sign3A_29 = arith.cmpi slt, %mul3A_22, %sign3A_28 : i32
    %sign3A_30 = arith.extui %sign3A_29 : i1 to i32
    %sign3A_31 = arith.subi %sign3A_27, %sign3A_30 : i32
    %sign3A_32 = arith.constant 0 : i32
    %sign3A_33 = arith.cmpi sgt, %jit3A_23, %sign3A_32 : i32
    %sign3A_34 = arith.extui %sign3A_33 : i1 to i32
    %sign3A_35 = arith.constant 0 : i32
    %sign3A_36 = arith.cmpi slt, %jit3A_23, %sign3A_35 : i32
    %sign3A_37 = arith.extui %sign3A_36 : i1 to i32
    %sign3A_38 = arith.subi %sign3A_34, %sign3A_37 : i32
    %ne3A_39 = arith.cmpi ne, %sign3A_31, %sign3A_38 : i32
    %rem3A_40 = arith.remsi %mul3A_22, %jit3A_23 : i32
    %ne3A_41 = arith.constant 0 : i32
    %ne3A_42 = arith.cmpi ne, %rem3A_40, %ne3A_41 : i32
    %and3A_43 = arith.andi %ne3A_39, %ne3A_42 : i1
    %sub3A_44 = arith.constant 1 : i32
    %sub3A_45 = arith.subi %div3A_24, %sub3A_44 : i32
    %select_n3A_46 = arith.select %and3A_43, %sub3A_45, %div3A_24 : i32
    %sub3A_47 = arith.subi %select_n3A_46, %select_n3A : i32
    %scan3A = arith.constant 0 : i32
    %scan3A_48 = arith.constant 0 : i32
    %scan3A_49 = arith.constant 625 : i32
    %scan3A_50 = arith.addi %scan3A_48, %scan3A_49 : i32
    %scan3A_51 = arith.constant 1 : i32
    scf.for %scan3A_64 = %scan3A_48 to %scan3A_50 step %scan3A_51  : i32 {
      %broadcast_in_dim3A = arith.constant 0.000000e+00 : f32
      %broadcast_in_dim3A_65 = vector.broadcast %broadcast_in_dim3A : f32 to vector<16xf32>
      %swap3A = arith.index_cast %scan3A_64 : i32 to index
      %swap3A_66 = arith.constant 0 : index
      %swap3A_67 = tpu.vector_load %arg8[%swap3A, %swap3A_66] {strides = array<i32>} : memref<625x16xf32, #tpu.memory_space<vmem>>, vector<1x16xf32>,
      %swap3A_68 = vector.shape_cast %swap3A_67 : vector<1x16xf32> to vector<16xf32>
      %swap3A_69 = vector.shape_cast %broadcast_in_dim3A_65 : vector<16xf32> to vector<1x16xf32>
      tpu.vector_store %arg8[%swap3A, %swap3A_66], %swap3A_69 {strides = array<i32>} : memref<625x16xf32, #tpu.memory_space<vmem>>, vector<1x16xf32>,
    }
    %scan3A_52 = arith.constant 625 : i32
    %mul3A_53 = arith.constant 625 : i32
    %mul3A_54 = arith.muli %arg1, %mul3A_53 : i32
    "tpu.region"() ({
      %run_scoped3A = tpu.sem_alloc : memref<!tpu.dma_semaphore, #tpu.memory_space<semaphore_mem>>
      %dma_start3A = arith.constant 0 : i32
      %dma_start3A_64 = tpu.memref_slice %arg5[%mul3A_54, %dma_start3A] : memref<10000x16xf32, #tpu.memory_space<vmem_shared>> -> memref<625x16xf32, #tpu.memory_space<vmem_shared>>
      %dma_start3A_65 = arith.constant 0 : i32
      %dma_start3A_66 = tpu.memref_slice %arg5[%mul3A_54, %dma_start3A_65] : memref<10000x16xf32, #tpu.memory_space<vmem_shared>> -> memref<625x16xf32, #tpu.memory_space<vmem_shared>>
      tpu.enqueue_dma source(%arg8 : memref<625x16xf32, #tpu.memory_space<vmem>>) target(%dma_start3A_66 : memref<625x16xf32, #tpu.memory_space<vmem_shared>>) target_semaphore(%run_scoped3A : memref<!tpu.dma_semaphore, #tpu.memory_space<semaphore_mem>>)
      %dma_wait3A = arith.constant 0 : i32
      %dma_wait3A_67 = tpu.memref_slice %arg5[%mul3A_54, %dma_wait3A] : memref<10000x16xf32, #tpu.memory_space<vmem_shared>> -> memref<625x16xf32, #tpu.memory_space<vmem_shared>>
      %dma_wait3A_68 = arith.constant 0 : i32
      %dma_wait3A_69 = tpu.memref_slice %arg5[%mul3A_54, %dma_wait3A_68] : memref<10000x16xf32, #tpu.memory_space<vmem_shared>> -> memref<625x16xf32, #tpu.memory_space<vmem_shared>>
      tpu.wait_dma2 semaphore(%run_scoped3A : memref<!tpu.dma_semaphore, #tpu.memory_space<semaphore_mem>>) src(%arg8 : memref<625x16xf32, #tpu.memory_space<vmem>>) dst(%dma_wait3A_69 : memref<625x16xf32, #tpu.memory_space<vmem_shared>>)
      tpu.yield
    }) : () -> ()
    "tpu.region"() ({
      %run_scoped3A = tpu.sem_alloc : memref<!tpu.dma_semaphore, #tpu.memory_space<semaphore_mem>>
      %dma_start3A = arith.constant 0 : i32
      %dma_start3A_64 = tpu.memref_slice %arg3[%select_n3A, %dma_start3A] : memref<2500x128xi32, #tpu.memory_space<hbm>> -> memref<79x128xi32, #tpu.memory_space<hbm>>
      %dma_start3A_65 = arith.constant 0 : i32
      %dma_start3A_66 = tpu.memref_slice %arg3[%select_n3A, %dma_start3A_65] : memref<2500x128xi32, #tpu.memory_space<hbm>> -> memref<79x128xi32, #tpu.memory_space<hbm>>
      tpu.enqueue_dma source(%dma_start3A_66 : memref<79x128xi32, #tpu.memory_space<hbm>>) target(%arg6 : memref<79x128xi32, #tpu.memory_space<vmem>>) target_semaphore(%run_scoped3A : memref<!tpu.dma_semaphore, #tpu.memory_space<semaphore_mem>>)
      %dma_wait3A = arith.constant 0 : i32
      %dma_wait3A_67 = tpu.memref_slice %arg3[%select_n3A, %dma_wait3A] : memref<2500x128xi32, #tpu.memory_space<hbm>> -> memref<79x128xi32, #tpu.memory_space<hbm>>
      %dma_wait3A_68 = arith.constant 0 : i32
      %dma_wait3A_69 = tpu.memref_slice %arg3[%select_n3A, %dma_wait3A_68] : memref<2500x128xi32, #tpu.memory_space<hbm>> -> memref<79x128xi32, #tpu.memory_space<hbm>>
      tpu.wait_dma2 semaphore(%run_scoped3A : memref<!tpu.dma_semaphore, #tpu.memory_space<semaphore_mem>>) src(%dma_wait3A_69 : memref<79x128xi32, #tpu.memory_space<hbm>>) dst(%arg6 : memref<79x128xi32, #tpu.memory_space<vmem>>)
      tpu.yield
    }) : () -> ()
    %barrier3A = arith.constant 0 : index
    tpu.barrier barrier_id(%barrier3A)
    %scan3A_55 = arith.constant 0 : i32
    %scan3A_56 = arith.constant 0 : i32
    %scan3A_57 = arith.constant 13 : i32
    %scan3A_58 = arith.addi %scan3A_56, %scan3A_57 : i32
    %scan3A_59 = arith.constant 1 : i32
    scf.for %scan3A_64 = %scan3A_56 to %scan3A_58 step %scan3A_59  : i32 {
      %mul3A_65 = arith.constant 6 : i32
      %mul3A_66 = arith.muli %scan3A_64, %mul3A_65 : i32
      %add3A_67 = arith.addi %select_n3A, %mul3A_66 : i32
      %add3A_68 = arith.constant 0 : i32
      %add3A_69 = arith.addi %add3A_67, %add3A_68 : i32
      %mul3A_70 = arith.constant 128 : i32
      %mul3A_71 = arith.muli %add3A_69, %mul3A_70 : i32
      %dma_start3A = arith.constant 0 : i32
      %dma_start3A_72 = arith.constant 0 : i32
      %dma_start3A_73 = arith.constant 0 : i32
      %dma_start3A_74 = tpu.memref_slice %arg7[%dma_start3A, %dma_start3A_72, %dma_start3A_73] : memref<6x128x16xf32, #tpu.memory_space<vmem>> -> memref<1x128x16xf32, #tpu.memory_space<vmem>>
      %dma_start3A_75 = tpu.memref_squeeze %dma_start3A_74 : memref<1x128x16xf32, #tpu.memory_space<vmem>> -> memref<128x16xf32, #tpu.memory_space<vmem>>
      %dma_start3A_76 = arith.constant 0 : i32
      %dma_start3A_77 = tpu.memref_slice %arg2[%mul3A_71, %dma_start3A_76] : memref<320000x16xf32, #tpu.memory_space<hbm>> -> memref<128x16xf32, #tpu.memory_space<hbm>>
      %dma_start3A_78 = arith.constant 0 : i32
      %dma_start3A_79 = arith.constant 0 : i32
      %dma_start3A_80 = tpu.memref_slice %arg7[%dma_start3A, %dma_start3A_78, %dma_start3A_79] : memref<6x128x16xf32, #tpu.memory_space<vmem>> -> memref<1x128x16xf32, #tpu.memory_space<vmem>>
      %dma_start3A_81 = tpu.memref_squeeze %dma_start3A_80 : memref<1x128x16xf32, #tpu.memory_space<vmem>> -> memref<128x16xf32, #tpu.memory_space<vmem>>
      %dma_start3A_82 = arith.constant 0 : i32
      %dma_start3A_83 = tpu.memref_slice %arg2[%mul3A_71, %dma_start3A_82] : memref<320000x16xf32, #tpu.memory_space<hbm>> -> memref<128x16xf32, #tpu.memory_space<hbm>>
      tpu.enqueue_dma source(%dma_start3A_83 : memref<128x16xf32, #tpu.memory_space<hbm>>) target(%dma_start3A_81 : memref<128x16xf32, #tpu.memory_space<vmem>>) target_semaphore(%arg9 : memref<!tpu.dma_semaphore, #tpu.memory_space<semaphore_mem>>)
      %add3A_84 = arith.addi %select_n3A, %mul3A_66 : i32
      %add3A_85 = arith.constant 1 : i32
      %add3A_86 = arith.addi %add3A_84, %add3A_85 : i32
      %mul3A_87 = arith.constant 128 : i32
      %mul3A_88 = arith.muli %add3A_86, %mul3A_87 : i32
      %dma_start3A_89 = arith.constant 1 : i32
      %dma_start3A_90 = arith.constant 0 : i32
      %dma_start3A_91 = arith.constant 0 : i32
      %dma_start3A_92 = tpu.memref_slice %arg7[%dma_start3A_89, %dma_start3A_90, %dma_start3A_91] : memref<6x128x16xf32, #tpu.memory_space<vmem>> -> memref<1x128x16xf32, #tpu.memory_space<vmem>>
      %dma_start3A_93 = tpu.memref_squeeze %dma_start3A_92 : memref<1x128x16xf32, #tpu.memory_space<vmem>> -> memref<128x16xf32, #tpu.memory_space<vmem>>
      %dma_start3A_94 = arith.constant 0 : i32
      %dma_start3A_95 = tpu.memref_slice %arg2[%mul3A_88, %dma_start3A_94] : memref<320000x16xf32, #tpu.memory_space<hbm>> -> memref<128x16xf32, #tpu.memory_space<hbm>>
      %dma_start3A_96 = arith.constant 0 : i32
      %dma_start3A_97 = arith.constant 0 : i32
      %dma_start3A_98 = tpu.memref_slice %arg7[%dma_start3A_89, %dma_start3A_96, %dma_start3A_97] : memref<6x128x16xf32, #tpu.memory_space<vmem>> -> memref<1x128x16xf32, #tpu.memory_space<vmem>>
      %dma_start3A_99 = tpu.memref_squeeze %dma_start3A_98 : memref<1x128x16xf32, #tpu.memory_space<vmem>> -> memref<128x16xf32, #tpu.memory_space<vmem>>
      %dma_start3A_100 = arith.constant 0 : i32
      %dma_start3A_101 = tpu.memref_slice %arg2[%mul3A_88, %dma_start3A_100] : memref<320000x16xf32, #tpu.memory_space<hbm>> -> memref<128x16xf32, #tpu.memory_space<hbm>>
      tpu.enqueue_dma source(%dma_start3A_101 : memref<128x16xf32, #tpu.memory_space<hbm>>) target(%dma_start3A_99 : memref<128x16xf32, #tpu.memory_space<vmem>>) target_semaphore(%arg9 : memref<!tpu.dma_semaphore, #tpu.memory_space<semaphore_mem>>)
      %add3A_102 = arith.addi %select_n3A, %mul3A_66 : i32
      %add3A_103 = arith.constant 2 : i32
      %add3A_104 = arith.addi %add3A_102, %add3A_103 : i32
      %mul3A_105 = arith.constant 128 : i32
      %mul3A_106 = arith.muli %add3A_104, %mul3A_105 : i32
      %dma_start3A_107 = arith.constant 2 : i32
      %dma_start3A_108 = arith.constant 0 : i32
      %dma_start3A_109 = arith.constant 0 : i32
      %dma_start3A_110 = tpu.memref_slice %arg7[%dma_start3A_107, %dma_start3A_108, %dma_start3A_109] : memref<6x128x16xf32, #tpu.memory_space<vmem>> -> memref<1x128x16xf32, #tpu.memory_space<vmem>>
      %dma_start3A_111 = tpu.memref_squeeze %dma_start3A_110 : memref<1x128x16xf32, #tpu.memory_space<vmem>> -> memref<128x16xf32, #tpu.memory_space<vmem>>
      %dma_start3A_112 = arith.constant 0 : i32
      %dma_start3A_113 = tpu.memref_slice %arg2[%mul3A_106, %dma_start3A_112] : memref<320000x16xf32, #tpu.memory_space<hbm>> -> memref<128x16xf32, #tpu.memory_space<hbm>>
      %dma_start3A_114 = arith.constant 0 : i32
      %dma_start3A_115 = arith.constant 0 : i32
      %dma_start3A_116 = tpu.memref_slice %arg7[%dma_start3A_107, %dma_start3A_114, %dma_start3A_115] : memref<6x128x16xf32, #tpu.memory_space<vmem>> -> memref<1x128x16xf32, #tpu.memory_space<vmem>>
      %dma_start3A_117 = tpu.memref_squeeze %dma_start3A_116 : memref<1x128x16xf32, #tpu.memory_space<vmem>> -> memref<128x16xf32, #tpu.memory_space<vmem>>
      %dma_start3A_118 = arith.constant 0 : i32
      %dma_start3A_119 = tpu.memref_slice %arg2[%mul3A_106, %dma_start3A_118] : memref<320000x16xf32, #tpu.memory_space<hbm>> -> memref<128x16xf32, #tpu.memory_space<hbm>>
      tpu.enqueue_dma source(%dma_start3A_119 : memref<128x16xf32, #tpu.memory_space<hbm>>) target(%dma_start3A_117 : memref<128x16xf32, #tpu.memory_space<vmem>>) target_semaphore(%arg9 : memref<!tpu.dma_semaphore, #tpu.memory_space<semaphore_mem>>)
      %add3A_120 = arith.addi %select_n3A, %mul3A_66 : i32
      %add3A_121 = arith.constant 3 : i32
      %add3A_122 = arith.addi %add3A_120, %add3A_121 : i32
      %mul3A_123 = arith.constant 128 : i32
      %mul3A_124 = arith.muli %add3A_122, %mul3A_123 : i32
      %dma_start3A_125 = arith.constant 3 : i32
      %dma_start3A_126 = arith.constant 0 : i32
      %dma_start3A_127 = arith.constant 0 : i32
      %dma_start3A_128 = tpu.memref_slice %arg7[%dma_start3A_125, %dma_start3A_126, %dma_start3A_127] : memref<6x128x16xf32, #tpu.memory_space<vmem>> -> memref<1x128x16xf32, #tpu.memory_space<vmem>>
      %dma_start3A_129 = tpu.memref_squeeze %dma_start3A_128 : memref<1x128x16xf32, #tpu.memory_space<vmem>> -> memref<128x16xf32, #tpu.memory_space<vmem>>
      %dma_start3A_130 = arith.constant 0 : i32
      %dma_start3A_131 = tpu.memref_slice %arg2[%mul3A_124, %dma_start3A_130] : memref<320000x16xf32, #tpu.memory_space<hbm>> -> memref<128x16xf32, #tpu.memory_space<hbm>>
      %dma_start3A_132 = arith.constant 0 : i32
      %dma_start3A_133 = arith.constant 0 : i32
      %dma_start3A_134 = tpu.memref_slice %arg7[%dma_start3A_125, %dma_start3A_132, %dma_start3A_133] : memref<6x128x16xf32, #tpu.memory_space<vmem>> -> memref<1x128x16xf32, #tpu.memory_space<vmem>>
      %dma_start3A_135 = tpu.memref_squeeze %dma_start3A_134 : memref<1x128x16xf32, #tpu.memory_space<vmem>> -> memref<128x16xf32, #tpu.memory_space<vmem>>
      %dma_start3A_136 = arith.constant 0 : i32
      %dma_start3A_137 = tpu.memref_slice %arg2[%mul3A_124, %dma_start3A_136] : memref<320000x16xf32, #tpu.memory_space<hbm>> -> memref<128x16xf32, #tpu.memory_space<hbm>>
      tpu.enqueue_dma source(%dma_start3A_137 : memref<128x16xf32, #tpu.memory_space<hbm>>) target(%dma_start3A_135 : memref<128x16xf32, #tpu.memory_space<vmem>>) target_semaphore(%arg9 : memref<!tpu.dma_semaphore, #tpu.memory_space<semaphore_mem>>)
      %add3A_138 = arith.addi %select_n3A, %mul3A_66 : i32
      %add3A_139 = arith.constant 4 : i32
      %add3A_140 = arith.addi %add3A_138, %add3A_139 : i32
      %mul3A_141 = arith.constant 128 : i32
      %mul3A_142 = arith.muli %add3A_140, %mul3A_141 : i32
      %dma_start3A_143 = arith.constant 4 : i32
      %dma_start3A_144 = arith.constant 0 : i32
      %dma_start3A_145 = arith.constant 0 : i32
      %dma_start3A_146 = tpu.memref_slice %arg7[%dma_start3A_143, %dma_start3A_144, %dma_start3A_145] : memref<6x128x16xf32, #tpu.memory_space<vmem>> -> memref<1x128x16xf32, #tpu.memory_space<vmem>>
      %dma_start3A_147 = tpu.memref_squeeze %dma_start3A_146 : memref<1x128x16xf32, #tpu.memory_space<vmem>> -> memref<128x16xf32, #tpu.memory_space<vmem>>
      %dma_start3A_148 = arith.constant 0 : i32
      %dma_start3A_149 = tpu.memref_slice %arg2[%mul3A_142, %dma_start3A_148] : memref<320000x16xf32, #tpu.memory_space<hbm>> -> memref<128x16xf32, #tpu.memory_space<hbm>>
      %dma_start3A_150 = arith.constant 0 : i32
      %dma_start3A_151 = arith.constant 0 : i32
      %dma_start3A_152 = tpu.memref_slice %arg7[%dma_start3A_143, %dma_start3A_150, %dma_start3A_151] : memref<6x128x16xf32, #tpu.memory_space<vmem>> -> memref<1x128x16xf32, #tpu.memory_space<vmem>>
      %dma_start3A_153 = tpu.memref_squeeze %dma_start3A_152 : memref<1x128x16xf32, #tpu.memory_space<vmem>> -> memref<128x16xf32, #tpu.memory_space<vmem>>
      %dma_start3A_154 = arith.constant 0 : i32
      %dma_start3A_155 = tpu.memref_slice %arg2[%mul3A_142, %dma_start3A_154] : memref<320000x16xf32, #tpu.memory_space<hbm>> -> memref<128x16xf32, #tpu.memory_space<hbm>>
      tpu.enqueue_dma source(%dma_start3A_155 : memref<128x16xf32, #tpu.memory_space<hbm>>) target(%dma_start3A_153 : memref<128x16xf32, #tpu.memory_space<vmem>>) target_semaphore(%arg9 : memref<!tpu.dma_semaphore, #tpu.memory_space<semaphore_mem>>)
      %add3A_156 = arith.addi %select_n3A, %mul3A_66 : i32
      %add3A_157 = arith.constant 5 : i32
      %add3A_158 = arith.addi %add3A_156, %add3A_157 : i32
      %mul3A_159 = arith.constant 128 : i32
      %mul3A_160 = arith.muli %add3A_158, %mul3A_159 : i32
      %dma_start3A_161 = arith.constant 5 : i32
      %dma_start3A_162 = arith.constant 0 : i32
      %dma_start3A_163 = arith.constant 0 : i32
      %dma_start3A_164 = tpu.memref_slice %arg7[%dma_start3A_161, %dma_start3A_162, %dma_start3A_163] : memref<6x128x16xf32, #tpu.memory_space<vmem>> -> memref<1x128x16xf32, #tpu.memory_space<vmem>>
      %dma_start3A_165 = tpu.memref_squeeze %dma_start3A_164 : memref<1x128x16xf32, #tpu.memory_space<vmem>> -> memref<128x16xf32, #tpu.memory_space<vmem>>
      %dma_start3A_166 = arith.constant 0 : i32
      %dma_start3A_167 = tpu.memref_slice %arg2[%mul3A_160, %dma_start3A_166] : memref<320000x16xf32, #tpu.memory_space<hbm>> -> memref<128x16xf32, #tpu.memory_space<hbm>>
      %dma_start3A_168 = arith.constant 0 : i32
      %dma_start3A_169 = arith.constant 0 : i32
      %dma_start3A_170 = tpu.memref_slice %arg7[%dma_start3A_161, %dma_start3A_168, %dma_start3A_169] : memref<6x128x16xf32, #tpu.memory_space<vmem>> -> memref<1x128x16xf32, #tpu.memory_space<vmem>>
      %dma_start3A_171 = tpu.memref_squeeze %dma_start3A_170 : memref<1x128x16xf32, #tpu.memory_space<vmem>> -> memref<128x16xf32, #tpu.memory_space<vmem>>
      %dma_start3A_172 = arith.constant 0 : i32
      %dma_start3A_173 = tpu.memref_slice %arg2[%mul3A_160, %dma_start3A_172] : memref<320000x16xf32, #tpu.memory_space<hbm>> -> memref<128x16xf32, #tpu.memory_space<hbm>>
      tpu.enqueue_dma source(%dma_start3A_173 : memref<128x16xf32, #tpu.memory_space<hbm>>) target(%dma_start3A_171 : memref<128x16xf32, #tpu.memory_space<vmem>>) target_semaphore(%arg9 : memref<!tpu.dma_semaphore, #tpu.memory_space<semaphore_mem>>)
      %dma_wait3A = arith.constant 0 : i32
      %dma_wait3A_174 = arith.constant 0 : i32
      %dma_wait3A_175 = arith.constant 0 : i32
      %dma_wait3A_176 = tpu.memref_slice %arg7[%dma_wait3A, %dma_wait3A_174, %dma_wait3A_175] : memref<6x128x16xf32, #tpu.memory_space<vmem>> -> memref<1x128x16xf32, #tpu.memory_space<vmem>>
      %dma_wait3A_177 = tpu.memref_squeeze %dma_wait3A_176 : memref<1x128x16xf32, #tpu.memory_space<vmem>> -> memref<128x16xf32, #tpu.memory_space<vmem>>
      %dma_wait3A_178 = arith.constant 0 : i32
      %dma_wait3A_179 = tpu.memref_slice %arg2[%mul3A_71, %dma_wait3A_178] : memref<320000x16xf32, #tpu.memory_space<hbm>> -> memref<128x16xf32, #tpu.memory_space<hbm>>
      %dma_wait3A_180 = arith.constant 0 : i32
      %dma_wait3A_181 = arith.constant 0 : i32
      %dma_wait3A_182 = tpu.memref_slice %arg7[%dma_wait3A, %dma_wait3A_180, %dma_wait3A_181] : memref<6x128x16xf32, #tpu.memory_space<vmem>> -> memref<1x128x16xf32, #tpu.memory_space<vmem>>
      %dma_wait3A_183 = tpu.memref_squeeze %dma_wait3A_182 : memref<1x128x16xf32, #tpu.memory_space<vmem>> -> memref<128x16xf32, #tpu.memory_space<vmem>>
      %dma_wait3A_184 = arith.constant 0 : i32
      %dma_wait3A_185 = tpu.memref_slice %arg2[%mul3A_71, %dma_wait3A_184] : memref<320000x16xf32, #tpu.memory_space<hbm>> -> memref<128x16xf32, #tpu.memory_space<hbm>>
      tpu.wait_dma2 semaphore(%arg9 : memref<!tpu.dma_semaphore, #tpu.memory_space<semaphore_mem>>) src(%dma_wait3A_185 : memref<128x16xf32, #tpu.memory_space<hbm>>) dst(%dma_wait3A_183 : memref<128x16xf32, #tpu.memory_space<vmem>>)
      %dma_wait3A_186 = arith.constant 1 : i32
      %dma_wait3A_187 = arith.constant 0 : i32
      %dma_wait3A_188 = arith.constant 0 : i32
      %dma_wait3A_189 = tpu.memref_slice %arg7[%dma_wait3A_186, %dma_wait3A_187, %dma_wait3A_188] : memref<6x128x16xf32, #tpu.memory_space<vmem>> -> memref<1x128x16xf32, #tpu.memory_space<vmem>>
      %dma_wait3A_190 = tpu.memref_squeeze %dma_wait3A_189 : memref<1x128x16xf32, #tpu.memory_space<vmem>> -> memref<128x16xf32, #tpu.memory_space<vmem>>
      %dma_wait3A_191 = arith.constant 0 : i32
      %dma_wait3A_192 = tpu.memref_slice %arg2[%mul3A_88, %dma_wait3A_191] : memref<320000x16xf32, #tpu.memory_space<hbm>> -> memref<128x16xf32, #tpu.memory_space<hbm>>
      %dma_wait3A_193 = arith.constant 0 : i32
      %dma_wait3A_194 = arith.constant 0 : i32
      %dma_wait3A_195 = tpu.memref_slice %arg7[%dma_wait3A_186, %dma_wait3A_193, %dma_wait3A_194] : memref<6x128x16xf32, #tpu.memory_space<vmem>> -> memref<1x128x16xf32, #tpu.memory_space<vmem>>
      %dma_wait3A_196 = tpu.memref_squeeze %dma_wait3A_195 : memref<1x128x16xf32, #tpu.memory_space<vmem>> -> memref<128x16xf32, #tpu.memory_space<vmem>>
      %dma_wait3A_197 = arith.constant 0 : i32
      %dma_wait3A_198 = tpu.memref_slice %arg2[%mul3A_88, %dma_wait3A_197] : memref<320000x16xf32, #tpu.memory_space<hbm>> -> memref<128x16xf32, #tpu.memory_space<hbm>>
      tpu.wait_dma2 semaphore(%arg9 : memref<!tpu.dma_semaphore, #tpu.memory_space<semaphore_mem>>) src(%dma_wait3A_198 : memref<128x16xf32, #tpu.memory_space<hbm>>) dst(%dma_wait3A_196 : memref<128x16xf32, #tpu.memory_space<vmem>>)
      %dma_wait3A_199 = arith.constant 2 : i32
      %dma_wait3A_200 = arith.constant 0 : i32
      %dma_wait3A_201 = arith.constant 0 : i32
      %dma_wait3A_202 = tpu.memref_slice %arg7[%dma_wait3A_199, %dma_wait3A_200, %dma_wait3A_201] : memref<6x128x16xf32, #tpu.memory_space<vmem>> -> memref<1x128x16xf32, #tpu.memory_space<vmem>>
      %dma_wait3A_203 = tpu.memref_squeeze %dma_wait3A_202 : memref<1x128x16xf32, #tpu.memory_space<vmem>> -> memref<128x16xf32, #tpu.memory_space<vmem>>
      %dma_wait3A_204 = arith.constant 0 : i32
      %dma_wait3A_205 = tpu.memref_slice %arg2[%mul3A_106, %dma_wait3A_204] : memref<320000x16xf32, #tpu.memory_space<hbm>> -> memref<128x16xf32, #tpu.memory_space<hbm>>
      %dma_wait3A_206 = arith.constant 0 : i32
      %dma_wait3A_207 = arith.constant 0 : i32
      %dma_wait3A_208 = tpu.memref_slice %arg7[%dma_wait3A_199, %dma_wait3A_206, %dma_wait3A_207] : memref<6x128x16xf32, #tpu.memory_space<vmem>> -> memref<1x128x16xf32, #tpu.memory_space<vmem>>
      %dma_wait3A_209 = tpu.memref_squeeze %dma_wait3A_208 : memref<1x128x16xf32, #tpu.memory_space<vmem>> -> memref<128x16xf32, #tpu.memory_space<vmem>>
      %dma_wait3A_210 = arith.constant 0 : i32
      %dma_wait3A_211 = tpu.memref_slice %arg2[%mul3A_106, %dma_wait3A_210] : memref<320000x16xf32, #tpu.memory_space<hbm>> -> memref<128x16xf32, #tpu.memory_space<hbm>>
      tpu.wait_dma2 semaphore(%arg9 : memref<!tpu.dma_semaphore, #tpu.memory_space<semaphore_mem>>) src(%dma_wait3A_211 : memref<128x16xf32, #tpu.memory_space<hbm>>) dst(%dma_wait3A_209 : memref<128x16xf32, #tpu.memory_space<vmem>>)
      %dma_wait3A_212 = arith.constant 3 : i32
      %dma_wait3A_213 = arith.constant 0 : i32
      %dma_wait3A_214 = arith.constant 0 : i32
      %dma_wait3A_215 = tpu.memref_slice %arg7[%dma_wait3A_212, %dma_wait3A_213, %dma_wait3A_214] : memref<6x128x16xf32, #tpu.memory_space<vmem>> -> memref<1x128x16xf32, #tpu.memory_space<vmem>>
      %dma_wait3A_216 = tpu.memref_squeeze %dma_wait3A_215 : memref<1x128x16xf32, #tpu.memory_space<vmem>> -> memref<128x16xf32, #tpu.memory_space<vmem>>
      %dma_wait3A_217 = arith.constant 0 : i32
      %dma_wait3A_218 = tpu.memref_slice %arg2[%mul3A_124, %dma_wait3A_217] : memref<320000x16xf32, #tpu.memory_space<hbm>> -> memref<128x16xf32, #tpu.memory_space<hbm>>
      %dma_wait3A_219 = arith.constant 0 : i32
      %dma_wait3A_220 = arith.constant 0 : i32
      %dma_wait3A_221 = tpu.memref_slice %arg7[%dma_wait3A_212, %dma_wait3A_219, %dma_wait3A_220] : memref<6x128x16xf32, #tpu.memory_space<vmem>> -> memref<1x128x16xf32, #tpu.memory_space<vmem>>
      %dma_wait3A_222 = tpu.memref_squeeze %dma_wait3A_221 : memref<1x128x16xf32, #tpu.memory_space<vmem>> -> memref<128x16xf32, #tpu.memory_space<vmem>>
      %dma_wait3A_223 = arith.constant 0 : i32
      %dma_wait3A_224 = tpu.memref_slice %arg2[%mul3A_124, %dma_wait3A_223] : memref<320000x16xf32, #tpu.memory_space<hbm>> -> memref<128x16xf32, #tpu.memory_space<hbm>>
      tpu.wait_dma2 semaphore(%arg9 : memref<!tpu.dma_semaphore, #tpu.memory_space<semaphore_mem>>) src(%dma_wait3A_224 : memref<128x16xf32, #tpu.memory_space<hbm>>) dst(%dma_wait3A_222 : memref<128x16xf32, #tpu.memory_space<vmem>>)
      %dma_wait3A_225 = arith.constant 4 : i32
      %dma_wait3A_226 = arith.constant 0 : i32
      %dma_wait3A_227 = arith.constant 0 : i32
      %dma_wait3A_228 = tpu.memref_slice %arg7[%dma_wait3A_225, %dma_wait3A_226, %dma_wait3A_227] : memref<6x128x16xf32, #tpu.memory_space<vmem>> -> memref<1x128x16xf32, #tpu.memory_space<vmem>>
      %dma_wait3A_229 = tpu.memref_squeeze %dma_wait3A_228 : memref<1x128x16xf32, #tpu.memory_space<vmem>> -> memref<128x16xf32, #tpu.memory_space<vmem>>
      %dma_wait3A_230 = arith.constant 0 : i32
      %dma_wait3A_231 = tpu.memref_slice %arg2[%mul3A_142, %dma_wait3A_230] : memref<320000x16xf32, #tpu.memory_space<hbm>> -> memref<128x16xf32, #tpu.memory_space<hbm>>
      %dma_wait3A_232 = arith.constant 0 : i32
      %dma_wait3A_233 = arith.constant 0 : i32
      %dma_wait3A_234 = tpu.memref_slice %arg7[%dma_wait3A_225, %dma_wait3A_232, %dma_wait3A_233] : memref<6x128x16xf32, #tpu.memory_space<vmem>> -> memref<1x128x16xf32, #tpu.memory_space<vmem>>
      %dma_wait3A_235 = tpu.memref_squeeze %dma_wait3A_234 : memref<1x128x16xf32, #tpu.memory_space<vmem>> -> memref<128x16xf32, #tpu.memory_space<vmem>>
      %dma_wait3A_236 = arith.constant 0 : i32
      %dma_wait3A_237 = tpu.memref_slice %arg2[%mul3A_142, %dma_wait3A_236] : memref<320000x16xf32, #tpu.memory_space<hbm>> -> memref<128x16xf32, #tpu.memory_space<hbm>>
      tpu.wait_dma2 semaphore(%arg9 : memref<!tpu.dma_semaphore, #tpu.memory_space<semaphore_mem>>) src(%dma_wait3A_237 : memref<128x16xf32, #tpu.memory_space<hbm>>) dst(%dma_wait3A_235 : memref<128x16xf32, #tpu.memory_space<vmem>>)
      %dma_wait3A_238 = arith.constant 5 : i32
      %dma_wait3A_239 = arith.constant 0 : i32
      %dma_wait3A_240 = arith.constant 0 : i32
      %dma_wait3A_241 = tpu.memref_slice %arg7[%dma_wait3A_238, %dma_wait3A_239, %dma_wait3A_240] : memref<6x128x16xf32, #tpu.memory_space<vmem>> -> memref<1x128x16xf32, #tpu.memory_space<vmem>>
      %dma_wait3A_242 = tpu.memref_squeeze %dma_wait3A_241 : memref<1x128x16xf32, #tpu.memory_space<vmem>> -> memref<128x16xf32, #tpu.memory_space<vmem>>
      %dma_wait3A_243 = arith.constant 0 : i32
      %dma_wait3A_244 = tpu.memref_slice %arg2[%mul3A_160, %dma_wait3A_243] : memref<320000x16xf32, #tpu.memory_space<hbm>> -> memref<128x16xf32, #tpu.memory_space<hbm>>
      %dma_wait3A_245 = arith.constant 0 : i32
      %dma_wait3A_246 = arith.constant 0 : i32
      %dma_wait3A_247 = tpu.memref_slice %arg7[%dma_wait3A_238, %dma_wait3A_245, %dma_wait3A_246] : memref<6x128x16xf32, #tpu.memory_space<vmem>> -> memref<1x128x16xf32, #tpu.memory_space<vmem>>
      %dma_wait3A_248 = tpu.memref_squeeze %dma_wait3A_247 : memref<1x128x16xf32, #tpu.memory_space<vmem>> -> memref<128x16xf32, #tpu.memory_space<vmem>>
      %dma_wait3A_249 = arith.constant 0 : i32
      %dma_wait3A_250 = tpu.memref_slice %arg2[%mul3A_160, %dma_wait3A_249] : memref<320000x16xf32, #tpu.memory_space<hbm>> -> memref<128x16xf32, #tpu.memory_space<hbm>>
      tpu.wait_dma2 semaphore(%arg9 : memref<!tpu.dma_semaphore, #tpu.memory_space<semaphore_mem>>) src(%dma_wait3A_250 : memref<128x16xf32, #tpu.memory_space<hbm>>) dst(%dma_wait3A_248 : memref<128x16xf32, #tpu.memory_space<vmem>>)
      %add3A_251 = arith.constant 0 : i32
      %add3A_252 = arith.addi %mul3A_66, %add3A_251 : i32
      %dma_start3A_253 = arith.constant 0 : i32
      %dma_start3A_254 = arith.constant 0 : i32
      %dma_start3A_255 = arith.constant 0 : i32
      %dma_start3A_256 = tpu.memref_slice %arg7[%dma_start3A_253, %dma_start3A_254, %dma_start3A_255] : memref<6x128x16xf32, #tpu.memory_space<vmem>> -> memref<1x128x16xf32, #tpu.memory_space<vmem>>
      %dma_start3A_257 = tpu.memref_squeeze %dma_start3A_256 : memref<1x128x16xf32, #tpu.memory_space<vmem>> -> memref<128x16xf32, #tpu.memory_space<vmem>>
      %dma_start3A_258 = arith.constant 0 : i32
      %dma_start3A_259 = tpu.memref_slice %arg6[%add3A_252, %dma_start3A_258] : memref<79x128xi32, #tpu.memory_space<vmem>> -> memref<1x128xi32, #tpu.memory_space<vmem>>
      %dma_start3A_260 = tpu.memref_squeeze %dma_start3A_259 : memref<1x128xi32, #tpu.memory_space<vmem>> -> memref<128xi32, #tpu.memory_space<vmem>>
      %dma_start3A_261 = arith.constant 0 : i32
      %dma_start3A_262 = arith.constant 0 : i32
      %dma_start3A_263 = tpu.memref_slice %arg5[%dma_start3A_261, %dma_start3A_262] : memref<10000x16xf32, #tpu.memory_space<vmem_shared>> -> memref<10000x16xf32, #tpu.memory_space<vmem_shared>>
      tpu.enqueue_indirect_dma source(%dma_start3A_257 : memref<128x16xf32, #tpu.memory_space<vmem>>) target(%dma_start3A_263 : memref<10000x16xf32, #tpu.memory_space<vmem_shared>>) offsets(%dma_start3A_260 : memref<128xi32, #tpu.memory_space<vmem>>) semaphore(%arg10 : memref<!tpu.dma_semaphore, #tpu.memory_space<semaphore_mem>>) {add = true}
      %add3A_264 = arith.constant 1 : i32
      %add3A_265 = arith.addi %mul3A_66, %add3A_264 : i32
      %dma_start3A_266 = arith.constant 1 : i32
      %dma_start3A_267 = arith.constant 0 : i32
      %dma_start3A_268 = arith.constant 0 : i32
      %dma_start3A_269 = tpu.memref_slice %arg7[%dma_start3A_266, %dma_start3A_267, %dma_start3A_268] : memref<6x128x16xf32, #tpu.memory_space<vmem>> -> memref<1x128x16xf32, #tpu.memory_space<vmem>>
      %dma_start3A_270 = tpu.memref_squeeze %dma_start3A_269 : memref<1x128x16xf32, #tpu.memory_space<vmem>> -> memref<128x16xf32, #tpu.memory_space<vmem>>
      %dma_start3A_271 = arith.constant 0 : i32
      %dma_start3A_272 = tpu.memref_slice %arg6[%add3A_265, %dma_start3A_271] : memref<79x128xi32, #tpu.memory_space<vmem>> -> memref<1x128xi32, #tpu.memory_space<vmem>>
      %dma_start3A_273 = tpu.memref_squeeze %dma_start3A_272 : memref<1x128xi32, #tpu.memory_space<vmem>> -> memref<128xi32, #tpu.memory_space<vmem>>
      %dma_start3A_274 = arith.constant 0 : i32
      %dma_start3A_275 = arith.constant 0 : i32
      %dma_start3A_276 = tpu.memref_slice %arg5[%dma_start3A_274, %dma_start3A_275] : memref<10000x16xf32, #tpu.memory_space<vmem_shared>> -> memref<10000x16xf32, #tpu.memory_space<vmem_shared>>
      tpu.enqueue_indirect_dma source(%dma_start3A_270 : memref<128x16xf32, #tpu.memory_space<vmem>>) target(%dma_start3A_276 : memref<10000x16xf32, #tpu.memory_space<vmem_shared>>) offsets(%dma_start3A_273 : memref<128xi32, #tpu.memory_space<vmem>>) semaphore(%arg10 : memref<!tpu.dma_semaphore, #tpu.memory_space<semaphore_mem>>) {add = true}
      %add3A_277 = arith.constant 2 : i32
      %add3A_278 = arith.addi %mul3A_66, %add3A_277 : i32
      %dma_start3A_279 = arith.constant 2 : i32
      %dma_start3A_280 = arith.constant 0 : i32
      %dma_start3A_281 = arith.constant 0 : i32
      %dma_start3A_282 = tpu.memref_slice %arg7[%dma_start3A_279, %dma_start3A_280, %dma_start3A_281] : memref<6x128x16xf32, #tpu.memory_space<vmem>> -> memref<1x128x16xf32, #tpu.memory_space<vmem>>
      %dma_start3A_283 = tpu.memref_squeeze %dma_start3A_282 : memref<1x128x16xf32, #tpu.memory_space<vmem>> -> memref<128x16xf32, #tpu.memory_space<vmem>>
      %dma_start3A_284 = arith.constant 0 : i32
      %dma_start3A_285 = tpu.memref_slice %arg6[%add3A_278, %dma_start3A_284] : memref<79x128xi32, #tpu.memory_space<vmem>> -> memref<1x128xi32, #tpu.memory_space<vmem>>
      %dma_start3A_286 = tpu.memref_squeeze %dma_start3A_285 : memref<1x128xi32, #tpu.memory_space<vmem>> -> memref<128xi32, #tpu.memory_space<vmem>>
      %dma_start3A_287 = arith.constant 0 : i32
      %dma_start3A_288 = arith.constant 0 : i32
      %dma_start3A_289 = tpu.memref_slice %arg5[%dma_start3A_287, %dma_start3A_288] : memref<10000x16xf32, #tpu.memory_space<vmem_shared>> -> memref<10000x16xf32, #tpu.memory_space<vmem_shared>>
      tpu.enqueue_indirect_dma source(%dma_start3A_283 : memref<128x16xf32, #tpu.memory_space<vmem>>) target(%dma_start3A_289 : memref<10000x16xf32, #tpu.memory_space<vmem_shared>>) offsets(%dma_start3A_286 : memref<128xi32, #tpu.memory_space<vmem>>) semaphore(%arg10 : memref<!tpu.dma_semaphore, #tpu.memory_space<semaphore_mem>>) {add = true}
      %add3A_290 = arith.constant 3 : i32
      %add3A_291 = arith.addi %mul3A_66, %add3A_290 : i32
      %dma_start3A_292 = arith.constant 3 : i32
      %dma_start3A_293 = arith.constant 0 : i32
      %dma_start3A_294 = arith.constant 0 : i32
      %dma_start3A_295 = tpu.memref_slice %arg7[%dma_start3A_292, %dma_start3A_293, %dma_start3A_294] : memref<6x128x16xf32, #tpu.memory_space<vmem>> -> memref<1x128x16xf32, #tpu.memory_space<vmem>>
      %dma_start3A_296 = tpu.memref_squeeze %dma_start3A_295 : memref<1x128x16xf32, #tpu.memory_space<vmem>> -> memref<128x16xf32, #tpu.memory_space<vmem>>
      %dma_start3A_297 = arith.constant 0 : i32
      %dma_start3A_298 = tpu.memref_slice %arg6[%add3A_291, %dma_start3A_297] : memref<79x128xi32, #tpu.memory_space<vmem>> -> memref<1x128xi32, #tpu.memory_space<vmem>>
      %dma_start3A_299 = tpu.memref_squeeze %dma_start3A_298 : memref<1x128xi32, #tpu.memory_space<vmem>> -> memref<128xi32, #tpu.memory_space<vmem>>
      %dma_start3A_300 = arith.constant 0 : i32
      %dma_start3A_301 = arith.constant 0 : i32
      %dma_start3A_302 = tpu.memref_slice %arg5[%dma_start3A_300, %dma_start3A_301] : memref<10000x16xf32, #tpu.memory_space<vmem_shared>> -> memref<10000x16xf32, #tpu.memory_space<vmem_shared>>
      tpu.enqueue_indirect_dma source(%dma_start3A_296 : memref<128x16xf32, #tpu.memory_space<vmem>>) target(%dma_start3A_302 : memref<10000x16xf32, #tpu.memory_space<vmem_shared>>) offsets(%dma_start3A_299 : memref<128xi32, #tpu.memory_space<vmem>>) semaphore(%arg10 : memref<!tpu.dma_semaphore, #tpu.memory_space<semaphore_mem>>) {add = true}
      %add3A_303 = arith.constant 4 : i32
      %add3A_304 = arith.addi %mul3A_66, %add3A_303 : i32
      %dma_start3A_305 = arith.constant 4 : i32
      %dma_start3A_306 = arith.constant 0 : i32
      %dma_start3A_307 = arith.constant 0 : i32
      %dma_start3A_308 = tpu.memref_slice %arg7[%dma_start3A_305, %dma_start3A_306, %dma_start3A_307] : memref<6x128x16xf32, #tpu.memory_space<vmem>> -> memref<1x128x16xf32, #tpu.memory_space<vmem>>
      %dma_start3A_309 = tpu.memref_squeeze %dma_start3A_308 : memref<1x128x16xf32, #tpu.memory_space<vmem>> -> memref<128x16xf32, #tpu.memory_space<vmem>>
      %dma_start3A_310 = arith.constant 0 : i32
      %dma_start3A_311 = tpu.memref_slice %arg6[%add3A_304, %dma_start3A_310] : memref<79x128xi32, #tpu.memory_space<vmem>> -> memref<1x128xi32, #tpu.memory_space<vmem>>
      %dma_start3A_312 = tpu.memref_squeeze %dma_start3A_311 : memref<1x128xi32, #tpu.memory_space<vmem>> -> memref<128xi32, #tpu.memory_space<vmem>>
      %dma_start3A_313 = arith.constant 0 : i32
      %dma_start3A_314 = arith.constant 0 : i32
      %dma_start3A_315 = tpu.memref_slice %arg5[%dma_start3A_313, %dma_start3A_314] : memref<10000x16xf32, #tpu.memory_space<vmem_shared>> -> memref<10000x16xf32, #tpu.memory_space<vmem_shared>>
      tpu.enqueue_indirect_dma source(%dma_start3A_309 : memref<128x16xf32, #tpu.memory_space<vmem>>) target(%dma_start3A_315 : memref<10000x16xf32, #tpu.memory_space<vmem_shared>>) offsets(%dma_start3A_312 : memref<128xi32, #tpu.memory_space<vmem>>) semaphore(%arg10 : memref<!tpu.dma_semaphore, #tpu.memory_space<semaphore_mem>>) {add = true}
      %add3A_316 = arith.constant 5 : i32
      %add3A_317 = arith.addi %mul3A_66, %add3A_316 : i32
      %dma_start3A_318 = arith.constant 5 : i32
      %dma_start3A_319 = arith.constant 0 : i32
      %dma_start3A_320 = arith.constant 0 : i32
      %dma_start3A_321 = tpu.memref_slice %arg7[%dma_start3A_318, %dma_start3A_319, %dma_start3A_320] : memref<6x128x16xf32, #tpu.memory_space<vmem>> -> memref<1x128x16xf32, #tpu.memory_space<vmem>>
      %dma_start3A_322 = tpu.memref_squeeze %dma_start3A_321 : memref<1x128x16xf32, #tpu.memory_space<vmem>> -> memref<128x16xf32, #tpu.memory_space<vmem>>
      %dma_start3A_323 = arith.constant 0 : i32
      %dma_start3A_324 = tpu.memref_slice %arg6[%add3A_317, %dma_start3A_323] : memref<79x128xi32, #tpu.memory_space<vmem>> -> memref<1x128xi32, #tpu.memory_space<vmem>>
      %dma_start3A_325 = tpu.memref_squeeze %dma_start3A_324 : memref<1x128xi32, #tpu.memory_space<vmem>> -> memref<128xi32, #tpu.memory_space<vmem>>
      %dma_start3A_326 = arith.constant 0 : i32
      %dma_start3A_327 = arith.constant 0 : i32
      %dma_start3A_328 = tpu.memref_slice %arg5[%dma_start3A_326, %dma_start3A_327] : memref<10000x16xf32, #tpu.memory_space<vmem_shared>> -> memref<10000x16xf32, #tpu.memory_space<vmem_shared>>
      tpu.enqueue_indirect_dma source(%dma_start3A_322 : memref<128x16xf32, #tpu.memory_space<vmem>>) target(%dma_start3A_328 : memref<10000x16xf32, #tpu.memory_space<vmem_shared>>) offsets(%dma_start3A_325 : memref<128xi32, #tpu.memory_space<vmem>>) semaphore(%arg10 : memref<!tpu.dma_semaphore, #tpu.memory_space<semaphore_mem>>) {add = true}
      %dma_wait3A_329 = arith.constant 0 : i32
      %dma_wait3A_330 = arith.constant 0 : i32
      %dma_wait3A_331 = arith.constant 0 : i32
      %dma_wait3A_332 = tpu.memref_slice %arg7[%dma_wait3A_329, %dma_wait3A_330, %dma_wait3A_331] : memref<6x128x16xf32, #tpu.memory_space<vmem>> -> memref<1x128x16xf32, #tpu.memory_space<vmem>>
      %dma_wait3A_333 = tpu.memref_squeeze %dma_wait3A_332 : memref<1x128x16xf32, #tpu.memory_space<vmem>> -> memref<128x16xf32, #tpu.memory_space<vmem>>
      %dma_wait3A_334 = arith.constant 0 : i32
      %dma_wait3A_335 = tpu.memref_slice %arg6[%add3A_252, %dma_wait3A_334] : memref<79x128xi32, #tpu.memory_space<vmem>> -> memref<1x128xi32, #tpu.memory_space<vmem>>
      %dma_wait3A_336 = tpu.memref_squeeze %dma_wait3A_335 : memref<1x128xi32, #tpu.memory_space<vmem>> -> memref<128xi32, #tpu.memory_space<vmem>>
      %dma_wait3A_337 = arith.constant 0 : i32
      %dma_wait3A_338 = arith.constant 0 : i32
      %dma_wait3A_339 = tpu.memref_slice %arg5[%dma_wait3A_337, %dma_wait3A_338] : memref<10000x16xf32, #tpu.memory_space<vmem_shared>> -> memref<10000x16xf32, #tpu.memory_space<vmem_shared>>
      tpu.wait_indirect_dma semaphore(%arg10 : memref<!tpu.dma_semaphore, #tpu.memory_space<semaphore_mem>>) src(%dma_wait3A_333 : memref<128x16xf32, #tpu.memory_space<vmem>>) dst(%dma_wait3A_339 : memref<10000x16xf32, #tpu.memory_space<vmem_shared>>)
      %dma_wait3A_340 = arith.constant 1 : i32
      %dma_wait3A_341 = arith.constant 0 : i32
      %dma_wait3A_342 = arith.constant 0 : i32
      %dma_wait3A_343 = tpu.memref_slice %arg7[%dma_wait3A_340, %dma_wait3A_341, %dma_wait3A_342] : memref<6x128x16xf32, #tpu.memory_space<vmem>> -> memref<1x128x16xf32, #tpu.memory_space<vmem>>
      %dma_wait3A_344 = tpu.memref_squeeze %dma_wait3A_343 : memref<1x128x16xf32, #tpu.memory_space<vmem>> -> memref<128x16xf32, #tpu.memory_space<vmem>>
      %dma_wait3A_345 = arith.constant 0 : i32
      %dma_wait3A_346 = tpu.memref_slice %arg6[%add3A_265, %dma_wait3A_345] : memref<79x128xi32, #tpu.memory_space<vmem>> -> memref<1x128xi32, #tpu.memory_space<vmem>>
      %dma_wait3A_347 = tpu.memref_squeeze %dma_wait3A_346 : memref<1x128xi32, #tpu.memory_space<vmem>> -> memref<128xi32, #tpu.memory_space<vmem>>
      %dma_wait3A_348 = arith.constant 0 : i32
      %dma_wait3A_349 = arith.constant 0 : i32
      %dma_wait3A_350 = tpu.memref_slice %arg5[%dma_wait3A_348, %dma_wait3A_349] : memref<10000x16xf32, #tpu.memory_space<vmem_shared>> -> memref<10000x16xf32, #tpu.memory_space<vmem_shared>>
      tpu.wait_indirect_dma semaphore(%arg10 : memref<!tpu.dma_semaphore, #tpu.memory_space<semaphore_mem>>) src(%dma_wait3A_344 : memref<128x16xf32, #tpu.memory_space<vmem>>) dst(%dma_wait3A_350 : memref<10000x16xf32, #tpu.memory_space<vmem_shared>>)
      %dma_wait3A_351 = arith.constant 2 : i32
      %dma_wait3A_352 = arith.constant 0 : i32
      %dma_wait3A_353 = arith.constant 0 : i32
      %dma_wait3A_354 = tpu.memref_slice %arg7[%dma_wait3A_351, %dma_wait3A_352, %dma_wait3A_353] : memref<6x128x16xf32, #tpu.memory_space<vmem>> -> memref<1x128x16xf32, #tpu.memory_space<vmem>>
      %dma_wait3A_355 = tpu.memref_squeeze %dma_wait3A_354 : memref<1x128x16xf32, #tpu.memory_space<vmem>> -> memref<128x16xf32, #tpu.memory_space<vmem>>
      %dma_wait3A_356 = arith.constant 0 : i32
      %dma_wait3A_357 = tpu.memref_slice %arg6[%add3A_278, %dma_wait3A_356] : memref<79x128xi32, #tpu.memory_space<vmem>> -> memref<1x128xi32, #tpu.memory_space<vmem>>
      %dma_wait3A_358 = tpu.memref_squeeze %dma_wait3A_357 : memref<1x128xi32, #tpu.memory_space<vmem>> -> memref<128xi32, #tpu.memory_space<vmem>>
      %dma_wait3A_359 = arith.constant 0 : i32
      %dma_wait3A_360 = arith.constant 0 : i32
      %dma_wait3A_361 = tpu.memref_slice %arg5[%dma_wait3A_359, %dma_wait3A_360] : memref<10000x16xf32, #tpu.memory_space<vmem_shared>> -> memref<10000x16xf32, #tpu.memory_space<vmem_shared>>
      tpu.wait_indirect_dma semaphore(%arg10 : memref<!tpu.dma_semaphore, #tpu.memory_space<semaphore_mem>>) src(%dma_wait3A_355 : memref<128x16xf32, #tpu.memory_space<vmem>>) dst(%dma_wait3A_361 : memref<10000x16xf32, #tpu.memory_space<vmem_shared>>)
      %dma_wait3A_362 = arith.constant 3 : i32
      %dma_wait3A_363 = arith.constant 0 : i32
      %dma_wait3A_364 = arith.constant 0 : i32
      %dma_wait3A_365 = tpu.memref_slice %arg7[%dma_wait3A_362, %dma_wait3A_363, %dma_wait3A_364] : memref<6x128x16xf32, #tpu.memory_space<vmem>> -> memref<1x128x16xf32, #tpu.memory_space<vmem>>
      %dma_wait3A_366 = tpu.memref_squeeze %dma_wait3A_365 : memref<1x128x16xf32, #tpu.memory_space<vmem>> -> memref<128x16xf32, #tpu.memory_space<vmem>>
      %dma_wait3A_367 = arith.constant 0 : i32
      %dma_wait3A_368 = tpu.memref_slice %arg6[%add3A_291, %dma_wait3A_367] : memref<79x128xi32, #tpu.memory_space<vmem>> -> memref<1x128xi32, #tpu.memory_space<vmem>>
      %dma_wait3A_369 = tpu.memref_squeeze %dma_wait3A_368 : memref<1x128xi32, #tpu.memory_space<vmem>> -> memref<128xi32, #tpu.memory_space<vmem>>
      %dma_wait3A_370 = arith.constant 0 : i32
      %dma_wait3A_371 = arith.constant 0 : i32
      %dma_wait3A_372 = tpu.memref_slice %arg5[%dma_wait3A_370, %dma_wait3A_371] : memref<10000x16xf32, #tpu.memory_space<vmem_shared>> -> memref<10000x16xf32, #tpu.memory_space<vmem_shared>>
      tpu.wait_indirect_dma semaphore(%arg10 : memref<!tpu.dma_semaphore, #tpu.memory_space<semaphore_mem>>) src(%dma_wait3A_366 : memref<128x16xf32, #tpu.memory_space<vmem>>) dst(%dma_wait3A_372 : memref<10000x16xf32, #tpu.memory_space<vmem_shared>>)
      %dma_wait3A_373 = arith.constant 4 : i32
      %dma_wait3A_374 = arith.constant 0 : i32
      %dma_wait3A_375 = arith.constant 0 : i32
      %dma_wait3A_376 = tpu.memref_slice %arg7[%dma_wait3A_373, %dma_wait3A_374, %dma_wait3A_375] : memref<6x128x16xf32, #tpu.memory_space<vmem>> -> memref<1x128x16xf32, #tpu.memory_space<vmem>>
      %dma_wait3A_377 = tpu.memref_squeeze %dma_wait3A_376 : memref<1x128x16xf32, #tpu.memory_space<vmem>> -> memref<128x16xf32, #tpu.memory_space<vmem>>
      %dma_wait3A_378 = arith.constant 0 : i32
      %dma_wait3A_379 = tpu.memref_slice %arg6[%add3A_304, %dma_wait3A_378] : memref<79x128xi32, #tpu.memory_space<vmem>> -> memref<1x128xi32, #tpu.memory_space<vmem>>
      %dma_wait3A_380 = tpu.memref_squeeze %dma_wait3A_379 : memref<1x128xi32, #tpu.memory_space<vmem>> -> memref<128xi32, #tpu.memory_space<vmem>>
      %dma_wait3A_381 = arith.constant 0 : i32
      %dma_wait3A_382 = arith.constant 0 : i32
      %dma_wait3A_383 = tpu.memref_slice %arg5[%dma_wait3A_381, %dma_wait3A_382] : memref<10000x16xf32, #tpu.memory_space<vmem_shared>> -> memref<10000x16xf32, #tpu.memory_space<vmem_shared>>
      tpu.wait_indirect_dma semaphore(%arg10 : memref<!tpu.dma_semaphore, #tpu.memory_space<semaphore_mem>>) src(%dma_wait3A_377 : memref<128x16xf32, #tpu.memory_space<vmem>>) dst(%dma_wait3A_383 : memref<10000x16xf32, #tpu.memory_space<vmem_shared>>)
      %dma_wait3A_384 = arith.constant 5 : i32
      %dma_wait3A_385 = arith.constant 0 : i32
      %dma_wait3A_386 = arith.constant 0 : i32
      %dma_wait3A_387 = tpu.memref_slice %arg7[%dma_wait3A_384, %dma_wait3A_385, %dma_wait3A_386] : memref<6x128x16xf32, #tpu.memory_space<vmem>> -> memref<1x128x16xf32, #tpu.memory_space<vmem>>
      %dma_wait3A_388 = tpu.memref_squeeze %dma_wait3A_387 : memref<1x128x16xf32, #tpu.memory_space<vmem>> -> memref<128x16xf32, #tpu.memory_space<vmem>>
      %dma_wait3A_389 = arith.constant 0 : i32
      %dma_wait3A_390 = tpu.memref_slice %arg6[%add3A_317, %dma_wait3A_389] : memref<79x128xi32, #tpu.memory_space<vmem>> -> memref<1x128xi32, #tpu.memory_space<vmem>>
      %dma_wait3A_391 = tpu.memref_squeeze %dma_wait3A_390 : memref<1x128xi32, #tpu.memory_space<vmem>> -> memref<128xi32, #tpu.memory_space<vmem>>
      %dma_wait3A_392 = arith.constant 0 : i32
      %dma_wait3A_393 = arith.constant 0 : i32
      %dma_wait3A_394 = tpu.memref_slice %arg5[%dma_wait3A_392, %dma_wait3A_393] : memref<10000x16xf32, #tpu.memory_space<vmem_shared>> -> memref<10000x16xf32, #tpu.memory_space<vmem_shared>>
      tpu.wait_indirect_dma semaphore(%arg10 : memref<!tpu.dma_semaphore, #tpu.memory_space<semaphore_mem>>) src(%dma_wait3A_388 : memref<128x16xf32, #tpu.memory_space<vmem>>) dst(%dma_wait3A_394 : memref<10000x16xf32, #tpu.memory_space<vmem_shared>>)
    }
    %scan3A_60 = arith.constant 13 : i32
    %eq3A = arith.constant 79 : i32
    %eq3A_61 = arith.cmpi eq, %sub3A_47, %eq3A : i32
    %convert_element_type3A = arith.extui %eq3A_61 : i1 to i32
    %cond3A = arith.constant 0 : i32
    %cond3A_62 = arith.cmpi ne, %convert_element_type3A, %cond3A : i32
    scf.if %cond3A_62 {
      %add3A_64 = arith.constant 78 : i32
      %add3A_65 = arith.addi %select_n3A, %add3A_64 : i32
      %mul3A_66 = arith.constant 128 : i32
      %mul3A_67 = arith.muli %add3A_65, %mul3A_66 : i32
      %run_scoped3A = arith.constant 0 : i32
      "tpu.region"() ({
        %run_scoped3A_70 = tpu.sem_alloc : memref<!tpu.dma_semaphore, #tpu.memory_space<semaphore_mem>>
        %dma_start3A = arith.constant 0 : i32
        %dma_start3A_71 = arith.constant 0 : i32
        %dma_start3A_72 = tpu.memref_slice %arg7[%run_scoped3A, %dma_start3A, %dma_start3A_71] : memref<6x128x16xf32, #tpu.memory_space<vmem>> -> memref<1x128x16xf32, #tpu.memory_space<vmem>>
        %dma_start3A_73 = tpu.memref_squeeze %dma_start3A_72 : memref<1x128x16xf32, #tpu.memory_space<vmem>> -> memref<128x16xf32, #tpu.memory_space<vmem>>
        %dma_start3A_74 = arith.constant 0 : i32
        %dma_start3A_75 = tpu.memref_slice %arg2[%mul3A_67, %dma_start3A_74] : memref<320000x16xf32, #tpu.memory_space<hbm>> -> memref<128x16xf32, #tpu.memory_space<hbm>>
        %dma_start3A_76 = arith.constant 0 : i32
        %dma_start3A_77 = arith.constant 0 : i32
        %dma_start3A_78 = tpu.memref_slice %arg7[%run_scoped3A, %dma_start3A_76, %dma_start3A_77] : memref<6x128x16xf32, #tpu.memory_space<vmem>> -> memref<1x128x16xf32, #tpu.memory_space<vmem>>
        %dma_start3A_79 = tpu.memref_squeeze %dma_start3A_78 : memref<1x128x16xf32, #tpu.memory_space<vmem>> -> memref<128x16xf32, #tpu.memory_space<vmem>>
        %dma_start3A_80 = arith.constant 0 : i32
        %dma_start3A_81 = tpu.memref_slice %arg2[%mul3A_67, %dma_start3A_80] : memref<320000x16xf32, #tpu.memory_space<hbm>> -> memref<128x16xf32, #tpu.memory_space<hbm>>
        tpu.enqueue_dma source(%dma_start3A_81 : memref<128x16xf32, #tpu.memory_space<hbm>>) target(%dma_start3A_79 : memref<128x16xf32, #tpu.memory_space<vmem>>) target_semaphore(%run_scoped3A_70 : memref<!tpu.dma_semaphore, #tpu.memory_space<semaphore_mem>>)
        %dma_wait3A = arith.constant 0 : i32
        %dma_wait3A_82 = arith.constant 0 : i32
        %dma_wait3A_83 = tpu.memref_slice %arg7[%run_scoped3A, %dma_wait3A, %dma_wait3A_82] : memref<6x128x16xf32, #tpu.memory_space<vmem>> -> memref<1x128x16xf32, #tpu.memory_space<vmem>>
        %dma_wait3A_84 = tpu.memref_squeeze %dma_wait3A_83 : memref<1x128x16xf32, #tpu.memory_space<vmem>> -> memref<128x16xf32, #tpu.memory_space<vmem>>
        %dma_wait3A_85 = arith.constant 0 : i32
        %dma_wait3A_86 = tpu.memref_slice %arg2[%mul3A_67, %dma_wait3A_85] : memref<320000x16xf32, #tpu.memory_space<hbm>> -> memref<128x16xf32, #tpu.memory_space<hbm>>
        %dma_wait3A_87 = arith.constant 0 : i32
        %dma_wait3A_88 = arith.constant 0 : i32
        %dma_wait3A_89 = tpu.memref_slice %arg7[%run_scoped3A, %dma_wait3A_87, %dma_wait3A_88] : memref<6x128x16xf32, #tpu.memory_space<vmem>> -> memref<1x128x16xf32, #tpu.memory_space<vmem>>
        %dma_wait3A_90 = tpu.memref_squeeze %dma_wait3A_89 : memref<1x128x16xf32, #tpu.memory_space<vmem>> -> memref<128x16xf32, #tpu.memory_space<vmem>>
        %dma_wait3A_91 = arith.constant 0 : i32
        %dma_wait3A_92 = tpu.memref_slice %arg2[%mul3A_67, %dma_wait3A_91] : memref<320000x16xf32, #tpu.memory_space<hbm>> -> memref<128x16xf32, #tpu.memory_space<hbm>>
        tpu.wait_dma2 semaphore(%run_scoped3A_70 : memref<!tpu.dma_semaphore, #tpu.memory_space<semaphore_mem>>) src(%dma_wait3A_92 : memref<128x16xf32, #tpu.memory_space<hbm>>) dst(%dma_wait3A_90 : memref<128x16xf32, #tpu.memory_space<vmem>>)
        tpu.yield
      }) : () -> ()
      %run_scoped3A_68 = arith.constant 0 : i32
      %run_scoped3A_69 = arith.constant 78 : i32
      "tpu.region"() ({
        %run_scoped3A_70 = tpu.sem_alloc : memref<!tpu.dma_semaphore, #tpu.memory_space<semaphore_mem>>
        %dma_start3A = arith.constant 0 : i32
        %dma_start3A_71 = arith.constant 0 : i32
        %dma_start3A_72 = tpu.memref_slice %arg7[%run_scoped3A_68, %dma_start3A, %dma_start3A_71] : memref<6x128x16xf32, #tpu.memory_space<vmem>> -> memref<1x128x16xf32, #tpu.memory_space<vmem>>
        %dma_start3A_73 = tpu.memref_squeeze %dma_start3A_72 : memref<1x128x16xf32, #tpu.memory_space<vmem>> -> memref<128x16xf32, #tpu.memory_space<vmem>>
        %dma_start3A_74 = arith.constant 0 : i32
        %dma_start3A_75 = tpu.memref_slice %arg6[%run_scoped3A_69, %dma_start3A_74] : memref<79x128xi32, #tpu.memory_space<vmem>> -> memref<1x128xi32, #tpu.memory_space<vmem>>
        %dma_start3A_76 = tpu.memref_squeeze %dma_start3A_75 : memref<1x128xi32, #tpu.memory_space<vmem>> -> memref<128xi32, #tpu.memory_space<vmem>>
        %dma_start3A_77 = arith.constant 0 : i32
        %dma_start3A_78 = arith.constant 0 : i32
        %dma_start3A_79 = tpu.memref_slice %arg5[%dma_start3A_77, %dma_start3A_78] : memref<10000x16xf32, #tpu.memory_space<vmem_shared>> -> memref<10000x16xf32, #tpu.memory_space<vmem_shared>>
        tpu.enqueue_indirect_dma source(%dma_start3A_73 : memref<128x16xf32, #tpu.memory_space<vmem>>) target(%dma_start3A_79 : memref<10000x16xf32, #tpu.memory_space<vmem_shared>>) offsets(%dma_start3A_76 : memref<128xi32, #tpu.memory_space<vmem>>) semaphore(%run_scoped3A_70 : memref<!tpu.dma_semaphore, #tpu.memory_space<semaphore_mem>>) {add = true}
        %dma_wait3A = arith.constant 0 : i32
        %dma_wait3A_80 = arith.constant 0 : i32
        %dma_wait3A_81 = tpu.memref_slice %arg7[%run_scoped3A_68, %dma_wait3A, %dma_wait3A_80] : memref<6x128x16xf32, #tpu.memory_space<vmem>> -> memref<1x128x16xf32, #tpu.memory_space<vmem>>
        %dma_wait3A_82 = tpu.memref_squeeze %dma_wait3A_81 : memref<1x128x16xf32, #tpu.memory_space<vmem>> -> memref<128x16xf32, #tpu.memory_space<vmem>>
        %dma_wait3A_83 = arith.constant 0 : i32
        %dma_wait3A_84 = tpu.memref_slice %arg6[%run_scoped3A_69, %dma_wait3A_83] : memref<79x128xi32, #tpu.memory_space<vmem>> -> memref<1x128xi32, #tpu.memory_space<vmem>>
        %dma_wait3A_85 = tpu.memref_squeeze %dma_wait3A_84 : memref<1x128xi32, #tpu.memory_space<vmem>> -> memref<128xi32, #tpu.memory_space<vmem>>
        %dma_wait3A_86 = arith.constant 0 : i32
        %dma_wait3A_87 = arith.constant 0 : i32
        %dma_wait3A_88 = tpu.memref_slice %arg5[%dma_wait3A_86, %dma_wait3A_87] : memref<10000x16xf32, #tpu.memory_space<vmem_shared>> -> memref<10000x16xf32, #tpu.memory_space<vmem_shared>>
        tpu.wait_indirect_dma semaphore(%run_scoped3A_70 : memref<!tpu.dma_semaphore, #tpu.memory_space<semaphore_mem>>) src(%dma_wait3A_82 : memref<128x16xf32, #tpu.memory_space<vmem>>) dst(%dma_wait3A_88 : memref<10000x16xf32, #tpu.memory_space<vmem_shared>>)
        tpu.yield
      }) : () -> ()
    } else {
    }
    %barrier3A_63 = arith.constant 0 : index
    tpu.barrier barrier_id(%barrier3A_63)
    "tpu.region"() ({
      %run_scoped3A = tpu.sem_alloc : memref<!tpu.dma_semaphore, #tpu.memory_space<semaphore_mem>>
      %dma_start3A = arith.constant 0 : i32
      %dma_start3A_64 = tpu.memref_slice %arg4[%arg0, %mul3A_54, %dma_start3A] : memref<2x10000x16xf32, #tpu.memory_space<hbm>> -> memref<1x625x16xf32, #tpu.memory_space<hbm>>
      %dma_start3A_65 = tpu.memref_squeeze %dma_start3A_64 : memref<1x625x16xf32, #tpu.memory_space<hbm>> -> memref<625x16xf32, #tpu.memory_space<hbm>>
      %dma_start3A_66 = arith.constant 0 : i32
      %dma_start3A_67 = tpu.memref_slice %arg5[%mul3A_54, %dma_start3A_66] : memref<10000x16xf32, #tpu.memory_space<vmem_shared>> -> memref<625x16xf32, #tpu.memory_space<vmem_shared>>
      tpu.enqueue_dma source(%dma_start3A_67 : memref<625x16xf32, #tpu.memory_space<vmem_shared>>) target(%dma_start3A_65 : memref<625x16xf32, #tpu.memory_space<hbm>>) target_semaphore(%run_scoped3A : memref<!tpu.dma_semaphore, #tpu.memory_space<semaphore_mem>>)
      %dma_wait3A = arith.constant 0 : i32
      %dma_wait3A_68 = tpu.memref_slice %arg4[%arg0, %mul3A_54, %dma_wait3A] : memref<2x10000x16xf32, #tpu.memory_space<hbm>> -> memref<1x625x16xf32, #tpu.memory_space<hbm>>
      %dma_wait3A_69 = tpu.memref_squeeze %dma_wait3A_68 : memref<1x625x16xf32, #tpu.memory_space<hbm>> -> memref<625x16xf32, #tpu.memory_space<hbm>>
      %dma_wait3A_70 = arith.constant 0 : i32
      %dma_wait3A_71 = tpu.memref_slice %arg5[%mul3A_54, %dma_wait3A_70] : memref<10000x16xf32, #tpu.memory_space<vmem_shared>> -> memref<625x16xf32, #tpu.memory_space<vmem_shared>>
      tpu.wait_dma2 semaphore(%run_scoped3A : memref<!tpu.dma_semaphore, #tpu.memory_space<semaphore_mem>>) src(%dma_wait3A_71 : memref<625x16xf32, #tpu.memory_space<vmem_shared>>) dst(%dma_wait3A_69 : memref<625x16xf32, #tpu.memory_space<hbm>>)
      tpu.yield
    }) : () -> ()
    return
  }
}

#map = affine_map<(d0, d1) -> (0, 0)>
#map1 = affine_map<(d0, d1) -> (0, 0, 0)>
module attributes {stable_mosaic.version = 14 : i64} {
  func.func @_sc_scatter_body(%arg0: i32, %arg1: i32, %arg2: memref<320000x16xf32, #tpu.memory_space<hbm>>, %arg3: memref<2500x128xi32, #tpu.memory_space<hbm>>, %arg4: memref<2x10000x16xf32, #tpu.memory_space<hbm>>, %arg5: memref<10000x16xf32, #tpu.memory_space<vmem_shared>>, %arg6: memref<79x128xi32, #tpu.memory_space<vmem>>, %arg7: memref<6x128x16xf32, #tpu.memory_space<vmem>>, %arg8: memref<625x16xf32, #tpu.memory_space<vmem>>, %arg9: memref<!tpu.dma_semaphore, #tpu.memory_space<semaphore_mem>>, %arg10: memref<!tpu.dma_semaphore, #tpu.memory_space<semaphore_mem>>) attributes {dimension_semantics = [#tpu.dimension_semantics<core_parallel>, #tpu.dimension_semantics<subcore_parallel>], iteration_bounds = array<i64: 2, 16>, scalar_prefetch = 0 : i64, scratch_operands = 6 : i64, tpu.core_type = #tpu.core_type<sc_vector_subcore>, window_params = [{transform_indices = #map}, {transform_indices = #map}, {transform_indices = #map1}]} {
    %mul3A = arith.constant 16 : i32
    %mul3A_0 = arith.muli %arg0, %mul3A : i32
    %add3A = arith.addi %mul3A_0, %arg1 : i32
    %mul3A_1 = arith.constant 2500 : i32
    %mul3A_2 = arith.muli %add3A, %mul3A_1 : i32
    %jit3A = arith.constant 32 : i32
    %div3A = arith.divsi %mul3A_2, %jit3A : i32
    %sign3A = arith.constant 0 : i32
    %sign3A_3 = arith.cmpi sgt, %mul3A_2, %sign3A : i32
    %sign3A_4 = arith.extui %sign3A_3 : i1 to i32
    %sign3A_5 = arith.constant 0 : i32
    %sign3A_6 = arith.cmpi slt, %mul3A_2, %sign3A_5 : i32
    %sign3A_7 = arith.extui %sign3A_6 : i1 to i32
    %sign3A_8 = arith.subi %sign3A_4, %sign3A_7 : i32
    %sign3A_9 = arith.constant 0 : i32
    %sign3A_10 = arith.cmpi sgt, %jit3A, %sign3A_9 : i32
    %sign3A_11 = arith.extui %sign3A_10 : i1 to i32
    %sign3A_12 = arith.constant 0 : i32
    %sign3A_13 = arith.cmpi slt, %jit3A, %sign3A_12 : i32
    %sign3A_14 = arith.extui %sign3A_13 : i1 to i32
    %sign3A_15 = arith.subi %sign3A_11, %sign3A_14 : i32
    %ne3A = arith.cmpi ne, %sign3A_8, %sign3A_15 : i32
    %rem3A = arith.remsi %mul3A_2, %jit3A : i32
    %ne3A_16 = arith.constant 0 : i32
    %ne3A_17 = arith.cmpi ne, %rem3A, %ne3A_16 : i32
    %and3A = arith.andi %ne3A, %ne3A_17 : i1
    %sub3A = arith.constant 1 : i32
    %sub3A_18 = arith.subi %div3A, %sub3A : i32
    %select_n3A = arith.select %and3A, %sub3A_18, %div3A : i32
    %add3A_19 = arith.constant 1 : i32
    %add3A_20 = arith.addi %add3A, %add3A_19 : i32
    %mul3A_21 = arith.constant 2500 : i32
    %mul3A_22 = arith.muli %add3A_20, %mul3A_21 : i32
    %jit3A_23 = arith.constant 32 : i32
    %div3A_24 = arith.divsi %mul3A_22, %jit3A_23 : i32
    %sign3A_25 = arith.constant 0 : i32
    %sign3A_26 = arith.cmpi sgt, %mul3A_22, %sign3A_25 : i32
    %sign3A_27 = arith.extui %sign3A_26 : i1 to i32
    %sign3A_28 = arith.constant 0 : i32
    %sign3A_29 = arith.cmpi slt, %mul3A_22, %sign3A_28 : i32
    %sign3A_30 = arith.extui %sign3A_29 : i1 to i32
    %sign3A_31 = arith.subi %sign3A_27, %sign3A_30 : i32
    %sign3A_32 = arith.constant 0 : i32
    %sign3A_33 = arith.cmpi sgt, %jit3A_23, %sign3A_32 : i32
    %sign3A_34 = arith.extui %sign3A_33 : i1 to i32
    %sign3A_35 = arith.constant 0 : i32
    %sign3A_36 = arith.cmpi slt, %jit3A_23, %sign3A_35 : i32
    %sign3A_37 = arith.extui %sign3A_36 : i1 to i32
    %sign3A_38 = arith.subi %sign3A_34, %sign3A_37 : i32
    %ne3A_39 = arith.cmpi ne, %sign3A_31, %sign3A_38 : i32
    %rem3A_40 = arith.remsi %mul3A_22, %jit3A_23 : i32
    %ne3A_41 = arith.constant 0 : i32
    %ne3A_42 = arith.cmpi ne, %rem3A_40, %ne3A_41 : i32
    %and3A_43 = arith.andi %ne3A_39, %ne3A_42 : i1
    %sub3A_44 = arith.constant 1 : i32
    %sub3A_45 = arith.subi %div3A_24, %sub3A_44 : i32
    %select_n3A_46 = arith.select %and3A_43, %sub3A_45, %div3A_24 : i32
    %sub3A_47 = arith.subi %select_n3A_46, %select_n3A : i32
    %scan3A = arith.constant 0 : i32
    %scan3A_48 = arith.constant 0 : i32
    %scan3A_49 = arith.constant 625 : i32
    %scan3A_50 = arith.addi %scan3A_48, %scan3A_49 : i32
    %scan3A_51 = arith.constant 1 : i32
    scf.for %scan3A_64 = %scan3A_48 to %scan3A_50 step %scan3A_51  : i32 {
      %broadcast_in_dim3A = arith.constant 0.000000e+00 : f32
      %broadcast_in_dim3A_65 = vector.broadcast %broadcast_in_dim3A : f32 to vector<16xf32>
      %swap3A = arith.index_cast %scan3A_64 : i32 to index
      %swap3A_66 = arith.constant 0 : index
      %swap3A_67 = tpu.vector_load %arg8[%swap3A, %swap3A_66] {strides = array<i32>} : memref<625x16xf32, #tpu.memory_space<vmem>>, vector<1x16xf32>,
      %swap3A_68 = vector.shape_cast %swap3A_67 : vector<1x16xf32> to vector<16xf32>
      %swap3A_69 = vector.shape_cast %broadcast_in_dim3A_65 : vector<16xf32> to vector<1x16xf32>
      tpu.vector_store %arg8[%swap3A, %swap3A_66], %swap3A_69 {strides = array<i32>} : memref<625x16xf32, #tpu.memory_space<vmem>>, vector<1x16xf32>,
    }
    %scan3A_52 = arith.constant 625 : i32
    %mul3A_53 = arith.constant 625 : i32
    %mul3A_54 = arith.muli %arg1, %mul3A_53 : i32
    "tpu.region"() ({
      %run_scoped3A = tpu.sem_alloc : memref<!tpu.dma_semaphore, #tpu.memory_space<semaphore_mem>>
      %dma_start3A = arith.constant 0 : i32
      %dma_start3A_64 = tpu.memref_slice %arg5[%mul3A_54, %dma_start3A] : memref<10000x16xf32, #tpu.memory_space<vmem_shared>> -> memref<625x16xf32, #tpu.memory_space<vmem_shared>>
      %dma_start3A_65 = arith.constant 0 : i32
      %dma_start3A_66 = tpu.memref_slice %arg5[%mul3A_54, %dma_start3A_65] : memref<10000x16xf32, #tpu.memory_space<vmem_shared>> -> memref<625x16xf32, #tpu.memory_space<vmem_shared>>
      tpu.enqueue_dma source(%arg8 : memref<625x16xf32, #tpu.memory_space<vmem>>) target(%dma_start3A_66 : memref<625x16xf32, #tpu.memory_space<vmem_shared>>) target_semaphore(%run_scoped3A : memref<!tpu.dma_semaphore, #tpu.memory_space<semaphore_mem>>)
      %dma_wait3A = arith.constant 0 : i32
      %dma_wait3A_67 = tpu.memref_slice %arg5[%mul3A_54, %dma_wait3A] : memref<10000x16xf32, #tpu.memory_space<vmem_shared>> -> memref<625x16xf32, #tpu.memory_space<vmem_shared>>
      %dma_wait3A_68 = arith.constant 0 : i32
      %dma_wait3A_69 = tpu.memref_slice %arg5[%mul3A_54, %dma_wait3A_68] : memref<10000x16xf32, #tpu.memory_space<vmem_shared>> -> memref<625x16xf32, #tpu.memory_space<vmem_shared>>
      tpu.wait_dma2 semaphore(%run_scoped3A : memref<!tpu.dma_semaphore, #tpu.memory_space<semaphore_mem>>) src(%arg8 : memref<625x16xf32, #tpu.memory_space<vmem>>) dst(%dma_wait3A_69 : memref<625x16xf32, #tpu.memory_space<vmem_shared>>)
      tpu.yield
    }) : () -> ()
    "tpu.region"() ({
      %run_scoped3A = tpu.sem_alloc : memref<!tpu.dma_semaphore, #tpu.memory_space<semaphore_mem>>
      %dma_start3A = arith.constant 0 : i32
      %dma_start3A_64 = tpu.memref_slice %arg3[%select_n3A, %dma_start3A] : memref<2500x128xi32, #tpu.memory_space<hbm>> -> memref<79x128xi32, #tpu.memory_space<hbm>>
      %dma_start3A_65 = arith.constant 0 : i32
      %dma_start3A_66 = tpu.memref_slice %arg3[%select_n3A, %dma_start3A_65] : memref<2500x128xi32, #tpu.memory_space<hbm>> -> memref<79x128xi32, #tpu.memory_space<hbm>>
      tpu.enqueue_dma source(%dma_start3A_66 : memref<79x128xi32, #tpu.memory_space<hbm>>) target(%arg6 : memref<79x128xi32, #tpu.memory_space<vmem>>) target_semaphore(%run_scoped3A : memref<!tpu.dma_semaphore, #tpu.memory_space<semaphore_mem>>)
      %dma_wait3A = arith.constant 0 : i32
      %dma_wait3A_67 = tpu.memref_slice %arg3[%select_n3A, %dma_wait3A] : memref<2500x128xi32, #tpu.memory_space<hbm>> -> memref<79x128xi32, #tpu.memory_space<hbm>>
      %dma_wait3A_68 = arith.constant 0 : i32
      %dma_wait3A_69 = tpu.memref_slice %arg3[%select_n3A, %dma_wait3A_68] : memref<2500x128xi32, #tpu.memory_space<hbm>> -> memref<79x128xi32, #tpu.memory_space<hbm>>
      tpu.wait_dma2 semaphore(%run_scoped3A : memref<!tpu.dma_semaphore, #tpu.memory_space<semaphore_mem>>) src(%dma_wait3A_69 : memref<79x128xi32, #tpu.memory_space<hbm>>) dst(%arg6 : memref<79x128xi32, #tpu.memory_space<vmem>>)
      tpu.yield
    }) : () -> ()
    %barrier3A = arith.constant 0 : index
    tpu.barrier barrier_id(%barrier3A)
    %scan3A_55 = arith.constant 0 : i32
    %scan3A_56 = arith.constant 0 : i32
    %scan3A_57 = arith.constant 13 : i32
    %scan3A_58 = arith.addi %scan3A_56, %scan3A_57 : i32
    %scan3A_59 = arith.constant 1 : i32
    scf.for %scan3A_64 = %scan3A_56 to %scan3A_58 step %scan3A_59  : i32 {
      %mul3A_65 = arith.constant 6 : i32
      %mul3A_66 = arith.muli %scan3A_64, %mul3A_65 : i32
      %add3A_67 = arith.addi %select_n3A, %mul3A_66 : i32
      %add3A_68 = arith.constant 0 : i32
      %add3A_69 = arith.addi %add3A_67, %add3A_68 : i32
      %mul3A_70 = arith.constant 128 : i32
      %mul3A_71 = arith.muli %add3A_69, %mul3A_70 : i32
      %dma_start3A = arith.constant 0 : i32
      %dma_start3A_72 = arith.constant 0 : i32
      %dma_start3A_73 = arith.constant 0 : i32
      %dma_start3A_74 = tpu.memref_slice %arg7[%dma_start3A, %dma_start3A_72, %dma_start3A_73] : memref<6x128x16xf32, #tpu.memory_space<vmem>> -> memref<1x128x16xf32, #tpu.memory_space<vmem>>
      %dma_start3A_75 = tpu.memref_squeeze %dma_start3A_74 : memref<1x128x16xf32, #tpu.memory_space<vmem>> -> memref<128x16xf32, #tpu.memory_space<vmem>>
      %dma_start3A_76 = arith.constant 0 : i32
      %dma_start3A_77 = tpu.memref_slice %arg2[%mul3A_71, %dma_start3A_76] : memref<320000x16xf32, #tpu.memory_space<hbm>> -> memref<128x16xf32, #tpu.memory_space<hbm>>
      %dma_start3A_78 = arith.constant 0 : i32
      %dma_start3A_79 = arith.constant 0 : i32
      %dma_start3A_80 = tpu.memref_slice %arg7[%dma_start3A, %dma_start3A_78, %dma_start3A_79] : memref<6x128x16xf32, #tpu.memory_space<vmem>> -> memref<1x128x16xf32, #tpu.memory_space<vmem>>
      %dma_start3A_81 = tpu.memref_squeeze %dma_start3A_80 : memref<1x128x16xf32, #tpu.memory_space<vmem>> -> memref<128x16xf32, #tpu.memory_space<vmem>>
      %dma_start3A_82 = arith.constant 0 : i32
      %dma_start3A_83 = tpu.memref_slice %arg2[%mul3A_71, %dma_start3A_82] : memref<320000x16xf32, #tpu.memory_space<hbm>> -> memref<128x16xf32, #tpu.memory_space<hbm>>
      tpu.enqueue_dma source(%dma_start3A_83 : memref<128x16xf32, #tpu.memory_space<hbm>>) target(%dma_start3A_81 : memref<128x16xf32, #tpu.memory_space<vmem>>) target_semaphore(%arg9 : memref<!tpu.dma_semaphore, #tpu.memory_space<semaphore_mem>>)
      %add3A_84 = arith.addi %select_n3A, %mul3A_66 : i32
      %add3A_85 = arith.constant 1 : i32
      %add3A_86 = arith.addi %add3A_84, %add3A_85 : i32
      %mul3A_87 = arith.constant 128 : i32
      %mul3A_88 = arith.muli %add3A_86, %mul3A_87 : i32
      %dma_start3A_89 = arith.constant 1 : i32
      %dma_start3A_90 = arith.constant 0 : i32
      %dma_start3A_91 = arith.constant 0 : i32
      %dma_start3A_92 = tpu.memref_slice %arg7[%dma_start3A_89, %dma_start3A_90, %dma_start3A_91] : memref<6x128x16xf32, #tpu.memory_space<vmem>> -> memref<1x128x16xf32, #tpu.memory_space<vmem>>
      %dma_start3A_93 = tpu.memref_squeeze %dma_start3A_92 : memref<1x128x16xf32, #tpu.memory_space<vmem>> -> memref<128x16xf32, #tpu.memory_space<vmem>>
      %dma_start3A_94 = arith.constant 0 : i32
      %dma_start3A_95 = tpu.memref_slice %arg2[%mul3A_88, %dma_start3A_94] : memref<320000x16xf32, #tpu.memory_space<hbm>> -> memref<128x16xf32, #tpu.memory_space<hbm>>
      %dma_start3A_96 = arith.constant 0 : i32
      %dma_start3A_97 = arith.constant 0 : i32
      %dma_start3A_98 = tpu.memref_slice %arg7[%dma_start3A_89, %dma_start3A_96, %dma_start3A_97] : memref<6x128x16xf32, #tpu.memory_space<vmem>> -> memref<1x128x16xf32, #tpu.memory_space<vmem>>
      %dma_start3A_99 = tpu.memref_squeeze %dma_start3A_98 : memref<1x128x16xf32, #tpu.memory_space<vmem>> -> memref<128x16xf32, #tpu.memory_space<vmem>>
      %dma_start3A_100 = arith.constant 0 : i32
      %dma_start3A_101 = tpu.memref_slice %arg2[%mul3A_88, %dma_start3A_100] : memref<320000x16xf32, #tpu.memory_space<hbm>> -> memref<128x16xf32, #tpu.memory_space<hbm>>
      tpu.enqueue_dma source(%dma_start3A_101 : memref<128x16xf32, #tpu.memory_space<hbm>>) target(%dma_start3A_99 : memref<128x16xf32, #tpu.memory_space<vmem>>) target_semaphore(%arg9 : memref<!tpu.dma_semaphore, #tpu.memory_space<semaphore_mem>>)
      %add3A_102 = arith.addi %select_n3A, %mul3A_66 : i32
      %add3A_103 = arith.constant 2 : i32
      %add3A_104 = arith.addi %add3A_102, %add3A_103 : i32
      %mul3A_105 = arith.constant 128 : i32
      %mul3A_106 = arith.muli %add3A_104, %mul3A_105 : i32
      %dma_start3A_107 = arith.constant 2 : i32
      %dma_start3A_108 = arith.constant 0 : i32
      %dma_start3A_109 = arith.constant 0 : i32
      %dma_start3A_110 = tpu.memref_slice %arg7[%dma_start3A_107, %dma_start3A_108, %dma_start3A_109] : memref<6x128x16xf32, #tpu.memory_space<vmem>> -> memref<1x128x16xf32, #tpu.memory_space<vmem>>
      %dma_start3A_111 = tpu.memref_squeeze %dma_start3A_110 : memref<1x128x16xf32, #tpu.memory_space<vmem>> -> memref<128x16xf32, #tpu.memory_space<vmem>>
      %dma_start3A_112 = arith.constant 0 : i32
      %dma_start3A_113 = tpu.memref_slice %arg2[%mul3A_106, %dma_start3A_112] : memref<320000x16xf32, #tpu.memory_space<hbm>> -> memref<128x16xf32, #tpu.memory_space<hbm>>
      %dma_start3A_114 = arith.constant 0 : i32
      %dma_start3A_115 = arith.constant 0 : i32
      %dma_start3A_116 = tpu.memref_slice %arg7[%dma_start3A_107, %dma_start3A_114, %dma_start3A_115] : memref<6x128x16xf32, #tpu.memory_space<vmem>> -> memref<1x128x16xf32, #tpu.memory_space<vmem>>
      %dma_start3A_117 = tpu.memref_squeeze %dma_start3A_116 : memref<1x128x16xf32, #tpu.memory_space<vmem>> -> memref<128x16xf32, #tpu.memory_space<vmem>>
      %dma_start3A_118 = arith.constant 0 : i32
      %dma_start3A_119 = tpu.memref_slice %arg2[%mul3A_106, %dma_start3A_118] : memref<320000x16xf32, #tpu.memory_space<hbm>> -> memref<128x16xf32, #tpu.memory_space<hbm>>
      tpu.enqueue_dma source(%dma_start3A_119 : memref<128x16xf32, #tpu.memory_space<hbm>>) target(%dma_start3A_117 : memref<128x16xf32, #tpu.memory_space<vmem>>) target_semaphore(%arg9 : memref<!tpu.dma_semaphore, #tpu.memory_space<semaphore_mem>>)
      %add3A_120 = arith.addi %select_n3A, %mul3A_66 : i32
      %add3A_121 = arith.constant 3 : i32
      %add3A_122 = arith.addi %add3A_120, %add3A_121 : i32
      %mul3A_123 = arith.constant 128 : i32
      %mul3A_124 = arith.muli %add3A_122, %mul3A_123 : i32
      %dma_start3A_125 = arith.constant 3 : i32
      %dma_start3A_126 = arith.constant 0 : i32
      %dma_start3A_127 = arith.constant 0 : i32
      %dma_start3A_128 = tpu.memref_slice %arg7[%dma_start3A_125, %dma_start3A_126, %dma_start3A_127] : memref<6x128x16xf32, #tpu.memory_space<vmem>> -> memref<1x128x16xf32, #tpu.memory_space<vmem>>
      %dma_start3A_129 = tpu.memref_squeeze %dma_start3A_128 : memref<1x128x16xf32, #tpu.memory_space<vmem>> -> memref<128x16xf32, #tpu.memory_space<vmem>>
      %dma_start3A_130 = arith.constant 0 : i32
      %dma_start3A_131 = tpu.memref_slice %arg2[%mul3A_124, %dma_start3A_130] : memref<320000x16xf32, #tpu.memory_space<hbm>> -> memref<128x16xf32, #tpu.memory_space<hbm>>
      %dma_start3A_132 = arith.constant 0 : i32
      %dma_start3A_133 = arith.constant 0 : i32
      %dma_start3A_134 = tpu.memref_slice %arg7[%dma_start3A_125, %dma_start3A_132, %dma_start3A_133] : memref<6x128x16xf32, #tpu.memory_space<vmem>> -> memref<1x128x16xf32, #tpu.memory_space<vmem>>
      %dma_start3A_135 = tpu.memref_squeeze %dma_start3A_134 : memref<1x128x16xf32, #tpu.memory_space<vmem>> -> memref<128x16xf32, #tpu.memory_space<vmem>>
      %dma_start3A_136 = arith.constant 0 : i32
      %dma_start3A_137 = tpu.memref_slice %arg2[%mul3A_124, %dma_start3A_136] : memref<320000x16xf32, #tpu.memory_space<hbm>> -> memref<128x16xf32, #tpu.memory_space<hbm>>
      tpu.enqueue_dma source(%dma_start3A_137 : memref<128x16xf32, #tpu.memory_space<hbm>>) target(%dma_start3A_135 : memref<128x16xf32, #tpu.memory_space<vmem>>) target_semaphore(%arg9 : memref<!tpu.dma_semaphore, #tpu.memory_space<semaphore_mem>>)
      %add3A_138 = arith.addi %select_n3A, %mul3A_66 : i32
      %add3A_139 = arith.constant 4 : i32
      %add3A_140 = arith.addi %add3A_138, %add3A_139 : i32
      %mul3A_141 = arith.constant 128 : i32
      %mul3A_142 = arith.muli %add3A_140, %mul3A_141 : i32
      %dma_start3A_143 = arith.constant 4 : i32
      %dma_start3A_144 = arith.constant 0 : i32
      %dma_start3A_145 = arith.constant 0 : i32
      %dma_start3A_146 = tpu.memref_slice %arg7[%dma_start3A_143, %dma_start3A_144, %dma_start3A_145] : memref<6x128x16xf32, #tpu.memory_space<vmem>> -> memref<1x128x16xf32, #tpu.memory_space<vmem>>
      %dma_start3A_147 = tpu.memref_squeeze %dma_start3A_146 : memref<1x128x16xf32, #tpu.memory_space<vmem>> -> memref<128x16xf32, #tpu.memory_space<vmem>>
      %dma_start3A_148 = arith.constant 0 : i32
      %dma_start3A_149 = tpu.memref_slice %arg2[%mul3A_142, %dma_start3A_148] : memref<320000x16xf32, #tpu.memory_space<hbm>> -> memref<128x16xf32, #tpu.memory_space<hbm>>
      %dma_start3A_150 = arith.constant 0 : i32
      %dma_start3A_151 = arith.constant 0 : i32
      %dma_start3A_152 = tpu.memref_slice %arg7[%dma_start3A_143, %dma_start3A_150, %dma_start3A_151] : memref<6x128x16xf32, #tpu.memory_space<vmem>> -> memref<1x128x16xf32, #tpu.memory_space<vmem>>
      %dma_start3A_153 = tpu.memref_squeeze %dma_start3A_152 : memref<1x128x16xf32, #tpu.memory_space<vmem>> -> memref<128x16xf32, #tpu.memory_space<vmem>>
      %dma_start3A_154 = arith.constant 0 : i32
      %dma_start3A_155 = tpu.memref_slice %arg2[%mul3A_142, %dma_start3A_154] : memref<320000x16xf32, #tpu.memory_space<hbm>> -> memref<128x16xf32, #tpu.memory_space<hbm>>
      tpu.enqueue_dma source(%dma_start3A_155 : memref<128x16xf32, #tpu.memory_space<hbm>>) target(%dma_start3A_153 : memref<128x16xf32, #tpu.memory_space<vmem>>) target_semaphore(%arg9 : memref<!tpu.dma_semaphore, #tpu.memory_space<semaphore_mem>>)
      %add3A_156 = arith.addi %select_n3A, %mul3A_66 : i32
      %add3A_157 = arith.constant 5 : i32
      %add3A_158 = arith.addi %add3A_156, %add3A_157 : i32
      %mul3A_159 = arith.constant 128 : i32
      %mul3A_160 = arith.muli %add3A_158, %mul3A_159 : i32
      %dma_start3A_161 = arith.constant 5 : i32
      %dma_start3A_162 = arith.constant 0 : i32
      %dma_start3A_163 = arith.constant 0 : i32
      %dma_start3A_164 = tpu.memref_slice %arg7[%dma_start3A_161, %dma_start3A_162, %dma_start3A_163] : memref<6x128x16xf32, #tpu.memory_space<vmem>> -> memref<1x128x16xf32, #tpu.memory_space<vmem>>
      %dma_start3A_165 = tpu.memref_squeeze %dma_start3A_164 : memref<1x128x16xf32, #tpu.memory_space<vmem>> -> memref<128x16xf32, #tpu.memory_space<vmem>>
      %dma_start3A_166 = arith.constant 0 : i32
      %dma_start3A_167 = tpu.memref_slice %arg2[%mul3A_160, %dma_start3A_166] : memref<320000x16xf32, #tpu.memory_space<hbm>> -> memref<128x16xf32, #tpu.memory_space<hbm>>
      %dma_start3A_168 = arith.constant 0 : i32
      %dma_start3A_169 = arith.constant 0 : i32
      %dma_start3A_170 = tpu.memref_slice %arg7[%dma_start3A_161, %dma_start3A_168, %dma_start3A_169] : memref<6x128x16xf32, #tpu.memory_space<vmem>> -> memref<1x128x16xf32, #tpu.memory_space<vmem>>
      %dma_start3A_171 = tpu.memref_squeeze %dma_start3A_170 : memref<1x128x16xf32, #tpu.memory_space<vmem>> -> memref<128x16xf32, #tpu.memory_space<vmem>>
      %dma_start3A_172 = arith.constant 0 : i32
      %dma_start3A_173 = tpu.memref_slice %arg2[%mul3A_160, %dma_start3A_172] : memref<320000x16xf32, #tpu.memory_space<hbm>> -> memref<128x16xf32, #tpu.memory_space<hbm>>
      tpu.enqueue_dma source(%dma_start3A_173 : memref<128x16xf32, #tpu.memory_space<hbm>>) target(%dma_start3A_171 : memref<128x16xf32, #tpu.memory_space<vmem>>) target_semaphore(%arg9 : memref<!tpu.dma_semaphore, #tpu.memory_space<semaphore_mem>>)
      %dma_wait3A = arith.constant 0 : i32
      %dma_wait3A_174 = arith.constant 0 : i32
      %dma_wait3A_175 = arith.constant 0 : i32
      %dma_wait3A_176 = tpu.memref_slice %arg7[%dma_wait3A, %dma_wait3A_174, %dma_wait3A_175] : memref<6x128x16xf32, #tpu.memory_space<vmem>> -> memref<1x128x16xf32, #tpu.memory_space<vmem>>
      %dma_wait3A_177 = tpu.memref_squeeze %dma_wait3A_176 : memref<1x128x16xf32, #tpu.memory_space<vmem>> -> memref<128x16xf32, #tpu.memory_space<vmem>>
      %dma_wait3A_178 = arith.constant 0 : i32
      %dma_wait3A_179 = tpu.memref_slice %arg2[%mul3A_71, %dma_wait3A_178] : memref<320000x16xf32, #tpu.memory_space<hbm>> -> memref<128x16xf32, #tpu.memory_space<hbm>>
      %dma_wait3A_180 = arith.constant 0 : i32
      %dma_wait3A_181 = arith.constant 0 : i32
      %dma_wait3A_182 = tpu.memref_slice %arg7[%dma_wait3A, %dma_wait3A_180, %dma_wait3A_181] : memref<6x128x16xf32, #tpu.memory_space<vmem>> -> memref<1x128x16xf32, #tpu.memory_space<vmem>>
      %dma_wait3A_183 = tpu.memref_squeeze %dma_wait3A_182 : memref<1x128x16xf32, #tpu.memory_space<vmem>> -> memref<128x16xf32, #tpu.memory_space<vmem>>
      %dma_wait3A_184 = arith.constant 0 : i32
      %dma_wait3A_185 = tpu.memref_slice %arg2[%mul3A_71, %dma_wait3A_184] : memref<320000x16xf32, #tpu.memory_space<hbm>> -> memref<128x16xf32, #tpu.memory_space<hbm>>
      tpu.wait_dma2 semaphore(%arg9 : memref<!tpu.dma_semaphore, #tpu.memory_space<semaphore_mem>>) src(%dma_wait3A_185 : memref<128x16xf32, #tpu.memory_space<hbm>>) dst(%dma_wait3A_183 : memref<128x16xf32, #tpu.memory_space<vmem>>)
      %dma_wait3A_186 = arith.constant 1 : i32
      %dma_wait3A_187 = arith.constant 0 : i32
      %dma_wait3A_188 = arith.constant 0 : i32
      %dma_wait3A_189 = tpu.memref_slice %arg7[%dma_wait3A_186, %dma_wait3A_187, %dma_wait3A_188] : memref<6x128x16xf32, #tpu.memory_space<vmem>> -> memref<1x128x16xf32, #tpu.memory_space<vmem>>
      %dma_wait3A_190 = tpu.memref_squeeze %dma_wait3A_189 : memref<1x128x16xf32, #tpu.memory_space<vmem>> -> memref<128x16xf32, #tpu.memory_space<vmem>>
      %dma_wait3A_191 = arith.constant 0 : i32
      %dma_wait3A_192 = tpu.memref_slice %arg2[%mul3A_88, %dma_wait3A_191] : memref<320000x16xf32, #tpu.memory_space<hbm>> -> memref<128x16xf32, #tpu.memory_space<hbm>>
      %dma_wait3A_193 = arith.constant 0 : i32
      %dma_wait3A_194 = arith.constant 0 : i32
      %dma_wait3A_195 = tpu.memref_slice %arg7[%dma_wait3A_186, %dma_wait3A_193, %dma_wait3A_194] : memref<6x128x16xf32, #tpu.memory_space<vmem>> -> memref<1x128x16xf32, #tpu.memory_space<vmem>>
      %dma_wait3A_196 = tpu.memref_squeeze %dma_wait3A_195 : memref<1x128x16xf32, #tpu.memory_space<vmem>> -> memref<128x16xf32, #tpu.memory_space<vmem>>
      %dma_wait3A_197 = arith.constant 0 : i32
      %dma_wait3A_198 = tpu.memref_slice %arg2[%mul3A_88, %dma_wait3A_197] : memref<320000x16xf32, #tpu.memory_space<hbm>> -> memref<128x16xf32, #tpu.memory_space<hbm>>
      tpu.wait_dma2 semaphore(%arg9 : memref<!tpu.dma_semaphore, #tpu.memory_space<semaphore_mem>>) src(%dma_wait3A_198 : memref<128x16xf32, #tpu.memory_space<hbm>>) dst(%dma_wait3A_196 : memref<128x16xf32, #tpu.memory_space<vmem>>)
      %dma_wait3A_199 = arith.constant 2 : i32
      %dma_wait3A_200 = arith.constant 0 : i32
      %dma_wait3A_201 = arith.constant 0 : i32
      %dma_wait3A_202 = tpu.memref_slice %arg7[%dma_wait3A_199, %dma_wait3A_200, %dma_wait3A_201] : memref<6x128x16xf32, #tpu.memory_space<vmem>> -> memref<1x128x16xf32, #tpu.memory_space<vmem>>
      %dma_wait3A_203 = tpu.memref_squeeze %dma_wait3A_202 : memref<1x128x16xf32, #tpu.memory_space<vmem>> -> memref<128x16xf32, #tpu.memory_space<vmem>>
      %dma_wait3A_204 = arith.constant 0 : i32
      %dma_wait3A_205 = tpu.memref_slice %arg2[%mul3A_106, %dma_wait3A_204] : memref<320000x16xf32, #tpu.memory_space<hbm>> -> memref<128x16xf32, #tpu.memory_space<hbm>>
      %dma_wait3A_206 = arith.constant 0 : i32
      %dma_wait3A_207 = arith.constant 0 : i32
      %dma_wait3A_208 = tpu.memref_slice %arg7[%dma_wait3A_199, %dma_wait3A_206, %dma_wait3A_207] : memref<6x128x16xf32, #tpu.memory_space<vmem>> -> memref<1x128x16xf32, #tpu.memory_space<vmem>>
      %dma_wait3A_209 = tpu.memref_squeeze %dma_wait3A_208 : memref<1x128x16xf32, #tpu.memory_space<vmem>> -> memref<128x16xf32, #tpu.memory_space<vmem>>
      %dma_wait3A_210 = arith.constant 0 : i32
      %dma_wait3A_211 = tpu.memref_slice %arg2[%mul3A_106, %dma_wait3A_210] : memref<320000x16xf32, #tpu.memory_space<hbm>> -> memref<128x16xf32, #tpu.memory_space<hbm>>
      tpu.wait_dma2 semaphore(%arg9 : memref<!tpu.dma_semaphore, #tpu.memory_space<semaphore_mem>>) src(%dma_wait3A_211 : memref<128x16xf32, #tpu.memory_space<hbm>>) dst(%dma_wait3A_209 : memref<128x16xf32, #tpu.memory_space<vmem>>)
      %dma_wait3A_212 = arith.constant 3 : i32
      %dma_wait3A_213 = arith.constant 0 : i32
      %dma_wait3A_214 = arith.constant 0 : i32
      %dma_wait3A_215 = tpu.memref_slice %arg7[%dma_wait3A_212, %dma_wait3A_213, %dma_wait3A_214] : memref<6x128x16xf32, #tpu.memory_space<vmem>> -> memref<1x128x16xf32, #tpu.memory_space<vmem>>
      %dma_wait3A_216 = tpu.memref_squeeze %dma_wait3A_215 : memref<1x128x16xf32, #tpu.memory_space<vmem>> -> memref<128x16xf32, #tpu.memory_space<vmem>>
      %dma_wait3A_217 = arith.constant 0 : i32
      %dma_wait3A_218 = tpu.memref_slice %arg2[%mul3A_124, %dma_wait3A_217] : memref<320000x16xf32, #tpu.memory_space<hbm>> -> memref<128x16xf32, #tpu.memory_space<hbm>>
      %dma_wait3A_219 = arith.constant 0 : i32
      %dma_wait3A_220 = arith.constant 0 : i32
      %dma_wait3A_221 = tpu.memref_slice %arg7[%dma_wait3A_212, %dma_wait3A_219, %dma_wait3A_220] : memref<6x128x16xf32, #tpu.memory_space<vmem>> -> memref<1x128x16xf32, #tpu.memory_space<vmem>>
      %dma_wait3A_222 = tpu.memref_squeeze %dma_wait3A_221 : memref<1x128x16xf32, #tpu.memory_space<vmem>> -> memref<128x16xf32, #tpu.memory_space<vmem>>
      %dma_wait3A_223 = arith.constant 0 : i32
      %dma_wait3A_224 = tpu.memref_slice %arg2[%mul3A_124, %dma_wait3A_223] : memref<320000x16xf32, #tpu.memory_space<hbm>> -> memref<128x16xf32, #tpu.memory_space<hbm>>
      tpu.wait_dma2 semaphore(%arg9 : memref<!tpu.dma_semaphore, #tpu.memory_space<semaphore_mem>>) src(%dma_wait3A_224 : memref<128x16xf32, #tpu.memory_space<hbm>>) dst(%dma_wait3A_222 : memref<128x16xf32, #tpu.memory_space<vmem>>)
      %dma_wait3A_225 = arith.constant 4 : i32
      %dma_wait3A_226 = arith.constant 0 : i32
      %dma_wait3A_227 = arith.constant 0 : i32
      %dma_wait3A_228 = tpu.memref_slice %arg7[%dma_wait3A_225, %dma_wait3A_226, %dma_wait3A_227] : memref<6x128x16xf32, #tpu.memory_space<vmem>> -> memref<1x128x16xf32, #tpu.memory_space<vmem>>
      %dma_wait3A_229 = tpu.memref_squeeze %dma_wait3A_228 : memref<1x128x16xf32, #tpu.memory_space<vmem>> -> memref<128x16xf32, #tpu.memory_space<vmem>>
      %dma_wait3A_230 = arith.constant 0 : i32
      %dma_wait3A_231 = tpu.memref_slice %arg2[%mul3A_142, %dma_wait3A_230] : memref<320000x16xf32, #tpu.memory_space<hbm>> -> memref<128x16xf32, #tpu.memory_space<hbm>>
      %dma_wait3A_232 = arith.constant 0 : i32
      %dma_wait3A_233 = arith.constant 0 : i32
      %dma_wait3A_234 = tpu.memref_slice %arg7[%dma_wait3A_225, %dma_wait3A_232, %dma_wait3A_233] : memref<6x128x16xf32, #tpu.memory_space<vmem>> -> memref<1x128x16xf32, #tpu.memory_space<vmem>>
      %dma_wait3A_235 = tpu.memref_squeeze %dma_wait3A_234 : memref<1x128x16xf32, #tpu.memory_space<vmem>> -> memref<128x16xf32, #tpu.memory_space<vmem>>
      %dma_wait3A_236 = arith.constant 0 : i32
      %dma_wait3A_237 = tpu.memref_slice %arg2[%mul3A_142, %dma_wait3A_236] : memref<320000x16xf32, #tpu.memory_space<hbm>> -> memref<128x16xf32, #tpu.memory_space<hbm>>
      tpu.wait_dma2 semaphore(%arg9 : memref<!tpu.dma_semaphore, #tpu.memory_space<semaphore_mem>>) src(%dma_wait3A_237 : memref<128x16xf32, #tpu.memory_space<hbm>>) dst(%dma_wait3A_235 : memref<128x16xf32, #tpu.memory_space<vmem>>)
      %dma_wait3A_238 = arith.constant 5 : i32
      %dma_wait3A_239 = arith.constant 0 : i32
      %dma_wait3A_240 = arith.constant 0 : i32
      %dma_wait3A_241 = tpu.memref_slice %arg7[%dma_wait3A_238, %dma_wait3A_239, %dma_wait3A_240] : memref<6x128x16xf32, #tpu.memory_space<vmem>> -> memref<1x128x16xf32, #tpu.memory_space<vmem>>
      %dma_wait3A_242 = tpu.memref_squeeze %dma_wait3A_241 : memref<1x128x16xf32, #tpu.memory_space<vmem>> -> memref<128x16xf32, #tpu.memory_space<vmem>>
      %dma_wait3A_243 = arith.constant 0 : i32
      %dma_wait3A_244 = tpu.memref_slice %arg2[%mul3A_160, %dma_wait3A_243] : memref<320000x16xf32, #tpu.memory_space<hbm>> -> memref<128x16xf32, #tpu.memory_space<hbm>>
      %dma_wait3A_245 = arith.constant 0 : i32
      %dma_wait3A_246 = arith.constant 0 : i32
      %dma_wait3A_247 = tpu.memref_slice %arg7[%dma_wait3A_238, %dma_wait3A_245, %dma_wait3A_246] : memref<6x128x16xf32, #tpu.memory_space<vmem>> -> memref<1x128x16xf32, #tpu.memory_space<vmem>>
      %dma_wait3A_248 = tpu.memref_squeeze %dma_wait3A_247 : memref<1x128x16xf32, #tpu.memory_space<vmem>> -> memref<128x16xf32, #tpu.memory_space<vmem>>
      %dma_wait3A_249 = arith.constant 0 : i32
      %dma_wait3A_250 = tpu.memref_slice %arg2[%mul3A_160, %dma_wait3A_249] : memref<320000x16xf32, #tpu.memory_space<hbm>> -> memref<128x16xf32, #tpu.memory_space<hbm>>
      tpu.wait_dma2 semaphore(%arg9 : memref<!tpu.dma_semaphore, #tpu.memory_space<semaphore_mem>>) src(%dma_wait3A_250 : memref<128x16xf32, #tpu.memory_space<hbm>>) dst(%dma_wait3A_248 : memref<128x16xf32, #tpu.memory_space<vmem>>)
      %add3A_251 = arith.constant 0 : i32
      %add3A_252 = arith.addi %mul3A_66, %add3A_251 : i32
      %dma_start3A_253 = arith.constant 0 : i32
      %dma_start3A_254 = arith.constant 0 : i32
      %dma_start3A_255 = arith.constant 0 : i32
      %dma_start3A_256 = tpu.memref_slice %arg7[%dma_start3A_253, %dma_start3A_254, %dma_start3A_255] : memref<6x128x16xf32, #tpu.memory_space<vmem>> -> memref<1x128x16xf32, #tpu.memory_space<vmem>>
      %dma_start3A_257 = tpu.memref_squeeze %dma_start3A_256 : memref<1x128x16xf32, #tpu.memory_space<vmem>> -> memref<128x16xf32, #tpu.memory_space<vmem>>
      %dma_start3A_258 = arith.constant 0 : i32
      %dma_start3A_259 = tpu.memref_slice %arg6[%add3A_252, %dma_start3A_258] : memref<79x128xi32, #tpu.memory_space<vmem>> -> memref<1x128xi32, #tpu.memory_space<vmem>>
      %dma_start3A_260 = tpu.memref_squeeze %dma_start3A_259 : memref<1x128xi32, #tpu.memory_space<vmem>> -> memref<128xi32, #tpu.memory_space<vmem>>
      %dma_start3A_261 = arith.constant 0 : i32
      %dma_start3A_262 = arith.constant 0 : i32
      %dma_start3A_263 = tpu.memref_slice %arg5[%dma_start3A_261, %dma_start3A_262] : memref<10000x16xf32, #tpu.memory_space<vmem_shared>> -> memref<10000x16xf32, #tpu.memory_space<vmem_shared>>
      tpu.enqueue_indirect_dma source(%dma_start3A_257 : memref<128x16xf32, #tpu.memory_space<vmem>>) target(%dma_start3A_263 : memref<10000x16xf32, #tpu.memory_space<vmem_shared>>) offsets(%dma_start3A_260 : memref<128xi32, #tpu.memory_space<vmem>>) semaphore(%arg10 : memref<!tpu.dma_semaphore, #tpu.memory_space<semaphore_mem>>) {add = true}
      %add3A_264 = arith.constant 1 : i32
      %add3A_265 = arith.addi %mul3A_66, %add3A_264 : i32
      %dma_start3A_266 = arith.constant 1 : i32
      %dma_start3A_267 = arith.constant 0 : i32
      %dma_start3A_268 = arith.constant 0 : i32
      %dma_start3A_269 = tpu.memref_slice %arg7[%dma_start3A_266, %dma_start3A_267, %dma_start3A_268] : memref<6x128x16xf32, #tpu.memory_space<vmem>> -> memref<1x128x16xf32, #tpu.memory_space<vmem>>
      %dma_start3A_270 = tpu.memref_squeeze %dma_start3A_269 : memref<1x128x16xf32, #tpu.memory_space<vmem>> -> memref<128x16xf32, #tpu.memory_space<vmem>>
      %dma_start3A_271 = arith.constant 0 : i32
      %dma_start3A_272 = tpu.memref_slice %arg6[%add3A_265, %dma_start3A_271] : memref<79x128xi32, #tpu.memory_space<vmem>> -> memref<1x128xi32, #tpu.memory_space<vmem>>
      %dma_start3A_273 = tpu.memref_squeeze %dma_start3A_272 : memref<1x128xi32, #tpu.memory_space<vmem>> -> memref<128xi32, #tpu.memory_space<vmem>>
      %dma_start3A_274 = arith.constant 0 : i32
      %dma_start3A_275 = arith.constant 0 : i32
      %dma_start3A_276 = tpu.memref_slice %arg5[%dma_start3A_274, %dma_start3A_275] : memref<10000x16xf32, #tpu.memory_space<vmem_shared>> -> memref<10000x16xf32, #tpu.memory_space<vmem_shared>>
      tpu.enqueue_indirect_dma source(%dma_start3A_270 : memref<128x16xf32, #tpu.memory_space<vmem>>) target(%dma_start3A_276 : memref<10000x16xf32, #tpu.memory_space<vmem_shared>>) offsets(%dma_start3A_273 : memref<128xi32, #tpu.memory_space<vmem>>) semaphore(%arg10 : memref<!tpu.dma_semaphore, #tpu.memory_space<semaphore_mem>>) {add = true}
      %add3A_277 = arith.constant 2 : i32
      %add3A_278 = arith.addi %mul3A_66, %add3A_277 : i32
      %dma_start3A_279 = arith.constant 2 : i32
      %dma_start3A_280 = arith.constant 0 : i32
      %dma_start3A_281 = arith.constant 0 : i32
      %dma_start3A_282 = tpu.memref_slice %arg7[%dma_start3A_279, %dma_start3A_280, %dma_start3A_281] : memref<6x128x16xf32, #tpu.memory_space<vmem>> -> memref<1x128x16xf32, #tpu.memory_space<vmem>>
      %dma_start3A_283 = tpu.memref_squeeze %dma_start3A_282 : memref<1x128x16xf32, #tpu.memory_space<vmem>> -> memref<128x16xf32, #tpu.memory_space<vmem>>
      %dma_start3A_284 = arith.constant 0 : i32
      %dma_start3A_285 = tpu.memref_slice %arg6[%add3A_278, %dma_start3A_284] : memref<79x128xi32, #tpu.memory_space<vmem>> -> memref<1x128xi32, #tpu.memory_space<vmem>>
      %dma_start3A_286 = tpu.memref_squeeze %dma_start3A_285 : memref<1x128xi32, #tpu.memory_space<vmem>> -> memref<128xi32, #tpu.memory_space<vmem>>
      %dma_start3A_287 = arith.constant 0 : i32
      %dma_start3A_288 = arith.constant 0 : i32
      %dma_start3A_289 = tpu.memref_slice %arg5[%dma_start3A_287, %dma_start3A_288] : memref<10000x16xf32, #tpu.memory_space<vmem_shared>> -> memref<10000x16xf32, #tpu.memory_space<vmem_shared>>
      tpu.enqueue_indirect_dma source(%dma_start3A_283 : memref<128x16xf32, #tpu.memory_space<vmem>>) target(%dma_start3A_289 : memref<10000x16xf32, #tpu.memory_space<vmem_shared>>) offsets(%dma_start3A_286 : memref<128xi32, #tpu.memory_space<vmem>>) semaphore(%arg10 : memref<!tpu.dma_semaphore, #tpu.memory_space<semaphore_mem>>) {add = true}
      %add3A_290 = arith.constant 3 : i32
      %add3A_291 = arith.addi %mul3A_66, %add3A_290 : i32
      %dma_start3A_292 = arith.constant 3 : i32
      %dma_start3A_293 = arith.constant 0 : i32
      %dma_start3A_294 = arith.constant 0 : i32
      %dma_start3A_295 = tpu.memref_slice %arg7[%dma_start3A_292, %dma_start3A_293, %dma_start3A_294] : memref<6x128x16xf32, #tpu.memory_space<vmem>> -> memref<1x128x16xf32, #tpu.memory_space<vmem>>
      %dma_start3A_296 = tpu.memref_squeeze %dma_start3A_295 : memref<1x128x16xf32, #tpu.memory_space<vmem>> -> memref<128x16xf32, #tpu.memory_space<vmem>>
      %dma_start3A_297 = arith.constant 0 : i32
      %dma_start3A_298 = tpu.memref_slice %arg6[%add3A_291, %dma_start3A_297] : memref<79x128xi32, #tpu.memory_space<vmem>> -> memref<1x128xi32, #tpu.memory_space<vmem>>
      %dma_start3A_299 = tpu.memref_squeeze %dma_start3A_298 : memref<1x128xi32, #tpu.memory_space<vmem>> -> memref<128xi32, #tpu.memory_space<vmem>>
      %dma_start3A_300 = arith.constant 0 : i32
      %dma_start3A_301 = arith.constant 0 : i32
      %dma_start3A_302 = tpu.memref_slice %arg5[%dma_start3A_300, %dma_start3A_301] : memref<10000x16xf32, #tpu.memory_space<vmem_shared>> -> memref<10000x16xf32, #tpu.memory_space<vmem_shared>>
      tpu.enqueue_indirect_dma source(%dma_start3A_296 : memref<128x16xf32, #tpu.memory_space<vmem>>) target(%dma_start3A_302 : memref<10000x16xf32, #tpu.memory_space<vmem_shared>>) offsets(%dma_start3A_299 : memref<128xi32, #tpu.memory_space<vmem>>) semaphore(%arg10 : memref<!tpu.dma_semaphore, #tpu.memory_space<semaphore_mem>>) {add = true}
      %add3A_303 = arith.constant 4 : i32
      %add3A_304 = arith.addi %mul3A_66, %add3A_303 : i32
      %dma_start3A_305 = arith.constant 4 : i32
      %dma_start3A_306 = arith.constant 0 : i32
      %dma_start3A_307 = arith.constant 0 : i32
      %dma_start3A_308 = tpu.memref_slice %arg7[%dma_start3A_305, %dma_start3A_306, %dma_start3A_307] : memref<6x128x16xf32, #tpu.memory_space<vmem>> -> memref<1x128x16xf32, #tpu.memory_space<vmem>>
      %dma_start3A_309 = tpu.memref_squeeze %dma_start3A_308 : memref<1x128x16xf32, #tpu.memory_space<vmem>> -> memref<128x16xf32, #tpu.memory_space<vmem>>
      %dma_start3A_310 = arith.constant 0 : i32
      %dma_start3A_311 = tpu.memref_slice %arg6[%add3A_304, %dma_start3A_310] : memref<79x128xi32, #tpu.memory_space<vmem>> -> memref<1x128xi32, #tpu.memory_space<vmem>>
      %dma_start3A_312 = tpu.memref_squeeze %dma_start3A_311 : memref<1x128xi32, #tpu.memory_space<vmem>> -> memref<128xi32, #tpu.memory_space<vmem>>
      %dma_start3A_313 = arith.constant 0 : i32
      %dma_start3A_314 = arith.constant 0 : i32
      %dma_start3A_315 = tpu.memref_slice %arg5[%dma_start3A_313, %dma_start3A_314] : memref<10000x16xf32, #tpu.memory_space<vmem_shared>> -> memref<10000x16xf32, #tpu.memory_space<vmem_shared>>
      tpu.enqueue_indirect_dma source(%dma_start3A_309 : memref<128x16xf32, #tpu.memory_space<vmem>>) target(%dma_start3A_315 : memref<10000x16xf32, #tpu.memory_space<vmem_shared>>) offsets(%dma_start3A_312 : memref<128xi32, #tpu.memory_space<vmem>>) semaphore(%arg10 : memref<!tpu.dma_semaphore, #tpu.memory_space<semaphore_mem>>) {add = true}
      %add3A_316 = arith.constant 5 : i32
      %add3A_317 = arith.addi %mul3A_66, %add3A_316 : i32
      %dma_start3A_318 = arith.constant 5 : i32
      %dma_start3A_319 = arith.constant 0 : i32
      %dma_start3A_320 = arith.constant 0 : i32
      %dma_start3A_321 = tpu.memref_slice %arg7[%dma_start3A_318, %dma_start3A_319, %dma_start3A_320] : memref<6x128x16xf32, #tpu.memory_space<vmem>> -> memref<1x128x16xf32, #tpu.memory_space<vmem>>
      %dma_start3A_322 = tpu.memref_squeeze %dma_start3A_321 : memref<1x128x16xf32, #tpu.memory_space<vmem>> -> memref<128x16xf32, #tpu.memory_space<vmem>>
      %dma_start3A_323 = arith.constant 0 : i32
      %dma_start3A_324 = tpu.memref_slice %arg6[%add3A_317, %dma_start3A_323] : memref<79x128xi32, #tpu.memory_space<vmem>> -> memref<1x128xi32, #tpu.memory_space<vmem>>
      %dma_start3A_325 = tpu.memref_squeeze %dma_start3A_324 : memref<1x128xi32, #tpu.memory_space<vmem>> -> memref<128xi32, #tpu.memory_space<vmem>>
      %dma_start3A_326 = arith.constant 0 : i32
      %dma_start3A_327 = arith.constant 0 : i32
      %dma_start3A_328 = tpu.memref_slice %arg5[%dma_start3A_326, %dma_start3A_327] : memref<10000x16xf32, #tpu.memory_space<vmem_shared>> -> memref<10000x16xf32, #tpu.memory_space<vmem_shared>>
      tpu.enqueue_indirect_dma source(%dma_start3A_322 : memref<128x16xf32, #tpu.memory_space<vmem>>) target(%dma_start3A_328 : memref<10000x16xf32, #tpu.memory_space<vmem_shared>>) offsets(%dma_start3A_325 : memref<128xi32, #tpu.memory_space<vmem>>) semaphore(%arg10 : memref<!tpu.dma_semaphore, #tpu.memory_space<semaphore_mem>>) {add = true}
      %dma_wait3A_329 = arith.constant 0 : i32
      %dma_wait3A_330 = arith.constant 0 : i32
      %dma_wait3A_331 = arith.constant 0 : i32
      %dma_wait3A_332 = tpu.memref_slice %arg7[%dma_wait3A_329, %dma_wait3A_330, %dma_wait3A_331] : memref<6x128x16xf32, #tpu.memory_space<vmem>> -> memref<1x128x16xf32, #tpu.memory_space<vmem>>
      %dma_wait3A_333 = tpu.memref_squeeze %dma_wait3A_332 : memref<1x128x16xf32, #tpu.memory_space<vmem>> -> memref<128x16xf32, #tpu.memory_space<vmem>>
      %dma_wait3A_334 = arith.constant 0 : i32
      %dma_wait3A_335 = tpu.memref_slice %arg6[%add3A_252, %dma_wait3A_334] : memref<79x128xi32, #tpu.memory_space<vmem>> -> memref<1x128xi32, #tpu.memory_space<vmem>>
      %dma_wait3A_336 = tpu.memref_squeeze %dma_wait3A_335 : memref<1x128xi32, #tpu.memory_space<vmem>> -> memref<128xi32, #tpu.memory_space<vmem>>
      %dma_wait3A_337 = arith.constant 0 : i32
      %dma_wait3A_338 = arith.constant 0 : i32
      %dma_wait3A_339 = tpu.memref_slice %arg5[%dma_wait3A_337, %dma_wait3A_338] : memref<10000x16xf32, #tpu.memory_space<vmem_shared>> -> memref<10000x16xf32, #tpu.memory_space<vmem_shared>>
      tpu.wait_indirect_dma semaphore(%arg10 : memref<!tpu.dma_semaphore, #tpu.memory_space<semaphore_mem>>) src(%dma_wait3A_333 : memref<128x16xf32, #tpu.memory_space<vmem>>) dst(%dma_wait3A_339 : memref<10000x16xf32, #tpu.memory_space<vmem_shared>>)
      %dma_wait3A_340 = arith.constant 1 : i32
      %dma_wait3A_341 = arith.constant 0 : i32
      %dma_wait3A_342 = arith.constant 0 : i32
      %dma_wait3A_343 = tpu.memref_slice %arg7[%dma_wait3A_340, %dma_wait3A_341, %dma_wait3A_342] : memref<6x128x16xf32, #tpu.memory_space<vmem>> -> memref<1x128x16xf32, #tpu.memory_space<vmem>>
      %dma_wait3A_344 = tpu.memref_squeeze %dma_wait3A_343 : memref<1x128x16xf32, #tpu.memory_space<vmem>> -> memref<128x16xf32, #tpu.memory_space<vmem>>
      %dma_wait3A_345 = arith.constant 0 : i32
      %dma_wait3A_346 = tpu.memref_slice %arg6[%add3A_265, %dma_wait3A_345] : memref<79x128xi32, #tpu.memory_space<vmem>> -> memref<1x128xi32, #tpu.memory_space<vmem>>
      %dma_wait3A_347 = tpu.memref_squeeze %dma_wait3A_346 : memref<1x128xi32, #tpu.memory_space<vmem>> -> memref<128xi32, #tpu.memory_space<vmem>>
      %dma_wait3A_348 = arith.constant 0 : i32
      %dma_wait3A_349 = arith.constant 0 : i32
      %dma_wait3A_350 = tpu.memref_slice %arg5[%dma_wait3A_348, %dma_wait3A_349] : memref<10000x16xf32, #tpu.memory_space<vmem_shared>> -> memref<10000x16xf32, #tpu.memory_space<vmem_shared>>
      tpu.wait_indirect_dma semaphore(%arg10 : memref<!tpu.dma_semaphore, #tpu.memory_space<semaphore_mem>>) src(%dma_wait3A_344 : memref<128x16xf32, #tpu.memory_space<vmem>>) dst(%dma_wait3A_350 : memref<10000x16xf32, #tpu.memory_space<vmem_shared>>)
      %dma_wait3A_351 = arith.constant 2 : i32
      %dma_wait3A_352 = arith.constant 0 : i32
      %dma_wait3A_353 = arith.constant 0 : i32
      %dma_wait3A_354 = tpu.memref_slice %arg7[%dma_wait3A_351, %dma_wait3A_352, %dma_wait3A_353] : memref<6x128x16xf32, #tpu.memory_space<vmem>> -> memref<1x128x16xf32, #tpu.memory_space<vmem>>
      %dma_wait3A_355 = tpu.memref_squeeze %dma_wait3A_354 : memref<1x128x16xf32, #tpu.memory_space<vmem>> -> memref<128x16xf32, #tpu.memory_space<vmem>>
      %dma_wait3A_356 = arith.constant 0 : i32
      %dma_wait3A_357 = tpu.memref_slice %arg6[%add3A_278, %dma_wait3A_356] : memref<79x128xi32, #tpu.memory_space<vmem>> -> memref<1x128xi32, #tpu.memory_space<vmem>>
      %dma_wait3A_358 = tpu.memref_squeeze %dma_wait3A_357 : memref<1x128xi32, #tpu.memory_space<vmem>> -> memref<128xi32, #tpu.memory_space<vmem>>
      %dma_wait3A_359 = arith.constant 0 : i32
      %dma_wait3A_360 = arith.constant 0 : i32
      %dma_wait3A_361 = tpu.memref_slice %arg5[%dma_wait3A_359, %dma_wait3A_360] : memref<10000x16xf32, #tpu.memory_space<vmem_shared>> -> memref<10000x16xf32, #tpu.memory_space<vmem_shared>>
      tpu.wait_indirect_dma semaphore(%arg10 : memref<!tpu.dma_semaphore, #tpu.memory_space<semaphore_mem>>) src(%dma_wait3A_355 : memref<128x16xf32, #tpu.memory_space<vmem>>) dst(%dma_wait3A_361 : memref<10000x16xf32, #tpu.memory_space<vmem_shared>>)
      %dma_wait3A_362 = arith.constant 3 : i32
      %dma_wait3A_363 = arith.constant 0 : i32
      %dma_wait3A_364 = arith.constant 0 : i32
      %dma_wait3A_365 = tpu.memref_slice %arg7[%dma_wait3A_362, %dma_wait3A_363, %dma_wait3A_364] : memref<6x128x16xf32, #tpu.memory_space<vmem>> -> memref<1x128x16xf32, #tpu.memory_space<vmem>>
      %dma_wait3A_366 = tpu.memref_squeeze %dma_wait3A_365 : memref<1x128x16xf32, #tpu.memory_space<vmem>> -> memref<128x16xf32, #tpu.memory_space<vmem>>
      %dma_wait3A_367 = arith.constant 0 : i32
      %dma_wait3A_368 = tpu.memref_slice %arg6[%add3A_291, %dma_wait3A_367] : memref<79x128xi32, #tpu.memory_space<vmem>> -> memref<1x128xi32, #tpu.memory_space<vmem>>
      %dma_wait3A_369 = tpu.memref_squeeze %dma_wait3A_368 : memref<1x128xi32, #tpu.memory_space<vmem>> -> memref<128xi32, #tpu.memory_space<vmem>>
      %dma_wait3A_370 = arith.constant 0 : i32
      %dma_wait3A_371 = arith.constant 0 : i32
      %dma_wait3A_372 = tpu.memref_slice %arg5[%dma_wait3A_370, %dma_wait3A_371] : memref<10000x16xf32, #tpu.memory_space<vmem_shared>> -> memref<10000x16xf32, #tpu.memory_space<vmem_shared>>
      tpu.wait_indirect_dma semaphore(%arg10 : memref<!tpu.dma_semaphore, #tpu.memory_space<semaphore_mem>>) src(%dma_wait3A_366 : memref<128x16xf32, #tpu.memory_space<vmem>>) dst(%dma_wait3A_372 : memref<10000x16xf32, #tpu.memory_space<vmem_shared>>)
      %dma_wait3A_373 = arith.constant 4 : i32
      %dma_wait3A_374 = arith.constant 0 : i32
      %dma_wait3A_375 = arith.constant 0 : i32
      %dma_wait3A_376 = tpu.memref_slice %arg7[%dma_wait3A_373, %dma_wait3A_374, %dma_wait3A_375] : memref<6x128x16xf32, #tpu.memory_space<vmem>> -> memref<1x128x16xf32, #tpu.memory_space<vmem>>
      %dma_wait3A_377 = tpu.memref_squeeze %dma_wait3A_376 : memref<1x128x16xf32, #tpu.memory_space<vmem>> -> memref<128x16xf32, #tpu.memory_space<vmem>>
      %dma_wait3A_378 = arith.constant 0 : i32
      %dma_wait3A_379 = tpu.memref_slice %arg6[%add3A_304, %dma_wait3A_378] : memref<79x128xi32, #tpu.memory_space<vmem>> -> memref<1x128xi32, #tpu.memory_space<vmem>>
      %dma_wait3A_380 = tpu.memref_squeeze %dma_wait3A_379 : memref<1x128xi32, #tpu.memory_space<vmem>> -> memref<128xi32, #tpu.memory_space<vmem>>
      %dma_wait3A_381 = arith.constant 0 : i32
      %dma_wait3A_382 = arith.constant 0 : i32
      %dma_wait3A_383 = tpu.memref_slice %arg5[%dma_wait3A_381, %dma_wait3A_382] : memref<10000x16xf32, #tpu.memory_space<vmem_shared>> -> memref<10000x16xf32, #tpu.memory_space<vmem_shared>>
      tpu.wait_indirect_dma semaphore(%arg10 : memref<!tpu.dma_semaphore, #tpu.memory_space<semaphore_mem>>) src(%dma_wait3A_377 : memref<128x16xf32, #tpu.memory_space<vmem>>) dst(%dma_wait3A_383 : memref<10000x16xf32, #tpu.memory_space<vmem_shared>>)
      %dma_wait3A_384 = arith.constant 5 : i32
      %dma_wait3A_385 = arith.constant 0 : i32
      %dma_wait3A_386 = arith.constant 0 : i32
      %dma_wait3A_387 = tpu.memref_slice %arg7[%dma_wait3A_384, %dma_wait3A_385, %dma_wait3A_386] : memref<6x128x16xf32, #tpu.memory_space<vmem>> -> memref<1x128x16xf32, #tpu.memory_space<vmem>>
      %dma_wait3A_388 = tpu.memref_squeeze %dma_wait3A_387 : memref<1x128x16xf32, #tpu.memory_space<vmem>> -> memref<128x16xf32, #tpu.memory_space<vmem>>
      %dma_wait3A_389 = arith.constant 0 : i32
      %dma_wait3A_390 = tpu.memref_slice %arg6[%add3A_317, %dma_wait3A_389] : memref<79x128xi32, #tpu.memory_space<vmem>> -> memref<1x128xi32, #tpu.memory_space<vmem>>
      %dma_wait3A_391 = tpu.memref_squeeze %dma_wait3A_390 : memref<1x128xi32, #tpu.memory_space<vmem>> -> memref<128xi32, #tpu.memory_space<vmem>>
      %dma_wait3A_392 = arith.constant 0 : i32
      %dma_wait3A_393 = arith.constant 0 : i32
      %dma_wait3A_394 = tpu.memref_slice %arg5[%dma_wait3A_392, %dma_wait3A_393] : memref<10000x16xf32, #tpu.memory_space<vmem_shared>> -> memref<10000x16xf32, #tpu.memory_space<vmem_shared>>
      tpu.wait_indirect_dma semaphore(%arg10 : memref<!tpu.dma_semaphore, #tpu.memory_space<semaphore_mem>>) src(%dma_wait3A_388 : memref<128x16xf32, #tpu.memory_space<vmem>>) dst(%dma_wait3A_394 : memref<10000x16xf32, #tpu.memory_space<vmem_shared>>)
    }
    %scan3A_60 = arith.constant 13 : i32
    %eq3A = arith.constant 79 : i32
    %eq3A_61 = arith.cmpi eq, %sub3A_47, %eq3A : i32
    %convert_element_type3A = arith.extui %eq3A_61 : i1 to i32
    %cond3A = arith.constant 0 : i32
    %cond3A_62 = arith.cmpi ne, %convert_element_type3A, %cond3A : i32
    scf.if %cond3A_62 {
      %add3A_64 = arith.constant 78 : i32
      %add3A_65 = arith.addi %select_n3A, %add3A_64 : i32
      %mul3A_66 = arith.constant 128 : i32
      %mul3A_67 = arith.muli %add3A_65, %mul3A_66 : i32
      %run_scoped3A = arith.constant 0 : i32
      "tpu.region"() ({
        %run_scoped3A_70 = tpu.sem_alloc : memref<!tpu.dma_semaphore, #tpu.memory_space<semaphore_mem>>
        %dma_start3A = arith.constant 0 : i32
        %dma_start3A_71 = arith.constant 0 : i32
        %dma_start3A_72 = tpu.memref_slice %arg7[%run_scoped3A, %dma_start3A, %dma_start3A_71] : memref<6x128x16xf32, #tpu.memory_space<vmem>> -> memref<1x128x16xf32, #tpu.memory_space<vmem>>
        %dma_start3A_73 = tpu.memref_squeeze %dma_start3A_72 : memref<1x128x16xf32, #tpu.memory_space<vmem>> -> memref<128x16xf32, #tpu.memory_space<vmem>>
        %dma_start3A_74 = arith.constant 0 : i32
        %dma_start3A_75 = tpu.memref_slice %arg2[%mul3A_67, %dma_start3A_74] : memref<320000x16xf32, #tpu.memory_space<hbm>> -> memref<128x16xf32, #tpu.memory_space<hbm>>
        %dma_start3A_76 = arith.constant 0 : i32
        %dma_start3A_77 = arith.constant 0 : i32
        %dma_start3A_78 = tpu.memref_slice %arg7[%run_scoped3A, %dma_start3A_76, %dma_start3A_77] : memref<6x128x16xf32, #tpu.memory_space<vmem>> -> memref<1x128x16xf32, #tpu.memory_space<vmem>>
        %dma_start3A_79 = tpu.memref_squeeze %dma_start3A_78 : memref<1x128x16xf32, #tpu.memory_space<vmem>> -> memref<128x16xf32, #tpu.memory_space<vmem>>
        %dma_start3A_80 = arith.constant 0 : i32
        %dma_start3A_81 = tpu.memref_slice %arg2[%mul3A_67, %dma_start3A_80] : memref<320000x16xf32, #tpu.memory_space<hbm>> -> memref<128x16xf32, #tpu.memory_space<hbm>>
        tpu.enqueue_dma source(%dma_start3A_81 : memref<128x16xf32, #tpu.memory_space<hbm>>) target(%dma_start3A_79 : memref<128x16xf32, #tpu.memory_space<vmem>>) target_semaphore(%run_scoped3A_70 : memref<!tpu.dma_semaphore, #tpu.memory_space<semaphore_mem>>)
        %dma_wait3A = arith.constant 0 : i32
        %dma_wait3A_82 = arith.constant 0 : i32
        %dma_wait3A_83 = tpu.memref_slice %arg7[%run_scoped3A, %dma_wait3A, %dma_wait3A_82] : memref<6x128x16xf32, #tpu.memory_space<vmem>> -> memref<1x128x16xf32, #tpu.memory_space<vmem>>
        %dma_wait3A_84 = tpu.memref_squeeze %dma_wait3A_83 : memref<1x128x16xf32, #tpu.memory_space<vmem>> -> memref<128x16xf32, #tpu.memory_space<vmem>>
        %dma_wait3A_85 = arith.constant 0 : i32
        %dma_wait3A_86 = tpu.memref_slice %arg2[%mul3A_67, %dma_wait3A_85] : memref<320000x16xf32, #tpu.memory_space<hbm>> -> memref<128x16xf32, #tpu.memory_space<hbm>>
        %dma_wait3A_87 = arith.constant 0 : i32
        %dma_wait3A_88 = arith.constant 0 : i32
        %dma_wait3A_89 = tpu.memref_slice %arg7[%run_scoped3A, %dma_wait3A_87, %dma_wait3A_88] : memref<6x128x16xf32, #tpu.memory_space<vmem>> -> memref<1x128x16xf32, #tpu.memory_space<vmem>>
        %dma_wait3A_90 = tpu.memref_squeeze %dma_wait3A_89 : memref<1x128x16xf32, #tpu.memory_space<vmem>> -> memref<128x16xf32, #tpu.memory_space<vmem>>
        %dma_wait3A_91 = arith.constant 0 : i32
        %dma_wait3A_92 = tpu.memref_slice %arg2[%mul3A_67, %dma_wait3A_91] : memref<320000x16xf32, #tpu.memory_space<hbm>> -> memref<128x16xf32, #tpu.memory_space<hbm>>
        tpu.wait_dma2 semaphore(%run_scoped3A_70 : memref<!tpu.dma_semaphore, #tpu.memory_space<semaphore_mem>>) src(%dma_wait3A_92 : memref<128x16xf32, #tpu.memory_space<hbm>>) dst(%dma_wait3A_90 : memref<128x16xf32, #tpu.memory_space<vmem>>)
        tpu.yield
      }) : () -> ()
      %run_scoped3A_68 = arith.constant 0 : i32
      %run_scoped3A_69 = arith.constant 78 : i32
      "tpu.region"() ({
        %run_scoped3A_70 = tpu.sem_alloc : memref<!tpu.dma_semaphore, #tpu.memory_space<semaphore_mem>>
        %dma_start3A = arith.constant 0 : i32
        %dma_start3A_71 = arith.constant 0 : i32
        %dma_start3A_72 = tpu.memref_slice %arg7[%run_scoped3A_68, %dma_start3A, %dma_start3A_71] : memref<6x128x16xf32, #tpu.memory_space<vmem>> -> memref<1x128x16xf32, #tpu.memory_space<vmem>>
        %dma_start3A_73 = tpu.memref_squeeze %dma_start3A_72 : memref<1x128x16xf32, #tpu.memory_space<vmem>> -> memref<128x16xf32, #tpu.memory_space<vmem>>
        %dma_start3A_74 = arith.constant 0 : i32
        %dma_start3A_75 = tpu.memref_slice %arg6[%run_scoped3A_69, %dma_start3A_74] : memref<79x128xi32, #tpu.memory_space<vmem>> -> memref<1x128xi32, #tpu.memory_space<vmem>>
        %dma_start3A_76 = tpu.memref_squeeze %dma_start3A_75 : memref<1x128xi32, #tpu.memory_space<vmem>> -> memref<128xi32, #tpu.memory_space<vmem>>
        %dma_start3A_77 = arith.constant 0 : i32
        %dma_start3A_78 = arith.constant 0 : i32
        %dma_start3A_79 = tpu.memref_slice %arg5[%dma_start3A_77, %dma_start3A_78] : memref<10000x16xf32, #tpu.memory_space<vmem_shared>> -> memref<10000x16xf32, #tpu.memory_space<vmem_shared>>
        tpu.enqueue_indirect_dma source(%dma_start3A_73 : memref<128x16xf32, #tpu.memory_space<vmem>>) target(%dma_start3A_79 : memref<10000x16xf32, #tpu.memory_space<vmem_shared>>) offsets(%dma_start3A_76 : memref<128xi32, #tpu.memory_space<vmem>>) semaphore(%run_scoped3A_70 : memref<!tpu.dma_semaphore, #tpu.memory_space<semaphore_mem>>) {add = true}
        %dma_wait3A = arith.constant 0 : i32
        %dma_wait3A_80 = arith.constant 0 : i32
        %dma_wait3A_81 = tpu.memref_slice %arg7[%run_scoped3A_68, %dma_wait3A, %dma_wait3A_80] : memref<6x128x16xf32, #tpu.memory_space<vmem>> -> memref<1x128x16xf32, #tpu.memory_space<vmem>>
        %dma_wait3A_82 = tpu.memref_squeeze %dma_wait3A_81 : memref<1x128x16xf32, #tpu.memory_space<vmem>> -> memref<128x16xf32, #tpu.memory_space<vmem>>
        %dma_wait3A_83 = arith.constant 0 : i32
        %dma_wait3A_84 = tpu.memref_slice %arg6[%run_scoped3A_69, %dma_wait3A_83] : memref<79x128xi32, #tpu.memory_space<vmem>> -> memref<1x128xi32, #tpu.memory_space<vmem>>
        %dma_wait3A_85 = tpu.memref_squeeze %dma_wait3A_84 : memref<1x128xi32, #tpu.memory_space<vmem>> -> memref<128xi32, #tpu.memory_space<vmem>>
        %dma_wait3A_86 = arith.constant 0 : i32
        %dma_wait3A_87 = arith.constant 0 : i32
        %dma_wait3A_88 = tpu.memref_slice %arg5[%dma_wait3A_86, %dma_wait3A_87] : memref<10000x16xf32, #tpu.memory_space<vmem_shared>> -> memref<10000x16xf32, #tpu.memory_space<vmem_shared>>
        tpu.wait_indirect_dma semaphore(%run_scoped3A_70 : memref<!tpu.dma_semaphore, #tpu.memory_space<semaphore_mem>>) src(%dma_wait3A_82 : memref<128x16xf32, #tpu.memory_space<vmem>>) dst(%dma_wait3A_88 : memref<10000x16xf32, #tpu.memory_space<vmem_shared>>)
        tpu.yield
      }) : () -> ()
    } else {
    }
    %barrier3A_63 = arith.constant 0 : index
    tpu.barrier barrier_id(%barrier3A_63)
    "tpu.region"() ({
      %run_scoped3A = tpu.sem_alloc : memref<!tpu.dma_semaphore, #tpu.memory_space<semaphore_mem>>
      %dma_start3A = arith.constant 0 : i32
      %dma_start3A_64 = tpu.memref_slice %arg4[%arg0, %mul3A_54, %dma_start3A] : memref<2x10000x16xf32, #tpu.memory_space<hbm>> -> memref<1x625x16xf32, #tpu.memory_space<hbm>>
      %dma_start3A_65 = tpu.memref_squeeze %dma_start3A_64 : memref<1x625x16xf32, #tpu.memory_space<hbm>> -> memref<625x16xf32, #tpu.memory_space<hbm>>
      %dma_start3A_66 = arith.constant 0 : i32
      %dma_start3A_67 = tpu.memref_slice %arg5[%mul3A_54, %dma_start3A_66] : memref<10000x16xf32, #tpu.memory_space<vmem_shared>> -> memref<625x16xf32, #tpu.memory_space<vmem_shared>>
      tpu.enqueue_dma source(%dma_start3A_67 : memref<625x16xf32, #tpu.memory_space<vmem_shared>>) target(%dma_start3A_65 : memref<625x16xf32, #tpu.memory_space<hbm>>) target_semaphore(%run_scoped3A : memref<!tpu.dma_semaphore, #tpu.memory_space<semaphore_mem>>)
      %dma_wait3A = arith.constant 0 : i32
      %dma_wait3A_68 = tpu.memref_slice %arg4[%arg0, %mul3A_54, %dma_wait3A] : memref<2x10000x16xf32, #tpu.memory_space<hbm>> -> memref<1x625x16xf32, #tpu.memory_space<hbm>>
      %dma_wait3A_69 = tpu.memref_squeeze %dma_wait3A_68 : memref<1x625x16xf32, #tpu.memory_space<hbm>> -> memref<625x16xf32, #tpu.memory_space<hbm>>
      %dma_wait3A_70 = arith.constant 0 : i32
      %dma_wait3A_71 = tpu.memref_slice %arg5[%mul3A_54, %dma_wait3A_70] : memref<10000x16xf32, #tpu.memory_space<vmem_shared>> -> memref<625x16xf32, #tpu.memory_space<vmem_shared>>
      tpu.wait_dma2 semaphore(%run_scoped3A : memref<!tpu.dma_semaphore, #tpu.memory_space<semaphore_mem>>) src(%dma_wait3A_71 : memref<625x16xf32, #tpu.memory_space<vmem_shared>>) dst(%dma_wait3A_69 : memref<625x16xf32, #tpu.memory_space<hbm>>)
      tpu.yield
    }) : () -> ()
    return
  }
}

#map = affine_map<(d0, d1) -> (0, 0)>
module attributes {stable_mosaic.version = 14 : i64} {
  func.func @_sc_gather_body(%arg0: i32, %arg1: i32, %arg2: memref<10000x48xf32, #tpu.memory_space<hbm>>, %arg3: memref<10000x48xf32, #tpu.memory_space<hbm>>, %arg4: memref<2500x128xi32, #tpu.memory_space<hbm>>, %arg5: memref<2500x128xi32, #tpu.memory_space<hbm>>, %arg6: memref<320000x48xf32, #tpu.memory_space<hbm>>, %arg7: memref<79x128xi32, #tpu.memory_space<vmem>>, %arg8: memref<79x128xi32, #tpu.memory_space<vmem>>, %arg9: memref<6x128x48xf32, #tpu.memory_space<vmem>>, %arg10: memref<6x128x48xf32, #tpu.memory_space<vmem>>, %arg11: memref<!tpu.dma_semaphore, #tpu.memory_space<semaphore_mem>>, %arg12: memref<!tpu.dma_semaphore, #tpu.memory_space<semaphore_mem>>) attributes {dimension_semantics = [#tpu.dimension_semantics<core_parallel>, #tpu.dimension_semantics<subcore_parallel>], iteration_bounds = array<i64: 2, 16>, scalar_prefetch = 0 : i64, scratch_operands = 6 : i64, tpu.core_type = #tpu.core_type<sc_vector_subcore>, window_params = [{transform_indices = #map}, {transform_indices = #map}, {transform_indices = #map}, {transform_indices = #map}, {transform_indices = #map}]} {
    %mul3A = arith.constant 16 : i32
    %mul3A_0 = arith.muli %arg0, %mul3A : i32
    %add3A = arith.addi %mul3A_0, %arg1 : i32
    %mul3A_1 = arith.constant 2500 : i32
    %mul3A_2 = arith.muli %add3A, %mul3A_1 : i32
    %jit3A = arith.constant 32 : i32
    %div3A = arith.divsi %mul3A_2, %jit3A : i32
    %sign3A = arith.constant 0 : i32
    %sign3A_3 = arith.cmpi sgt, %mul3A_2, %sign3A : i32
    %sign3A_4 = arith.extui %sign3A_3 : i1 to i32
    %sign3A_5 = arith.constant 0 : i32
    %sign3A_6 = arith.cmpi slt, %mul3A_2, %sign3A_5 : i32
    %sign3A_7 = arith.extui %sign3A_6 : i1 to i32
    %sign3A_8 = arith.subi %sign3A_4, %sign3A_7 : i32
    %sign3A_9 = arith.constant 0 : i32
    %sign3A_10 = arith.cmpi sgt, %jit3A, %sign3A_9 : i32
    %sign3A_11 = arith.extui %sign3A_10 : i1 to i32
    %sign3A_12 = arith.constant 0 : i32
    %sign3A_13 = arith.cmpi slt, %jit3A, %sign3A_12 : i32
    %sign3A_14 = arith.extui %sign3A_13 : i1 to i32
    %sign3A_15 = arith.subi %sign3A_11, %sign3A_14 : i32
    %ne3A = arith.cmpi ne, %sign3A_8, %sign3A_15 : i32
    %rem3A = arith.remsi %mul3A_2, %jit3A : i32
    %ne3A_16 = arith.constant 0 : i32
    %ne3A_17 = arith.cmpi ne, %rem3A, %ne3A_16 : i32
    %and3A = arith.andi %ne3A, %ne3A_17 : i1
    %sub3A = arith.constant 1 : i32
    %sub3A_18 = arith.subi %div3A, %sub3A : i32
    %select_n3A = arith.select %and3A, %sub3A_18, %div3A : i32
    %add3A_19 = arith.constant 1 : i32
    %add3A_20 = arith.addi %add3A, %add3A_19 : i32
    %mul3A_21 = arith.constant 2500 : i32
    %mul3A_22 = arith.muli %add3A_20, %mul3A_21 : i32
    %jit3A_23 = arith.constant 32 : i32
    %div3A_24 = arith.divsi %mul3A_22, %jit3A_23 : i32
    %sign3A_25 = arith.constant 0 : i32
    %sign3A_26 = arith.cmpi sgt, %mul3A_22, %sign3A_25 : i32
    %sign3A_27 = arith.extui %sign3A_26 : i1 to i32
    %sign3A_28 = arith.constant 0 : i32
    %sign3A_29 = arith.cmpi slt, %mul3A_22, %sign3A_28 : i32
    %sign3A_30 = arith.extui %sign3A_29 : i1 to i32
    %sign3A_31 = arith.subi %sign3A_27, %sign3A_30 : i32
    %sign3A_32 = arith.constant 0 : i32
    %sign3A_33 = arith.cmpi sgt, %jit3A_23, %sign3A_32 : i32
    %sign3A_34 = arith.extui %sign3A_33 : i1 to i32
    %sign3A_35 = arith.constant 0 : i32
    %sign3A_36 = arith.cmpi slt, %jit3A_23, %sign3A_35 : i32
    %sign3A_37 = arith.extui %sign3A_36 : i1 to i32
    %sign3A_38 = arith.subi %sign3A_34, %sign3A_37 : i32
    %ne3A_39 = arith.cmpi ne, %sign3A_31, %sign3A_38 : i32
    %rem3A_40 = arith.remsi %mul3A_22, %jit3A_23 : i32
    %ne3A_41 = arith.constant 0 : i32
    %ne3A_42 = arith.cmpi ne, %rem3A_40, %ne3A_41 : i32
    %and3A_43 = arith.andi %ne3A_39, %ne3A_42 : i1
    %sub3A_44 = arith.constant 1 : i32
    %sub3A_45 = arith.subi %div3A_24, %sub3A_44 : i32
    %select_n3A_46 = arith.select %and3A_43, %sub3A_45, %div3A_24 : i32
    %sub3A_47 = arith.subi %select_n3A_46, %select_n3A : i32
    "tpu.region"() ({
      %run_scoped3A = tpu.sem_alloc : memref<!tpu.dma_semaphore, #tpu.memory_space<semaphore_mem>>
      %dma_start3A = arith.constant 0 : i32
      %dma_start3A_55 = tpu.memref_slice %arg4[%select_n3A, %dma_start3A] : memref<2500x128xi32, #tpu.memory_space<hbm>> -> memref<79x128xi32, #tpu.memory_space<hbm>>
      %dma_start3A_56 = arith.constant 0 : i32
      %dma_start3A_57 = tpu.memref_slice %arg4[%select_n3A, %dma_start3A_56] : memref<2500x128xi32, #tpu.memory_space<hbm>> -> memref<79x128xi32, #tpu.memory_space<hbm>>
      tpu.enqueue_dma source(%dma_start3A_57 : memref<79x128xi32, #tpu.memory_space<hbm>>) target(%arg7 : memref<79x128xi32, #tpu.memory_space<vmem>>) target_semaphore(%run_scoped3A : memref<!tpu.dma_semaphore, #tpu.memory_space<semaphore_mem>>)
      %dma_wait3A = arith.constant 0 : i32
      %dma_wait3A_58 = tpu.memref_slice %arg4[%select_n3A, %dma_wait3A] : memref<2500x128xi32, #tpu.memory_space<hbm>> -> memref<79x128xi32, #tpu.memory_space<hbm>>
      %dma_wait3A_59 = arith.constant 0 : i32
      %dma_wait3A_60 = tpu.memref_slice %arg4[%select_n3A, %dma_wait3A_59] : memref<2500x128xi32, #tpu.memory_space<hbm>> -> memref<79x128xi32, #tpu.memory_space<hbm>>
      tpu.wait_dma2 semaphore(%run_scoped3A : memref<!tpu.dma_semaphore, #tpu.memory_space<semaphore_mem>>) src(%dma_wait3A_60 : memref<79x128xi32, #tpu.memory_space<hbm>>) dst(%arg7 : memref<79x128xi32, #tpu.memory_space<vmem>>)
      tpu.yield
    }) : () -> ()
    "tpu.region"() ({
      %run_scoped3A = tpu.sem_alloc : memref<!tpu.dma_semaphore, #tpu.memory_space<semaphore_mem>>
      %dma_start3A = arith.constant 0 : i32
      %dma_start3A_55 = tpu.memref_slice %arg5[%select_n3A, %dma_start3A] : memref<2500x128xi32, #tpu.memory_space<hbm>> -> memref<79x128xi32, #tpu.memory_space<hbm>>
      %dma_start3A_56 = arith.constant 0 : i32
      %dma_start3A_57 = tpu.memref_slice %arg5[%select_n3A, %dma_start3A_56] : memref<2500x128xi32, #tpu.memory_space<hbm>> -> memref<79x128xi32, #tpu.memory_space<hbm>>
      tpu.enqueue_dma source(%dma_start3A_57 : memref<79x128xi32, #tpu.memory_space<hbm>>) target(%arg8 : memref<79x128xi32, #tpu.memory_space<vmem>>) target_semaphore(%run_scoped3A : memref<!tpu.dma_semaphore, #tpu.memory_space<semaphore_mem>>)
      %dma_wait3A = arith.constant 0 : i32
      %dma_wait3A_58 = tpu.memref_slice %arg5[%select_n3A, %dma_wait3A] : memref<2500x128xi32, #tpu.memory_space<hbm>> -> memref<79x128xi32, #tpu.memory_space<hbm>>
      %dma_wait3A_59 = arith.constant 0 : i32
      %dma_wait3A_60 = tpu.memref_slice %arg5[%select_n3A, %dma_wait3A_59] : memref<2500x128xi32, #tpu.memory_space<hbm>> -> memref<79x128xi32, #tpu.memory_space<hbm>>
      tpu.wait_dma2 semaphore(%run_scoped3A : memref<!tpu.dma_semaphore, #tpu.memory_space<semaphore_mem>>) src(%dma_wait3A_60 : memref<79x128xi32, #tpu.memory_space<hbm>>) dst(%arg8 : memref<79x128xi32, #tpu.memory_space<vmem>>)
      tpu.yield
    }) : () -> ()
    %scan3A = arith.constant 0 : i32
    %scan3A_48 = arith.constant 0 : i32
    %scan3A_49 = arith.constant 13 : i32
    %scan3A_50 = arith.addi %scan3A_48, %scan3A_49 : i32
    %scan3A_51 = arith.constant 1 : i32
    scf.for %scan3A_55 = %scan3A_48 to %scan3A_50 step %scan3A_51  : i32 {
      %mul3A_56 = arith.constant 6 : i32
      %mul3A_57 = arith.muli %scan3A_55, %mul3A_56 : i32
      %add3A_58 = arith.constant 0 : i32
      %add3A_59 = arith.addi %mul3A_57, %add3A_58 : i32
      %dma_start3A = arith.constant 0 : i32
      %dma_start3A_60 = arith.constant 0 : i32
      %dma_start3A_61 = arith.constant 0 : i32
      %dma_start3A_62 = tpu.memref_slice %arg9[%dma_start3A, %dma_start3A_60, %dma_start3A_61] : memref<6x128x48xf32, #tpu.memory_space<vmem>> -> memref<1x128x48xf32, #tpu.memory_space<vmem>>
      %dma_start3A_63 = tpu.memref_squeeze %dma_start3A_62 : memref<1x128x48xf32, #tpu.memory_space<vmem>> -> memref<128x48xf32, #tpu.memory_space<vmem>>
      %dma_start3A_64 = arith.constant 0 : i32
      %dma_start3A_65 = tpu.memref_slice %arg7[%add3A_59, %dma_start3A_64] : memref<79x128xi32, #tpu.memory_space<vmem>> -> memref<1x128xi32, #tpu.memory_space<vmem>>
      %dma_start3A_66 = tpu.memref_squeeze %dma_start3A_65 : memref<1x128xi32, #tpu.memory_space<vmem>> -> memref<128xi32, #tpu.memory_space<vmem>>
      %dma_start3A_67 = arith.constant 0 : i32
      %dma_start3A_68 = arith.constant 0 : i32
      %dma_start3A_69 = tpu.memref_slice %arg2[%dma_start3A_67, %dma_start3A_68] : memref<10000x48xf32, #tpu.memory_space<hbm>> -> memref<10000x48xf32, #tpu.memory_space<hbm>>
      tpu.enqueue_indirect_dma source(%dma_start3A_69 : memref<10000x48xf32, #tpu.memory_space<hbm>>) target(%dma_start3A_63 : memref<128x48xf32, #tpu.memory_space<vmem>>) offsets(%dma_start3A_66 : memref<128xi32, #tpu.memory_space<vmem>>) semaphore(%arg11 : memref<!tpu.dma_semaphore, #tpu.memory_space<semaphore_mem>>)
      %add3A_70 = arith.constant 0 : i32
      %add3A_71 = arith.addi %mul3A_57, %add3A_70 : i32
      %dma_start3A_72 = arith.constant 0 : i32
      %dma_start3A_73 = arith.constant 0 : i32
      %dma_start3A_74 = arith.constant 0 : i32
      %dma_start3A_75 = tpu.memref_slice %arg10[%dma_start3A_72, %dma_start3A_73, %dma_start3A_74] : memref<6x128x48xf32, #tpu.memory_space<vmem>> -> memref<1x128x48xf32, #tpu.memory_space<vmem>>
      %dma_start3A_76 = tpu.memref_squeeze %dma_start3A_75 : memref<1x128x48xf32, #tpu.memory_space<vmem>> -> memref<128x48xf32, #tpu.memory_space<vmem>>
      %dma_start3A_77 = arith.constant 0 : i32
      %dma_start3A_78 = tpu.memref_slice %arg8[%add3A_71, %dma_start3A_77] : memref<79x128xi32, #tpu.memory_space<vmem>> -> memref<1x128xi32, #tpu.memory_space<vmem>>
      %dma_start3A_79 = tpu.memref_squeeze %dma_start3A_78 : memref<1x128xi32, #tpu.memory_space<vmem>> -> memref<128xi32, #tpu.memory_space<vmem>>
      %dma_start3A_80 = arith.constant 0 : i32
      %dma_start3A_81 = arith.constant 0 : i32
      %dma_start3A_82 = tpu.memref_slice %arg3[%dma_start3A_80, %dma_start3A_81] : memref<10000x48xf32, #tpu.memory_space<hbm>> -> memref<10000x48xf32, #tpu.memory_space<hbm>>
      tpu.enqueue_indirect_dma source(%dma_start3A_82 : memref<10000x48xf32, #tpu.memory_space<hbm>>) target(%dma_start3A_76 : memref<128x48xf32, #tpu.memory_space<vmem>>) offsets(%dma_start3A_79 : memref<128xi32, #tpu.memory_space<vmem>>) semaphore(%arg11 : memref<!tpu.dma_semaphore, #tpu.memory_space<semaphore_mem>>)
      %add3A_83 = arith.constant 1 : i32
      %add3A_84 = arith.addi %mul3A_57, %add3A_83 : i32
      %dma_start3A_85 = arith.constant 1 : i32
      %dma_start3A_86 = arith.constant 0 : i32
      %dma_start3A_87 = arith.constant 0 : i32
      %dma_start3A_88 = tpu.memref_slice %arg9[%dma_start3A_85, %dma_start3A_86, %dma_start3A_87] : memref<6x128x48xf32, #tpu.memory_space<vmem>> -> memref<1x128x48xf32, #tpu.memory_space<vmem>>
      %dma_start3A_89 = tpu.memref_squeeze %dma_start3A_88 : memref<1x128x48xf32, #tpu.memory_space<vmem>> -> memref<128x48xf32, #tpu.memory_space<vmem>>
      %dma_start3A_90 = arith.constant 0 : i32
      %dma_start3A_91 = tpu.memref_slice %arg7[%add3A_84, %dma_start3A_90] : memref<79x128xi32, #tpu.memory_space<vmem>> -> memref<1x128xi32, #tpu.memory_space<vmem>>
      %dma_start3A_92 = tpu.memref_squeeze %dma_start3A_91 : memref<1x128xi32, #tpu.memory_space<vmem>> -> memref<128xi32, #tpu.memory_space<vmem>>
      %dma_start3A_93 = arith.constant 0 : i32
      %dma_start3A_94 = arith.constant 0 : i32
      %dma_start3A_95 = tpu.memref_slice %arg2[%dma_start3A_93, %dma_start3A_94] : memref<10000x48xf32, #tpu.memory_space<hbm>> -> memref<10000x48xf32, #tpu.memory_space<hbm>>
      tpu.enqueue_indirect_dma source(%dma_start3A_95 : memref<10000x48xf32, #tpu.memory_space<hbm>>) target(%dma_start3A_89 : memref<128x48xf32, #tpu.memory_space<vmem>>) offsets(%dma_start3A_92 : memref<128xi32, #tpu.memory_space<vmem>>) semaphore(%arg11 : memref<!tpu.dma_semaphore, #tpu.memory_space<semaphore_mem>>)
      %add3A_96 = arith.constant 1 : i32
      %add3A_97 = arith.addi %mul3A_57, %add3A_96 : i32
      %dma_start3A_98 = arith.constant 1 : i32
      %dma_start3A_99 = arith.constant 0 : i32
      %dma_start3A_100 = arith.constant 0 : i32
      %dma_start3A_101 = tpu.memref_slice %arg10[%dma_start3A_98, %dma_start3A_99, %dma_start3A_100] : memref<6x128x48xf32, #tpu.memory_space<vmem>> -> memref<1x128x48xf32, #tpu.memory_space<vmem>>
      %dma_start3A_102 = tpu.memref_squeeze %dma_start3A_101 : memref<1x128x48xf32, #tpu.memory_space<vmem>> -> memref<128x48xf32, #tpu.memory_space<vmem>>
      %dma_start3A_103 = arith.constant 0 : i32
      %dma_start3A_104 = tpu.memref_slice %arg8[%add3A_97, %dma_start3A_103] : memref<79x128xi32, #tpu.memory_space<vmem>> -> memref<1x128xi32, #tpu.memory_space<vmem>>
      %dma_start3A_105 = tpu.memref_squeeze %dma_start3A_104 : memref<1x128xi32, #tpu.memory_space<vmem>> -> memref<128xi32, #tpu.memory_space<vmem>>
      %dma_start3A_106 = arith.constant 0 : i32
      %dma_start3A_107 = arith.constant 0 : i32
      %dma_start3A_108 = tpu.memref_slice %arg3[%dma_start3A_106, %dma_start3A_107] : memref<10000x48xf32, #tpu.memory_space<hbm>> -> memref<10000x48xf32, #tpu.memory_space<hbm>>
      tpu.enqueue_indirect_dma source(%dma_start3A_108 : memref<10000x48xf32, #tpu.memory_space<hbm>>) target(%dma_start3A_102 : memref<128x48xf32, #tpu.memory_space<vmem>>) offsets(%dma_start3A_105 : memref<128xi32, #tpu.memory_space<vmem>>) semaphore(%arg11 : memref<!tpu.dma_semaphore, #tpu.memory_space<semaphore_mem>>)
      %add3A_109 = arith.constant 2 : i32
      %add3A_110 = arith.addi %mul3A_57, %add3A_109 : i32
      %dma_start3A_111 = arith.constant 2 : i32
      %dma_start3A_112 = arith.constant 0 : i32
      %dma_start3A_113 = arith.constant 0 : i32
      %dma_start3A_114 = tpu.memref_slice %arg9[%dma_start3A_111, %dma_start3A_112, %dma_start3A_113] : memref<6x128x48xf32, #tpu.memory_space<vmem>> -> memref<1x128x48xf32, #tpu.memory_space<vmem>>
      %dma_start3A_115 = tpu.memref_squeeze %dma_start3A_114 : memref<1x128x48xf32, #tpu.memory_space<vmem>> -> memref<128x48xf32, #tpu.memory_space<vmem>>
      %dma_start3A_116 = arith.constant 0 : i32
      %dma_start3A_117 = tpu.memref_slice %arg7[%add3A_110, %dma_start3A_116] : memref<79x128xi32, #tpu.memory_space<vmem>> -> memref<1x128xi32, #tpu.memory_space<vmem>>
      %dma_start3A_118 = tpu.memref_squeeze %dma_start3A_117 : memref<1x128xi32, #tpu.memory_space<vmem>> -> memref<128xi32, #tpu.memory_space<vmem>>
      %dma_start3A_119 = arith.constant 0 : i32
      %dma_start3A_120 = arith.constant 0 : i32
      %dma_start3A_121 = tpu.memref_slice %arg2[%dma_start3A_119, %dma_start3A_120] : memref<10000x48xf32, #tpu.memory_space<hbm>> -> memref<10000x48xf32, #tpu.memory_space<hbm>>
      tpu.enqueue_indirect_dma source(%dma_start3A_121 : memref<10000x48xf32, #tpu.memory_space<hbm>>) target(%dma_start3A_115 : memref<128x48xf32, #tpu.memory_space<vmem>>) offsets(%dma_start3A_118 : memref<128xi32, #tpu.memory_space<vmem>>) semaphore(%arg11 : memref<!tpu.dma_semaphore, #tpu.memory_space<semaphore_mem>>)
      %add3A_122 = arith.constant 2 : i32
      %add3A_123 = arith.addi %mul3A_57, %add3A_122 : i32
      %dma_start3A_124 = arith.constant 2 : i32
      %dma_start3A_125 = arith.constant 0 : i32
      %dma_start3A_126 = arith.constant 0 : i32
      %dma_start3A_127 = tpu.memref_slice %arg10[%dma_start3A_124, %dma_start3A_125, %dma_start3A_126] : memref<6x128x48xf32, #tpu.memory_space<vmem>> -> memref<1x128x48xf32, #tpu.memory_space<vmem>>
      %dma_start3A_128 = tpu.memref_squeeze %dma_start3A_127 : memref<1x128x48xf32, #tpu.memory_space<vmem>> -> memref<128x48xf32, #tpu.memory_space<vmem>>
      %dma_start3A_129 = arith.constant 0 : i32
      %dma_start3A_130 = tpu.memref_slice %arg8[%add3A_123, %dma_start3A_129] : memref<79x128xi32, #tpu.memory_space<vmem>> -> memref<1x128xi32, #tpu.memory_space<vmem>>
      %dma_start3A_131 = tpu.memref_squeeze %dma_start3A_130 : memref<1x128xi32, #tpu.memory_space<vmem>> -> memref<128xi32, #tpu.memory_space<vmem>>
      %dma_start3A_132 = arith.constant 0 : i32
      %dma_start3A_133 = arith.constant 0 : i32
      %dma_start3A_134 = tpu.memref_slice %arg3[%dma_start3A_132, %dma_start3A_133] : memref<10000x48xf32, #tpu.memory_space<hbm>> -> memref<10000x48xf32, #tpu.memory_space<hbm>>
      tpu.enqueue_indirect_dma source(%dma_start3A_134 : memref<10000x48xf32, #tpu.memory_space<hbm>>) target(%dma_start3A_128 : memref<128x48xf32, #tpu.memory_space<vmem>>) offsets(%dma_start3A_131 : memref<128xi32, #tpu.memory_space<vmem>>) semaphore(%arg11 : memref<!tpu.dma_semaphore, #tpu.memory_space<semaphore_mem>>)
      %add3A_135 = arith.constant 3 : i32
      %add3A_136 = arith.addi %mul3A_57, %add3A_135 : i32
      %dma_start3A_137 = arith.constant 3 : i32
      %dma_start3A_138 = arith.constant 0 : i32
      %dma_start3A_139 = arith.constant 0 : i32
      %dma_start3A_140 = tpu.memref_slice %arg9[%dma_start3A_137, %dma_start3A_138, %dma_start3A_139] : memref<6x128x48xf32, #tpu.memory_space<vmem>> -> memref<1x128x48xf32, #tpu.memory_space<vmem>>
      %dma_start3A_141 = tpu.memref_squeeze %dma_start3A_140 : memref<1x128x48xf32, #tpu.memory_space<vmem>> -> memref<128x48xf32, #tpu.memory_space<vmem>>
      %dma_start3A_142 = arith.constant 0 : i32
      %dma_start3A_143 = tpu.memref_slice %arg7[%add3A_136, %dma_start3A_142] : memref<79x128xi32, #tpu.memory_space<vmem>> -> memref<1x128xi32, #tpu.memory_space<vmem>>
      %dma_start3A_144 = tpu.memref_squeeze %dma_start3A_143 : memref<1x128xi32, #tpu.memory_space<vmem>> -> memref<128xi32, #tpu.memory_space<vmem>>
      %dma_start3A_145 = arith.constant 0 : i32
      %dma_start3A_146 = arith.constant 0 : i32
      %dma_start3A_147 = tpu.memref_slice %arg2[%dma_start3A_145, %dma_start3A_146] : memref<10000x48xf32, #tpu.memory_space<hbm>> -> memref<10000x48xf32, #tpu.memory_space<hbm>>
      tpu.enqueue_indirect_dma source(%dma_start3A_147 : memref<10000x48xf32, #tpu.memory_space<hbm>>) target(%dma_start3A_141 : memref<128x48xf32, #tpu.memory_space<vmem>>) offsets(%dma_start3A_144 : memref<128xi32, #tpu.memory_space<vmem>>) semaphore(%arg11 : memref<!tpu.dma_semaphore, #tpu.memory_space<semaphore_mem>>)
      %add3A_148 = arith.constant 3 : i32
      %add3A_149 = arith.addi %mul3A_57, %add3A_148 : i32
      %dma_start3A_150 = arith.constant 3 : i32
      %dma_start3A_151 = arith.constant 0 : i32
      %dma_start3A_152 = arith.constant 0 : i32
      %dma_start3A_153 = tpu.memref_slice %arg10[%dma_start3A_150, %dma_start3A_151, %dma_start3A_152] : memref<6x128x48xf32, #tpu.memory_space<vmem>> -> memref<1x128x48xf32, #tpu.memory_space<vmem>>
      %dma_start3A_154 = tpu.memref_squeeze %dma_start3A_153 : memref<1x128x48xf32, #tpu.memory_space<vmem>> -> memref<128x48xf32, #tpu.memory_space<vmem>>
      %dma_start3A_155 = arith.constant 0 : i32
      %dma_start3A_156 = tpu.memref_slice %arg8[%add3A_149, %dma_start3A_155] : memref<79x128xi32, #tpu.memory_space<vmem>> -> memref<1x128xi32, #tpu.memory_space<vmem>>
      %dma_start3A_157 = tpu.memref_squeeze %dma_start3A_156 : memref<1x128xi32, #tpu.memory_space<vmem>> -> memref<128xi32, #tpu.memory_space<vmem>>
      %dma_start3A_158 = arith.constant 0 : i32
      %dma_start3A_159 = arith.constant 0 : i32
      %dma_start3A_160 = tpu.memref_slice %arg3[%dma_start3A_158, %dma_start3A_159] : memref<10000x48xf32, #tpu.memory_space<hbm>> -> memref<10000x48xf32, #tpu.memory_space<hbm>>
      tpu.enqueue_indirect_dma source(%dma_start3A_160 : memref<10000x48xf32, #tpu.memory_space<hbm>>) target(%dma_start3A_154 : memref<128x48xf32, #tpu.memory_space<vmem>>) offsets(%dma_start3A_157 : memref<128xi32, #tpu.memory_space<vmem>>) semaphore(%arg11 : memref<!tpu.dma_semaphore, #tpu.memory_space<semaphore_mem>>)
      %add3A_161 = arith.constant 4 : i32
      %add3A_162 = arith.addi %mul3A_57, %add3A_161 : i32
      %dma_start3A_163 = arith.constant 4 : i32
      %dma_start3A_164 = arith.constant 0 : i32
      %dma_start3A_165 = arith.constant 0 : i32
      %dma_start3A_166 = tpu.memref_slice %arg9[%dma_start3A_163, %dma_start3A_164, %dma_start3A_165] : memref<6x128x48xf32, #tpu.memory_space<vmem>> -> memref<1x128x48xf32, #tpu.memory_space<vmem>>
      %dma_start3A_167 = tpu.memref_squeeze %dma_start3A_166 : memref<1x128x48xf32, #tpu.memory_space<vmem>> -> memref<128x48xf32, #tpu.memory_space<vmem>>
      %dma_start3A_168 = arith.constant 0 : i32
      %dma_start3A_169 = tpu.memref_slice %arg7[%add3A_162, %dma_start3A_168] : memref<79x128xi32, #tpu.memory_space<vmem>> -> memref<1x128xi32, #tpu.memory_space<vmem>>
      %dma_start3A_170 = tpu.memref_squeeze %dma_start3A_169 : memref<1x128xi32, #tpu.memory_space<vmem>> -> memref<128xi32, #tpu.memory_space<vmem>>
      %dma_start3A_171 = arith.constant 0 : i32
      %dma_start3A_172 = arith.constant 0 : i32
      %dma_start3A_173 = tpu.memref_slice %arg2[%dma_start3A_171, %dma_start3A_172] : memref<10000x48xf32, #tpu.memory_space<hbm>> -> memref<10000x48xf32, #tpu.memory_space<hbm>>
      tpu.enqueue_indirect_dma source(%dma_start3A_173 : memref<10000x48xf32, #tpu.memory_space<hbm>>) target(%dma_start3A_167 : memref<128x48xf32, #tpu.memory_space<vmem>>) offsets(%dma_start3A_170 : memref<128xi32, #tpu.memory_space<vmem>>) semaphore(%arg11 : memref<!tpu.dma_semaphore, #tpu.memory_space<semaphore_mem>>)
      %add3A_174 = arith.constant 4 : i32
      %add3A_175 = arith.addi %mul3A_57, %add3A_174 : i32
      %dma_start3A_176 = arith.constant 4 : i32
      %dma_start3A_177 = arith.constant 0 : i32
      %dma_start3A_178 = arith.constant 0 : i32
      %dma_start3A_179 = tpu.memref_slice %arg10[%dma_start3A_176, %dma_start3A_177, %dma_start3A_178] : memref<6x128x48xf32, #tpu.memory_space<vmem>> -> memref<1x128x48xf32, #tpu.memory_space<vmem>>
      %dma_start3A_180 = tpu.memref_squeeze %dma_start3A_179 : memref<1x128x48xf32, #tpu.memory_space<vmem>> -> memref<128x48xf32, #tpu.memory_space<vmem>>
      %dma_start3A_181 = arith.constant 0 : i32
      %dma_start3A_182 = tpu.memref_slice %arg8[%add3A_175, %dma_start3A_181] : memref<79x128xi32, #tpu.memory_space<vmem>> -> memref<1x128xi32, #tpu.memory_space<vmem>>
      %dma_start3A_183 = tpu.memref_squeeze %dma_start3A_182 : memref<1x128xi32, #tpu.memory_space<vmem>> -> memref<128xi32, #tpu.memory_space<vmem>>
      %dma_start3A_184 = arith.constant 0 : i32
      %dma_start3A_185 = arith.constant 0 : i32
      %dma_start3A_186 = tpu.memref_slice %arg3[%dma_start3A_184, %dma_start3A_185] : memref<10000x48xf32, #tpu.memory_space<hbm>> -> memref<10000x48xf32, #tpu.memory_space<hbm>>
      tpu.enqueue_indirect_dma source(%dma_start3A_186 : memref<10000x48xf32, #tpu.memory_space<hbm>>) target(%dma_start3A_180 : memref<128x48xf32, #tpu.memory_space<vmem>>) offsets(%dma_start3A_183 : memref<128xi32, #tpu.memory_space<vmem>>) semaphore(%arg11 : memref<!tpu.dma_semaphore, #tpu.memory_space<semaphore_mem>>)
      %add3A_187 = arith.constant 5 : i32
      %add3A_188 = arith.addi %mul3A_57, %add3A_187 : i32
      %dma_start3A_189 = arith.constant 5 : i32
      %dma_start3A_190 = arith.constant 0 : i32
      %dma_start3A_191 = arith.constant 0 : i32
      %dma_start3A_192 = tpu.memref_slice %arg9[%dma_start3A_189, %dma_start3A_190, %dma_start3A_191] : memref<6x128x48xf32, #tpu.memory_space<vmem>> -> memref<1x128x48xf32, #tpu.memory_space<vmem>>
      %dma_start3A_193 = tpu.memref_squeeze %dma_start3A_192 : memref<1x128x48xf32, #tpu.memory_space<vmem>> -> memref<128x48xf32, #tpu.memory_space<vmem>>
      %dma_start3A_194 = arith.constant 0 : i32
      %dma_start3A_195 = tpu.memref_slice %arg7[%add3A_188, %dma_start3A_194] : memref<79x128xi32, #tpu.memory_space<vmem>> -> memref<1x128xi32, #tpu.memory_space<vmem>>
      %dma_start3A_196 = tpu.memref_squeeze %dma_start3A_195 : memref<1x128xi32, #tpu.memory_space<vmem>> -> memref<128xi32, #tpu.memory_space<vmem>>
      %dma_start3A_197 = arith.constant 0 : i32
      %dma_start3A_198 = arith.constant 0 : i32
      %dma_start3A_199 = tpu.memref_slice %arg2[%dma_start3A_197, %dma_start3A_198] : memref<10000x48xf32, #tpu.memory_space<hbm>> -> memref<10000x48xf32, #tpu.memory_space<hbm>>
      tpu.enqueue_indirect_dma source(%dma_start3A_199 : memref<10000x48xf32, #tpu.memory_space<hbm>>) target(%dma_start3A_193 : memref<128x48xf32, #tpu.memory_space<vmem>>) offsets(%dma_start3A_196 : memref<128xi32, #tpu.memory_space<vmem>>) semaphore(%arg11 : memref<!tpu.dma_semaphore, #tpu.memory_space<semaphore_mem>>)
      %add3A_200 = arith.constant 5 : i32
      %add3A_201 = arith.addi %mul3A_57, %add3A_200 : i32
      %dma_start3A_202 = arith.constant 5 : i32
      %dma_start3A_203 = arith.constant 0 : i32
      %dma_start3A_204 = arith.constant 0 : i32
      %dma_start3A_205 = tpu.memref_slice %arg10[%dma_start3A_202, %dma_start3A_203, %dma_start3A_204] : memref<6x128x48xf32, #tpu.memory_space<vmem>> -> memref<1x128x48xf32, #tpu.memory_space<vmem>>
      %dma_start3A_206 = tpu.memref_squeeze %dma_start3A_205 : memref<1x128x48xf32, #tpu.memory_space<vmem>> -> memref<128x48xf32, #tpu.memory_space<vmem>>
      %dma_start3A_207 = arith.constant 0 : i32
      %dma_start3A_208 = tpu.memref_slice %arg8[%add3A_201, %dma_start3A_207] : memref<79x128xi32, #tpu.memory_space<vmem>> -> memref<1x128xi32, #tpu.memory_space<vmem>>
      %dma_start3A_209 = tpu.memref_squeeze %dma_start3A_208 : memref<1x128xi32, #tpu.memory_space<vmem>> -> memref<128xi32, #tpu.memory_space<vmem>>
      %dma_start3A_210 = arith.constant 0 : i32
      %dma_start3A_211 = arith.constant 0 : i32
      %dma_start3A_212 = tpu.memref_slice %arg3[%dma_start3A_210, %dma_start3A_211] : memref<10000x48xf32, #tpu.memory_space<hbm>> -> memref<10000x48xf32, #tpu.memory_space<hbm>>
      tpu.enqueue_indirect_dma source(%dma_start3A_212 : memref<10000x48xf32, #tpu.memory_space<hbm>>) target(%dma_start3A_206 : memref<128x48xf32, #tpu.memory_space<vmem>>) offsets(%dma_start3A_209 : memref<128xi32, #tpu.memory_space<vmem>>) semaphore(%arg11 : memref<!tpu.dma_semaphore, #tpu.memory_space<semaphore_mem>>)
      %dma_wait3A = arith.constant 0 : i32
      %dma_wait3A_213 = arith.constant 0 : i32
      %dma_wait3A_214 = arith.constant 0 : i32
      %dma_wait3A_215 = tpu.memref_slice %arg9[%dma_wait3A, %dma_wait3A_213, %dma_wait3A_214] : memref<6x128x48xf32, #tpu.memory_space<vmem>> -> memref<1x128x48xf32, #tpu.memory_space<vmem>>
      %dma_wait3A_216 = tpu.memref_squeeze %dma_wait3A_215 : memref<1x128x48xf32, #tpu.memory_space<vmem>> -> memref<128x48xf32, #tpu.memory_space<vmem>>
      %dma_wait3A_217 = arith.constant 0 : i32
      %dma_wait3A_218 = tpu.memref_slice %arg7[%add3A_59, %dma_wait3A_217] : memref<79x128xi32, #tpu.memory_space<vmem>> -> memref<1x128xi32, #tpu.memory_space<vmem>>
      %dma_wait3A_219 = tpu.memref_squeeze %dma_wait3A_218 : memref<1x128xi32, #tpu.memory_space<vmem>> -> memref<128xi32, #tpu.memory_space<vmem>>
      %dma_wait3A_220 = arith.constant 0 : i32
      %dma_wait3A_221 = arith.constant 0 : i32
      %dma_wait3A_222 = tpu.memref_slice %arg2[%dma_wait3A_220, %dma_wait3A_221] : memref<10000x48xf32, #tpu.memory_space<hbm>> -> memref<10000x48xf32, #tpu.memory_space<hbm>>
      tpu.wait_indirect_dma semaphore(%arg11 : memref<!tpu.dma_semaphore, #tpu.memory_space<semaphore_mem>>) src(%dma_wait3A_222 : memref<10000x48xf32, #tpu.memory_space<hbm>>) dst(%dma_wait3A_216 : memref<128x48xf32, #tpu.memory_space<vmem>>)
      %dma_wait3A_223 = arith.constant 0 : i32
      %dma_wait3A_224 = arith.constant 0 : i32
      %dma_wait3A_225 = arith.constant 0 : i32
      %dma_wait3A_226 = tpu.memref_slice %arg10[%dma_wait3A_223, %dma_wait3A_224, %dma_wait3A_225] : memref<6x128x48xf32, #tpu.memory_space<vmem>> -> memref<1x128x48xf32, #tpu.memory_space<vmem>>
      %dma_wait3A_227 = tpu.memref_squeeze %dma_wait3A_226 : memref<1x128x48xf32, #tpu.memory_space<vmem>> -> memref<128x48xf32, #tpu.memory_space<vmem>>
      %dma_wait3A_228 = arith.constant 0 : i32
      %dma_wait3A_229 = tpu.memref_slice %arg8[%add3A_71, %dma_wait3A_228] : memref<79x128xi32, #tpu.memory_space<vmem>> -> memref<1x128xi32, #tpu.memory_space<vmem>>
      %dma_wait3A_230 = tpu.memref_squeeze %dma_wait3A_229 : memref<1x128xi32, #tpu.memory_space<vmem>> -> memref<128xi32, #tpu.memory_space<vmem>>
      %dma_wait3A_231 = arith.constant 0 : i32
      %dma_wait3A_232 = arith.constant 0 : i32
      %dma_wait3A_233 = tpu.memref_slice %arg3[%dma_wait3A_231, %dma_wait3A_232] : memref<10000x48xf32, #tpu.memory_space<hbm>> -> memref<10000x48xf32, #tpu.memory_space<hbm>>
      tpu.wait_indirect_dma semaphore(%arg11 : memref<!tpu.dma_semaphore, #tpu.memory_space<semaphore_mem>>) src(%dma_wait3A_233 : memref<10000x48xf32, #tpu.memory_space<hbm>>) dst(%dma_wait3A_227 : memref<128x48xf32, #tpu.memory_space<vmem>>)
      %dma_wait3A_234 = arith.constant 1 : i32
      %dma_wait3A_235 = arith.constant 0 : i32
      %dma_wait3A_236 = arith.constant 0 : i32
      %dma_wait3A_237 = tpu.memref_slice %arg9[%dma_wait3A_234, %dma_wait3A_235, %dma_wait3A_236] : memref<6x128x48xf32, #tpu.memory_space<vmem>> -> memref<1x128x48xf32, #tpu.memory_space<vmem>>
      %dma_wait3A_238 = tpu.memref_squeeze %dma_wait3A_237 : memref<1x128x48xf32, #tpu.memory_space<vmem>> -> memref<128x48xf32, #tpu.memory_space<vmem>>
      %dma_wait3A_239 = arith.constant 0 : i32
      %dma_wait3A_240 = tpu.memref_slice %arg7[%add3A_84, %dma_wait3A_239] : memref<79x128xi32, #tpu.memory_space<vmem>> -> memref<1x128xi32, #tpu.memory_space<vmem>>
      %dma_wait3A_241 = tpu.memref_squeeze %dma_wait3A_240 : memref<1x128xi32, #tpu.memory_space<vmem>> -> memref<128xi32, #tpu.memory_space<vmem>>
      %dma_wait3A_242 = arith.constant 0 : i32
      %dma_wait3A_243 = arith.constant 0 : i32
      %dma_wait3A_244 = tpu.memref_slice %arg2[%dma_wait3A_242, %dma_wait3A_243] : memref<10000x48xf32, #tpu.memory_space<hbm>> -> memref<10000x48xf32, #tpu.memory_space<hbm>>
      tpu.wait_indirect_dma semaphore(%arg11 : memref<!tpu.dma_semaphore, #tpu.memory_space<semaphore_mem>>) src(%dma_wait3A_244 : memref<10000x48xf32, #tpu.memory_space<hbm>>) dst(%dma_wait3A_238 : memref<128x48xf32, #tpu.memory_space<vmem>>)
      %dma_wait3A_245 = arith.constant 1 : i32
      %dma_wait3A_246 = arith.constant 0 : i32
      %dma_wait3A_247 = arith.constant 0 : i32
      %dma_wait3A_248 = tpu.memref_slice %arg10[%dma_wait3A_245, %dma_wait3A_246, %dma_wait3A_247] : memref<6x128x48xf32, #tpu.memory_space<vmem>> -> memref<1x128x48xf32, #tpu.memory_space<vmem>>
      %dma_wait3A_249 = tpu.memref_squeeze %dma_wait3A_248 : memref<1x128x48xf32, #tpu.memory_space<vmem>> -> memref<128x48xf32, #tpu.memory_space<vmem>>
      %dma_wait3A_250 = arith.constant 0 : i32
      %dma_wait3A_251 = tpu.memref_slice %arg8[%add3A_97, %dma_wait3A_250] : memref<79x128xi32, #tpu.memory_space<vmem>> -> memref<1x128xi32, #tpu.memory_space<vmem>>
      %dma_wait3A_252 = tpu.memref_squeeze %dma_wait3A_251 : memref<1x128xi32, #tpu.memory_space<vmem>> -> memref<128xi32, #tpu.memory_space<vmem>>
      %dma_wait3A_253 = arith.constant 0 : i32
      %dma_wait3A_254 = arith.constant 0 : i32
      %dma_wait3A_255 = tpu.memref_slice %arg3[%dma_wait3A_253, %dma_wait3A_254] : memref<10000x48xf32, #tpu.memory_space<hbm>> -> memref<10000x48xf32, #tpu.memory_space<hbm>>
      tpu.wait_indirect_dma semaphore(%arg11 : memref<!tpu.dma_semaphore, #tpu.memory_space<semaphore_mem>>) src(%dma_wait3A_255 : memref<10000x48xf32, #tpu.memory_space<hbm>>) dst(%dma_wait3A_249 : memref<128x48xf32, #tpu.memory_space<vmem>>)
      %dma_wait3A_256 = arith.constant 2 : i32
      %dma_wait3A_257 = arith.constant 0 : i32
      %dma_wait3A_258 = arith.constant 0 : i32
      %dma_wait3A_259 = tpu.memref_slice %arg9[%dma_wait3A_256, %dma_wait3A_257, %dma_wait3A_258] : memref<6x128x48xf32, #tpu.memory_space<vmem>> -> memref<1x128x48xf32, #tpu.memory_space<vmem>>
      %dma_wait3A_260 = tpu.memref_squeeze %dma_wait3A_259 : memref<1x128x48xf32, #tpu.memory_space<vmem>> -> memref<128x48xf32, #tpu.memory_space<vmem>>
      %dma_wait3A_261 = arith.constant 0 : i32
      %dma_wait3A_262 = tpu.memref_slice %arg7[%add3A_110, %dma_wait3A_261] : memref<79x128xi32, #tpu.memory_space<vmem>> -> memref<1x128xi32, #tpu.memory_space<vmem>>
      %dma_wait3A_263 = tpu.memref_squeeze %dma_wait3A_262 : memref<1x128xi32, #tpu.memory_space<vmem>> -> memref<128xi32, #tpu.memory_space<vmem>>
      %dma_wait3A_264 = arith.constant 0 : i32
      %dma_wait3A_265 = arith.constant 0 : i32
      %dma_wait3A_266 = tpu.memref_slice %arg2[%dma_wait3A_264, %dma_wait3A_265] : memref<10000x48xf32, #tpu.memory_space<hbm>> -> memref<10000x48xf32, #tpu.memory_space<hbm>>
      tpu.wait_indirect_dma semaphore(%arg11 : memref<!tpu.dma_semaphore, #tpu.memory_space<semaphore_mem>>) src(%dma_wait3A_266 : memref<10000x48xf32, #tpu.memory_space<hbm>>) dst(%dma_wait3A_260 : memref<128x48xf32, #tpu.memory_space<vmem>>)
      %dma_wait3A_267 = arith.constant 2 : i32
      %dma_wait3A_268 = arith.constant 0 : i32
      %dma_wait3A_269 = arith.constant 0 : i32
      %dma_wait3A_270 = tpu.memref_slice %arg10[%dma_wait3A_267, %dma_wait3A_268, %dma_wait3A_269] : memref<6x128x48xf32, #tpu.memory_space<vmem>> -> memref<1x128x48xf32, #tpu.memory_space<vmem>>
      %dma_wait3A_271 = tpu.memref_squeeze %dma_wait3A_270 : memref<1x128x48xf32, #tpu.memory_space<vmem>> -> memref<128x48xf32, #tpu.memory_space<vmem>>
      %dma_wait3A_272 = arith.constant 0 : i32
      %dma_wait3A_273 = tpu.memref_slice %arg8[%add3A_123, %dma_wait3A_272] : memref<79x128xi32, #tpu.memory_space<vmem>> -> memref<1x128xi32, #tpu.memory_space<vmem>>
      %dma_wait3A_274 = tpu.memref_squeeze %dma_wait3A_273 : memref<1x128xi32, #tpu.memory_space<vmem>> -> memref<128xi32, #tpu.memory_space<vmem>>
      %dma_wait3A_275 = arith.constant 0 : i32
      %dma_wait3A_276 = arith.constant 0 : i32
      %dma_wait3A_277 = tpu.memref_slice %arg3[%dma_wait3A_275, %dma_wait3A_276] : memref<10000x48xf32, #tpu.memory_space<hbm>> -> memref<10000x48xf32, #tpu.memory_space<hbm>>
      tpu.wait_indirect_dma semaphore(%arg11 : memref<!tpu.dma_semaphore, #tpu.memory_space<semaphore_mem>>) src(%dma_wait3A_277 : memref<10000x48xf32, #tpu.memory_space<hbm>>) dst(%dma_wait3A_271 : memref<128x48xf32, #tpu.memory_space<vmem>>)
      %dma_wait3A_278 = arith.constant 3 : i32
      %dma_wait3A_279 = arith.constant 0 : i32
      %dma_wait3A_280 = arith.constant 0 : i32
      %dma_wait3A_281 = tpu.memref_slice %arg9[%dma_wait3A_278, %dma_wait3A_279, %dma_wait3A_280] : memref<6x128x48xf32, #tpu.memory_space<vmem>> -> memref<1x128x48xf32, #tpu.memory_space<vmem>>
      %dma_wait3A_282 = tpu.memref_squeeze %dma_wait3A_281 : memref<1x128x48xf32, #tpu.memory_space<vmem>> -> memref<128x48xf32, #tpu.memory_space<vmem>>
      %dma_wait3A_283 = arith.constant 0 : i32
      %dma_wait3A_284 = tpu.memref_slice %arg7[%add3A_136, %dma_wait3A_283] : memref<79x128xi32, #tpu.memory_space<vmem>> -> memref<1x128xi32, #tpu.memory_space<vmem>>
      %dma_wait3A_285 = tpu.memref_squeeze %dma_wait3A_284 : memref<1x128xi32, #tpu.memory_space<vmem>> -> memref<128xi32, #tpu.memory_space<vmem>>
      %dma_wait3A_286 = arith.constant 0 : i32
      %dma_wait3A_287 = arith.constant 0 : i32
      %dma_wait3A_288 = tpu.memref_slice %arg2[%dma_wait3A_286, %dma_wait3A_287] : memref<10000x48xf32, #tpu.memory_space<hbm>> -> memref<10000x48xf32, #tpu.memory_space<hbm>>
      tpu.wait_indirect_dma semaphore(%arg11 : memref<!tpu.dma_semaphore, #tpu.memory_space<semaphore_mem>>) src(%dma_wait3A_288 : memref<10000x48xf32, #tpu.memory_space<hbm>>) dst(%dma_wait3A_282 : memref<128x48xf32, #tpu.memory_space<vmem>>)
      %dma_wait3A_289 = arith.constant 3 : i32
      %dma_wait3A_290 = arith.constant 0 : i32
      %dma_wait3A_291 = arith.constant 0 : i32
      %dma_wait3A_292 = tpu.memref_slice %arg10[%dma_wait3A_289, %dma_wait3A_290, %dma_wait3A_291] : memref<6x128x48xf32, #tpu.memory_space<vmem>> -> memref<1x128x48xf32, #tpu.memory_space<vmem>>
      %dma_wait3A_293 = tpu.memref_squeeze %dma_wait3A_292 : memref<1x128x48xf32, #tpu.memory_space<vmem>> -> memref<128x48xf32, #tpu.memory_space<vmem>>
      %dma_wait3A_294 = arith.constant 0 : i32
      %dma_wait3A_295 = tpu.memref_slice %arg8[%add3A_149, %dma_wait3A_294] : memref<79x128xi32, #tpu.memory_space<vmem>> -> memref<1x128xi32, #tpu.memory_space<vmem>>
      %dma_wait3A_296 = tpu.memref_squeeze %dma_wait3A_295 : memref<1x128xi32, #tpu.memory_space<vmem>> -> memref<128xi32, #tpu.memory_space<vmem>>
      %dma_wait3A_297 = arith.constant 0 : i32
      %dma_wait3A_298 = arith.constant 0 : i32
      %dma_wait3A_299 = tpu.memref_slice %arg3[%dma_wait3A_297, %dma_wait3A_298] : memref<10000x48xf32, #tpu.memory_space<hbm>> -> memref<10000x48xf32, #tpu.memory_space<hbm>>
      tpu.wait_indirect_dma semaphore(%arg11 : memref<!tpu.dma_semaphore, #tpu.memory_space<semaphore_mem>>) src(%dma_wait3A_299 : memref<10000x48xf32, #tpu.memory_space<hbm>>) dst(%dma_wait3A_293 : memref<128x48xf32, #tpu.memory_space<vmem>>)
      %dma_wait3A_300 = arith.constant 4 : i32
      %dma_wait3A_301 = arith.constant 0 : i32
      %dma_wait3A_302 = arith.constant 0 : i32
      %dma_wait3A_303 = tpu.memref_slice %arg9[%dma_wait3A_300, %dma_wait3A_301, %dma_wait3A_302] : memref<6x128x48xf32, #tpu.memory_space<vmem>> -> memref<1x128x48xf32, #tpu.memory_space<vmem>>
      %dma_wait3A_304 = tpu.memref_squeeze %dma_wait3A_303 : memref<1x128x48xf32, #tpu.memory_space<vmem>> -> memref<128x48xf32, #tpu.memory_space<vmem>>
      %dma_wait3A_305 = arith.constant 0 : i32
      %dma_wait3A_306 = tpu.memref_slice %arg7[%add3A_162, %dma_wait3A_305] : memref<79x128xi32, #tpu.memory_space<vmem>> -> memref<1x128xi32, #tpu.memory_space<vmem>>
      %dma_wait3A_307 = tpu.memref_squeeze %dma_wait3A_306 : memref<1x128xi32, #tpu.memory_space<vmem>> -> memref<128xi32, #tpu.memory_space<vmem>>
      %dma_wait3A_308 = arith.constant 0 : i32
      %dma_wait3A_309 = arith.constant 0 : i32
      %dma_wait3A_310 = tpu.memref_slice %arg2[%dma_wait3A_308, %dma_wait3A_309] : memref<10000x48xf32, #tpu.memory_space<hbm>> -> memref<10000x48xf32, #tpu.memory_space<hbm>>
      tpu.wait_indirect_dma semaphore(%arg11 : memref<!tpu.dma_semaphore, #tpu.memory_space<semaphore_mem>>) src(%dma_wait3A_310 : memref<10000x48xf32, #tpu.memory_space<hbm>>) dst(%dma_wait3A_304 : memref<128x48xf32, #tpu.memory_space<vmem>>)
      %dma_wait3A_311 = arith.constant 4 : i32
      %dma_wait3A_312 = arith.constant 0 : i32
      %dma_wait3A_313 = arith.constant 0 : i32
      %dma_wait3A_314 = tpu.memref_slice %arg10[%dma_wait3A_311, %dma_wait3A_312, %dma_wait3A_313] : memref<6x128x48xf32, #tpu.memory_space<vmem>> -> memref<1x128x48xf32, #tpu.memory_space<vmem>>
      %dma_wait3A_315 = tpu.memref_squeeze %dma_wait3A_314 : memref<1x128x48xf32, #tpu.memory_space<vmem>> -> memref<128x48xf32, #tpu.memory_space<vmem>>
      %dma_wait3A_316 = arith.constant 0 : i32
      %dma_wait3A_317 = tpu.memref_slice %arg8[%add3A_175, %dma_wait3A_316] : memref<79x128xi32, #tpu.memory_space<vmem>> -> memref<1x128xi32, #tpu.memory_space<vmem>>
      %dma_wait3A_318 = tpu.memref_squeeze %dma_wait3A_317 : memref<1x128xi32, #tpu.memory_space<vmem>> -> memref<128xi32, #tpu.memory_space<vmem>>
      %dma_wait3A_319 = arith.constant 0 : i32
      %dma_wait3A_320 = arith.constant 0 : i32
      %dma_wait3A_321 = tpu.memref_slice %arg3[%dma_wait3A_319, %dma_wait3A_320] : memref<10000x48xf32, #tpu.memory_space<hbm>> -> memref<10000x48xf32, #tpu.memory_space<hbm>>
      tpu.wait_indirect_dma semaphore(%arg11 : memref<!tpu.dma_semaphore, #tpu.memory_space<semaphore_mem>>) src(%dma_wait3A_321 : memref<10000x48xf32, #tpu.memory_space<hbm>>) dst(%dma_wait3A_315 : memref<128x48xf32, #tpu.memory_space<vmem>>)
      %dma_wait3A_322 = arith.constant 5 : i32
      %dma_wait3A_323 = arith.constant 0 : i32
      %dma_wait3A_324 = arith.constant 0 : i32
      %dma_wait3A_325 = tpu.memref_slice %arg9[%dma_wait3A_322, %dma_wait3A_323, %dma_wait3A_324] : memref<6x128x48xf32, #tpu.memory_space<vmem>> -> memref<1x128x48xf32, #tpu.memory_space<vmem>>
      %dma_wait3A_326 = tpu.memref_squeeze %dma_wait3A_325 : memref<1x128x48xf32, #tpu.memory_space<vmem>> -> memref<128x48xf32, #tpu.memory_space<vmem>>
      %dma_wait3A_327 = arith.constant 0 : i32
      %dma_wait3A_328 = tpu.memref_slice %arg7[%add3A_188, %dma_wait3A_327] : memref<79x128xi32, #tpu.memory_space<vmem>> -> memref<1x128xi32, #tpu.memory_space<vmem>>
      %dma_wait3A_329 = tpu.memref_squeeze %dma_wait3A_328 : memref<1x128xi32, #tpu.memory_space<vmem>> -> memref<128xi32, #tpu.memory_space<vmem>>
      %dma_wait3A_330 = arith.constant 0 : i32
      %dma_wait3A_331 = arith.constant 0 : i32
      %dma_wait3A_332 = tpu.memref_slice %arg2[%dma_wait3A_330, %dma_wait3A_331] : memref<10000x48xf32, #tpu.memory_space<hbm>> -> memref<10000x48xf32, #tpu.memory_space<hbm>>
      tpu.wait_indirect_dma semaphore(%arg11 : memref<!tpu.dma_semaphore, #tpu.memory_space<semaphore_mem>>) src(%dma_wait3A_332 : memref<10000x48xf32, #tpu.memory_space<hbm>>) dst(%dma_wait3A_326 : memref<128x48xf32, #tpu.memory_space<vmem>>)
      %dma_wait3A_333 = arith.constant 5 : i32
      %dma_wait3A_334 = arith.constant 0 : i32
      %dma_wait3A_335 = arith.constant 0 : i32
      %dma_wait3A_336 = tpu.memref_slice %arg10[%dma_wait3A_333, %dma_wait3A_334, %dma_wait3A_335] : memref<6x128x48xf32, #tpu.memory_space<vmem>> -> memref<1x128x48xf32, #tpu.memory_space<vmem>>
      %dma_wait3A_337 = tpu.memref_squeeze %dma_wait3A_336 : memref<1x128x48xf32, #tpu.memory_space<vmem>> -> memref<128x48xf32, #tpu.memory_space<vmem>>
      %dma_wait3A_338 = arith.constant 0 : i32
      %dma_wait3A_339 = tpu.memref_slice %arg8[%add3A_201, %dma_wait3A_338] : memref<79x128xi32, #tpu.memory_space<vmem>> -> memref<1x128xi32, #tpu.memory_space<vmem>>
      %dma_wait3A_340 = tpu.memref_squeeze %dma_wait3A_339 : memref<1x128xi32, #tpu.memory_space<vmem>> -> memref<128xi32, #tpu.memory_space<vmem>>
      %dma_wait3A_341 = arith.constant 0 : i32
      %dma_wait3A_342 = arith.constant 0 : i32
      %dma_wait3A_343 = tpu.memref_slice %arg3[%dma_wait3A_341, %dma_wait3A_342] : memref<10000x48xf32, #tpu.memory_space<hbm>> -> memref<10000x48xf32, #tpu.memory_space<hbm>>
      tpu.wait_indirect_dma semaphore(%arg11 : memref<!tpu.dma_semaphore, #tpu.memory_space<semaphore_mem>>) src(%dma_wait3A_343 : memref<10000x48xf32, #tpu.memory_space<hbm>>) dst(%dma_wait3A_337 : memref<128x48xf32, #tpu.memory_space<vmem>>)
      %scan3A_344 = arith.constant 0 : i32
      %scan3A_345 = arith.constant 0 : i32
      %scan3A_346 = arith.constant 128 : i32
      %scan3A_347 = arith.addi %scan3A_345, %scan3A_346 : i32
      %scan3A_348 = arith.constant 1 : i32
      scf.for %scan3A_566 = %scan3A_345 to %scan3A_347 step %scan3A_348  : i32 {
        %get3A = arith.constant 0 : i32
        %get3A_567 = arith.index_cast %get3A : i32 to index
        %get3A_568 = arith.index_cast %scan3A_566 : i32 to index
        %get3A_569 = arith.constant 0 : index
        %get3A_570 = tpu.vector_load %arg9[%get3A_567, %get3A_568, %get3A_569] {strides = array<i32>} : memref<6x128x48xf32, #tpu.memory_space<vmem>>, vector<1x1x16xf32>,
        %get3A_571 = vector.shape_cast %get3A_570 : vector<1x1x16xf32> to vector<16xf32>
        %get3A_572 = arith.constant 0 : i32
        %get3A_573 = arith.index_cast %get3A_572 : i32 to index
        %get3A_574 = arith.index_cast %scan3A_566 : i32 to index
        %get3A_575 = arith.constant 0 : index
        %get3A_576 = tpu.vector_load %arg10[%get3A_573, %get3A_574, %get3A_575] {strides = array<i32>} : memref<6x128x48xf32, #tpu.memory_space<vmem>>, vector<1x1x16xf32>,
        %get3A_577 = vector.shape_cast %get3A_576 : vector<1x1x16xf32> to vector<16xf32>
        %add3A_578 = arith.addf %get3A_571, %get3A_577 : vector<16xf32>
        %swap3A = arith.constant 0 : i32
        %swap3A_579 = arith.index_cast %swap3A : i32 to index
        %swap3A_580 = arith.index_cast %scan3A_566 : i32 to index
        %swap3A_581 = arith.constant 0 : index
        %swap3A_582 = tpu.vector_load %arg9[%swap3A_579, %swap3A_580, %swap3A_581] {strides = array<i32>} : memref<6x128x48xf32, #tpu.memory_space<vmem>>, vector<1x1x16xf32>,
        %swap3A_583 = vector.shape_cast %swap3A_582 : vector<1x1x16xf32> to vector<16xf32>
        %swap3A_584 = vector.shape_cast %add3A_578 : vector<16xf32> to vector<1x1x16xf32>
        tpu.vector_store %arg9[%swap3A_579, %swap3A_580, %swap3A_581], %swap3A_584 {strides = array<i32>} : memref<6x128x48xf32, #tpu.memory_space<vmem>>, vector<1x1x16xf32>,
        %get3A_585 = arith.constant 0 : i32
        %get3A_586 = arith.index_cast %get3A_585 : i32 to index
        %get3A_587 = arith.index_cast %scan3A_566 : i32 to index
        %get3A_588 = arith.constant 16 : index
        %get3A_589 = tpu.vector_load %arg9[%get3A_586, %get3A_587, %get3A_588] {strides = array<i32>} : memref<6x128x48xf32, #tpu.memory_space<vmem>>, vector<1x1x16xf32>,
        %get3A_590 = vector.shape_cast %get3A_589 : vector<1x1x16xf32> to vector<16xf32>
        %get3A_591 = arith.constant 0 : i32
        %get3A_592 = arith.index_cast %get3A_591 : i32 to index
        %get3A_593 = arith.index_cast %scan3A_566 : i32 to index
        %get3A_594 = arith.constant 16 : index
        %get3A_595 = tpu.vector_load %arg10[%get3A_592, %get3A_593, %get3A_594] {strides = array<i32>} : memref<6x128x48xf32, #tpu.memory_space<vmem>>, vector<1x1x16xf32>,
        %get3A_596 = vector.shape_cast %get3A_595 : vector<1x1x16xf32> to vector<16xf32>
        %add3A_597 = arith.addf %get3A_590, %get3A_596 : vector<16xf32>
        %swap3A_598 = arith.constant 0 : i32
        %swap3A_599 = arith.index_cast %swap3A_598 : i32 to index
        %swap3A_600 = arith.index_cast %scan3A_566 : i32 to index
        %swap3A_601 = arith.constant 16 : index
        %swap3A_602 = tpu.vector_load %arg9[%swap3A_599, %swap3A_600, %swap3A_601] {strides = array<i32>} : memref<6x128x48xf32, #tpu.memory_space<vmem>>, vector<1x1x16xf32>,
        %swap3A_603 = vector.shape_cast %swap3A_602 : vector<1x1x16xf32> to vector<16xf32>
        %swap3A_604 = vector.shape_cast %add3A_597 : vector<16xf32> to vector<1x1x16xf32>
        tpu.vector_store %arg9[%swap3A_599, %swap3A_600, %swap3A_601], %swap3A_604 {strides = array<i32>} : memref<6x128x48xf32, #tpu.memory_space<vmem>>, vector<1x1x16xf32>,
        %get3A_605 = arith.constant 0 : i32
        %get3A_606 = arith.index_cast %get3A_605 : i32 to index
        %get3A_607 = arith.index_cast %scan3A_566 : i32 to index
        %get3A_608 = arith.constant 32 : index
        %get3A_609 = tpu.vector_load %arg9[%get3A_606, %get3A_607, %get3A_608] {strides = array<i32>} : memref<6x128x48xf32, #tpu.memory_space<vmem>>, vector<1x1x16xf32>,
        %get3A_610 = vector.shape_cast %get3A_609 : vector<1x1x16xf32> to vector<16xf32>
        %get3A_611 = arith.constant 0 : i32
        %get3A_612 = arith.index_cast %get3A_611 : i32 to index
        %get3A_613 = arith.index_cast %scan3A_566 : i32 to index
        %get3A_614 = arith.constant 32 : index
        %get3A_615 = tpu.vector_load %arg10[%get3A_612, %get3A_613, %get3A_614] {strides = array<i32>} : memref<6x128x48xf32, #tpu.memory_space<vmem>>, vector<1x1x16xf32>,
        %get3A_616 = vector.shape_cast %get3A_615 : vector<1x1x16xf32> to vector<16xf32>
        %add3A_617 = arith.addf %get3A_610, %get3A_616 : vector<16xf32>
        %swap3A_618 = arith.constant 0 : i32
        %swap3A_619 = arith.index_cast %swap3A_618 : i32 to index
        %swap3A_620 = arith.index_cast %scan3A_566 : i32 to index
        %swap3A_621 = arith.constant 32 : index
        %swap3A_622 = tpu.vector_load %arg9[%swap3A_619, %swap3A_620, %swap3A_621] {strides = array<i32>} : memref<6x128x48xf32, #tpu.memory_space<vmem>>, vector<1x1x16xf32>,
        %swap3A_623 = vector.shape_cast %swap3A_622 : vector<1x1x16xf32> to vector<16xf32>
        %swap3A_624 = vector.shape_cast %add3A_617 : vector<16xf32> to vector<1x1x16xf32>
        tpu.vector_store %arg9[%swap3A_619, %swap3A_620, %swap3A_621], %swap3A_624 {strides = array<i32>} : memref<6x128x48xf32, #tpu.memory_space<vmem>>, vector<1x1x16xf32>,
      }
      %scan3A_349 = arith.constant 128 : i32
      %add3A_350 = arith.addi %select_n3A, %mul3A_57 : i32
      %add3A_351 = arith.constant 0 : i32
      %add3A_352 = arith.addi %add3A_350, %add3A_351 : i32
      %mul3A_353 = arith.constant 128 : i32
      %mul3A_354 = arith.muli %add3A_352, %mul3A_353 : i32
      %dma_start3A_355 = arith.constant 0 : i32
      %dma_start3A_356 = arith.constant 0 : i32
      %dma_start3A_357 = arith.constant 0 : i32
      %dma_start3A_358 = tpu.memref_slice %arg9[%dma_start3A_355, %dma_start3A_356, %dma_start3A_357] : memref<6x128x48xf32, #tpu.memory_space<vmem>> -> memref<1x128x48xf32, #tpu.memory_space<vmem>>
      %dma_start3A_359 = tpu.memref_squeeze %dma_start3A_358 : memref<1x128x48xf32, #tpu.memory_space<vmem>> -> memref<128x48xf32, #tpu.memory_space<vmem>>
      %dma_start3A_360 = arith.constant 0 : i32
      %dma_start3A_361 = tpu.memref_slice %arg6[%mul3A_354, %dma_start3A_360] : memref<320000x48xf32, #tpu.memory_space<hbm>> -> memref<128x48xf32, #tpu.memory_space<hbm>>
      %dma_start3A_362 = arith.constant 0 : i32
      %dma_start3A_363 = tpu.memref_slice %arg6[%mul3A_354, %dma_start3A_362] : memref<320000x48xf32, #tpu.memory_space<hbm>> -> memref<128x48xf32, #tpu.memory_space<hbm>>
      %dma_start3A_364 = arith.constant 0 : i32
      %dma_start3A_365 = arith.constant 0 : i32
      %dma_start3A_366 = tpu.memref_slice %arg9[%dma_start3A_355, %dma_start3A_364, %dma_start3A_365] : memref<6x128x48xf32, #tpu.memory_space<vmem>> -> memref<1x128x48xf32, #tpu.memory_space<vmem>>
      %dma_start3A_367 = tpu.memref_squeeze %dma_start3A_366 : memref<1x128x48xf32, #tpu.memory_space<vmem>> -> memref<128x48xf32, #tpu.memory_space<vmem>>
      tpu.enqueue_dma source(%dma_start3A_367 : memref<128x48xf32, #tpu.memory_space<vmem>>) target(%dma_start3A_363 : memref<128x48xf32, #tpu.memory_space<hbm>>) target_semaphore(%arg12 : memref<!tpu.dma_semaphore, #tpu.memory_space<semaphore_mem>>)
      %scan3A_368 = arith.constant 0 : i32
      %scan3A_369 = arith.constant 0 : i32
      %scan3A_370 = arith.constant 128 : i32
      %scan3A_371 = arith.addi %scan3A_369, %scan3A_370 : i32
      %scan3A_372 = arith.constant 1 : i32
      scf.for %scan3A_566 = %scan3A_369 to %scan3A_371 step %scan3A_372  : i32 {
        %get3A = arith.constant 1 : i32
        %get3A_567 = arith.index_cast %get3A : i32 to index
        %get3A_568 = arith.index_cast %scan3A_566 : i32 to index
        %get3A_569 = arith.constant 0 : index
        %get3A_570 = tpu.vector_load %arg9[%get3A_567, %get3A_568, %get3A_569] {strides = array<i32>} : memref<6x128x48xf32, #tpu.memory_space<vmem>>, vector<1x1x16xf32>,
        %get3A_571 = vector.shape_cast %get3A_570 : vector<1x1x16xf32> to vector<16xf32>
        %get3A_572 = arith.constant 1 : i32
        %get3A_573 = arith.index_cast %get3A_572 : i32 to index
        %get3A_574 = arith.index_cast %scan3A_566 : i32 to index
        %get3A_575 = arith.constant 0 : index
        %get3A_576 = tpu.vector_load %arg10[%get3A_573, %get3A_574, %get3A_575] {strides = array<i32>} : memref<6x128x48xf32, #tpu.memory_space<vmem>>, vector<1x1x16xf32>,
        %get3A_577 = vector.shape_cast %get3A_576 : vector<1x1x16xf32> to vector<16xf32>
        %add3A_578 = arith.addf %get3A_571, %get3A_577 : vector<16xf32>
        %swap3A = arith.constant 1 : i32
        %swap3A_579 = arith.index_cast %swap3A : i32 to index
        %swap3A_580 = arith.index_cast %scan3A_566 : i32 to index
        %swap3A_581 = arith.constant 0 : index
        %swap3A_582 = tpu.vector_load %arg9[%swap3A_579, %swap3A_580, %swap3A_581] {strides = array<i32>} : memref<6x128x48xf32, #tpu.memory_space<vmem>>, vector<1x1x16xf32>,
        %swap3A_583 = vector.shape_cast %swap3A_582 : vector<1x1x16xf32> to vector<16xf32>
        %swap3A_584 = vector.shape_cast %add3A_578 : vector<16xf32> to vector<1x1x16xf32>
        tpu.vector_store %arg9[%swap3A_579, %swap3A_580, %swap3A_581], %swap3A_584 {strides = array<i32>} : memref<6x128x48xf32, #tpu.memory_space<vmem>>, vector<1x1x16xf32>,
        %get3A_585 = arith.constant 1 : i32
        %get3A_586 = arith.index_cast %get3A_585 : i32 to index
        %get3A_587 = arith.index_cast %scan3A_566 : i32 to index
        %get3A_588 = arith.constant 16 : index
        %get3A_589 = tpu.vector_load %arg9[%get3A_586, %get3A_587, %get3A_588] {strides = array<i32>} : memref<6x128x48xf32, #tpu.memory_space<vmem>>, vector<1x1x16xf32>,
        %get3A_590 = vector.shape_cast %get3A_589 : vector<1x1x16xf32> to vector<16xf32>
        %get3A_591 = arith.constant 1 : i32
        %get3A_592 = arith.index_cast %get3A_591 : i32 to index
        %get3A_593 = arith.index_cast %scan3A_566 : i32 to index
        %get3A_594 = arith.constant 16 : index
        %get3A_595 = tpu.vector_load %arg10[%get3A_592, %get3A_593, %get3A_594] {strides = array<i32>} : memref<6x128x48xf32, #tpu.memory_space<vmem>>, vector<1x1x16xf32>,
        %get3A_596 = vector.shape_cast %get3A_595 : vector<1x1x16xf32> to vector<16xf32>
        %add3A_597 = arith.addf %get3A_590, %get3A_596 : vector<16xf32>
        %swap3A_598 = arith.constant 1 : i32
        %swap3A_599 = arith.index_cast %swap3A_598 : i32 to index
        %swap3A_600 = arith.index_cast %scan3A_566 : i32 to index
        %swap3A_601 = arith.constant 16 : index
        %swap3A_602 = tpu.vector_load %arg9[%swap3A_599, %swap3A_600, %swap3A_601] {strides = array<i32>} : memref<6x128x48xf32, #tpu.memory_space<vmem>>, vector<1x1x16xf32>,
        %swap3A_603 = vector.shape_cast %swap3A_602 : vector<1x1x16xf32> to vector<16xf32>
        %swap3A_604 = vector.shape_cast %add3A_597 : vector<16xf32> to vector<1x1x16xf32>
        tpu.vector_store %arg9[%swap3A_599, %swap3A_600, %swap3A_601], %swap3A_604 {strides = array<i32>} : memref<6x128x48xf32, #tpu.memory_space<vmem>>, vector<1x1x16xf32>,
        %get3A_605 = arith.constant 1 : i32
        %get3A_606 = arith.index_cast %get3A_605 : i32 to index
        %get3A_607 = arith.index_cast %scan3A_566 : i32 to index
        %get3A_608 = arith.constant 32 : index
        %get3A_609 = tpu.vector_load %arg9[%get3A_606, %get3A_607, %get3A_608] {strides = array<i32>} : memref<6x128x48xf32, #tpu.memory_space<vmem>>, vector<1x1x16xf32>,
        %get3A_610 = vector.shape_cast %get3A_609 : vector<1x1x16xf32> to vector<16xf32>
        %get3A_611 = arith.constant 1 : i32
        %get3A_612 = arith.index_cast %get3A_611 : i32 to index
        %get3A_613 = arith.index_cast %scan3A_566 : i32 to index
        %get3A_614 = arith.constant 32 : index
        %get3A_615 = tpu.vector_load %arg10[%get3A_612, %get3A_613, %get3A_614] {strides = array<i32>} : memref<6x128x48xf32, #tpu.memory_space<vmem>>, vector<1x1x16xf32>,
        %get3A_616 = vector.shape_cast %get3A_615 : vector<1x1x16xf32> to vector<16xf32>
        %add3A_617 = arith.addf %get3A_610, %get3A_616 : vector<16xf32>
        %swap3A_618 = arith.constant 1 : i32
        %swap3A_619 = arith.index_cast %swap3A_618 : i32 to index
        %swap3A_620 = arith.index_cast %scan3A_566 : i32 to index
        %swap3A_621 = arith.constant 32 : index
        %swap3A_622 = tpu.vector_load %arg9[%swap3A_619, %swap3A_620, %swap3A_621] {strides = array<i32>} : memref<6x128x48xf32, #tpu.memory_space<vmem>>, vector<1x1x16xf32>,
        %swap3A_623 = vector.shape_cast %swap3A_622 : vector<1x1x16xf32> to vector<16xf32>
        %swap3A_624 = vector.shape_cast %add3A_617 : vector<16xf32> to vector<1x1x16xf32>
        tpu.vector_store %arg9[%swap3A_619, %swap3A_620, %swap3A_621], %swap3A_624 {strides = array<i32>} : memref<6x128x48xf32, #tpu.memory_space<vmem>>, vector<1x1x16xf32>,
      }
      %scan3A_373 = arith.constant 128 : i32
      %add3A_374 = arith.addi %select_n3A, %mul3A_57 : i32
      %add3A_375 = arith.constant 1 : i32
      %add3A_376 = arith.addi %add3A_374, %add3A_375 : i32
      %mul3A_377 = arith.constant 128 : i32
      %mul3A_378 = arith.muli %add3A_376, %mul3A_377 : i32
      %dma_start3A_379 = arith.constant 1 : i32
      %dma_start3A_380 = arith.constant 0 : i32
      %dma_start3A_381 = arith.constant 0 : i32
      %dma_start3A_382 = tpu.memref_slice %arg9[%dma_start3A_379, %dma_start3A_380, %dma_start3A_381] : memref<6x128x48xf32, #tpu.memory_space<vmem>> -> memref<1x128x48xf32, #tpu.memory_space<vmem>>
      %dma_start3A_383 = tpu.memref_squeeze %dma_start3A_382 : memref<1x128x48xf32, #tpu.memory_space<vmem>> -> memref<128x48xf32, #tpu.memory_space<vmem>>
      %dma_start3A_384 = arith.constant 0 : i32
      %dma_start3A_385 = tpu.memref_slice %arg6[%mul3A_378, %dma_start3A_384] : memref<320000x48xf32, #tpu.memory_space<hbm>> -> memref<128x48xf32, #tpu.memory_space<hbm>>
      %dma_start3A_386 = arith.constant 0 : i32
      %dma_start3A_387 = tpu.memref_slice %arg6[%mul3A_378, %dma_start3A_386] : memref<320000x48xf32, #tpu.memory_space<hbm>> -> memref<128x48xf32, #tpu.memory_space<hbm>>
      %dma_start3A_388 = arith.constant 0 : i32
      %dma_start3A_389 = arith.constant 0 : i32
      %dma_start3A_390 = tpu.memref_slice %arg9[%dma_start3A_379, %dma_start3A_388, %dma_start3A_389] : memref<6x128x48xf32, #tpu.memory_space<vmem>> -> memref<1x128x48xf32, #tpu.memory_space<vmem>>
      %dma_start3A_391 = tpu.memref_squeeze %dma_start3A_390 : memref<1x128x48xf32, #tpu.memory_space<vmem>> -> memref<128x48xf32, #tpu.memory_space<vmem>>
      tpu.enqueue_dma source(%dma_start3A_391 : memref<128x48xf32, #tpu.memory_space<vmem>>) target(%dma_start3A_387 : memref<128x48xf32, #tpu.memory_space<hbm>>) target_semaphore(%arg12 : memref<!tpu.dma_semaphore, #tpu.memory_space<semaphore_mem>>)
      %scan3A_392 = arith.constant 0 : i32
      %scan3A_393 = arith.constant 0 : i32
      %scan3A_394 = arith.constant 128 : i32
      %scan3A_395 = arith.addi %scan3A_393, %scan3A_394 : i32
      %scan3A_396 = arith.constant 1 : i32
      scf.for %scan3A_566 = %scan3A_393 to %scan3A_395 step %scan3A_396  : i32 {
        %get3A = arith.constant 2 : i32
        %get3A_567 = arith.index_cast %get3A : i32 to index
        %get3A_568 = arith.index_cast %scan3A_566 : i32 to index
        %get3A_569 = arith.constant 0 : index
        %get3A_570 = tpu.vector_load %arg9[%get3A_567, %get3A_568, %get3A_569] {strides = array<i32>} : memref<6x128x48xf32, #tpu.memory_space<vmem>>, vector<1x1x16xf32>,
        %get3A_571 = vector.shape_cast %get3A_570 : vector<1x1x16xf32> to vector<16xf32>
        %get3A_572 = arith.constant 2 : i32
        %get3A_573 = arith.index_cast %get3A_572 : i32 to index
        %get3A_574 = arith.index_cast %scan3A_566 : i32 to index
        %get3A_575 = arith.constant 0 : index
        %get3A_576 = tpu.vector_load %arg10[%get3A_573, %get3A_574, %get3A_575] {strides = array<i32>} : memref<6x128x48xf32, #tpu.memory_space<vmem>>, vector<1x1x16xf32>,
        %get3A_577 = vector.shape_cast %get3A_576 : vector<1x1x16xf32> to vector<16xf32>
        %add3A_578 = arith.addf %get3A_571, %get3A_577 : vector<16xf32>
        %swap3A = arith.constant 2 : i32
        %swap3A_579 = arith.index_cast %swap3A : i32 to index
        %swap3A_580 = arith.index_cast %scan3A_566 : i32 to index
        %swap3A_581 = arith.constant 0 : index
        %swap3A_582 = tpu.vector_load %arg9[%swap3A_579, %swap3A_580, %swap3A_581] {strides = array<i32>} : memref<6x128x48xf32, #tpu.memory_space<vmem>>, vector<1x1x16xf32>,
        %swap3A_583 = vector.shape_cast %swap3A_582 : vector<1x1x16xf32> to vector<16xf32>
        %swap3A_584 = vector.shape_cast %add3A_578 : vector<16xf32> to vector<1x1x16xf32>
        tpu.vector_store %arg9[%swap3A_579, %swap3A_580, %swap3A_581], %swap3A_584 {strides = array<i32>} : memref<6x128x48xf32, #tpu.memory_space<vmem>>, vector<1x1x16xf32>,
        %get3A_585 = arith.constant 2 : i32
        %get3A_586 = arith.index_cast %get3A_585 : i32 to index
        %get3A_587 = arith.index_cast %scan3A_566 : i32 to index
        %get3A_588 = arith.constant 16 : index
        %get3A_589 = tpu.vector_load %arg9[%get3A_586, %get3A_587, %get3A_588] {strides = array<i32>} : memref<6x128x48xf32, #tpu.memory_space<vmem>>, vector<1x1x16xf32>,
        %get3A_590 = vector.shape_cast %get3A_589 : vector<1x1x16xf32> to vector<16xf32>
        %get3A_591 = arith.constant 2 : i32
        %get3A_592 = arith.index_cast %get3A_591 : i32 to index
        %get3A_593 = arith.index_cast %scan3A_566 : i32 to index
        %get3A_594 = arith.constant 16 : index
        %get3A_595 = tpu.vector_load %arg10[%get3A_592, %get3A_593, %get3A_594] {strides = array<i32>} : memref<6x128x48xf32, #tpu.memory_space<vmem>>, vector<1x1x16xf32>,
        %get3A_596 = vector.shape_cast %get3A_595 : vector<1x1x16xf32> to vector<16xf32>
        %add3A_597 = arith.addf %get3A_590, %get3A_596 : vector<16xf32>
        %swap3A_598 = arith.constant 2 : i32
        %swap3A_599 = arith.index_cast %swap3A_598 : i32 to index
        %swap3A_600 = arith.index_cast %scan3A_566 : i32 to index
        %swap3A_601 = arith.constant 16 : index
        %swap3A_602 = tpu.vector_load %arg9[%swap3A_599, %swap3A_600, %swap3A_601] {strides = array<i32>} : memref<6x128x48xf32, #tpu.memory_space<vmem>>, vector<1x1x16xf32>,
        %swap3A_603 = vector.shape_cast %swap3A_602 : vector<1x1x16xf32> to vector<16xf32>
        %swap3A_604 = vector.shape_cast %add3A_597 : vector<16xf32> to vector<1x1x16xf32>
        tpu.vector_store %arg9[%swap3A_599, %swap3A_600, %swap3A_601], %swap3A_604 {strides = array<i32>} : memref<6x128x48xf32, #tpu.memory_space<vmem>>, vector<1x1x16xf32>,
        %get3A_605 = arith.constant 2 : i32
        %get3A_606 = arith.index_cast %get3A_605 : i32 to index
        %get3A_607 = arith.index_cast %scan3A_566 : i32 to index
        %get3A_608 = arith.constant 32 : index
        %get3A_609 = tpu.vector_load %arg9[%get3A_606, %get3A_607, %get3A_608] {strides = array<i32>} : memref<6x128x48xf32, #tpu.memory_space<vmem>>, vector<1x1x16xf32>,
        %get3A_610 = vector.shape_cast %get3A_609 : vector<1x1x16xf32> to vector<16xf32>
        %get3A_611 = arith.constant 2 : i32
        %get3A_612 = arith.index_cast %get3A_611 : i32 to index
        %get3A_613 = arith.index_cast %scan3A_566 : i32 to index
        %get3A_614 = arith.constant 32 : index
        %get3A_615 = tpu.vector_load %arg10[%get3A_612, %get3A_613, %get3A_614] {strides = array<i32>} : memref<6x128x48xf32, #tpu.memory_space<vmem>>, vector<1x1x16xf32>,
        %get3A_616 = vector.shape_cast %get3A_615 : vector<1x1x16xf32> to vector<16xf32>
        %add3A_617 = arith.addf %get3A_610, %get3A_616 : vector<16xf32>
        %swap3A_618 = arith.constant 2 : i32
        %swap3A_619 = arith.index_cast %swap3A_618 : i32 to index
        %swap3A_620 = arith.index_cast %scan3A_566 : i32 to index
        %swap3A_621 = arith.constant 32 : index
        %swap3A_622 = tpu.vector_load %arg9[%swap3A_619, %swap3A_620, %swap3A_621] {strides = array<i32>} : memref<6x128x48xf32, #tpu.memory_space<vmem>>, vector<1x1x16xf32>,
        %swap3A_623 = vector.shape_cast %swap3A_622 : vector<1x1x16xf32> to vector<16xf32>
        %swap3A_624 = vector.shape_cast %add3A_617 : vector<16xf32> to vector<1x1x16xf32>
        tpu.vector_store %arg9[%swap3A_619, %swap3A_620, %swap3A_621], %swap3A_624 {strides = array<i32>} : memref<6x128x48xf32, #tpu.memory_space<vmem>>, vector<1x1x16xf32>,
      }
      %scan3A_397 = arith.constant 128 : i32
      %add3A_398 = arith.addi %select_n3A, %mul3A_57 : i32
      %add3A_399 = arith.constant 2 : i32
      %add3A_400 = arith.addi %add3A_398, %add3A_399 : i32
      %mul3A_401 = arith.constant 128 : i32
      %mul3A_402 = arith.muli %add3A_400, %mul3A_401 : i32
      %dma_start3A_403 = arith.constant 2 : i32
      %dma_start3A_404 = arith.constant 0 : i32
      %dma_start3A_405 = arith.constant 0 : i32
      %dma_start3A_406 = tpu.memref_slice %arg9[%dma_start3A_403, %dma_start3A_404, %dma_start3A_405] : memref<6x128x48xf32, #tpu.memory_space<vmem>> -> memref<1x128x48xf32, #tpu.memory_space<vmem>>
      %dma_start3A_407 = tpu.memref_squeeze %dma_start3A_406 : memref<1x128x48xf32, #tpu.memory_space<vmem>> -> memref<128x48xf32, #tpu.memory_space<vmem>>
      %dma_start3A_408 = arith.constant 0 : i32
      %dma_start3A_409 = tpu.memref_slice %arg6[%mul3A_402, %dma_start3A_408] : memref<320000x48xf32, #tpu.memory_space<hbm>> -> memref<128x48xf32, #tpu.memory_space<hbm>>
      %dma_start3A_410 = arith.constant 0 : i32
      %dma_start3A_411 = tpu.memref_slice %arg6[%mul3A_402, %dma_start3A_410] : memref<320000x48xf32, #tpu.memory_space<hbm>> -> memref<128x48xf32, #tpu.memory_space<hbm>>
      %dma_start3A_412 = arith.constant 0 : i32
      %dma_start3A_413 = arith.constant 0 : i32
      %dma_start3A_414 = tpu.memref_slice %arg9[%dma_start3A_403, %dma_start3A_412, %dma_start3A_413] : memref<6x128x48xf32, #tpu.memory_space<vmem>> -> memref<1x128x48xf32, #tpu.memory_space<vmem>>
      %dma_start3A_415 = tpu.memref_squeeze %dma_start3A_414 : memref<1x128x48xf32, #tpu.memory_space<vmem>> -> memref<128x48xf32, #tpu.memory_space<vmem>>
      tpu.enqueue_dma source(%dma_start3A_415 : memref<128x48xf32, #tpu.memory_space<vmem>>) target(%dma_start3A_411 : memref<128x48xf32, #tpu.memory_space<hbm>>) target_semaphore(%arg12 : memref<!tpu.dma_semaphore, #tpu.memory_space<semaphore_mem>>)
      %scan3A_416 = arith.constant 0 : i32
      %scan3A_417 = arith.constant 0 : i32
      %scan3A_418 = arith.constant 128 : i32
      %scan3A_419 = arith.addi %scan3A_417, %scan3A_418 : i32
      %scan3A_420 = arith.constant 1 : i32
      scf.for %scan3A_566 = %scan3A_417 to %scan3A_419 step %scan3A_420  : i32 {
        %get3A = arith.constant 3 : i32
        %get3A_567 = arith.index_cast %get3A : i32 to index
        %get3A_568 = arith.index_cast %scan3A_566 : i32 to index
        %get3A_569 = arith.constant 0 : index
        %get3A_570 = tpu.vector_load %arg9[%get3A_567, %get3A_568, %get3A_569] {strides = array<i32>} : memref<6x128x48xf32, #tpu.memory_space<vmem>>, vector<1x1x16xf32>,
        %get3A_571 = vector.shape_cast %get3A_570 : vector<1x1x16xf32> to vector<16xf32>
        %get3A_572 = arith.constant 3 : i32
        %get3A_573 = arith.index_cast %get3A_572 : i32 to index
        %get3A_574 = arith.index_cast %scan3A_566 : i32 to index
        %get3A_575 = arith.constant 0 : index
        %get3A_576 = tpu.vector_load %arg10[%get3A_573, %get3A_574, %get3A_575] {strides = array<i32>} : memref<6x128x48xf32, #tpu.memory_space<vmem>>, vector<1x1x16xf32>,
        %get3A_577 = vector.shape_cast %get3A_576 : vector<1x1x16xf32> to vector<16xf32>
        %add3A_578 = arith.addf %get3A_571, %get3A_577 : vector<16xf32>
        %swap3A = arith.constant 3 : i32
        %swap3A_579 = arith.index_cast %swap3A : i32 to index
        %swap3A_580 = arith.index_cast %scan3A_566 : i32 to index
        %swap3A_581 = arith.constant 0 : index
        %swap3A_582 = tpu.vector_load %arg9[%swap3A_579, %swap3A_580, %swap3A_581] {strides = array<i32>} : memref<6x128x48xf32, #tpu.memory_space<vmem>>, vector<1x1x16xf32>,
        %swap3A_583 = vector.shape_cast %swap3A_582 : vector<1x1x16xf32> to vector<16xf32>
        %swap3A_584 = vector.shape_cast %add3A_578 : vector<16xf32> to vector<1x1x16xf32>
        tpu.vector_store %arg9[%swap3A_579, %swap3A_580, %swap3A_581], %swap3A_584 {strides = array<i32>} : memref<6x128x48xf32, #tpu.memory_space<vmem>>, vector<1x1x16xf32>,
        %get3A_585 = arith.constant 3 : i32
        %get3A_586 = arith.index_cast %get3A_585 : i32 to index
        %get3A_587 = arith.index_cast %scan3A_566 : i32 to index
        %get3A_588 = arith.constant 16 : index
        %get3A_589 = tpu.vector_load %arg9[%get3A_586, %get3A_587, %get3A_588] {strides = array<i32>} : memref<6x128x48xf32, #tpu.memory_space<vmem>>, vector<1x1x16xf32>,
        %get3A_590 = vector.shape_cast %get3A_589 : vector<1x1x16xf32> to vector<16xf32>
        %get3A_591 = arith.constant 3 : i32
        %get3A_592 = arith.index_cast %get3A_591 : i32 to index
        %get3A_593 = arith.index_cast %scan3A_566 : i32 to index
        %get3A_594 = arith.constant 16 : index
        %get3A_595 = tpu.vector_load %arg10[%get3A_592, %get3A_593, %get3A_594] {strides = array<i32>} : memref<6x128x48xf32, #tpu.memory_space<vmem>>, vector<1x1x16xf32>,
        %get3A_596 = vector.shape_cast %get3A_595 : vector<1x1x16xf32> to vector<16xf32>
        %add3A_597 = arith.addf %get3A_590, %get3A_596 : vector<16xf32>
        %swap3A_598 = arith.constant 3 : i32
        %swap3A_599 = arith.index_cast %swap3A_598 : i32 to index
        %swap3A_600 = arith.index_cast %scan3A_566 : i32 to index
        %swap3A_601 = arith.constant 16 : index
        %swap3A_602 = tpu.vector_load %arg9[%swap3A_599, %swap3A_600, %swap3A_601] {strides = array<i32>} : memref<6x128x48xf32, #tpu.memory_space<vmem>>, vector<1x1x16xf32>,
        %swap3A_603 = vector.shape_cast %swap3A_602 : vector<1x1x16xf32> to vector<16xf32>
        %swap3A_604 = vector.shape_cast %add3A_597 : vector<16xf32> to vector<1x1x16xf32>
        tpu.vector_store %arg9[%swap3A_599, %swap3A_600, %swap3A_601], %swap3A_604 {strides = array<i32>} : memref<6x128x48xf32, #tpu.memory_space<vmem>>, vector<1x1x16xf32>,
        %get3A_605 = arith.constant 3 : i32
        %get3A_606 = arith.index_cast %get3A_605 : i32 to index
        %get3A_607 = arith.index_cast %scan3A_566 : i32 to index
        %get3A_608 = arith.constant 32 : index
        %get3A_609 = tpu.vector_load %arg9[%get3A_606, %get3A_607, %get3A_608] {strides = array<i32>} : memref<6x128x48xf32, #tpu.memory_space<vmem>>, vector<1x1x16xf32>,
        %get3A_610 = vector.shape_cast %get3A_609 : vector<1x1x16xf32> to vector<16xf32>
        %get3A_611 = arith.constant 3 : i32
        %get3A_612 = arith.index_cast %get3A_611 : i32 to index
        %get3A_613 = arith.index_cast %scan3A_566 : i32 to index
        %get3A_614 = arith.constant 32 : index
        %get3A_615 = tpu.vector_load %arg10[%get3A_612, %get3A_613, %get3A_614] {strides = array<i32>} : memref<6x128x48xf32, #tpu.memory_space<vmem>>, vector<1x1x16xf32>,
        %get3A_616 = vector.shape_cast %get3A_615 : vector<1x1x16xf32> to vector<16xf32>
        %add3A_617 = arith.addf %get3A_610, %get3A_616 : vector<16xf32>
        %swap3A_618 = arith.constant 3 : i32
        %swap3A_619 = arith.index_cast %swap3A_618 : i32 to index
        %swap3A_620 = arith.index_cast %scan3A_566 : i32 to index
        %swap3A_621 = arith.constant 32 : index
        %swap3A_622 = tpu.vector_load %arg9[%swap3A_619, %swap3A_620, %swap3A_621] {strides = array<i32>} : memref<6x128x48xf32, #tpu.memory_space<vmem>>, vector<1x1x16xf32>,
        %swap3A_623 = vector.shape_cast %swap3A_622 : vector<1x1x16xf32> to vector<16xf32>
        %swap3A_624 = vector.shape_cast %add3A_617 : vector<16xf32> to vector<1x1x16xf32>
        tpu.vector_store %arg9[%swap3A_619, %swap3A_620, %swap3A_621], %swap3A_624 {strides = array<i32>} : memref<6x128x48xf32, #tpu.memory_space<vmem>>, vector<1x1x16xf32>,
      }
      %scan3A_421 = arith.constant 128 : i32
      %add3A_422 = arith.addi %select_n3A, %mul3A_57 : i32
      %add3A_423 = arith.constant 3 : i32
      %add3A_424 = arith.addi %add3A_422, %add3A_423 : i32
      %mul3A_425 = arith.constant 128 : i32
      %mul3A_426 = arith.muli %add3A_424, %mul3A_425 : i32
      %dma_start3A_427 = arith.constant 3 : i32
      %dma_start3A_428 = arith.constant 0 : i32
      %dma_start3A_429 = arith.constant 0 : i32
      %dma_start3A_430 = tpu.memref_slice %arg9[%dma_start3A_427, %dma_start3A_428, %dma_start3A_429] : memref<6x128x48xf32, #tpu.memory_space<vmem>> -> memref<1x128x48xf32, #tpu.memory_space<vmem>>
      %dma_start3A_431 = tpu.memref_squeeze %dma_start3A_430 : memref<1x128x48xf32, #tpu.memory_space<vmem>> -> memref<128x48xf32, #tpu.memory_space<vmem>>
      %dma_start3A_432 = arith.constant 0 : i32
      %dma_start3A_433 = tpu.memref_slice %arg6[%mul3A_426, %dma_start3A_432] : memref<320000x48xf32, #tpu.memory_space<hbm>> -> memref<128x48xf32, #tpu.memory_space<hbm>>
      %dma_start3A_434 = arith.constant 0 : i32
      %dma_start3A_435 = tpu.memref_slice %arg6[%mul3A_426, %dma_start3A_434] : memref<320000x48xf32, #tpu.memory_space<hbm>> -> memref<128x48xf32, #tpu.memory_space<hbm>>
      %dma_start3A_436 = arith.constant 0 : i32
      %dma_start3A_437 = arith.constant 0 : i32
      %dma_start3A_438 = tpu.memref_slice %arg9[%dma_start3A_427, %dma_start3A_436, %dma_start3A_437] : memref<6x128x48xf32, #tpu.memory_space<vmem>> -> memref<1x128x48xf32, #tpu.memory_space<vmem>>
      %dma_start3A_439 = tpu.memref_squeeze %dma_start3A_438 : memref<1x128x48xf32, #tpu.memory_space<vmem>> -> memref<128x48xf32, #tpu.memory_space<vmem>>
      tpu.enqueue_dma source(%dma_start3A_439 : memref<128x48xf32, #tpu.memory_space<vmem>>) target(%dma_start3A_435 : memref<128x48xf32, #tpu.memory_space<hbm>>) target_semaphore(%arg12 : memref<!tpu.dma_semaphore, #tpu.memory_space<semaphore_mem>>)
      %scan3A_440 = arith.constant 0 : i32
      %scan3A_441 = arith.constant 0 : i32
      %scan3A_442 = arith.constant 128 : i32
      %scan3A_443 = arith.addi %scan3A_441, %scan3A_442 : i32
      %scan3A_444 = arith.constant 1 : i32
      scf.for %scan3A_566 = %scan3A_441 to %scan3A_443 step %scan3A_444  : i32 {
        %get3A = arith.constant 4 : i32
        %get3A_567 = arith.index_cast %get3A : i32 to index
        %get3A_568 = arith.index_cast %scan3A_566 : i32 to index
        %get3A_569 = arith.constant 0 : index
        %get3A_570 = tpu.vector_load %arg9[%get3A_567, %get3A_568, %get3A_569] {strides = array<i32>} : memref<6x128x48xf32, #tpu.memory_space<vmem>>, vector<1x1x16xf32>,
        %get3A_571 = vector.shape_cast %get3A_570 : vector<1x1x16xf32> to vector<16xf32>
        %get3A_572 = arith.constant 4 : i32
        %get3A_573 = arith.index_cast %get3A_572 : i32 to index
        %get3A_574 = arith.index_cast %scan3A_566 : i32 to index
        %get3A_575 = arith.constant 0 : index
        %get3A_576 = tpu.vector_load %arg10[%get3A_573, %get3A_574, %get3A_575] {strides = array<i32>} : memref<6x128x48xf32, #tpu.memory_space<vmem>>, vector<1x1x16xf32>,
        %get3A_577 = vector.shape_cast %get3A_576 : vector<1x1x16xf32> to vector<16xf32>
        %add3A_578 = arith.addf %get3A_571, %get3A_577 : vector<16xf32>
        %swap3A = arith.constant 4 : i32
        %swap3A_579 = arith.index_cast %swap3A : i32 to index
        %swap3A_580 = arith.index_cast %scan3A_566 : i32 to index
        %swap3A_581 = arith.constant 0 : index
        %swap3A_582 = tpu.vector_load %arg9[%swap3A_579, %swap3A_580, %swap3A_581] {strides = array<i32>} : memref<6x128x48xf32, #tpu.memory_space<vmem>>, vector<1x1x16xf32>,
        %swap3A_583 = vector.shape_cast %swap3A_582 : vector<1x1x16xf32> to vector<16xf32>
        %swap3A_584 = vector.shape_cast %add3A_578 : vector<16xf32> to vector<1x1x16xf32>
        tpu.vector_store %arg9[%swap3A_579, %swap3A_580, %swap3A_581], %swap3A_584 {strides = array<i32>} : memref<6x128x48xf32, #tpu.memory_space<vmem>>, vector<1x1x16xf32>,
        %get3A_585 = arith.constant 4 : i32
        %get3A_586 = arith.index_cast %get3A_585 : i32 to index
        %get3A_587 = arith.index_cast %scan3A_566 : i32 to index
        %get3A_588 = arith.constant 16 : index
        %get3A_589 = tpu.vector_load %arg9[%get3A_586, %get3A_587, %get3A_588] {strides = array<i32>} : memref<6x128x48xf32, #tpu.memory_space<vmem>>, vector<1x1x16xf32>,
        %get3A_590 = vector.shape_cast %get3A_589 : vector<1x1x16xf32> to vector<16xf32>
        %get3A_591 = arith.constant 4 : i32
        %get3A_592 = arith.index_cast %get3A_591 : i32 to index
        %get3A_593 = arith.index_cast %scan3A_566 : i32 to index
        %get3A_594 = arith.constant 16 : index
        %get3A_595 = tpu.vector_load %arg10[%get3A_592, %get3A_593, %get3A_594] {strides = array<i32>} : memref<6x128x48xf32, #tpu.memory_space<vmem>>, vector<1x1x16xf32>,
        %get3A_596 = vector.shape_cast %get3A_595 : vector<1x1x16xf32> to vector<16xf32>
        %add3A_597 = arith.addf %get3A_590, %get3A_596 : vector<16xf32>
        %swap3A_598 = arith.constant 4 : i32
        %swap3A_599 = arith.index_cast %swap3A_598 : i32 to index
        %swap3A_600 = arith.index_cast %scan3A_566 : i32 to index
        %swap3A_601 = arith.constant 16 : index
        %swap3A_602 = tpu.vector_load %arg9[%swap3A_599, %swap3A_600, %swap3A_601] {strides = array<i32>} : memref<6x128x48xf32, #tpu.memory_space<vmem>>, vector<1x1x16xf32>,
        %swap3A_603 = vector.shape_cast %swap3A_602 : vector<1x1x16xf32> to vector<16xf32>
        %swap3A_604 = vector.shape_cast %add3A_597 : vector<16xf32> to vector<1x1x16xf32>
        tpu.vector_store %arg9[%swap3A_599, %swap3A_600, %swap3A_601], %swap3A_604 {strides = array<i32>} : memref<6x128x48xf32, #tpu.memory_space<vmem>>, vector<1x1x16xf32>,
        %get3A_605 = arith.constant 4 : i32
        %get3A_606 = arith.index_cast %get3A_605 : i32 to index
        %get3A_607 = arith.index_cast %scan3A_566 : i32 to index
        %get3A_608 = arith.constant 32 : index
        %get3A_609 = tpu.vector_load %arg9[%get3A_606, %get3A_607, %get3A_608] {strides = array<i32>} : memref<6x128x48xf32, #tpu.memory_space<vmem>>, vector<1x1x16xf32>,
        %get3A_610 = vector.shape_cast %get3A_609 : vector<1x1x16xf32> to vector<16xf32>
        %get3A_611 = arith.constant 4 : i32
        %get3A_612 = arith.index_cast %get3A_611 : i32 to index
        %get3A_613 = arith.index_cast %scan3A_566 : i32 to index
        %get3A_614 = arith.constant 32 : index
        %get3A_615 = tpu.vector_load %arg10[%get3A_612, %get3A_613, %get3A_614] {strides = array<i32>} : memref<6x128x48xf32, #tpu.memory_space<vmem>>, vector<1x1x16xf32>,
        %get3A_616 = vector.shape_cast %get3A_615 : vector<1x1x16xf32> to vector<16xf32>
        %add3A_617 = arith.addf %get3A_610, %get3A_616 : vector<16xf32>
        %swap3A_618 = arith.constant 4 : i32
        %swap3A_619 = arith.index_cast %swap3A_618 : i32 to index
        %swap3A_620 = arith.index_cast %scan3A_566 : i32 to index
        %swap3A_621 = arith.constant 32 : index
        %swap3A_622 = tpu.vector_load %arg9[%swap3A_619, %swap3A_620, %swap3A_621] {strides = array<i32>} : memref<6x128x48xf32, #tpu.memory_space<vmem>>, vector<1x1x16xf32>,
        %swap3A_623 = vector.shape_cast %swap3A_622 : vector<1x1x16xf32> to vector<16xf32>
        %swap3A_624 = vector.shape_cast %add3A_617 : vector<16xf32> to vector<1x1x16xf32>
        tpu.vector_store %arg9[%swap3A_619, %swap3A_620, %swap3A_621], %swap3A_624 {strides = array<i32>} : memref<6x128x48xf32, #tpu.memory_space<vmem>>, vector<1x1x16xf32>,
      }
      %scan3A_445 = arith.constant 128 : i32
      %add3A_446 = arith.addi %select_n3A, %mul3A_57 : i32
      %add3A_447 = arith.constant 4 : i32
      %add3A_448 = arith.addi %add3A_446, %add3A_447 : i32
      %mul3A_449 = arith.constant 128 : i32
      %mul3A_450 = arith.muli %add3A_448, %mul3A_449 : i32
      %dma_start3A_451 = arith.constant 4 : i32
      %dma_start3A_452 = arith.constant 0 : i32
      %dma_start3A_453 = arith.constant 0 : i32
      %dma_start3A_454 = tpu.memref_slice %arg9[%dma_start3A_451, %dma_start3A_452, %dma_start3A_453] : memref<6x128x48xf32, #tpu.memory_space<vmem>> -> memref<1x128x48xf32, #tpu.memory_space<vmem>>
      %dma_start3A_455 = tpu.memref_squeeze %dma_start3A_454 : memref<1x128x48xf32, #tpu.memory_space<vmem>> -> memref<128x48xf32, #tpu.memory_space<vmem>>
      %dma_start3A_456 = arith.constant 0 : i32
      %dma_start3A_457 = tpu.memref_slice %arg6[%mul3A_450, %dma_start3A_456] : memref<320000x48xf32, #tpu.memory_space<hbm>> -> memref<128x48xf32, #tpu.memory_space<hbm>>
      %dma_start3A_458 = arith.constant 0 : i32
      %dma_start3A_459 = tpu.memref_slice %arg6[%mul3A_450, %dma_start3A_458] : memref<320000x48xf32, #tpu.memory_space<hbm>> -> memref<128x48xf32, #tpu.memory_space<hbm>>
      %dma_start3A_460 = arith.constant 0 : i32
      %dma_start3A_461 = arith.constant 0 : i32
      %dma_start3A_462 = tpu.memref_slice %arg9[%dma_start3A_451, %dma_start3A_460, %dma_start3A_461] : memref<6x128x48xf32, #tpu.memory_space<vmem>> -> memref<1x128x48xf32, #tpu.memory_space<vmem>>
      %dma_start3A_463 = tpu.memref_squeeze %dma_start3A_462 : memref<1x128x48xf32, #tpu.memory_space<vmem>> -> memref<128x48xf32, #tpu.memory_space<vmem>>
      tpu.enqueue_dma source(%dma_start3A_463 : memref<128x48xf32, #tpu.memory_space<vmem>>) target(%dma_start3A_459 : memref<128x48xf32, #tpu.memory_space<hbm>>) target_semaphore(%arg12 : memref<!tpu.dma_semaphore, #tpu.memory_space<semaphore_mem>>)
      %scan3A_464 = arith.constant 0 : i32
      %scan3A_465 = arith.constant 0 : i32
      %scan3A_466 = arith.constant 128 : i32
      %scan3A_467 = arith.addi %scan3A_465, %scan3A_466 : i32
      %scan3A_468 = arith.constant 1 : i32
      scf.for %scan3A_566 = %scan3A_465 to %scan3A_467 step %scan3A_468  : i32 {
        %get3A = arith.constant 5 : i32
        %get3A_567 = arith.index_cast %get3A : i32 to index
        %get3A_568 = arith.index_cast %scan3A_566 : i32 to index
        %get3A_569 = arith.constant 0 : index
        %get3A_570 = tpu.vector_load %arg9[%get3A_567, %get3A_568, %get3A_569] {strides = array<i32>} : memref<6x128x48xf32, #tpu.memory_space<vmem>>, vector<1x1x16xf32>,
        %get3A_571 = vector.shape_cast %get3A_570 : vector<1x1x16xf32> to vector<16xf32>
        %get3A_572 = arith.constant 5 : i32
        %get3A_573 = arith.index_cast %get3A_572 : i32 to index
        %get3A_574 = arith.index_cast %scan3A_566 : i32 to index
        %get3A_575 = arith.constant 0 : index
        %get3A_576 = tpu.vector_load %arg10[%get3A_573, %get3A_574, %get3A_575] {strides = array<i32>} : memref<6x128x48xf32, #tpu.memory_space<vmem>>, vector<1x1x16xf32>,
        %get3A_577 = vector.shape_cast %get3A_576 : vector<1x1x16xf32> to vector<16xf32>
        %add3A_578 = arith.addf %get3A_571, %get3A_577 : vector<16xf32>
        %swap3A = arith.constant 5 : i32
        %swap3A_579 = arith.index_cast %swap3A : i32 to index
        %swap3A_580 = arith.index_cast %scan3A_566 : i32 to index
        %swap3A_581 = arith.constant 0 : index
        %swap3A_582 = tpu.vector_load %arg9[%swap3A_579, %swap3A_580, %swap3A_581] {strides = array<i32>} : memref<6x128x48xf32, #tpu.memory_space<vmem>>, vector<1x1x16xf32>,
        %swap3A_583 = vector.shape_cast %swap3A_582 : vector<1x1x16xf32> to vector<16xf32>
        %swap3A_584 = vector.shape_cast %add3A_578 : vector<16xf32> to vector<1x1x16xf32>
        tpu.vector_store %arg9[%swap3A_579, %swap3A_580, %swap3A_581], %swap3A_584 {strides = array<i32>} : memref<6x128x48xf32, #tpu.memory_space<vmem>>, vector<1x1x16xf32>,
        %get3A_585 = arith.constant 5 : i32
        %get3A_586 = arith.index_cast %get3A_585 : i32 to index
        %get3A_587 = arith.index_cast %scan3A_566 : i32 to index
        %get3A_588 = arith.constant 16 : index
        %get3A_589 = tpu.vector_load %arg9[%get3A_586, %get3A_587, %get3A_588] {strides = array<i32>} : memref<6x128x48xf32, #tpu.memory_space<vmem>>, vector<1x1x16xf32>,
        %get3A_590 = vector.shape_cast %get3A_589 : vector<1x1x16xf32> to vector<16xf32>
        %get3A_591 = arith.constant 5 : i32
        %get3A_592 = arith.index_cast %get3A_591 : i32 to index
        %get3A_593 = arith.index_cast %scan3A_566 : i32 to index
        %get3A_594 = arith.constant 16 : index
        %get3A_595 = tpu.vector_load %arg10[%get3A_592, %get3A_593, %get3A_594] {strides = array<i32>} : memref<6x128x48xf32, #tpu.memory_space<vmem>>, vector<1x1x16xf32>,
        %get3A_596 = vector.shape_cast %get3A_595 : vector<1x1x16xf32> to vector<16xf32>
        %add3A_597 = arith.addf %get3A_590, %get3A_596 : vector<16xf32>
        %swap3A_598 = arith.constant 5 : i32
        %swap3A_599 = arith.index_cast %swap3A_598 : i32 to index
        %swap3A_600 = arith.index_cast %scan3A_566 : i32 to index
        %swap3A_601 = arith.constant 16 : index
        %swap3A_602 = tpu.vector_load %arg9[%swap3A_599, %swap3A_600, %swap3A_601] {strides = array<i32>} : memref<6x128x48xf32, #tpu.memory_space<vmem>>, vector<1x1x16xf32>,
        %swap3A_603 = vector.shape_cast %swap3A_602 : vector<1x1x16xf32> to vector<16xf32>
        %swap3A_604 = vector.shape_cast %add3A_597 : vector<16xf32> to vector<1x1x16xf32>
        tpu.vector_store %arg9[%swap3A_599, %swap3A_600, %swap3A_601], %swap3A_604 {strides = array<i32>} : memref<6x128x48xf32, #tpu.memory_space<vmem>>, vector<1x1x16xf32>,
        %get3A_605 = arith.constant 5 : i32
        %get3A_606 = arith.index_cast %get3A_605 : i32 to index
        %get3A_607 = arith.index_cast %scan3A_566 : i32 to index
        %get3A_608 = arith.constant 32 : index
        %get3A_609 = tpu.vector_load %arg9[%get3A_606, %get3A_607, %get3A_608] {strides = array<i32>} : memref<6x128x48xf32, #tpu.memory_space<vmem>>, vector<1x1x16xf32>,
        %get3A_610 = vector.shape_cast %get3A_609 : vector<1x1x16xf32> to vector<16xf32>
        %get3A_611 = arith.constant 5 : i32
        %get3A_612 = arith.index_cast %get3A_611 : i32 to index
        %get3A_613 = arith.index_cast %scan3A_566 : i32 to index
        %get3A_614 = arith.constant 32 : index
        %get3A_615 = tpu.vector_load %arg10[%get3A_612, %get3A_613, %get3A_614] {strides = array<i32>} : memref<6x128x48xf32, #tpu.memory_space<vmem>>, vector<1x1x16xf32>,
        %get3A_616 = vector.shape_cast %get3A_615 : vector<1x1x16xf32> to vector<16xf32>
        %add3A_617 = arith.addf %get3A_610, %get3A_616 : vector<16xf32>
        %swap3A_618 = arith.constant 5 : i32
        %swap3A_619 = arith.index_cast %swap3A_618 : i32 to index
        %swap3A_620 = arith.index_cast %scan3A_566 : i32 to index
        %swap3A_621 = arith.constant 32 : index
        %swap3A_622 = tpu.vector_load %arg9[%swap3A_619, %swap3A_620, %swap3A_621] {strides = array<i32>} : memref<6x128x48xf32, #tpu.memory_space<vmem>>, vector<1x1x16xf32>,
        %swap3A_623 = vector.shape_cast %swap3A_622 : vector<1x1x16xf32> to vector<16xf32>
        %swap3A_624 = vector.shape_cast %add3A_617 : vector<16xf32> to vector<1x1x16xf32>
        tpu.vector_store %arg9[%swap3A_619, %swap3A_620, %swap3A_621], %swap3A_624 {strides = array<i32>} : memref<6x128x48xf32, #tpu.memory_space<vmem>>, vector<1x1x16xf32>,
      }
      %scan3A_469 = arith.constant 128 : i32
      %add3A_470 = arith.addi %select_n3A, %mul3A_57 : i32
      %add3A_471 = arith.constant 5 : i32
      %add3A_472 = arith.addi %add3A_470, %add3A_471 : i32
      %mul3A_473 = arith.constant 128 : i32
      %mul3A_474 = arith.muli %add3A_472, %mul3A_473 : i32
      %dma_start3A_475 = arith.constant 5 : i32
      %dma_start3A_476 = arith.constant 0 : i32
      %dma_start3A_477 = arith.constant 0 : i32
      %dma_start3A_478 = tpu.memref_slice %arg9[%dma_start3A_475, %dma_start3A_476, %dma_start3A_477] : memref<6x128x48xf32, #tpu.memory_space<vmem>> -> memref<1x128x48xf32, #tpu.memory_space<vmem>>
      %dma_start3A_479 = tpu.memref_squeeze %dma_start3A_478 : memref<1x128x48xf32, #tpu.memory_space<vmem>> -> memref<128x48xf32, #tpu.memory_space<vmem>>
      %dma_start3A_480 = arith.constant 0 : i32
      %dma_start3A_481 = tpu.memref_slice %arg6[%mul3A_474, %dma_start3A_480] : memref<320000x48xf32, #tpu.memory_space<hbm>> -> memref<128x48xf32, #tpu.memory_space<hbm>>
      %dma_start3A_482 = arith.constant 0 : i32
      %dma_start3A_483 = tpu.memref_slice %arg6[%mul3A_474, %dma_start3A_482] : memref<320000x48xf32, #tpu.memory_space<hbm>> -> memref<128x48xf32, #tpu.memory_space<hbm>>
      %dma_start3A_484 = arith.constant 0 : i32
      %dma_start3A_485 = arith.constant 0 : i32
      %dma_start3A_486 = tpu.memref_slice %arg9[%dma_start3A_475, %dma_start3A_484, %dma_start3A_485] : memref<6x128x48xf32, #tpu.memory_space<vmem>> -> memref<1x128x48xf32, #tpu.memory_space<vmem>>
      %dma_start3A_487 = tpu.memref_squeeze %dma_start3A_486 : memref<1x128x48xf32, #tpu.memory_space<vmem>> -> memref<128x48xf32, #tpu.memory_space<vmem>>
      tpu.enqueue_dma source(%dma_start3A_487 : memref<128x48xf32, #tpu.memory_space<vmem>>) target(%dma_start3A_483 : memref<128x48xf32, #tpu.memory_space<hbm>>) target_semaphore(%arg12 : memref<!tpu.dma_semaphore, #tpu.memory_space<semaphore_mem>>)
      %dma_wait3A_488 = arith.constant 0 : i32
      %dma_wait3A_489 = arith.constant 0 : i32
      %dma_wait3A_490 = arith.constant 0 : i32
      %dma_wait3A_491 = tpu.memref_slice %arg9[%dma_wait3A_488, %dma_wait3A_489, %dma_wait3A_490] : memref<6x128x48xf32, #tpu.memory_space<vmem>> -> memref<1x128x48xf32, #tpu.memory_space<vmem>>
      %dma_wait3A_492 = tpu.memref_squeeze %dma_wait3A_491 : memref<1x128x48xf32, #tpu.memory_space<vmem>> -> memref<128x48xf32, #tpu.memory_space<vmem>>
      %dma_wait3A_493 = arith.constant 0 : i32
      %dma_wait3A_494 = tpu.memref_slice %arg6[%mul3A_354, %dma_wait3A_493] : memref<320000x48xf32, #tpu.memory_space<hbm>> -> memref<128x48xf32, #tpu.memory_space<hbm>>
      %dma_wait3A_495 = arith.constant 0 : i32
      %dma_wait3A_496 = tpu.memref_slice %arg6[%mul3A_354, %dma_wait3A_495] : memref<320000x48xf32, #tpu.memory_space<hbm>> -> memref<128x48xf32, #tpu.memory_space<hbm>>
      %dma_wait3A_497 = arith.constant 0 : i32
      %dma_wait3A_498 = arith.constant 0 : i32
      %dma_wait3A_499 = tpu.memref_slice %arg9[%dma_wait3A_488, %dma_wait3A_497, %dma_wait3A_498] : memref<6x128x48xf32, #tpu.memory_space<vmem>> -> memref<1x128x48xf32, #tpu.memory_space<vmem>>
      %dma_wait3A_500 = tpu.memref_squeeze %dma_wait3A_499 : memref<1x128x48xf32, #tpu.memory_space<vmem>> -> memref<128x48xf32, #tpu.memory_space<vmem>>
      tpu.wait_dma2 semaphore(%arg12 : memref<!tpu.dma_semaphore, #tpu.memory_space<semaphore_mem>>) src(%dma_wait3A_500 : memref<128x48xf32, #tpu.memory_space<vmem>>) dst(%dma_wait3A_496 : memref<128x48xf32, #tpu.memory_space<hbm>>)
      %dma_wait3A_501 = arith.constant 1 : i32
      %dma_wait3A_502 = arith.constant 0 : i32
      %dma_wait3A_503 = arith.constant 0 : i32
      %dma_wait3A_504 = tpu.memref_slice %arg9[%dma_wait3A_501, %dma_wait3A_502, %dma_wait3A_503] : memref<6x128x48xf32, #tpu.memory_space<vmem>> -> memref<1x128x48xf32, #tpu.memory_space<vmem>>
      %dma_wait3A_505 = tpu.memref_squeeze %dma_wait3A_504 : memref<1x128x48xf32, #tpu.memory_space<vmem>> -> memref<128x48xf32, #tpu.memory_space<vmem>>
      %dma_wait3A_506 = arith.constant 0 : i32
      %dma_wait3A_507 = tpu.memref_slice %arg6[%mul3A_378, %dma_wait3A_506] : memref<320000x48xf32, #tpu.memory_space<hbm>> -> memref<128x48xf32, #tpu.memory_space<hbm>>
      %dma_wait3A_508 = arith.constant 0 : i32
      %dma_wait3A_509 = tpu.memref_slice %arg6[%mul3A_378, %dma_wait3A_508] : memref<320000x48xf32, #tpu.memory_space<hbm>> -> memref<128x48xf32, #tpu.memory_space<hbm>>
      %dma_wait3A_510 = arith.constant 0 : i32
      %dma_wait3A_511 = arith.constant 0 : i32
      %dma_wait3A_512 = tpu.memref_slice %arg9[%dma_wait3A_501, %dma_wait3A_510, %dma_wait3A_511] : memref<6x128x48xf32, #tpu.memory_space<vmem>> -> memref<1x128x48xf32, #tpu.memory_space<vmem>>
      %dma_wait3A_513 = tpu.memref_squeeze %dma_wait3A_512 : memref<1x128x48xf32, #tpu.memory_space<vmem>> -> memref<128x48xf32, #tpu.memory_space<vmem>>
      tpu.wait_dma2 semaphore(%arg12 : memref<!tpu.dma_semaphore, #tpu.memory_space<semaphore_mem>>) src(%dma_wait3A_513 : memref<128x48xf32, #tpu.memory_space<vmem>>) dst(%dma_wait3A_509 : memref<128x48xf32, #tpu.memory_space<hbm>>)
      %dma_wait3A_514 = arith.constant 2 : i32
      %dma_wait3A_515 = arith.constant 0 : i32
      %dma_wait3A_516 = arith.constant 0 : i32
      %dma_wait3A_517 = tpu.memref_slice %arg9[%dma_wait3A_514, %dma_wait3A_515, %dma_wait3A_516] : memref<6x128x48xf32, #tpu.memory_space<vmem>> -> memref<1x128x48xf32, #tpu.memory_space<vmem>>
      %dma_wait3A_518 = tpu.memref_squeeze %dma_wait3A_517 : memref<1x128x48xf32, #tpu.memory_space<vmem>> -> memref<128x48xf32, #tpu.memory_space<vmem>>
      %dma_wait3A_519 = arith.constant 0 : i32
      %dma_wait3A_520 = tpu.memref_slice %arg6[%mul3A_402, %dma_wait3A_519] : memref<320000x48xf32, #tpu.memory_space<hbm>> -> memref<128x48xf32, #tpu.memory_space<hbm>>
      %dma_wait3A_521 = arith.constant 0 : i32
      %dma_wait3A_522 = tpu.memref_slice %arg6[%mul3A_402, %dma_wait3A_521] : memref<320000x48xf32, #tpu.memory_space<hbm>> -> memref<128x48xf32, #tpu.memory_space<hbm>>
      %dma_wait3A_523 = arith.constant 0 : i32
      %dma_wait3A_524 = arith.constant 0 : i32
      %dma_wait3A_525 = tpu.memref_slice %arg9[%dma_wait3A_514, %dma_wait3A_523, %dma_wait3A_524] : memref<6x128x48xf32, #tpu.memory_space<vmem>> -> memref<1x128x48xf32, #tpu.memory_space<vmem>>
      %dma_wait3A_526 = tpu.memref_squeeze %dma_wait3A_525 : memref<1x128x48xf32, #tpu.memory_space<vmem>> -> memref<128x48xf32, #tpu.memory_space<vmem>>
      tpu.wait_dma2 semaphore(%arg12 : memref<!tpu.dma_semaphore, #tpu.memory_space<semaphore_mem>>) src(%dma_wait3A_526 : memref<128x48xf32, #tpu.memory_space<vmem>>) dst(%dma_wait3A_522 : memref<128x48xf32, #tpu.memory_space<hbm>>)
      %dma_wait3A_527 = arith.constant 3 : i32
      %dma_wait3A_528 = arith.constant 0 : i32
      %dma_wait3A_529 = arith.constant 0 : i32
      %dma_wait3A_530 = tpu.memref_slice %arg9[%dma_wait3A_527, %dma_wait3A_528, %dma_wait3A_529] : memref<6x128x48xf32, #tpu.memory_space<vmem>> -> memref<1x128x48xf32, #tpu.memory_space<vmem>>
      %dma_wait3A_531 = tpu.memref_squeeze %dma_wait3A_530 : memref<1x128x48xf32, #tpu.memory_space<vmem>> -> memref<128x48xf32, #tpu.memory_space<vmem>>
      %dma_wait3A_532 = arith.constant 0 : i32
      %dma_wait3A_533 = tpu.memref_slice %arg6[%mul3A_426, %dma_wait3A_532] : memref<320000x48xf32, #tpu.memory_space<hbm>> -> memref<128x48xf32, #tpu.memory_space<hbm>>
      %dma_wait3A_534 = arith.constant 0 : i32
      %dma_wait3A_535 = tpu.memref_slice %arg6[%mul3A_426, %dma_wait3A_534] : memref<320000x48xf32, #tpu.memory_space<hbm>> -> memref<128x48xf32, #tpu.memory_space<hbm>>
      %dma_wait3A_536 = arith.constant 0 : i32
      %dma_wait3A_537 = arith.constant 0 : i32
      %dma_wait3A_538 = tpu.memref_slice %arg9[%dma_wait3A_527, %dma_wait3A_536, %dma_wait3A_537] : memref<6x128x48xf32, #tpu.memory_space<vmem>> -> memref<1x128x48xf32, #tpu.memory_space<vmem>>
      %dma_wait3A_539 = tpu.memref_squeeze %dma_wait3A_538 : memref<1x128x48xf32, #tpu.memory_space<vmem>> -> memref<128x48xf32, #tpu.memory_space<vmem>>
      tpu.wait_dma2 semaphore(%arg12 : memref<!tpu.dma_semaphore, #tpu.memory_space<semaphore_mem>>) src(%dma_wait3A_539 : memref<128x48xf32, #tpu.memory_space<vmem>>) dst(%dma_wait3A_535 : memref<128x48xf32, #tpu.memory_space<hbm>>)
      %dma_wait3A_540 = arith.constant 4 : i32
      %dma_wait3A_541 = arith.constant 0 : i32
      %dma_wait3A_542 = arith.constant 0 : i32
      %dma_wait3A_543 = tpu.memref_slice %arg9[%dma_wait3A_540, %dma_wait3A_541, %dma_wait3A_542] : memref<6x128x48xf32, #tpu.memory_space<vmem>> -> memref<1x128x48xf32, #tpu.memory_space<vmem>>
      %dma_wait3A_544 = tpu.memref_squeeze %dma_wait3A_543 : memref<1x128x48xf32, #tpu.memory_space<vmem>> -> memref<128x48xf32, #tpu.memory_space<vmem>>
      %dma_wait3A_545 = arith.constant 0 : i32
      %dma_wait3A_546 = tpu.memref_slice %arg6[%mul3A_450, %dma_wait3A_545] : memref<320000x48xf32, #tpu.memory_space<hbm>> -> memref<128x48xf32, #tpu.memory_space<hbm>>
      %dma_wait3A_547 = arith.constant 0 : i32
      %dma_wait3A_548 = tpu.memref_slice %arg6[%mul3A_450, %dma_wait3A_547] : memref<320000x48xf32, #tpu.memory_space<hbm>> -> memref<128x48xf32, #tpu.memory_space<hbm>>
      %dma_wait3A_549 = arith.constant 0 : i32
      %dma_wait3A_550 = arith.constant 0 : i32
      %dma_wait3A_551 = tpu.memref_slice %arg9[%dma_wait3A_540, %dma_wait3A_549, %dma_wait3A_550] : memref<6x128x48xf32, #tpu.memory_space<vmem>> -> memref<1x128x48xf32, #tpu.memory_space<vmem>>
      %dma_wait3A_552 = tpu.memref_squeeze %dma_wait3A_551 : memref<1x128x48xf32, #tpu.memory_space<vmem>> -> memref<128x48xf32, #tpu.memory_space<vmem>>
      tpu.wait_dma2 semaphore(%arg12 : memref<!tpu.dma_semaphore, #tpu.memory_space<semaphore_mem>>) src(%dma_wait3A_552 : memref<128x48xf32, #tpu.memory_space<vmem>>) dst(%dma_wait3A_548 : memref<128x48xf32, #tpu.memory_space<hbm>>)
      %dma_wait3A_553 = arith.constant 5 : i32
      %dma_wait3A_554 = arith.constant 0 : i32
      %dma_wait3A_555 = arith.constant 0 : i32
      %dma_wait3A_556 = tpu.memref_slice %arg9[%dma_wait3A_553, %dma_wait3A_554, %dma_wait3A_555] : memref<6x128x48xf32, #tpu.memory_space<vmem>> -> memref<1x128x48xf32, #tpu.memory_space<vmem>>
      %dma_wait3A_557 = tpu.memref_squeeze %dma_wait3A_556 : memref<1x128x48xf32, #tpu.memory_space<vmem>> -> memref<128x48xf32, #tpu.memory_space<vmem>>
      %dma_wait3A_558 = arith.constant 0 : i32
      %dma_wait3A_559 = tpu.memref_slice %arg6[%mul3A_474, %dma_wait3A_558] : memref<320000x48xf32, #tpu.memory_space<hbm>> -> memref<128x48xf32, #tpu.memory_space<hbm>>
      %dma_wait3A_560 = arith.constant 0 : i32
      %dma_wait3A_561 = tpu.memref_slice %arg6[%mul3A_474, %dma_wait3A_560] : memref<320000x48xf32, #tpu.memory_space<hbm>> -> memref<128x48xf32, #tpu.memory_space<hbm>>
      %dma_wait3A_562 = arith.constant 0 : i32
      %dma_wait3A_563 = arith.constant 0 : i32
      %dma_wait3A_564 = tpu.memref_slice %arg9[%dma_wait3A_553, %dma_wait3A_562, %dma_wait3A_563] : memref<6x128x48xf32, #tpu.memory_space<vmem>> -> memref<1x128x48xf32, #tpu.memory_space<vmem>>
      %dma_wait3A_565 = tpu.memref_squeeze %dma_wait3A_564 : memref<1x128x48xf32, #tpu.memory_space<vmem>> -> memref<128x48xf32, #tpu.memory_space<vmem>>
      tpu.wait_dma2 semaphore(%arg12 : memref<!tpu.dma_semaphore, #tpu.memory_space<semaphore_mem>>) src(%dma_wait3A_565 : memref<128x48xf32, #tpu.memory_space<vmem>>) dst(%dma_wait3A_561 : memref<128x48xf32, #tpu.memory_space<hbm>>)
    }
    %scan3A_52 = arith.constant 13 : i32
    %eq3A = arith.constant 79 : i32
    %eq3A_53 = arith.cmpi eq, %sub3A_47, %eq3A : i32
    %convert_element_type3A = arith.extui %eq3A_53 : i1 to i32
    %cond3A = arith.constant 0 : i32
    %cond3A_54 = arith.cmpi ne, %convert_element_type3A, %cond3A : i32
    scf.if %cond3A_54 {
      %dma_start3A = arith.constant 78 : i32
      %dma_start3A_55 = arith.constant 0 : i32
      %dma_start3A_56 = arith.constant 0 : i32
      %dma_start3A_57 = arith.constant 0 : i32
      %dma_start3A_58 = tpu.memref_slice %arg9[%dma_start3A_55, %dma_start3A_56, %dma_start3A_57] : memref<6x128x48xf32, #tpu.memory_space<vmem>> -> memref<1x128x48xf32, #tpu.memory_space<vmem>>
      %dma_start3A_59 = tpu.memref_squeeze %dma_start3A_58 : memref<1x128x48xf32, #tpu.memory_space<vmem>> -> memref<128x48xf32, #tpu.memory_space<vmem>>
      %dma_start3A_60 = arith.constant 0 : i32
      %dma_start3A_61 = tpu.memref_slice %arg7[%dma_start3A, %dma_start3A_60] : memref<79x128xi32, #tpu.memory_space<vmem>> -> memref<1x128xi32, #tpu.memory_space<vmem>>
      %dma_start3A_62 = tpu.memref_squeeze %dma_start3A_61 : memref<1x128xi32, #tpu.memory_space<vmem>> -> memref<128xi32, #tpu.memory_space<vmem>>
      %dma_start3A_63 = arith.constant 0 : i32
      %dma_start3A_64 = arith.constant 0 : i32
      %dma_start3A_65 = tpu.memref_slice %arg2[%dma_start3A_63, %dma_start3A_64] : memref<10000x48xf32, #tpu.memory_space<hbm>> -> memref<10000x48xf32, #tpu.memory_space<hbm>>
      tpu.enqueue_indirect_dma source(%dma_start3A_65 : memref<10000x48xf32, #tpu.memory_space<hbm>>) target(%dma_start3A_59 : memref<128x48xf32, #tpu.memory_space<vmem>>) offsets(%dma_start3A_62 : memref<128xi32, #tpu.memory_space<vmem>>) semaphore(%arg11 : memref<!tpu.dma_semaphore, #tpu.memory_space<semaphore_mem>>)
      %dma_start3A_66 = arith.constant 78 : i32
      %dma_start3A_67 = arith.constant 0 : i32
      %dma_start3A_68 = arith.constant 0 : i32
      %dma_start3A_69 = arith.constant 0 : i32
      %dma_start3A_70 = tpu.memref_slice %arg10[%dma_start3A_67, %dma_start3A_68, %dma_start3A_69] : memref<6x128x48xf32, #tpu.memory_space<vmem>> -> memref<1x128x48xf32, #tpu.memory_space<vmem>>
      %dma_start3A_71 = tpu.memref_squeeze %dma_start3A_70 : memref<1x128x48xf32, #tpu.memory_space<vmem>> -> memref<128x48xf32, #tpu.memory_space<vmem>>
      %dma_start3A_72 = arith.constant 0 : i32
      %dma_start3A_73 = tpu.memref_slice %arg8[%dma_start3A_66, %dma_start3A_72] : memref<79x128xi32, #tpu.memory_space<vmem>> -> memref<1x128xi32, #tpu.memory_space<vmem>>
      %dma_start3A_74 = tpu.memref_squeeze %dma_start3A_73 : memref<1x128xi32, #tpu.memory_space<vmem>> -> memref<128xi32, #tpu.memory_space<vmem>>
      %dma_start3A_75 = arith.constant 0 : i32
      %dma_start3A_76 = arith.constant 0 : i32
      %dma_start3A_77 = tpu.memref_slice %arg3[%dma_start3A_75, %dma_start3A_76] : memref<10000x48xf32, #tpu.memory_space<hbm>> -> memref<10000x48xf32, #tpu.memory_space<hbm>>
      tpu.enqueue_indirect_dma source(%dma_start3A_77 : memref<10000x48xf32, #tpu.memory_space<hbm>>) target(%dma_start3A_71 : memref<128x48xf32, #tpu.memory_space<vmem>>) offsets(%dma_start3A_74 : memref<128xi32, #tpu.memory_space<vmem>>) semaphore(%arg11 : memref<!tpu.dma_semaphore, #tpu.memory_space<semaphore_mem>>)
      %dma_wait3A = arith.constant 78 : i32
      %dma_wait3A_78 = arith.constant 0 : i32
      %dma_wait3A_79 = arith.constant 0 : i32
      %dma_wait3A_80 = arith.constant 0 : i32
      %dma_wait3A_81 = tpu.memref_slice %arg9[%dma_wait3A_78, %dma_wait3A_79, %dma_wait3A_80] : memref<6x128x48xf32, #tpu.memory_space<vmem>> -> memref<1x128x48xf32, #tpu.memory_space<vmem>>
      %dma_wait3A_82 = tpu.memref_squeeze %dma_wait3A_81 : memref<1x128x48xf32, #tpu.memory_space<vmem>> -> memref<128x48xf32, #tpu.memory_space<vmem>>
      %dma_wait3A_83 = arith.constant 0 : i32
      %dma_wait3A_84 = tpu.memref_slice %arg7[%dma_wait3A, %dma_wait3A_83] : memref<79x128xi32, #tpu.memory_space<vmem>> -> memref<1x128xi32, #tpu.memory_space<vmem>>
      %dma_wait3A_85 = tpu.memref_squeeze %dma_wait3A_84 : memref<1x128xi32, #tpu.memory_space<vmem>> -> memref<128xi32, #tpu.memory_space<vmem>>
      %dma_wait3A_86 = arith.constant 0 : i32
      %dma_wait3A_87 = arith.constant 0 : i32
      %dma_wait3A_88 = tpu.memref_slice %arg2[%dma_wait3A_86, %dma_wait3A_87] : memref<10000x48xf32, #tpu.memory_space<hbm>> -> memref<10000x48xf32, #tpu.memory_space<hbm>>
      tpu.wait_indirect_dma semaphore(%arg11 : memref<!tpu.dma_semaphore, #tpu.memory_space<semaphore_mem>>) src(%dma_wait3A_88 : memref<10000x48xf32, #tpu.memory_space<hbm>>) dst(%dma_wait3A_82 : memref<128x48xf32, #tpu.memory_space<vmem>>)
      %dma_wait3A_89 = arith.constant 78 : i32
      %dma_wait3A_90 = arith.constant 0 : i32
      %dma_wait3A_91 = arith.constant 0 : i32
      %dma_wait3A_92 = arith.constant 0 : i32
      %dma_wait3A_93 = tpu.memref_slice %arg10[%dma_wait3A_90, %dma_wait3A_91, %dma_wait3A_92] : memref<6x128x48xf32, #tpu.memory_space<vmem>> -> memref<1x128x48xf32, #tpu.memory_space<vmem>>
      %dma_wait3A_94 = tpu.memref_squeeze %dma_wait3A_93 : memref<1x128x48xf32, #tpu.memory_space<vmem>> -> memref<128x48xf32, #tpu.memory_space<vmem>>
      %dma_wait3A_95 = arith.constant 0 : i32
      %dma_wait3A_96 = tpu.memref_slice %arg8[%dma_wait3A_89, %dma_wait3A_95] : memref<79x128xi32, #tpu.memory_space<vmem>> -> memref<1x128xi32, #tpu.memory_space<vmem>>
      %dma_wait3A_97 = tpu.memref_squeeze %dma_wait3A_96 : memref<1x128xi32, #tpu.memory_space<vmem>> -> memref<128xi32, #tpu.memory_space<vmem>>
      %dma_wait3A_98 = arith.constant 0 : i32
      %dma_wait3A_99 = arith.constant 0 : i32
      %dma_wait3A_100 = tpu.memref_slice %arg3[%dma_wait3A_98, %dma_wait3A_99] : memref<10000x48xf32, #tpu.memory_space<hbm>> -> memref<10000x48xf32, #tpu.memory_space<hbm>>
      tpu.wait_indirect_dma semaphore(%arg11 : memref<!tpu.dma_semaphore, #tpu.memory_space<semaphore_mem>>) src(%dma_wait3A_100 : memref<10000x48xf32, #tpu.memory_space<hbm>>) dst(%dma_wait3A_94 : memref<128x48xf32, #tpu.memory_space<vmem>>)
      %scan3A_101 = arith.constant 0 : i32
      %scan3A_102 = arith.constant 0 : i32
      %scan3A_103 = arith.constant 128 : i32
      %scan3A_104 = arith.addi %scan3A_102, %scan3A_103 : i32
      %scan3A_105 = arith.constant 1 : i32
      scf.for %scan3A_111 = %scan3A_102 to %scan3A_104 step %scan3A_105  : i32 {
        %get3A = arith.constant 0 : i32
        %get3A_112 = arith.index_cast %get3A : i32 to index
        %get3A_113 = arith.index_cast %scan3A_111 : i32 to index
        %get3A_114 = arith.constant 0 : index
        %get3A_115 = tpu.vector_load %arg9[%get3A_112, %get3A_113, %get3A_114] {strides = array<i32>} : memref<6x128x48xf32, #tpu.memory_space<vmem>>, vector<1x1x16xf32>,
        %get3A_116 = vector.shape_cast %get3A_115 : vector<1x1x16xf32> to vector<16xf32>
        %get3A_117 = arith.constant 0 : i32
        %get3A_118 = arith.index_cast %get3A_117 : i32 to index
        %get3A_119 = arith.index_cast %scan3A_111 : i32 to index
        %get3A_120 = arith.constant 0 : index
        %get3A_121 = tpu.vector_load %arg10[%get3A_118, %get3A_119, %get3A_120] {strides = array<i32>} : memref<6x128x48xf32, #tpu.memory_space<vmem>>, vector<1x1x16xf32>,
        %get3A_122 = vector.shape_cast %get3A_121 : vector<1x1x16xf32> to vector<16xf32>
        %add3A_123 = arith.addf %get3A_116, %get3A_122 : vector<16xf32>
        %swap3A = arith.constant 0 : i32
        %swap3A_124 = arith.index_cast %swap3A : i32 to index
        %swap3A_125 = arith.index_cast %scan3A_111 : i32 to index
        %swap3A_126 = arith.constant 0 : index
        %swap3A_127 = tpu.vector_load %arg9[%swap3A_124, %swap3A_125, %swap3A_126] {strides = array<i32>} : memref<6x128x48xf32, #tpu.memory_space<vmem>>, vector<1x1x16xf32>,
        %swap3A_128 = vector.shape_cast %swap3A_127 : vector<1x1x16xf32> to vector<16xf32>
        %swap3A_129 = vector.shape_cast %add3A_123 : vector<16xf32> to vector<1x1x16xf32>
        tpu.vector_store %arg9[%swap3A_124, %swap3A_125, %swap3A_126], %swap3A_129 {strides = array<i32>} : memref<6x128x48xf32, #tpu.memory_space<vmem>>, vector<1x1x16xf32>,
        %get3A_130 = arith.constant 0 : i32
        %get3A_131 = arith.index_cast %get3A_130 : i32 to index
        %get3A_132 = arith.index_cast %scan3A_111 : i32 to index
        %get3A_133 = arith.constant 16 : index
        %get3A_134 = tpu.vector_load %arg9[%get3A_131, %get3A_132, %get3A_133] {strides = array<i32>} : memref<6x128x48xf32, #tpu.memory_space<vmem>>, vector<1x1x16xf32>,
        %get3A_135 = vector.shape_cast %get3A_134 : vector<1x1x16xf32> to vector<16xf32>
        %get3A_136 = arith.constant 0 : i32
        %get3A_137 = arith.index_cast %get3A_136 : i32 to index
        %get3A_138 = arith.index_cast %scan3A_111 : i32 to index
        %get3A_139 = arith.constant 16 : index
        %get3A_140 = tpu.vector_load %arg10[%get3A_137, %get3A_138, %get3A_139] {strides = array<i32>} : memref<6x128x48xf32, #tpu.memory_space<vmem>>, vector<1x1x16xf32>,
        %get3A_141 = vector.shape_cast %get3A_140 : vector<1x1x16xf32> to vector<16xf32>
        %add3A_142 = arith.addf %get3A_135, %get3A_141 : vector<16xf32>
        %swap3A_143 = arith.constant 0 : i32
        %swap3A_144 = arith.index_cast %swap3A_143 : i32 to index
        %swap3A_145 = arith.index_cast %scan3A_111 : i32 to index
        %swap3A_146 = arith.constant 16 : index
        %swap3A_147 = tpu.vector_load %arg9[%swap3A_144, %swap3A_145, %swap3A_146] {strides = array<i32>} : memref<6x128x48xf32, #tpu.memory_space<vmem>>, vector<1x1x16xf32>,
        %swap3A_148 = vector.shape_cast %swap3A_147 : vector<1x1x16xf32> to vector<16xf32>
        %swap3A_149 = vector.shape_cast %add3A_142 : vector<16xf32> to vector<1x1x16xf32>
        tpu.vector_store %arg9[%swap3A_144, %swap3A_145, %swap3A_146], %swap3A_149 {strides = array<i32>} : memref<6x128x48xf32, #tpu.memory_space<vmem>>, vector<1x1x16xf32>,
        %get3A_150 = arith.constant 0 : i32
        %get3A_151 = arith.index_cast %get3A_150 : i32 to index
        %get3A_152 = arith.index_cast %scan3A_111 : i32 to index
        %get3A_153 = arith.constant 32 : index
        %get3A_154 = tpu.vector_load %arg9[%get3A_151, %get3A_152, %get3A_153] {strides = array<i32>} : memref<6x128x48xf32, #tpu.memory_space<vmem>>, vector<1x1x16xf32>,
        %get3A_155 = vector.shape_cast %get3A_154 : vector<1x1x16xf32> to vector<16xf32>
        %get3A_156 = arith.constant 0 : i32
        %get3A_157 = arith.index_cast %get3A_156 : i32 to index
        %get3A_158 = arith.index_cast %scan3A_111 : i32 to index
        %get3A_159 = arith.constant 32 : index
        %get3A_160 = tpu.vector_load %arg10[%get3A_157, %get3A_158, %get3A_159] {strides = array<i32>} : memref<6x128x48xf32, #tpu.memory_space<vmem>>, vector<1x1x16xf32>,
        %get3A_161 = vector.shape_cast %get3A_160 : vector<1x1x16xf32> to vector<16xf32>
        %add3A_162 = arith.addf %get3A_155, %get3A_161 : vector<16xf32>
        %swap3A_163 = arith.constant 0 : i32
        %swap3A_164 = arith.index_cast %swap3A_163 : i32 to index
        %swap3A_165 = arith.index_cast %scan3A_111 : i32 to index
        %swap3A_166 = arith.constant 32 : index
        %swap3A_167 = tpu.vector_load %arg9[%swap3A_164, %swap3A_165, %swap3A_166] {strides = array<i32>} : memref<6x128x48xf32, #tpu.memory_space<vmem>>, vector<1x1x16xf32>,
        %swap3A_168 = vector.shape_cast %swap3A_167 : vector<1x1x16xf32> to vector<16xf32>
        %swap3A_169 = vector.shape_cast %add3A_162 : vector<16xf32> to vector<1x1x16xf32>
        tpu.vector_store %arg9[%swap3A_164, %swap3A_165, %swap3A_166], %swap3A_169 {strides = array<i32>} : memref<6x128x48xf32, #tpu.memory_space<vmem>>, vector<1x1x16xf32>,
      }
      %scan3A_106 = arith.constant 128 : i32
      %add3A_107 = arith.constant 78 : i32
      %add3A_108 = arith.addi %select_n3A, %add3A_107 : i32
      %mul3A_109 = arith.constant 128 : i32
      %mul3A_110 = arith.muli %add3A_108, %mul3A_109 : i32
      %run_scoped3A = arith.constant 0 : i32
      "tpu.region"() ({
        %run_scoped3A_111 = tpu.sem_alloc : memref<!tpu.dma_semaphore, #tpu.memory_space<semaphore_mem>>
        %dma_start3A_112 = arith.constant 0 : i32
        %dma_start3A_113 = arith.constant 0 : i32
        %dma_start3A_114 = tpu.memref_slice %arg9[%run_scoped3A, %dma_start3A_112, %dma_start3A_113] : memref<6x128x48xf32, #tpu.memory_space<vmem>> -> memref<1x128x48xf32, #tpu.memory_space<vmem>>
        %dma_start3A_115 = tpu.memref_squeeze %dma_start3A_114 : memref<1x128x48xf32, #tpu.memory_space<vmem>> -> memref<128x48xf32, #tpu.memory_space<vmem>>
        %dma_start3A_116 = arith.constant 0 : i32
        %dma_start3A_117 = tpu.memref_slice %arg6[%mul3A_110, %dma_start3A_116] : memref<320000x48xf32, #tpu.memory_space<hbm>> -> memref<128x48xf32, #tpu.memory_space<hbm>>
        %dma_start3A_118 = arith.constant 0 : i32
        %dma_start3A_119 = tpu.memref_slice %arg6[%mul3A_110, %dma_start3A_118] : memref<320000x48xf32, #tpu.memory_space<hbm>> -> memref<128x48xf32, #tpu.memory_space<hbm>>
        %dma_start3A_120 = arith.constant 0 : i32
        %dma_start3A_121 = arith.constant 0 : i32
        %dma_start3A_122 = tpu.memref_slice %arg9[%run_scoped3A, %dma_start3A_120, %dma_start3A_121] : memref<6x128x48xf32, #tpu.memory_space<vmem>> -> memref<1x128x48xf32, #tpu.memory_space<vmem>>
        %dma_start3A_123 = tpu.memref_squeeze %dma_start3A_122 : memref<1x128x48xf32, #tpu.memory_space<vmem>> -> memref<128x48xf32, #tpu.memory_space<vmem>>
        tpu.enqueue_dma source(%dma_start3A_123 : memref<128x48xf32, #tpu.memory_space<vmem>>) target(%dma_start3A_119 : memref<128x48xf32, #tpu.memory_space<hbm>>) target_semaphore(%run_scoped3A_111 : memref<!tpu.dma_semaphore, #tpu.memory_space<semaphore_mem>>)
        %dma_wait3A_124 = arith.constant 0 : i32
        %dma_wait3A_125 = arith.constant 0 : i32
        %dma_wait3A_126 = tpu.memref_slice %arg9[%run_scoped3A, %dma_wait3A_124, %dma_wait3A_125] : memref<6x128x48xf32, #tpu.memory_space<vmem>> -> memref<1x128x48xf32, #tpu.memory_space<vmem>>
        %dma_wait3A_127 = tpu.memref_squeeze %dma_wait3A_126 : memref<1x128x48xf32, #tpu.memory_space<vmem>> -> memref<128x48xf32, #tpu.memory_space<vmem>>
        %dma_wait3A_128 = arith.constant 0 : i32
        %dma_wait3A_129 = tpu.memref_slice %arg6[%mul3A_110, %dma_wait3A_128] : memref<320000x48xf32, #tpu.memory_space<hbm>> -> memref<128x48xf32, #tpu.memory_space<hbm>>
        %dma_wait3A_130 = arith.constant 0 : i32
        %dma_wait3A_131 = tpu.memref_slice %arg6[%mul3A_110, %dma_wait3A_130] : memref<320000x48xf32, #tpu.memory_space<hbm>> -> memref<128x48xf32, #tpu.memory_space<hbm>>
        %dma_wait3A_132 = arith.constant 0 : i32
        %dma_wait3A_133 = arith.constant 0 : i32
        %dma_wait3A_134 = tpu.memref_slice %arg9[%run_scoped3A, %dma_wait3A_132, %dma_wait3A_133] : memref<6x128x48xf32, #tpu.memory_space<vmem>> -> memref<1x128x48xf32, #tpu.memory_space<vmem>>
        %dma_wait3A_135 = tpu.memref_squeeze %dma_wait3A_134 : memref<1x128x48xf32, #tpu.memory_space<vmem>> -> memref<128x48xf32, #tpu.memory_space<vmem>>
        tpu.wait_dma2 semaphore(%run_scoped3A_111 : memref<!tpu.dma_semaphore, #tpu.memory_space<semaphore_mem>>) src(%dma_wait3A_135 : memref<128x48xf32, #tpu.memory_space<vmem>>) dst(%dma_wait3A_131 : memref<128x48xf32, #tpu.memory_space<hbm>>)
        tpu.yield
      }) : () -> ()
    } else {
    }
    return
  }
}

module attributes {stable_mosaic.version = 14 : i64} {
  func.func @_nodeproj_body(%arg0: i32, %arg1: memref<2000x128xf32, #tpu.memory_space<vmem>>, %arg2: memref<128x96xf32, #tpu.memory_space<vmem>>, %arg3: memref<2000x48xf32, #tpu.memory_space<vmem>>, %arg4: memref<2000x48xf32, #tpu.memory_space<vmem>>) attributes {dimension_semantics = [#tpu.dimension_semantics<arbitrary>], iteration_bounds = array<i64: 5>, scalar_prefetch = 0 : i64, scratch_operands = 0 : i64, tpu.core_type = #tpu.core_type<tc>, window_params = [{transform_indices = @transform_0, window_bounds = array<i64: 2000, 128>}, {pipeline_mode = #tpu.pipeline_mode<synchronous>, transform_indices = @transform_1, window_bounds = array<i64: 128, 96>}, {transform_indices = @transform_2, window_bounds = array<i64: 2000, 48>}, {transform_indices = @transform_3, window_bounds = array<i64: 2000, 48>}]} {
    %get3A = arith.constant 0 : index
    %get3A_0 = arith.constant 0 : index
    %get3A_1 = vector.load %arg1[%get3A, %get3A_0] : memref<2000x128xf32, #tpu.memory_space<vmem>>, vector<2000x128xf32>
    %get3A_2 = arith.constant 0 : index
    %get3A_3 = arith.constant 0 : index
    %get3A_4 = vector.load %arg2[%get3A_2, %get3A_3] : memref<128x96xf32, #tpu.memory_space<vmem>>, vector<128x96xf32>
    %dot_general3A = arith.constant dense<0.000000e+00> : vector<2000x96xf32>
    %dot_general3A_5 = tpu.matmul %get3A_1, %get3A_4, %dot_general3A {dimension_numbers = #tpu.dot_dimension_numbers<[1], [0], [0], [1], [0, 0, 1, 1], [], []>, transpose_lhs_hint = false} : vector<2000x128xf32>, vector<128x96xf32>, vector<2000x96xf32> -> vector<2000x96xf32>
    %slice3A = vector.extract_strided_slice %dot_general3A_5 {offsets = [0, 0], sizes = [2000, 48], strides = [1, 1]} : vector<2000x96xf32> to vector<2000x48xf32>
    %swap3A = arith.constant 0 : index
    %swap3A_6 = arith.constant 0 : index
    %swap3A_7 = vector.load %arg3[%swap3A, %swap3A_6] : memref<2000x48xf32, #tpu.memory_space<vmem>>, vector<2000x48xf32>
    tpu.vector_store %arg3[%swap3A, %swap3A_6], %slice3A {strides = array<i32>} : memref<2000x48xf32, #tpu.memory_space<vmem>>, vector<2000x48xf32>,
    %slice3A_8 = vector.extract_strided_slice %dot_general3A_5 {offsets = [0, 48], sizes = [2000, 48], strides = [1, 1]} : vector<2000x96xf32> to vector<2000x48xf32>
    %swap3A_9 = arith.constant 0 : index
    %swap3A_10 = arith.constant 0 : index
    %swap3A_11 = vector.load %arg4[%swap3A_9, %swap3A_10] : memref<2000x48xf32, #tpu.memory_space<vmem>>, vector<2000x48xf32>
    tpu.vector_store %arg4[%swap3A_9, %swap3A_10], %slice3A_8 {strides = array<i32>} : memref<2000x48xf32, #tpu.memory_space<vmem>>, vector<2000x48xf32>,
    return
  }
  func.func @transform_0(%arg0: i32) -> (i32, i32) {
    %c0_i32 = arith.constant 0 : i32
    %c0_i32_0 = arith.constant 0 : i32
    return %arg0, %c0_i32 : i32, i32
  }
  func.func @transform_1(%arg0: i32) -> (i32, i32) {
    %c0_i32 = arith.constant 0 : i32
    %c0_i32_0 = arith.constant 0 : i32
    %c0_i32_1 = arith.constant 0 : i32
    return %c0_i32, %c0_i32_0 : i32, i32
  }
  func.func @transform_2(%arg0: i32) -> (i32, i32) {
    %c0_i32 = arith.constant 0 : i32
    %c0_i32_0 = arith.constant 0 : i32
    return %arg0, %c0_i32 : i32, i32
  }
  func.func @transform_3(%arg0: i32) -> (i32, i32) {
    %c0_i32 = arith.constant 0 : i32
    %c0_i32_0 = arith.constant 0 : i32
    return %arg0, %c0_i32 : i32, i32
  }
}

module attributes {stable_mosaic.version = 14 : i64} {
  func.func @_edge_body(%arg0: i32, %arg1: memref<48x2560xf32, #tpu.memory_space<vmem>>, %arg2: memref<16x2560xf32, #tpu.memory_space<vmem>>, %arg3: memref<48x16xf32, #tpu.memory_space<vmem>>, %arg4: memref<1x48xf32, #tpu.memory_space<vmem>>, %arg5: memref<16x48xf32, #tpu.memory_space<vmem>>, %arg6: memref<1x16xf32, #tpu.memory_space<vmem>>, %arg7: memref<16x2560xf32, #tpu.memory_space<vmem>>) attributes {dimension_semantics = [#tpu.dimension_semantics<arbitrary>], iteration_bounds = array<i64: 125>, scalar_prefetch = 0 : i64, scratch_operands = 0 : i64, tpu.core_type = #tpu.core_type<tc>, window_params = [{transform_indices = @transform_0, window_bounds = array<i64: 48, 2560>}, {transform_indices = @transform_1, window_bounds = array<i64: 16, 2560>}, {pipeline_mode = #tpu.pipeline_mode<synchronous>, transform_indices = @transform_2, window_bounds = array<i64: 48, 16>}, {pipeline_mode = #tpu.pipeline_mode<synchronous>, transform_indices = @transform_3, window_bounds = array<i64: 1, 48>}, {pipeline_mode = #tpu.pipeline_mode<synchronous>, transform_indices = @transform_4, window_bounds = array<i64: 16, 48>}, {pipeline_mode = #tpu.pipeline_mode<synchronous>, transform_indices = @transform_5, window_bounds = array<i64: 1, 16>}, {transform_indices = @transform_6, window_bounds = array<i64: 16, 2560>}]} {
    %get3A = arith.constant 0 : index
    %get3A_0 = arith.constant 0 : index
    %get3A_1 = vector.load %arg3[%get3A, %get3A_0] : memref<48x16xf32, #tpu.memory_space<vmem>>, vector<48x16xf32>
    %get3A_2 = arith.constant 0 : index
    %get3A_3 = arith.constant 0 : index
    %get3A_4 = vector.load %arg2[%get3A_2, %get3A_3] : memref<16x2560xf32, #tpu.memory_space<vmem>>, vector<16x2560xf32>
    %dot_general3A = arith.constant dense<0.000000e+00> : vector<48x2560xf32>
    %dot_general3A_5 = tpu.matmul %get3A_1, %get3A_4, %dot_general3A {dimension_numbers = #tpu.dot_dimension_numbers<[1], [0], [0], [1], [0, 0, 1, 1], [], []>, transpose_lhs_hint = false} : vector<48x16xf32>, vector<16x2560xf32>, vector<48x2560xf32> -> vector<48x2560xf32>
    %get3A_6 = arith.constant 0 : index
    %get3A_7 = arith.constant 0 : index
    %get3A_8 = vector.load %arg1[%get3A_6, %get3A_7] : memref<48x2560xf32, #tpu.memory_space<vmem>>, vector<48x2560xf32>
    %add3A = arith.addf %get3A_8, %dot_general3A_5 : vector<48x2560xf32>
    %get3A_9 = arith.constant 0 : index
    %get3A_10 = arith.constant 0 : index
    %get3A_11 = vector.load %arg4[%get3A_9, %get3A_10] : memref<1x48xf32, #tpu.memory_space<vmem>>, vector<1x48xf32>
    %transpose3A = tpu.transpose %get3A_11, [1, 0] : vector<1x48xf32> -> vector<48x1xf32>
    %add3A_12 = vector.broadcast %transpose3A : vector<48x1xf32> to vector<48x2560xf32>
    %add3A_13 = arith.addf %add3A, %add3A_12 : vector<48x2560xf32>
    %max3A = arith.constant 0.000000e+00 : f32
    %max3A_14 = vector.broadcast %max3A : f32 to vector<48x2560xf32>
    %max3A_15 = arith.maximumf %add3A_13, %max3A_14 : vector<48x2560xf32>
    %get3A_16 = arith.constant 0 : index
    %get3A_17 = arith.constant 0 : index
    %get3A_18 = vector.load %arg5[%get3A_16, %get3A_17] : memref<16x48xf32, #tpu.memory_space<vmem>>, vector<16x48xf32>
    %dot_general3A_19 = arith.constant dense<0.000000e+00> : vector<16x2560xf32>
    %dot_general3A_20 = tpu.matmul %get3A_18, %max3A_15, %dot_general3A_19 {dimension_numbers = #tpu.dot_dimension_numbers<[1], [0], [0], [1], [0, 0, 1, 1], [], []>, transpose_lhs_hint = false} : vector<16x48xf32>, vector<48x2560xf32>, vector<16x2560xf32> -> vector<16x2560xf32>
    %get3A_21 = arith.constant 0 : index
    %get3A_22 = arith.constant 0 : index
    %get3A_23 = vector.load %arg6[%get3A_21, %get3A_22] : memref<1x16xf32, #tpu.memory_space<vmem>>, vector<1x16xf32>
    %transpose3A_24 = tpu.transpose %get3A_23, [1, 0] : vector<1x16xf32> -> vector<16x1xf32>
    %add3A_25 = vector.broadcast %transpose3A_24 : vector<16x1xf32> to vector<16x2560xf32>
    %add3A_26 = arith.addf %dot_general3A_20, %add3A_25 : vector<16x2560xf32>
    %swap3A = arith.constant 0 : index
    %swap3A_27 = arith.constant 0 : index
    %swap3A_28 = vector.load %arg7[%swap3A, %swap3A_27] : memref<16x2560xf32, #tpu.memory_space<vmem>>, vector<16x2560xf32>
    tpu.vector_store %arg7[%swap3A, %swap3A_27], %add3A_26 {strides = array<i32>} : memref<16x2560xf32, #tpu.memory_space<vmem>>, vector<16x2560xf32>,
    return
  }
  func.func @transform_0(%arg0: i32) -> (i32, i32) {
    %c0_i32 = arith.constant 0 : i32
    %c0_i32_0 = arith.constant 0 : i32
    return %c0_i32, %arg0 : i32, i32
  }
  func.func @transform_1(%arg0: i32) -> (i32, i32) {
    %c0_i32 = arith.constant 0 : i32
    %c0_i32_0 = arith.constant 0 : i32
    return %c0_i32, %arg0 : i32, i32
  }
  func.func @transform_2(%arg0: i32) -> (i32, i32) {
    %c0_i32 = arith.constant 0 : i32
    %c0_i32_0 = arith.constant 0 : i32
    %c0_i32_1 = arith.constant 0 : i32
    return %c0_i32, %c0_i32_0 : i32, i32
  }
  func.func @transform_3(%arg0: i32) -> (i32, i32) {
    %c0_i32 = arith.constant 0 : i32
    %c0_i32_0 = arith.constant 0 : i32
    %c0_i32_1 = arith.constant 0 : i32
    return %c0_i32, %c0_i32_0 : i32, i32
  }
  func.func @transform_4(%arg0: i32) -> (i32, i32) {
    %c0_i32 = arith.constant 0 : i32
    %c0_i32_0 = arith.constant 0 : i32
    %c0_i32_1 = arith.constant 0 : i32
    return %c0_i32, %c0_i32_0 : i32, i32
  }
  func.func @transform_5(%arg0: i32) -> (i32, i32) {
    %c0_i32 = arith.constant 0 : i32
    %c0_i32_0 = arith.constant 0 : i32
    %c0_i32_1 = arith.constant 0 : i32
    return %c0_i32, %c0_i32_0 : i32, i32
  }
  func.func @transform_6(%arg0: i32) -> (i32, i32) {
    %c0_i32 = arith.constant 0 : i32
    %c0_i32_0 = arith.constant 0 : i32
    return %c0_i32, %arg0 : i32, i32
  }
}

module attributes {stable_mosaic.version = 14 : i64} {
  func.func @_nodeupd_body(%arg0: i32, %arg1: memref<2000x128xf32, #tpu.memory_space<vmem>>, %arg2: memref<2x2000x16xf32, #tpu.memory_space<vmem>>, %arg3: memref<128x40xf32, #tpu.memory_space<vmem>>, %arg4: memref<16x40xf32, #tpu.memory_space<vmem>>, %arg5: memref<1x40xf32, #tpu.memory_space<vmem>>, %arg6: memref<40x128xf32, #tpu.memory_space<vmem>>, %arg7: memref<1x128xf32, #tpu.memory_space<vmem>>, %arg8: memref<2000x128xf32, #tpu.memory_space<vmem>>) attributes {dimension_semantics = [#tpu.dimension_semantics<arbitrary>], iteration_bounds = array<i64: 5>, scalar_prefetch = 0 : i64, scratch_operands = 0 : i64, tpu.core_type = #tpu.core_type<tc>, window_params = [{transform_indices = @transform_0, window_bounds = array<i64: 2000, 128>}, {transform_indices = @transform_1, window_bounds = array<i64: 2, 2000, 16>}, {pipeline_mode = #tpu.pipeline_mode<synchronous>, transform_indices = @transform_2, window_bounds = array<i64: 128, 40>}, {pipeline_mode = #tpu.pipeline_mode<synchronous>, transform_indices = @transform_3, window_bounds = array<i64: 16, 40>}, {pipeline_mode = #tpu.pipeline_mode<synchronous>, transform_indices = @transform_4, window_bounds = array<i64: 1, 40>}, {pipeline_mode = #tpu.pipeline_mode<synchronous>, transform_indices = @transform_5, window_bounds = array<i64: 40, 128>}, {pipeline_mode = #tpu.pipeline_mode<synchronous>, transform_indices = @transform_6, window_bounds = array<i64: 1, 128>}, {transform_indices = @transform_7, window_bounds = array<i64: 2000, 128>}]} {
    %get3A = arith.constant 0 : index
    %get3A_0 = arith.constant 0 : index
    %get3A_1 = arith.constant 0 : index
    %get3A_2 = vector.load %arg2[%get3A, %get3A_0, %get3A_1] : memref<2x2000x16xf32, #tpu.memory_space<vmem>>, vector<1x2000x16xf32>
    %get3A_3 = vector.shape_cast %get3A_2 : vector<1x2000x16xf32> to vector<2000x16xf32>
    %get3A_4 = arith.constant 1 : index
    %get3A_5 = arith.constant 0 : index
    %get3A_6 = arith.constant 0 : index
    %get3A_7 = vector.load %arg2[%get3A_4, %get3A_5, %get3A_6] : memref<2x2000x16xf32, #tpu.memory_space<vmem>>, vector<1x2000x16xf32>
    %get3A_8 = vector.shape_cast %get3A_7 : vector<1x2000x16xf32> to vector<2000x16xf32>
    %add3A = arith.addf %get3A_3, %get3A_8 : vector<2000x16xf32>
    %get3A_9 = arith.constant 0 : index
    %get3A_10 = arith.constant 0 : index
    %get3A_11 = vector.load %arg1[%get3A_9, %get3A_10] : memref<2000x128xf32, #tpu.memory_space<vmem>>, vector<2000x128xf32>
    %get3A_12 = arith.constant 0 : index
    %get3A_13 = arith.constant 0 : index
    %get3A_14 = vector.load %arg3[%get3A_12, %get3A_13] : memref<128x40xf32, #tpu.memory_space<vmem>>, vector<128x40xf32>
    %dot_general3A = arith.constant dense<0.000000e+00> : vector<2000x40xf32>
    %dot_general3A_15 = tpu.matmul %get3A_11, %get3A_14, %dot_general3A {dimension_numbers = #tpu.dot_dimension_numbers<[1], [0], [0], [1], [0, 0, 1, 1], [], []>, transpose_lhs_hint = false} : vector<2000x128xf32>, vector<128x40xf32>, vector<2000x40xf32> -> vector<2000x40xf32>
    %get3A_16 = arith.constant 0 : index
    %get3A_17 = arith.constant 0 : index
    %get3A_18 = vector.load %arg4[%get3A_16, %get3A_17] : memref<16x40xf32, #tpu.memory_space<vmem>>, vector<16x40xf32>
    %dot_general3A_19 = arith.constant dense<0.000000e+00> : vector<2000x40xf32>
    %dot_general3A_20 = tpu.matmul %add3A, %get3A_18, %dot_general3A_19 {dimension_numbers = #tpu.dot_dimension_numbers<[1], [0], [0], [1], [0, 0, 1, 1], [], []>, transpose_lhs_hint = false} : vector<2000x16xf32>, vector<16x40xf32>, vector<2000x40xf32> -> vector<2000x40xf32>
    %add3A_21 = arith.addf %dot_general3A_15, %dot_general3A_20 : vector<2000x40xf32>
    %get3A_22 = arith.constant 0 : index
    %get3A_23 = arith.constant 0 : index
    %get3A_24 = vector.load %arg5[%get3A_22, %get3A_23] : memref<1x40xf32, #tpu.memory_space<vmem>>, vector<1x40xf32>
    %add3A_25 = vector.broadcast %get3A_24 : vector<1x40xf32> to vector<2000x40xf32>
    %add3A_26 = arith.addf %add3A_21, %add3A_25 : vector<2000x40xf32>
    %max3A = arith.constant 0.000000e+00 : f32
    %max3A_27 = vector.broadcast %max3A : f32 to vector<2000x40xf32>
    %max3A_28 = arith.maximumf %add3A_26, %max3A_27 : vector<2000x40xf32>
    %get3A_29 = arith.constant 0 : index
    %get3A_30 = arith.constant 0 : index
    %get3A_31 = vector.load %arg6[%get3A_29, %get3A_30] : memref<40x128xf32, #tpu.memory_space<vmem>>, vector<40x128xf32>
    %dot_general3A_32 = arith.constant dense<0.000000e+00> : vector<2000x128xf32>
    %dot_general3A_33 = tpu.matmul %max3A_28, %get3A_31, %dot_general3A_32 {dimension_numbers = #tpu.dot_dimension_numbers<[1], [0], [0], [1], [0, 0, 1, 1], [], []>, transpose_lhs_hint = false} : vector<2000x40xf32>, vector<40x128xf32>, vector<2000x128xf32> -> vector<2000x128xf32>
    %get3A_34 = arith.constant 0 : index
    %get3A_35 = arith.constant 0 : index
    %get3A_36 = vector.load %arg7[%get3A_34, %get3A_35] : memref<1x128xf32, #tpu.memory_space<vmem>>, vector<1x128xf32>
    %add3A_37 = vector.broadcast %get3A_36 : vector<1x128xf32> to vector<2000x128xf32>
    %add3A_38 = arith.addf %dot_general3A_33, %add3A_37 : vector<2000x128xf32>
    %get3A_39 = arith.constant 0 : index
    %get3A_40 = arith.constant 0 : index
    %get3A_41 = vector.load %arg1[%get3A_39, %get3A_40] : memref<2000x128xf32, #tpu.memory_space<vmem>>, vector<2000x128xf32>
    %mul3A = arith.constant 5.000000e-01 : f32
    %mul3A_42 = vector.broadcast %mul3A : f32 to vector<2000x128xf32>
    %mul3A_43 = arith.mulf %mul3A_42, %get3A_41 : vector<2000x128xf32>
    %max3A_44 = arith.constant 0.000000e+00 : f32
    %max3A_45 = vector.broadcast %max3A_44 : f32 to vector<2000x128xf32>
    %max3A_46 = arith.maximumf %add3A_38, %max3A_45 : vector<2000x128xf32>
    %mul3A_47 = arith.constant 5.000000e-01 : f32
    %mul3A_48 = vector.broadcast %mul3A_47 : f32 to vector<2000x128xf32>
    %mul3A_49 = arith.mulf %mul3A_48, %max3A_46 : vector<2000x128xf32>
    %add3A_50 = arith.addf %mul3A_43, %mul3A_49 : vector<2000x128xf32>
    %swap3A = arith.constant 0 : index
    %swap3A_51 = arith.constant 0 : index
    %swap3A_52 = vector.load %arg8[%swap3A, %swap3A_51] : memref<2000x128xf32, #tpu.memory_space<vmem>>, vector<2000x128xf32>
    tpu.vector_store %arg8[%swap3A, %swap3A_51], %add3A_50 {strides = array<i32>} : memref<2000x128xf32, #tpu.memory_space<vmem>>, vector<2000x128xf32>,
    return
  }
  func.func @transform_0(%arg0: i32) -> (i32, i32) {
    %c0_i32 = arith.constant 0 : i32
    %c0_i32_0 = arith.constant 0 : i32
    return %arg0, %c0_i32 : i32, i32
  }
  func.func @transform_1(%arg0: i32) -> (i32, i32, i32) {
    %c0_i32 = arith.constant 0 : i32
    %c0_i32_0 = arith.constant 0 : i32
    %c0_i32_1 = arith.constant 0 : i32
    return %c0_i32, %arg0, %c0_i32_0 : i32, i32, i32
  }
  func.func @transform_2(%arg0: i32) -> (i32, i32) {
    %c0_i32 = arith.constant 0 : i32
    %c0_i32_0 = arith.constant 0 : i32
    %c0_i32_1 = arith.constant 0 : i32
    return %c0_i32, %c0_i32_0 : i32, i32
  }
  func.func @transform_3(%arg0: i32) -> (i32, i32) {
    %c0_i32 = arith.constant 0 : i32
    %c0_i32_0 = arith.constant 0 : i32
    %c0_i32_1 = arith.constant 0 : i32
    return %c0_i32, %c0_i32_0 : i32, i32
  }
  func.func @transform_4(%arg0: i32) -> (i32, i32) {
    %c0_i32 = arith.constant 0 : i32
    %c0_i32_0 = arith.constant 0 : i32
    %c0_i32_1 = arith.constant 0 : i32
    return %c0_i32, %c0_i32_0 : i32, i32
  }
  func.func @transform_5(%arg0: i32) -> (i32, i32) {
    %c0_i32 = arith.constant 0 : i32
    %c0_i32_0 = arith.constant 0 : i32
    %c0_i32_1 = arith.constant 0 : i32
    return %c0_i32, %c0_i32_0 : i32, i32
  }
  func.func @transform_6(%arg0: i32) -> (i32, i32) {
    %c0_i32 = arith.constant 0 : i32
    %c0_i32_0 = arith.constant 0 : i32
    %c0_i32_1 = arith.constant 0 : i32
    return %c0_i32, %c0_i32_0 : i32, i32
  }
  func.func @transform_7(%arg0: i32) -> (i32, i32) {
    %c0_i32 = arith.constant 0 : i32
    %c0_i32_0 = arith.constant 0 : i32
    return %arg0, %c0_i32 : i32, i32
  }
}

module attributes {stable_mosaic.version = 14 : i64} {
  func.func @_nodeupd_body(%arg0: i32, %arg1: memref<2000x128xf32, #tpu.memory_space<vmem>>, %arg2: memref<2x2000x16xf32, #tpu.memory_space<vmem>>, %arg3: memref<128x40xf32, #tpu.memory_space<vmem>>, %arg4: memref<16x40xf32, #tpu.memory_space<vmem>>, %arg5: memref<1x40xf32, #tpu.memory_space<vmem>>, %arg6: memref<40x128xf32, #tpu.memory_space<vmem>>, %arg7: memref<1x128xf32, #tpu.memory_space<vmem>>, %arg8: memref<2000x128xf32, #tpu.memory_space<vmem>>) attributes {dimension_semantics = [#tpu.dimension_semantics<arbitrary>], iteration_bounds = array<i64: 5>, scalar_prefetch = 0 : i64, scratch_operands = 0 : i64, tpu.core_type = #tpu.core_type<tc>, window_params = [{transform_indices = @transform_0, window_bounds = array<i64: 2000, 128>}, {transform_indices = @transform_1, window_bounds = array<i64: 2, 2000, 16>}, {pipeline_mode = #tpu.pipeline_mode<synchronous>, transform_indices = @transform_2, window_bounds = array<i64: 128, 40>}, {pipeline_mode = #tpu.pipeline_mode<synchronous>, transform_indices = @transform_3, window_bounds = array<i64: 16, 40>}, {pipeline_mode = #tpu.pipeline_mode<synchronous>, transform_indices = @transform_4, window_bounds = array<i64: 1, 40>}, {pipeline_mode = #tpu.pipeline_mode<synchronous>, transform_indices = @transform_5, window_bounds = array<i64: 40, 128>}, {pipeline_mode = #tpu.pipeline_mode<synchronous>, transform_indices = @transform_6, window_bounds = array<i64: 1, 128>}, {transform_indices = @transform_7, window_bounds = array<i64: 2000, 128>}]} {
    %get3A = arith.constant 0 : index
    %get3A_0 = arith.constant 0 : index
    %get3A_1 = arith.constant 0 : index
    %get3A_2 = vector.load %arg2[%get3A, %get3A_0, %get3A_1] : memref<2x2000x16xf32, #tpu.memory_space<vmem>>, vector<1x2000x16xf32>
    %get3A_3 = vector.shape_cast %get3A_2 : vector<1x2000x16xf32> to vector<2000x16xf32>
    %get3A_4 = arith.constant 1 : index
    %get3A_5 = arith.constant 0 : index
    %get3A_6 = arith.constant 0 : index
    %get3A_7 = vector.load %arg2[%get3A_4, %get3A_5, %get3A_6] : memref<2x2000x16xf32, #tpu.memory_space<vmem>>, vector<1x2000x16xf32>
    %get3A_8 = vector.shape_cast %get3A_7 : vector<1x2000x16xf32> to vector<2000x16xf32>
    %add3A = arith.addf %get3A_3, %get3A_8 : vector<2000x16xf32>
    %get3A_9 = arith.constant 0 : index
    %get3A_10 = arith.constant 0 : index
    %get3A_11 = vector.load %arg1[%get3A_9, %get3A_10] : memref<2000x128xf32, #tpu.memory_space<vmem>>, vector<2000x128xf32>
    %get3A_12 = arith.constant 0 : index
    %get3A_13 = arith.constant 0 : index
    %get3A_14 = vector.load %arg3[%get3A_12, %get3A_13] : memref<128x40xf32, #tpu.memory_space<vmem>>, vector<128x40xf32>
    %dot_general3A = arith.constant dense<0.000000e+00> : vector<2000x40xf32>
    %dot_general3A_15 = tpu.matmul %get3A_11, %get3A_14, %dot_general3A {dimension_numbers = #tpu.dot_dimension_numbers<[1], [0], [0], [1], [0, 0, 1, 1], [], []>, transpose_lhs_hint = false} : vector<2000x128xf32>, vector<128x40xf32>, vector<2000x40xf32> -> vector<2000x40xf32>
    %get3A_16 = arith.constant 0 : index
    %get3A_17 = arith.constant 0 : index
    %get3A_18 = vector.load %arg4[%get3A_16, %get3A_17] : memref<16x40xf32, #tpu.memory_space<vmem>>, vector<16x40xf32>
    %dot_general3A_19 = arith.constant dense<0.000000e+00> : vector<2000x40xf32>
    %dot_general3A_20 = tpu.matmul %add3A, %get3A_18, %dot_general3A_19 {dimension_numbers = #tpu.dot_dimension_numbers<[1], [0], [0], [1], [0, 0, 1, 1], [], []>, transpose_lhs_hint = false} : vector<2000x16xf32>, vector<16x40xf32>, vector<2000x40xf32> -> vector<2000x40xf32>
    %add3A_21 = arith.addf %dot_general3A_15, %dot_general3A_20 : vector<2000x40xf32>
    %get3A_22 = arith.constant 0 : index
    %get3A_23 = arith.constant 0 : index
    %get3A_24 = vector.load %arg5[%get3A_22, %get3A_23] : memref<1x40xf32, #tpu.memory_space<vmem>>, vector<1x40xf32>
    %add3A_25 = vector.broadcast %get3A_24 : vector<1x40xf32> to vector<2000x40xf32>
    %add3A_26 = arith.addf %add3A_21, %add3A_25 : vector<2000x40xf32>
    %max3A = arith.constant 0.000000e+00 : f32
    %max3A_27 = vector.broadcast %max3A : f32 to vector<2000x40xf32>
    %max3A_28 = arith.maximumf %add3A_26, %max3A_27 : vector<2000x40xf32>
    %get3A_29 = arith.constant 0 : index
    %get3A_30 = arith.constant 0 : index
    %get3A_31 = vector.load %arg6[%get3A_29, %get3A_30] : memref<40x128xf32, #tpu.memory_space<vmem>>, vector<40x128xf32>
    %dot_general3A_32 = arith.constant dense<0.000000e+00> : vector<2000x128xf32>
    %dot_general3A_33 = tpu.matmul %max3A_28, %get3A_31, %dot_general3A_32 {dimension_numbers = #tpu.dot_dimension_numbers<[1], [0], [0], [1], [0, 0, 1, 1], [], []>, transpose_lhs_hint = false} : vector<2000x40xf32>, vector<40x128xf32>, vector<2000x128xf32> -> vector<2000x128xf32>
    %get3A_34 = arith.constant 0 : index
    %get3A_35 = arith.constant 0 : index
    %get3A_36 = vector.load %arg7[%get3A_34, %get3A_35] : memref<1x128xf32, #tpu.memory_space<vmem>>, vector<1x128xf32>
    %add3A_37 = vector.broadcast %get3A_36 : vector<1x128xf32> to vector<2000x128xf32>
    %add3A_38 = arith.addf %dot_general3A_33, %add3A_37 : vector<2000x128xf32>
    %get3A_39 = arith.constant 0 : index
    %get3A_40 = arith.constant 0 : index
    %get3A_41 = vector.load %arg1[%get3A_39, %get3A_40] : memref<2000x128xf32, #tpu.memory_space<vmem>>, vector<2000x128xf32>
    %mul3A = arith.constant 5.000000e-01 : f32
    %mul3A_42 = vector.broadcast %mul3A : f32 to vector<2000x128xf32>
    %mul3A_43 = arith.mulf %mul3A_42, %get3A_41 : vector<2000x128xf32>
    %max3A_44 = arith.constant 0.000000e+00 : f32
    %max3A_45 = vector.broadcast %max3A_44 : f32 to vector<2000x128xf32>
    %max3A_46 = arith.maximumf %add3A_38, %max3A_45 : vector<2000x128xf32>
    %mul3A_47 = arith.constant 5.000000e-01 : f32
    %mul3A_48 = vector.broadcast %mul3A_47 : f32 to vector<2000x128xf32>
    %mul3A_49 = arith.mulf %mul3A_48, %max3A_46 : vector<2000x128xf32>
    %add3A_50 = arith.addf %mul3A_43, %mul3A_49 : vector<2000x128xf32>
    %swap3A = arith.constant 0 : index
    %swap3A_51 = arith.constant 0 : index
    %swap3A_52 = vector.load %arg8[%swap3A, %swap3A_51] : memref<2000x128xf32, #tpu.memory_space<vmem>>, vector<2000x128xf32>
    tpu.vector_store %arg8[%swap3A, %swap3A_51], %add3A_50 {strides = array<i32>} : memref<2000x128xf32, #tpu.memory_space<vmem>>, vector<2000x128xf32>,
    return
  }
  func.func @transform_0(%arg0: i32) -> (i32, i32) {
    %c0_i32 = arith.constant 0 : i32
    %c0_i32_0 = arith.constant 0 : i32
    return %arg0, %c0_i32 : i32, i32
  }
  func.func @transform_1(%arg0: i32) -> (i32, i32, i32) {
    %c0_i32 = arith.constant 0 : i32
    %c0_i32_0 = arith.constant 0 : i32
    %c0_i32_1 = arith.constant 0 : i32
    return %c0_i32, %arg0, %c0_i32_0 : i32, i32, i32
  }
  func.func @transform_2(%arg0: i32) -> (i32, i32) {
    %c0_i32 = arith.constant 0 : i32
    %c0_i32_0 = arith.constant 0 : i32
    %c0_i32_1 = arith.constant 0 : i32
    return %c0_i32, %c0_i32_0 : i32, i32
  }
  func.func @transform_3(%arg0: i32) -> (i32, i32) {
    %c0_i32 = arith.constant 0 : i32
    %c0_i32_0 = arith.constant 0 : i32
    %c0_i32_1 = arith.constant 0 : i32
    return %c0_i32, %c0_i32_0 : i32, i32
  }
  func.func @transform_4(%arg0: i32) -> (i32, i32) {
    %c0_i32 = arith.constant 0 : i32
    %c0_i32_0 = arith.constant 0 : i32
    %c0_i32_1 = arith.constant 0 : i32
    return %c0_i32, %c0_i32_0 : i32, i32
  }
  func.func @transform_5(%arg0: i32) -> (i32, i32) {
    %c0_i32 = arith.constant 0 : i32
    %c0_i32_0 = arith.constant 0 : i32
    %c0_i32_1 = arith.constant 0 : i32
    return %c0_i32, %c0_i32_0 : i32, i32
  }
  func.func @transform_6(%arg0: i32) -> (i32, i32) {
    %c0_i32 = arith.constant 0 : i32
    %c0_i32_0 = arith.constant 0 : i32
    %c0_i32_1 = arith.constant 0 : i32
    return %c0_i32, %c0_i32_0 : i32, i32
  }
  func.func @transform_7(%arg0: i32) -> (i32, i32) {
    %c0_i32 = arith.constant 0 : i32
    %c0_i32_0 = arith.constant 0 : i32
    return %arg0, %c0_i32 : i32, i32
  }
}

</mosaic_0001>

<sc_bundles>
// kernel: kernel.12.cloned.1.call-start
scs
__scs_entry_jumppad:
0x0: {  	(pc) =	sbr.rel $0x88, $3  }
0x1: {  	(tag) =	ssettag $0x0;
	lr =	simm.s32 $0x1  }
0x2: {  	[smem:$0x3F8E] =	sst lr;
	_ =	strace $0xD0000000  }
0x3: {  	_ = 	snop  }
0x4: {  	_ = 	snop  }
0x5: {  	_ = 	snop  }
0x6: {  	_ = 	snop  }
0x7: {  	_ = 	snop  }
__scs_overlays_trampoline_lowered:
0x8: {  	[smem:$0x3F9D] =	sst s0  }
0x9: {  	[smem:$0x3F9E] =	sst s1  }
0xa: {  	[smem:$0x3F9F] =	sst s2  }
0xb: {  	[smem:$0x3FA0] =	sst s3  }
0xc: {  	[smem:$0x3FA1] =	sst s4  }
0xd: {  	[smem:$0x3FA2] =	sst s5  }
0xe: {  	[smem:$0x3FA3] =	sst s6  }
0xf: {  	[smem:$0x3FA4] =	sst s7  }
0x10: {  	[smem:$0x3FA5] =	sst s8  }
0x11: {  	[smem:$0x3FA6] =	sst s9;
	s0 =	simm.s32 @!p0 $0x0  }
0x12: {  	s1 =	sld [smem:$0x3F8C];
	s0 =	simm.s32 @p0 $0x1  }
0x13: {  	[smem:$0x3FA7] =	sst s0;
	s0 =	simm.s32 @!p1 $0x0  }
0x14: {  	s2 =	sld [smem:$0x3F8B];
	s0 =	simm.s32 @p1 $0x1  }
0x15: {  	[smem:$0x3FA8] =	sst s0;
	s0 =	simm.s32 @!p2 $0x0  }
0x16: {  	s3 =	sld [smem:$0x3FDB];
	s0 =	simm.s32 @p2 $0x1  }
0x17: {  	s4 =	simm.s32 $0x1BF5;
	[smem:$0x3FAA] =	sst s0  }
0x18: {  	s0 =	sld [smem:$0x3F8D];
	_ =	swait.ge [sflag:s4], $0x0  }
0x19: {  	s7 =	sld [smem:$0x3F8E]  }
0x1a: {  	s8 =	sadd.s32 $0xFFFFE003, lr  }
0x1b: {  	s9 =	sadd.s32 $0xFFFFFEF7, lr;
	s5 =	simm.s32 $0xFFFFFFFF;
	p2 =	slt.u32 s8, $0xFFFFF086  }
0x1c: {  	p1 =	slt.u32 s9, $0xF7A;
	s5 =	simm.s32 @!p2 $0x0  }
0x1d: {  	s5 =	simm.s32 @p1 $0x1;
	p0 =	seq.s32 s7, s2  }
0x1e: {  	s7 =	smul.u32 @!p0 $0xF7A, s2;
	p2 =	seq.s32 @!p0 s5, $0x0  }
0x1f: {  	s9 =	smul.u32 $0xF7A, s1;
	s8 =	simm.s32 @!p0 $0x1BF5;
	p2 =	por !p2, p0  }
0x20: {  	[sflag:s8] =	ssyncset.s32 @!p0 $0xFFFFF086;
	s6 =	sadd.s32 @!p0 s3, s7;
	s7 =	simm.s32 @!p0 $0x108  }
0x21: {  	s3 =	sadd.s32 s3, s9;
	s6 =	sadd.s32 @!p0 $0x88, s6;
	s7 =	simm.s32 @p2 $0x1082  }
0x22: {  	[simem:s7], [sflag:s8] =	dma.local @!p0 [hbm:s6], $0xF7A  }
0x23: {  	s9 =	sor.u32 $0xD0000000, s2;
	s6 =	simm.s32 $0x108;
	_ =	swait.ge @!p0 [sflag:s8], $0x0  }
0x24: {  	s3 =	sadd.s32 $0x88, s3;
	s6 =	simm.s32 @!p1 $0x1082;
	[sflag:s4] =	ssyncset.s32 $0xFFFFF086  }
0x25: {  	[simem:s6], [sflag:s4] =	dma.local [hbm:s3], $0xF7A  }
0x26: {  	[smem:$0x3F8E] =	sst s1;
	(tag) =	ssettag s2;
	_ =	strace s9  }
0x27: {  	s1 =	sld [smem:$0x3F9E]  }
0x28: {  	s2 =	sld [smem:$0x3F9F]  }
0x29: {  	s4 =	sld [smem:$0x3FA1]  }
0x2a: {  	p0 =	seq.s32 s5, $0x0;
	s5 =	sld [smem:$0x3FA2]  }
0x2b: {  	s6 =	sld [smem:$0x3FA3]  }
0x2c: {  	s7 =	sld [smem:$0x3FA4]  }
0x2d: {  	s3 =	simm.s32 $0x108;
	s8 =	sld [smem:$0x3FA5]  }
0x2e: {  	s3 =	simm.s32 @!p0 $0x1082;
	s9 =	sld [smem:$0x3FA6]  }
0x2f: {  	lr =	sadd.s32 s0, s3;
	s0 =	sld [smem:$0x3F9D]  }
0x30: {  	s3 =	sld [smem:$0x3FA0]  }
0x31: {  	[smem:$0x3FA9] =	sst s10  }
0x32: {  	s10 =	sld [smem:$0x3FA7];
	_ =	sdelay $0x3  }
0x33: {  	p0 =	seq.s32 s10, $0x1;
	s10 =	sld [smem:$0x3FA9];
	_ =	sdelay $0x3  }
0x34: {  	[smem:$0x3FA9] =	sst s10  }
0x35: {  	s10 =	sld [smem:$0x3FA8];
	_ =	sdelay $0x3  }
0x36: {  	p1 =	seq.s32 s10, $0x1;
	s10 =	sld [smem:$0x3FA9];
	_ =	sdelay $0x3  }
0x37: {  	[smem:$0x3FA9] =	sst s10  }
0x38: {  	s10 =	sld [smem:$0x3FAA]  }
0x39: {  	_ = 	snop;
	(pc) =	sbr.ind lr, $3  }
0x3a: {  	_ = 	snop  }
0x3b: {  	_ = 	snop  }
0x3c: {  	p2 =	seq.s32 s10, $0x1;
	s10 =	sld [smem:$0x3FA9]  }
0x3d: {  	_ =	shalt  }
0x3e: {  	_ =	shalt  }
0x3f: {  	_ =	shalt  }
0x40: {  	_ =	shalt  }
0x41: {  	_ =	shalt  }
0x42: {  	_ =	shalt  }
0x43: {  	_ =	shalt  }
0x44: {  	_ =	shalt  }
0x45: {  	_ =	shalt  }
0x46: {  	_ =	shalt  }
0x47: {  	_ =	shalt  }
0x48: {  	_ =	shalt  }
0x49: {  	_ =	shalt  }
0x4a: {  	_ =	shalt  }
0x4b: {  	_ =	shalt  }
0x4c: {  	_ =	shalt  }
0x4d: {  	_ =	shalt  }
0x4e: {  	_ =	shalt  }
0x4f: {  	_ =	shalt  }
0x50: {  	_ =	shalt  }
0x51: {  	_ =	shalt  }
0x52: {  	_ =	shalt  }
0x53: {  	_ =	shalt  }
0x54: {  	_ =	shalt  }
0x55: {  	_ =	shalt  }
0x56: {  	_ =	shalt  }
0x57: {  	_ =	shalt  }
0x58: {  	_ =	shalt  }
0x59: {  	_ =	shalt  }
0x5a: {  	_ =	shalt  }
0x5b: {  	_ =	shalt  }
0x5c: {  	_ =	shalt  }
0x5d: {  	_ =	shalt  }
0x5e: {  	_ =	shalt  }
0x5f: {  	_ =	shalt  }
0x60: {  	_ =	shalt  }
0x61: {  	_ =	shalt  }
0x62: {  	_ =	shalt  }
0x63: {  	_ =	shalt  }
0x64: {  	_ =	shalt  }
0x65: {  	_ =	shalt  }
0x66: {  	_ =	shalt  }
0x67: {  	_ =	shalt  }
0x68: {  	_ =	shalt  }
0x69: {  	_ =	shalt  }
0x6a: {  	_ =	shalt  }
0x6b: {  	_ =	shalt  }
0x6c: {  	_ =	shalt  }
0x6d: {  	_ =	shalt  }
0x6e: {  	_ =	shalt  }
0x6f: {  	_ =	shalt  }
0x70: {  	_ =	shalt  }
0x71: {  	_ =	shalt  }
0x72: {  	_ =	shalt  }
0x73: {  	_ =	shalt  }
0x74: {  	_ =	shalt  }
0x75: {  	_ =	shalt  }
0x76: {  	_ =	shalt  }
0x77: {  	_ =	shalt  }
0x78: {  	_ =	shalt  }
0x79: {  	_ =	shalt  }
0x7a: {  	_ =	shalt  }
0x7b: {  	_ =	shalt  }
0x7c: {  	_ =	shalt  }
0x7d: {  	_ =	shalt  }
0x7e: {  	_ =	shalt  }
0x7f: {  	_ =	shalt  }
0x80: {  	_ =	shalt  }
0x81: {  	_ =	shalt  }
0x82: {  	_ =	shalt  }
0x83: {  	_ =	shalt  }
0x84: {  	_ =	shalt  }
0x85: {  	_ =	shalt  }
0x86: {  	_ =	shalt  }
0x87: {  	_ =	shalt  }
.Lfunc_end0:
.L_simem_size_0:
called_computation.2_lowered:
.L_overlay_start_0:
0x88: {  	s2 =	sld [smem:$0x3FD9]  }
0x89: {  	s3 =	sld [smem:$0x3FFE];
	_ =	sdelay $0x1  }
0x8a: {  	s1 =	srdreg.scid  }
0x8b: {  	s0 =	sand.u32 $0x1, s1  }
0x8c: {  	s14 =	sshll.u32 s0, $0xA;
	s2 =	sadd.s32 s3, s2  }
0x8d: {  	s2 =	sadd.s32 s2, s14  }
0x8e: {  	[smem:$0x3FB5] =	sst s2  }
0x8f: {  	_ = 	snop  }
0x90: {  	s2 =	sld [smem:$0x3FD0];
	_ =	sdelay $0x2  }
0x91: {  	s15 =	simm.s32 $0xA;
	s4 =	simm.s32 $0x10  }
0x92: {  	[smem:s4], [sflag:s15] =	dma.local [hbm:s2], $0x1  }
0x93: {  	_ =	swait.eq [sflag:s15], $0x1  }
0x94: {  	s16 =	sld [smem:$0x10];
	[sflag:s15] =	ssyncset.done $0x0  }
0x95: {  	s17 =	sld [smem:$0x11];
	[sflag:s15] =	ssyncadd.s32 $0xFFFFFFFF  }
0x96: {  	s18 =	sld [smem:$0x14];
	(tm) =	ssettm $0x1  }
0x97: {  	s5 =	sld [smem:$0x3FFB];
	_ =	sdelay $0x3  }
0x98: {  	_ =	strace s5  }
0x99: {  	s5 =	sld [smem:$0x3FFC];
	_ =	sdelay $0x3  }
0x9a: {  	_ =	strace s5  }
0x9b: {  	s5 =	sld [smem:$0x3FFD];
	_ =	sdelay $0x3  }
0x9c: {  	_ =	strace s5  }
0x9d: {  	_ =	strace $0x8FFFFFFF  }
0x9e: {  	s19 =	sld [smem:$0x3FDB];
	_ =	sdelay $0x1  }
0x9f: {  	s6 =	simm.s32 $_scs_section_size  }
0xa0: {  	s7 =	simm.s32 $_size__tile_overlayer_lowered;
	s8 =	simm.s32 $_tile_overlayer_lowered  }
0xa1: {  	s22 =	simm.s32 $0x1BFF;
	s21 =	sshll.u32 s8, $0x1;
	s5 =	sadd.s32 s6, s19  }
0xa2: {  	s9 =	simm.s32 $0x0;
	s20 =	sshll.u32 s7, $0x1;
	s7 =	sadd.s32 s21, s5  }
0xa3: {  	[timem:s9], [sflag:s22] =	dma.local [hbm:s7], s20  }
0xa4: {  	_ =	swait.ge [sflag:s22], s20  }
0xa5: {  	s6 =	ssub.s32 $0x0, s20;
	[sflag:s22] =	ssyncset.done $0x0  }
0xa6: {  	[sflag:s22] =	ssyncadd.s32 s6;
	_ =	sdelay $0x1  }
0xa7: {  	s23 =	simm.s32 $0x1B8B  }
0xa8: {  	_ =	swait.ge [sflag:s23], $0x1  }
0xa9: {  	[sflag:s23] =	ssyncset.done $0x0  }
0xaa: {  	s25 =	simm.s32 $0x1B8E;
	s24 =	sld [smem:$0x3FFE];
	[sflag:s23] =	ssyncadd.s32 $0xFFFFFFFF  }
0xab: {  	s26 =	simm.s32 $execute0_lowered;
	[smem:$0x3FD2] =	sst s25  }
0xac: {  	s7 =	sshll.u32 s26, $0x1;
	_ =	strace $0x80000046;
	[dreg:$0x1] =	wrdreg $0xFFFFFFFF  }
0xad: {  	s28 =	simm.s32 $_size_execute0_lowered;
	s5 =	sadd.s32 s5, s7;
	[dreg:$0x0] =	wrdreg $0x0  }
0xae: {  	s7 =	sshll.u32 s28, $0x1;
	[dreg:$0x2] =	wrdreg s5  }
0xaf: {  	[dreg:$0x3] =	wrdreg s7  }
0xb0: {  	[dreg:$0x4] =	wrdreg $0xC0  }
0xb1: {  	_ =	task [dreg:s9], $0x5FFFF  }
0xb2: {  	[dreg:$0x1] =	wrdreg $0xFFFFFFFF  }
0xb3: {  	[dreg:$0x0] =	wrdreg $0x60  }
0xb4: {  	[dreg:$0x2] =	wrdreg s16  }
0xb5: {  	[dreg:$0x3] =	wrdreg s18  }
0xb6: {  	[dreg:$0x4] =	wrdreg s24  }
0xb7: {  	[dreg:$0x5] =	wrdreg s17  }
0xb8: {  	[dreg:$0x6] =	wrdreg $0x9  }
0xb9: {  	_ =	task.clear_ibuf [dreg:s9], $0x7FFFF;
	_ =	strace $0x90000046  }
0xba: {  	s29 =	simm.s32 $0x9;
	_ =	strace $0x80000048  }
0xbb: {  	_ =	swait.ge [sflag:s29], $0x1  }
0xbc: {  	[sflag:s29] =	ssyncadd.s32 $0xFFFFFFFF  }
0xbd: {  	_ =	strace $0x90000048  }
0xbe: {  	_ =	sfence  }
0xbf: {  	s30 =	sld [smem:$0x0];
	_ =	sdelay $0x2  }
0xc0: {  	s31 =	sshll.u32 s1, $0xD;
	s1 =	sshrl.u32 s1, $0x2  }
0xc1: {  	s3 =	sand.u32 $0x4000, s31;
	s1 =	sadd.s32 s1, s30  }
0xc2: {  	s0 =	sor.u32 s3, s0;
	s1 =	sshll.u32 s1, $0x11  }
0xc3: {  	s0 =	sor.u32 s1, s0  }
0xc4: {  	s0 =	sadd.s32 $0x8F2B, s0  }
0xc5: {  	[sflag:s0] =	ssyncadd.remote.s32 $0x1  }
0xc6: {  	_ =	sfence.sel $0xFFFF  }
0xc7: {  	[dreg:$0x0] =	wrdreg $0xFFFFFFFF;
	(pc) =	sbr.abs _section_cstart, $3  }
0xc8: {  	[dreg:$0x1] =	wrdreg $0xFFFFFFFF  }
0xc9: {  	_ =	task.clear_ibuf [dreg:s9], $0x2FFFF;
	_ =	strace $0x9FFFFFFF  }
0xca: {  	(tm) =	ssettm $0x7FFFFFFF  }
0xcb: {  	_ =	shalt  }
tec
execute0_lowered:
.L_overlay_start_1:
0x0: {  	(tag) =	ssettag $0x1  }
0x1: {  	s1 =	rddreg [dreg:$0x0]  }
0x2: {  	s0 =	srdreg.scid;
	s2 =	rddreg [dreg:$0x1]  }
0x3: {  	s4 =	stileid.u32;
	s6 =	rddreg [dreg:$0x2]  }
0x4: {  	s8 =	rddreg [dreg:$0x3];
	s13 =	simm.s32 $0x80;
	s14 =	simm.s32 $0x4F00  }
0x5: {  	s15 =	simm.s32 $0xDF00;
	s16 =	simm.s32 $0x6700;
	s17 =	simm.s32 $0xF700  }
0x6: {  	s18 =	simm.s32 $0x7F00;
	s19 =	simm.s32 $0x10F00;
	s0 =	sand.u32 $0x1, s0  }
0x7: {  	s20 =	simm.s32 $0x9700;
	s21 =	simm.s32 $0x12700;
	s3 =	sshll.u32 s0, $0x4  }
0x8: {  	s22 =	simm.s32 $0xAF00;
	s23 =	simm.s32 $0x13F00;
	s3 =	sor.u32 s4, s3  }
0x9: {  	s24 =	simm.s32 $0xC700;
	s25 =	simm.s32 $0x15700;
	s3 =	smul.u32 $0x9C4, s3  }
0xa: {  	s26 =	simm.s32 $0x1;
	s28 =	simm.s32 $0x2;
	s31 =	simm.s32 $0x0  }
0xb: {  	s0 =	ssub.s32 $0x2, s0;
	s4 =	simm.s32 $0x0;
	s5 =	sshrl.u32 s3, $0x1  }
0xc: {  	s11 =	sshrl.u32 s0, $0x1;
	s9 =	sand.u32 $0xFFF0, s5;
	s5 =	sshrl.u32 s3, $0x5  }
0xd: {  	[smem:$0x7FF] =	sst s4;
	s0 =	ssub.s32 s0, s11;
	s10 =	smul.u32 $0x1800, s5  }
.Ltmp0:
0xe: {  	s11 =	simm.s32 $0x3;
	_ =	strace $0x80000047;
	(pc) =	sbr.rel .LBB2_1-.Ltmp0, $4  }
0xf: {  	s3 =	sadd.s32 $0x9C4, s3;
	s7 =	sadd.s32 s9, s6;
	s6 =	sadd.s32 $0x11600, s6  }
0x10: {  	s3 =	sshrl.u32 s3, $0x5;
	s8 =	sadd.s32 s8, s9;
	s10 =	sshrl.u32 s10, $0x3  }
0x11: {  	s3 =	ssub.s32 s3, s5;
	s7 =	sadd.s32 $0x7800, s7;
	s10 =	sadd.s32 s6, s10  }
0x12: {  	p0 =	sne.s32 s3, $0x4F;
	s9 =	sadd.s32 $0xEA00, s10;
	s10 =	smax.u32 s0, $0x1  }
.LBB2_19:
0x13: {  	s31 =	sadd.s32 $0x1, s31  }
0x14: {  	p1 =	sne.s32 s31, s10  }
.Ltmp1:
0x15: {  	_ = 	snop;
	(pc) =	sbr.rel @!p1 .LBB2_20-.Ltmp1, $1  }
0x16: {  	_ =	sdelay $0x3  }
.LBB2_1:
0x17: {  	[tilespmem:s4], [sflag:$0x3] =	stream.linear.gather [hbm4b:s7+s4], $0x2780, $0x38;
	[tilespmem:$0x16F00] =	vst v63  }
0x18: {  	_ =	swait.ge [sflag:s11], $0x2780  }
0x19: {  	[sflag:s11] =	ssyncset.done $0x0  }
0x1a: {  	s0 =	simm.s32 $0x2780;
	[sflag:s11] =	ssyncadd.s32 $0xFFFFD880  }
0x1b: {  	[tilespmem:s0], [sflag:$0x3] =	stream.linear.gather [hbm4b:s8+s4], $0x2780, $0x38;
	[tilespmem:$0x16F00] =	vst v63  }
0x1c: {  	_ =	swait.ge [sflag:s11], $0x2780  }
0x1d: {  	[sflag:s11] =	ssyncset.done $0x0  }
0x1e: {  	s3 =	simm.s32 $0x0;
	[sflag:s11] =	ssyncadd.s32 $0xFFFFD880  }
.LBB2_2:
0x1f: {  	s0 =	smul.u32 $0x300, s3;
	_ =	sdelay $0x1  }
0x20: {  	[tilespmem:s14], [sflag:$0x1] =	stream.indirect.gather [hbm4b:s1+s13], $0x30, s0, s13, $0xb8;
	[tilespmem:$0x16F00] =	vst v63  }
0x21: {  	s29 =	sadd.s32 $0x2780, s0  }
0x22: {  	[tilespmem:s15], [sflag:$0x1] =	stream.indirect.gather [hbm4b:s2+s13], $0x30, s29, s13, $0xb8;
	[tilespmem:$0x16F00] =	vst v63  }
0x23: {  	s29 =	sor.u32 $0x80, s0  }
0x24: {  	[tilespmem:s16], [sflag:$0x1] =	stream.indirect.gather [hbm4b:s1+s13], $0x30, s29, s13, $0xb8;
	[tilespmem:$0x16F00] =	vst v63  }
0x25: {  	s29 =	sadd.s32 $0x2800, s0  }
0x26: {  	[tilespmem:s17], [sflag:$0x1] =	stream.indirect.gather [hbm4b:s2+s13], $0x30, s29, s13, $0xb8;
	[tilespmem:$0x16F00] =	vst v63  }
0x27: {  	s29 =	sadd.s32 $0x100, s0  }
0x28: {  	[tilespmem:s18], [sflag:$0x1] =	stream.indirect.gather [hbm4b:s1+s13], $0x30, s29, s13, $0xb8;
	[tilespmem:$0x16F00] =	vst v63  }
0x29: {  	s29 =	sadd.s32 $0x2880, s0  }
0x2a: {  	[tilespmem:s19], [sflag:$0x1] =	stream.indirect.gather [hbm4b:s2+s13], $0x30, s29, s13, $0xb8;
	[tilespmem:$0x16F00] =	vst v63  }
0x2b: {  	s29 =	sadd.s32 $0x180, s0  }
0x2c: {  	[tilespmem:s20], [sflag:$0x1] =	stream.indirect.gather [hbm4b:s1+s13], $0x30, s29, s13, $0xb8;
	[tilespmem:$0x16F00] =	vst v63  }
0x2d: {  	s29 =	sadd.s32 $0x2900, s0  }
0x2e: {  	[tilespmem:s21], [sflag:$0x1] =	stream.indirect.gather [hbm4b:s2+s13], $0x30, s29, s13, $0xb8;
	[tilespmem:$0x16F00] =	vst v63  }
0x2f: {  	s29 =	sadd.s32 $0x200, s0  }
0x30: {  	[tilespmem:s22], [sflag:$0x1] =	stream.indirect.gather [hbm4b:s1+s13], $0x30, s29, s13, $0xb8;
	[tilespmem:$0x16F00] =	vst v63  }
0x31: {  	s29 =	sadd.s32 $0x2980, s0  }
0x32: {  	[tilespmem:s23], [sflag:$0x1] =	stream.indirect.gather [hbm4b:s2+s13], $0x30, s29, s13, $0xb8;
	[tilespmem:$0x16F00] =	vst v63  }
0x33: {  	s29 =	sadd.s32 $0x280, s0  }
0x34: {  	[tilespmem:s24], [sflag:$0x1] =	stream.indirect.gather [hbm4b:s1+s13], $0x30, s29, s13, $0xb8;
	[tilespmem:$0x16F00] =	vst v63  }
0x35: {  	s0 =	sadd.s32 $0x2A00, s0  }
0x36: {  	[tilespmem:s25], [sflag:$0x1] =	stream.indirect.gather [hbm4b:s2+s13], $0x30, s0, s13, $0xb8;
	[tilespmem:$0x16F00] =	vst v63  }
0x37: {  	_ =	swait.ge [sflag:s26], $0x1800  }
0x38: {  	[sflag:s26] =	ssyncset.done $0x0  }
0x39: {  	[sflag:s26] =	ssyncadd.s32 $0xFFFFE800  }
0x3a: {  	_ =	swait.ge [sflag:s26], $0x1800  }
0x3b: {  	[sflag:s26] =	ssyncset.done $0x0  }
0x3c: {  	[sflag:s26] =	ssyncadd.s32 $0xFFFFE800  }
0x3d: {  	_ =	swait.ge [sflag:s26], $0x1800  }
0x3e: {  	[sflag:s26] =	ssyncset.done $0x0  }
0x3f: {  	[sflag:s26] =	ssyncadd.s32 $0xFFFFE800  }
0x40: {  	_ =	swait.ge [sflag:s26], $0x1800  }
0x41: {  	[sflag:s26] =	ssyncset.done $0x0  }
0x42: {  	[sflag:s26] =	ssyncadd.s32 $0xFFFFE800  }
0x43: {  	_ =	swait.ge [sflag:s26], $0x1800  }
0x44: {  	[sflag:s26] =	ssyncset.done $0x0  }
0x45: {  	[sflag:s26] =	ssyncadd.s32 $0xFFFFE800  }
0x46: {  	_ =	swait.ge [sflag:s26], $0x1800  }
0x47: {  	[sflag:s26] =	ssyncset.done $0x0  }
0x48: {  	[sflag:s26] =	ssyncadd.s32 $0xFFFFE800  }
0x49: {  	_ =	swait.ge [sflag:s26], $0x1800  }
0x4a: {  	[sflag:s26] =	ssyncset.done $0x0  }
0x4b: {  	[sflag:s26] =	ssyncadd.s32 $0xFFFFE800  }
0x4c: {  	_ =	swait.ge [sflag:s26], $0x1800  }
0x4d: {  	[sflag:s26] =	ssyncset.done $0x0  }
0x4e: {  	[sflag:s26] =	ssyncadd.s32 $0xFFFFE800  }
0x4f: {  	_ =	swait.ge [sflag:s26], $0x1800  }
0x50: {  	[sflag:s26] =	ssyncset.done $0x0  }
0x51: {  	[sflag:s26] =	ssyncadd.s32 $0xFFFFE800  }
0x52: {  	_ =	swait.ge [sflag:s26], $0x1800  }
0x53: {  	[sflag:s26] =	ssyncset.done $0x0  }
0x54: {  	[sflag:s26] =	ssyncadd.s32 $0xFFFFE800  }
0x55: {  	_ =	swait.ge [sflag:s26], $0x1800  }
0x56: {  	[sflag:s26] =	ssyncset.done $0x0  }
0x57: {  	[sflag:s26] =	ssyncadd.s32 $0xFFFFE800  }
0x58: {  	_ =	swait.ge [sflag:s26], $0x1800  }
0x59: {  	[sflag:s26] =	ssyncset.done $0x0  }
0x5a: {  	s29 =	simm.s32 $0x0;
	[sflag:s26] =	ssyncadd.s32 $0xFFFFE800  }
0x5b: {  	v1 =	vld [tilespmem:s29+$0xDF00]  }
0x5c: {  	v2 =	vld [tilespmem:s29+$0xDF10]  }
0x5d: {  	v0 =	vld [tilespmem:s29+$0xDF20]  }
0x5e: {  	v3 =	vld [tilespmem:s29+$0x4F00]  }
0x5f: {  	s0 =	simm.s32 $0xC0;
	v4 =	vld [tilespmem:s29+$0x4F10]  }
.LBB2_3:
0x60: {  	p1 =	sne.s32 s0, $0x5F40;
	v5 =	vld [tilespmem:s29+$0x4F20];
	_ =	sdelay $0x1  }
0x61: {  	s30 =	sshra.s32 s0, $0x2  }
.Ltmp2:
0x62: {  	v3 =	vadd.f32 v1, v3;
	v1 =	vld [tilespmem:s30+$0xDF00];
	(pc) =	sbr.rel @p1 .LBB2_3-.Ltmp2, $4  }
0x63: {  	v4 =	vadd.f32 v2, v4;
	v2 =	vld [tilespmem:s30+$0xDF10]  }
0x64: {  	[tilespmem:s29+$0x4F00] =	vst v3;
	v5 =	vadd.f32 v0, v5;
	v0 =	vld [tilespmem:s30+$0xDF20]  }
0x65: {  	v3 =	vld [tilespmem:s30+$0x4F00];
	[tilespmem:s29+$0x4F10] =	vst v4  }
0x66: {  	s0 =	sadd.s32 $0xC0, s0;
	v4 =	vld [tilespmem:s30+$0x4F10];
	[tilespmem:s29+$0x4F20] =	vst v5;
	s29 =	smov.u32 s30  }
0x67: {  	v5 =	vld [tilespmem:s29+$0x4F20];
	_ =	sdelay $0x1  }
0x68: {  	s0 =	smul.u32 $0x6, s3  }
0x69: {  	v1 =	vadd.f32 v1, v3  }
0x6a: {  	s0 =	sadd.s32 s5, s0;
	v2 =	vadd.f32 v2, v4  }
0x6b: {  	s30 =	smul.u32 $0x300, s0;
	[tilespmem:s29+$0x4F00] =	vst v1;
	v0 =	vadd.f32 v0, v5  }
0x6c: {  	[tilespmem:s29+$0x4F10] =	vst v2  }
0x6d: {  	[tilespmem:s29+$0x4F20] =	vst v0;
	s29 =	sadd.s32 s6, s30;
	s30 =	simm.s32 $0x0  }
0x6e: {  	[hbm4b:s29+s30] =	stream.linear.scatter [tilespmem:s14], [sflag:$0x2], $0x1800, $0x38;
	[tilespmem:$0x16F00] =	vst v63  }
0x6f: {  	s29 =	simm.s32 $0x0  }
0x70: {  	v2 =	vld [tilespmem:s29+$0xF700]  }
0x71: {  	v1 =	vld [tilespmem:s29+$0xF710]  }
0x72: {  	v0 =	vld [tilespmem:s29+$0xF720]  }
0x73: {  	v4 =	vld [tilespmem:s29+$0x6700]  }
0x74: {  	s30 =	simm.s32 $0xC0;
	v3 =	vld [tilespmem:s29+$0x6710]  }
.LBB2_5:
0x75: {  	p1 =	sne.s32 s30, $0x5F40;
	v5 =	vld [tilespmem:s29+$0x6720];
	_ =	sdelay $0x1  }
0x76: {  	s12 =	sshra.s32 s30, $0x2  }
.Ltmp3:
0x77: {  	v4 =	vadd.f32 v2, v4;
	v2 =	vld [tilespmem:s12+$0xF700];
	(pc) =	sbr.rel @p1 .LBB2_5-.Ltmp3, $4  }
0x78: {  	v3 =	vadd.f32 v1, v3;
	v1 =	vld [tilespmem:s12+$0xF710]  }
0x79: {  	[tilespmem:s29+$0x6700] =	vst v4;
	v5 =	vadd.f32 v0, v5;
	v0 =	vld [tilespmem:s12+$0xF720]  }
0x7a: {  	v4 =	vld [tilespmem:s12+$0x6700];
	[tilespmem:s29+$0x6710] =	vst v3  }
0x7b: {  	s30 =	sadd.s32 $0xC0, s30;
	v3 =	vld [tilespmem:s12+$0x6710];
	[tilespmem:s29+$0x6720] =	vst v5;
	s29 =	smov.u32 s12  }
0x7c: {  	v5 =	vld [tilespmem:s29+$0x6720];
	_ =	sdelay $0x2  }
0x7d: {  	s0 =	smul.u32 $0x1800, s0;
	v2 =	vadd.f32 v2, v4  }
0x7e: {  	v1 =	vadd.f32 v1, v3  }
0x7f: {  	s0 =	sshrl.u32 s0, $0x3;
	[tilespmem:s29+$0x6700] =	vst v2;
	v0 =	vadd.f32 v0, v5  }
0x80: {  	s0 =	sadd.s32 s6, s0;
	[tilespmem:s29+$0x6710] =	vst v1  }
0x81: {  	s12 =	sadd.s32 $0x300, s0;
	[tilespmem:s29+$0x6720] =	vst v0;
	s29 =	simm.s32 $0x0  }
0x82: {  	[hbm4b:s12+s29] =	stream.linear.scatter [tilespmem:s16], [sflag:$0x2], $0x1800, $0x38;
	[tilespmem:$0x16F00] =	vst v63  }
0x83: {  	s29 =	simm.s32 $0x0  }
0x84: {  	v1 =	vld [tilespmem:s29+$0x10F00]  }
0x85: {  	v2 =	vld [tilespmem:s29+$0x10F10]  }
0x86: {  	v0 =	vld [tilespmem:s29+$0x10F20]  }
0x87: {  	v3 =	vld [tilespmem:s29+$0x7F00]  }
0x88: {  	s30 =	simm.s32 $0xC0;
	v4 =	vld [tilespmem:s29+$0x7F10]  }
.LBB2_7:
0x89: {  	p1 =	sne.s32 s30, $0x5F40;
	v5 =	vld [tilespmem:s29+$0x7F20];
	_ =	sdelay $0x1  }
0x8a: {  	s12 =	sshra.s32 s30, $0x2  }
.Ltmp4:
0x8b: {  	v3 =	vadd.f32 v1, v3;
	v1 =	vld [tilespmem:s12+$0x10F00];
	(pc) =	sbr.rel @p1 .LBB2_7-.Ltmp4, $4  }
0x8c: {  	v4 =	vadd.f32 v2, v4;
	v2 =	vld [tilespmem:s12+$0x10F10]  }
0x8d: {  	[tilespmem:s29+$0x7F00] =	vst v3;
	v5 =	vadd.f32 v0, v5;
	v0 =	vld [tilespmem:s12+$0x10F20]  }
0x8e: {  	v3 =	vld [tilespmem:s12+$0x7F00];
	[tilespmem:s29+$0x7F10] =	vst v4  }
0x8f: {  	s30 =	sadd.s32 $0xC0, s30;
	v4 =	vld [tilespmem:s12+$0x7F10];
	[tilespmem:s29+$0x7F20] =	vst v5;
	s29 =	smov.u32 s12  }
0x90: {  	v5 =	vld [tilespmem:s29+$0x7F20];
	_ =	sdelay $0x2  }
0x91: {  	v1 =	vadd.f32 v1, v3  }
0x92: {  	v2 =	vadd.f32 v2, v4  }
0x93: {  	[tilespmem:s29+$0x7F00] =	vst v1;
	v0 =	vadd.f32 v0, v5  }
0x94: {  	[tilespmem:s29+$0x7F10] =	vst v2  }
0x95: {  	s12 =	sadd.s32 $0x600, s0;
	[tilespmem:s29+$0x7F20] =	vst v0;
	s29 =	simm.s32 $0x0  }
0x96: {  	[hbm4b:s12+s29] =	stream.linear.scatter [tilespmem:s18], [sflag:$0x2], $0x1800, $0x38;
	[tilespmem:$0x16F00] =	vst v63  }
0x97: {  	s29 =	simm.s32 $0x0  }
0x98: {  	v1 =	vld [tilespmem:s29+$0x12700]  }
0x99: {  	v2 =	vld [tilespmem:s29+$0x12710]  }
0x9a: {  	v0 =	vld [tilespmem:s29+$0x12720]  }
0x9b: {  	v3 =	vld [tilespmem:s29+$0x9700]  }
0x9c: {  	s30 =	simm.s32 $0xC0;
	v4 =	vld [tilespmem:s29+$0x9710]  }
.LBB2_9:
0x9d: {  	p1 =	sne.s32 s30, $0x5F40;
	v5 =	vld [tilespmem:s29+$0x9720];
	_ =	sdelay $0x1  }
0x9e: {  	s12 =	sshra.s32 s30, $0x2  }
.Ltmp5:
0x9f: {  	v3 =	vadd.f32 v1, v3;
	v1 =	vld [tilespmem:s12+$0x12700];
	(pc) =	sbr.rel @p1 .LBB2_9-.Ltmp5, $4  }
0xa0: {  	v4 =	vadd.f32 v2, v4;
	v2 =	vld [tilespmem:s12+$0x12710]  }
0xa1: {  	[tilespmem:s29+$0x9700] =	vst v3;
	v5 =	vadd.f32 v0, v5;
	v0 =	vld [tilespmem:s12+$0x12720]  }
0xa2: {  	v3 =	vld [tilespmem:s12+$0x9700];
	[tilespmem:s29+$0x9710] =	vst v4  }
0xa3: {  	s30 =	sadd.s32 $0xC0, s30;
	v4 =	vld [tilespmem:s12+$0x9710];
	[tilespmem:s29+$0x9720] =	vst v5;
	s29 =	smov.u32 s12  }
0xa4: {  	v5 =	vld [tilespmem:s29+$0x9720];
	_ =	sdelay $0x2  }
0xa5: {  	v1 =	vadd.f32 v1, v3  }
0xa6: {  	v2 =	vadd.f32 v2, v4  }
0xa7: {  	[tilespmem:s29+$0x9700] =	vst v1;
	v0 =	vadd.f32 v0, v5  }
0xa8: {  	[tilespmem:s29+$0x9710] =	vst v2  }
0xa9: {  	s12 =	sadd.s32 $0x900, s0;
	[tilespmem:s29+$0x9720] =	vst v0;
	s29 =	simm.s32 $0x0  }
0xaa: {  	[hbm4b:s12+s29] =	stream.linear.scatter [tilespmem:s20], [sflag:$0x2], $0x1800, $0x38;
	[tilespmem:$0x16F00] =	vst v63  }
0xab: {  	s29 =	simm.s32 $0x0  }
0xac: {  	v1 =	vld [tilespmem:s29+$0x13F00]  }
0xad: {  	v2 =	vld [tilespmem:s29+$0x13F10]  }
0xae: {  	v0 =	vld [tilespmem:s29+$0x13F20]  }
0xaf: {  	v3 =	vld [tilespmem:s29+$0xAF00]  }
0xb0: {  	s30 =	simm.s32 $0xC0;
	v4 =	vld [tilespmem:s29+$0xAF10]  }
.LBB2_11:
0xb1: {  	p1 =	sne.s32 s30, $0x5F40;
	v5 =	vld [tilespmem:s29+$0xAF20];
	_ =	sdelay $0x1  }
0xb2: {  	s12 =	sshra.s32 s30, $0x2  }
.Ltmp6:
0xb3: {  	v3 =	vadd.f32 v1, v3;
	v1 =	vld [tilespmem:s12+$0x13F00];
	(pc) =	sbr.rel @p1 .LBB2_11-.Ltmp6, $4  }
0xb4: {  	v4 =	vadd.f32 v2, v4;
	v2 =	vld [tilespmem:s12+$0x13F10]  }
0xb5: {  	[tilespmem:s29+$0xAF00] =	vst v3;
	v5 =	vadd.f32 v0, v5;
	v0 =	vld [tilespmem:s12+$0x13F20]  }
0xb6: {  	v3 =	vld [tilespmem:s12+$0xAF00];
	[tilespmem:s29+$0xAF10] =	vst v4  }
0xb7: {  	s30 =	sadd.s32 $0xC0, s30;
	v4 =	vld [tilespmem:s12+$0xAF10];
	[tilespmem:s29+$0xAF20] =	vst v5;
	s29 =	smov.u32 s12  }
0xb8: {  	v5 =	vld [tilespmem:s29+$0xAF20];
	_ =	sdelay $0x2  }
0xb9: {  	v1 =	vadd.f32 v1, v3  }
0xba: {  	v2 =	vadd.f32 v2, v4  }
0xbb: {  	[tilespmem:s29+$0xAF00] =	vst v1;
	v0 =	vadd.f32 v0, v5  }
0xbc: {  	[tilespmem:s29+$0xAF10] =	vst v2  }
0xbd: {  	s12 =	sadd.s32 $0xC00, s0;
	[tilespmem:s29+$0xAF20] =	vst v0;
	s29 =	simm.s32 $0x0  }
0xbe: {  	[hbm4b:s12+s29] =	stream.linear.scatter [tilespmem:s22], [sflag:$0x2], $0x1800, $0x38;
	[tilespmem:$0x16F00] =	vst v63  }
0xbf: {  	s29 =	simm.s32 $0x0  }
0xc0: {  	v1 =	vld [tilespmem:s29+$0x15700]  }
0xc1: {  	v2 =	vld [tilespmem:s29+$0x15710]  }
0xc2: {  	v0 =	vld [tilespmem:s29+$0x15720]  }
0xc3: {  	v3 =	vld [tilespmem:s29+$0xC700]  }
0xc4: {  	s30 =	simm.s32 $0xC0;
	v4 =	vld [tilespmem:s29+$0xC710]  }
.LBB2_13:
0xc5: {  	p1 =	sne.s32 s30, $0x5F40;
	v5 =	vld [tilespmem:s29+$0xC720];
	_ =	sdelay $0x1  }
0xc6: {  	s12 =	sshra.s32 s30, $0x2  }
.Ltmp7:
0xc7: {  	v3 =	vadd.f32 v1, v3;
	v1 =	vld [tilespmem:s12+$0x15700];
	(pc) =	sbr.rel @p1 .LBB2_13-.Ltmp7, $4  }
0xc8: {  	v4 =	vadd.f32 v2, v4;
	v2 =	vld [tilespmem:s12+$0x15710]  }
0xc9: {  	[tilespmem:s29+$0xC700] =	vst v3;
	v5 =	vadd.f32 v0, v5;
	v0 =	vld [tilespmem:s12+$0x15720]  }
0xca: {  	v3 =	vld [tilespmem:s12+$0xC700];
	[tilespmem:s29+$0xC710] =	vst v4  }
0xcb: {  	s30 =	sadd.s32 $0xC0, s30;
	v4 =	vld [tilespmem:s12+$0xC710];
	[tilespmem:s29+$0xC720] =	vst v5;
	s29 =	smov.u32 s12  }
0xcc: {  	v5 =	vld [tilespmem:s29+$0xC720];
	_ =	sdelay $0x2  }
0xcd: {  	v1 =	vadd.f32 v1, v3  }
0xce: {  	v2 =	vadd.f32 v2, v4  }
0xcf: {  	[tilespmem:s29+$0xC700] =	vst v1;
	v0 =	vadd.f32 v0, v5  }
0xd0: {  	[tilespmem:s29+$0xC710] =	vst v2  }
0xd1: {  	s0 =	sadd.s32 $0xF00, s0;
	[tilespmem:s29+$0xC720] =	vst v0  }
0xd2: {  	[hbm4b:s0+s4] =	stream.linear.scatter [tilespmem:s24], [sflag:$0x2], $0x1800, $0x38;
	[tilespmem:$0x16F00] =	vst v63  }
0xd3: {  	_ =	swait.ge [sflag:s28], $0x1800  }
0xd4: {  	[sflag:s28] =	ssyncset.done $0x0  }
0xd5: {  	[sflag:s28] =	ssyncadd.s32 $0xFFFFE800  }
0xd6: {  	_ =	swait.ge [sflag:s28], $0x1800  }
0xd7: {  	[sflag:s28] =	ssyncset.done $0x0  }
0xd8: {  	[sflag:s28] =	ssyncadd.s32 $0xFFFFE800  }
0xd9: {  	_ =	swait.ge [sflag:s28], $0x1800  }
0xda: {  	[sflag:s28] =	ssyncset.done $0x0  }
0xdb: {  	[sflag:s28] =	ssyncadd.s32 $0xFFFFE800  }
0xdc: {  	_ =	swait.ge [sflag:s28], $0x1800  }
0xdd: {  	[sflag:s28] =	ssyncset.done $0x0  }
0xde: {  	s3 =	sadd.s32 $0x1, s3;
	[sflag:s28] =	ssyncadd.s32 $0xFFFFE800  }
0xdf: {  	p1 =	sne.s32 s3, $0xD;
	_ =	swait.ge [sflag:s28], $0x1800  }
.Ltmp8:
0xe0: {  	[sflag:s28] =	ssyncset.done $0x0;
	(pc) =	sbr.rel @p1 .LBB2_2-.Ltmp8, $4  }
0xe1: {  	[sflag:s28] =	ssyncadd.s32 $0xFFFFE800  }
0xe2: {  	_ =	swait.ge [sflag:s28], $0x1800  }
0xe3: {  	[sflag:s28] =	ssyncset.done $0x0  }
0xe4: {  	[sflag:s28] =	ssyncadd.s32 $0xFFFFE800  }
.Ltmp9:
0xe5: {  	(pc) =	sbr.rel @p0 .LBB2_19-.Ltmp9, $1  }
0xe6: {  	_ =	sdelay $0x3  }
0xe7: {  	s0 =	simm.s32 $0x2700  }
0xe8: {  	[tilespmem:s14], [sflag:$0x1] =	stream.indirect.gather [hbm4b:s1+s13], $0x30, s0, s13, $0xb8;
	[tilespmem:$0x16F00] =	vst v63  }
0xe9: {  	s30 =	simm.s32 $0x4E80  }
0xea: {  	[tilespmem:s15], [sflag:$0x1] =	stream.indirect.gather [hbm4b:s2+s13], $0x30, s30, s13, $0xb8;
	[tilespmem:$0x16F00] =	vst v63  }
0xeb: {  	_ =	swait.ge [sflag:s26], $0x1800  }
0xec: {  	[sflag:s26] =	ssyncset.done $0x0  }
0xed: {  	[sflag:s26] =	ssyncadd.s32 $0xFFFFE800  }
0xee: {  	_ =	swait.ge [sflag:s26], $0x1800  }
0xef: {  	[sflag:s26] =	ssyncset.done $0x0  }
0xf0: {  	s0 =	simm.s32 $0x0;
	[sflag:s26] =	ssyncadd.s32 $0xFFFFE800  }
0xf1: {  	v1 =	vld [tilespmem:s0+$0xDF00]  }
0xf2: {  	v2 =	vld [tilespmem:s0+$0xDF10]  }
0xf3: {  	v0 =	vld [tilespmem:s0+$0xDF20]  }
0xf4: {  	v3 =	vld [tilespmem:s0+$0x4F00]  }
0xf5: {  	s3 =	simm.s32 $0xC0;
	v4 =	vld [tilespmem:s0+$0x4F10]  }
.LBB2_17:
0xf6: {  	p1 =	sne.s32 s3, $0x5F40;
	v5 =	vld [tilespmem:s0+$0x4F20];
	_ =	sdelay $0x1  }
0xf7: {  	s12 =	sshra.s32 s3, $0x2  }
.Ltmp10:
0xf8: {  	v3 =	vadd.f32 v1, v3;
	v1 =	vld [tilespmem:s12+$0xDF00];
	(pc) =	sbr.rel @p1 .LBB2_17-.Ltmp10, $4  }
0xf9: {  	v4 =	vadd.f32 v2, v4;
	v2 =	vld [tilespmem:s12+$0xDF10]  }
0xfa: {  	[tilespmem:s0+$0x4F00] =	vst v3;
	v5 =	vadd.f32 v0, v5;
	v0 =	vld [tilespmem:s12+$0xDF20]  }
0xfb: {  	v3 =	vld [tilespmem:s12+$0x4F00];
	[tilespmem:s0+$0x4F10] =	vst v4  }
0xfc: {  	s3 =	sadd.s32 $0xC0, s3;
	v4 =	vld [tilespmem:s12+$0x4F10];
	[tilespmem:s0+$0x4F20] =	vst v5;
	s0 =	smov.u32 s12  }
0xfd: {  	v5 =	vld [tilespmem:s0+$0x4F20];
	_ =	sdelay $0x2  }
0xfe: {  	v1 =	vadd.f32 v1, v3  }
0xff: {  	v2 =	vadd.f32 v2, v4  }
0x100: {  	[tilespmem:s0+$0x4F00] =	vst v1;
	v0 =	vadd.f32 v0, v5  }
0x101: {  	[tilespmem:s0+$0x4F10] =	vst v2  }
.Ltmp11:
0x102: {  	[tilespmem:s0+$0x4F20] =	vst v0;
	(pc) =	sbr.rel .LBB2_19-.Ltmp11, $4  }
0x103: {  	[hbm4b:s9+s4] =	stream.linear.scatter [tilespmem:s14], [sflag:$0x3], $0x1800, $0x38;
	[tilespmem:$0x16F00] =	vst v63  }
0x104: {  	_ =	swait.ge [sflag:s11], $0x1800  }
0x105: {  	[sflag:s11] =	ssyncset.done $0x0  }
0x106: {  	[sflag:s11] =	ssyncadd.s32 $0xFFFFE800  }
.LBB2_20:
0x107: {  	_ =	sfence.sel $0x180000  }
0x108: {  	[bflag:$0x0] =	sbarrier.arrive $0xFFFF  }
0x109: {  	_ =	strace $0x90000047  }
0x10a: {  	s0 =	stileid.u32;
	[bflag:$0x2] =	sbarrier.arrive $0xFFFF  }
0x10b: {  	p0 =	sne.s32 s0, $0x0;
	s0 =	rddreg [dreg:$0x4]  }
0x10c: {  	s0 =	sadd.s32 @!p0 $0x100000, s0  }
0x10d: {  	[sflag:s0] =	ssyncadd.tile.s32 @!p0 $0x1;
	_ =	shalt  }
.Lfunc_end2:
_tile_overlayer_lowered:
.L_overlay_start_2:
0x10e: {  	(tag) =	ssettag $0x2  }
0x10f: {  	s0 =	rddreg [dreg:$0x0];
	s2 =	stileid.u32  }
0x110: {  	s1 =	rddreg [dreg:$0x1];
	p0 =	sne.s32 s2, $0x0  }
0x111: {  	s3 =	rddreg [dreg:$0x2];
	[bflag:$0x3] =	sbarrier.arrive $0xFFFF;
	s2 =	simm.s32 @!p0 $0x1C03  }
0x112: {  	[timem:s3], [sflag:s2] =	dma.local @!p0 [hbm:s0], s1  }
0x113: {  	s0 =	simm.s32 @!p0 $0x3  }
0x114: {  	_ =	swait.ge @!p0 [sflag:s0], s1  }
0x115: {  	s1 =	ssub.s32 @!p0 $0x0, s1;
	[sflag:s0] =	ssyncset.done @!p0 $0x0  }
0x116: {  	[sflag:s0] =	ssyncadd.s32 @!p0 s1  }
0x117: {  	[bflag:$0x3] =	sbarrier.arrive $0xFFFF  }
0x118: {  	_ =	shalt  }

// kernel: kernel.15.cloned.1.call-start
scs
__scs_entry_jumppad:
0x0: {  	(pc) =	sbr.rel $0x88, $3  }
0x1: {  	(tag) =	ssettag $0x0;
	lr =	simm.s32 $0x1  }
0x2: {  	[smem:$0x3F8E] =	sst lr;
	_ =	strace $0xD0000000  }
0x3: {  	_ = 	snop  }
0x4: {  	_ = 	snop  }
0x5: {  	_ = 	snop  }
0x6: {  	_ = 	snop  }
0x7: {  	_ = 	snop  }
__scs_overlays_trampoline_lowered:
0x8: {  	[smem:$0x3F9D] =	sst s0  }
0x9: {  	[smem:$0x3F9E] =	sst s1  }
0xa: {  	[smem:$0x3F9F] =	sst s2  }
0xb: {  	[smem:$0x3FA0] =	sst s3  }
0xc: {  	[smem:$0x3FA1] =	sst s4  }
0xd: {  	[smem:$0x3FA2] =	sst s5  }
0xe: {  	[smem:$0x3FA3] =	sst s6  }
0xf: {  	[smem:$0x3FA4] =	sst s7  }
0x10: {  	[smem:$0x3FA5] =	sst s8  }
0x11: {  	[smem:$0x3FA6] =	sst s9;
	s0 =	simm.s32 @!p0 $0x0  }
0x12: {  	s1 =	sld [smem:$0x3F8C];
	s0 =	simm.s32 @p0 $0x1  }
0x13: {  	[smem:$0x3FA7] =	sst s0;
	s0 =	simm.s32 @!p1 $0x0  }
0x14: {  	s2 =	sld [smem:$0x3F8B];
	s0 =	simm.s32 @p1 $0x1  }
0x15: {  	[smem:$0x3FA8] =	sst s0;
	s0 =	simm.s32 @!p2 $0x0  }
0x16: {  	s3 =	sld [smem:$0x3FDB];
	s0 =	simm.s32 @p2 $0x1  }
0x17: {  	s4 =	simm.s32 $0x1BF5;
	[smem:$0x3FAA] =	sst s0  }
0x18: {  	s0 =	sld [smem:$0x3F8D];
	_ =	swait.ge [sflag:s4], $0x0  }
0x19: {  	s7 =	sld [smem:$0x3F8E]  }
0x1a: {  	s8 =	sadd.s32 $0xFFFFE003, lr  }
0x1b: {  	s9 =	sadd.s32 $0xFFFFFEF7, lr;
	s5 =	simm.s32 $0xFFFFFFFF;
	p2 =	slt.u32 s8, $0xFFFFF086  }
0x1c: {  	p1 =	slt.u32 s9, $0xF7A;
	s5 =	simm.s32 @!p2 $0x0  }
0x1d: {  	s5 =	simm.s32 @p1 $0x1;
	p0 =	seq.s32 s7, s2  }
0x1e: {  	s7 =	smul.u32 @!p0 $0xF7A, s2;
	p2 =	seq.s32 @!p0 s5, $0x0  }
0x1f: {  	s9 =	smul.u32 $0xF7A, s1;
	s8 =	simm.s32 @!p0 $0x1BF5;
	p2 =	por !p2, p0  }
0x20: {  	[sflag:s8] =	ssyncset.s32 @!p0 $0xFFFFF086;
	s6 =	sadd.s32 @!p0 s3, s7;
	s7 =	simm.s32 @!p0 $0x108  }
0x21: {  	s3 =	sadd.s32 s3, s9;
	s6 =	sadd.s32 @!p0 $0x88, s6;
	s7 =	simm.s32 @p2 $0x1082  }
0x22: {  	[simem:s7], [sflag:s8] =	dma.local @!p0 [hbm:s6], $0xF7A  }
0x23: {  	s9 =	sor.u32 $0xD0000000, s2;
	s6 =	simm.s32 $0x108;
	_ =	swait.ge @!p0 [sflag:s8], $0x0  }
0x24: {  	s3 =	sadd.s32 $0x88, s3;
	s6 =	simm.s32 @!p1 $0x1082;
	[sflag:s4] =	ssyncset.s32 $0xFFFFF086  }
0x25: {  	[simem:s6], [sflag:s4] =	dma.local [hbm:s3], $0xF7A  }
0x26: {  	[smem:$0x3F8E] =	sst s1;
	(tag) =	ssettag s2;
	_ =	strace s9  }
0x27: {  	s1 =	sld [smem:$0x3F9E]  }
0x28: {  	s2 =	sld [smem:$0x3F9F]  }
0x29: {  	s4 =	sld [smem:$0x3FA1]  }
0x2a: {  	p0 =	seq.s32 s5, $0x0;
	s5 =	sld [smem:$0x3FA2]  }
0x2b: {  	s6 =	sld [smem:$0x3FA3]  }
0x2c: {  	s7 =	sld [smem:$0x3FA4]  }
0x2d: {  	s3 =	simm.s32 $0x108;
	s8 =	sld [smem:$0x3FA5]  }
0x2e: {  	s3 =	simm.s32 @!p0 $0x1082;
	s9 =	sld [smem:$0x3FA6]  }
0x2f: {  	lr =	sadd.s32 s0, s3;
	s0 =	sld [smem:$0x3F9D]  }
0x30: {  	s3 =	sld [smem:$0x3FA0]  }
0x31: {  	[smem:$0x3FA9] =	sst s10  }
0x32: {  	s10 =	sld [smem:$0x3FA7];
	_ =	sdelay $0x3  }
0x33: {  	p0 =	seq.s32 s10, $0x1;
	s10 =	sld [smem:$0x3FA9];
	_ =	sdelay $0x3  }
0x34: {  	[smem:$0x3FA9] =	sst s10  }
0x35: {  	s10 =	sld [smem:$0x3FA8];
	_ =	sdelay $0x3  }
0x36: {  	p1 =	seq.s32 s10, $0x1;
	s10 =	sld [smem:$0x3FA9];
	_ =	sdelay $0x3  }
0x37: {  	[smem:$0x3FA9] =	sst s10  }
0x38: {  	s10 =	sld [smem:$0x3FAA]  }
0x39: {  	_ = 	snop;
	(pc) =	sbr.ind lr, $3  }
0x3a: {  	_ = 	snop  }
0x3b: {  	_ = 	snop  }
0x3c: {  	p2 =	seq.s32 s10, $0x1;
	s10 =	sld [smem:$0x3FA9]  }
0x3d: {  	_ =	shalt  }
0x3e: {  	_ =	shalt  }
0x3f: {  	_ =	shalt  }
0x40: {  	_ =	shalt  }
0x41: {  	_ =	shalt  }
0x42: {  	_ =	shalt  }
0x43: {  	_ =	shalt  }
0x44: {  	_ =	shalt  }
0x45: {  	_ =	shalt  }
0x46: {  	_ =	shalt  }
0x47: {  	_ =	shalt  }
0x48: {  	_ =	shalt  }
0x49: {  	_ =	shalt  }
0x4a: {  	_ =	shalt  }
0x4b: {  	_ =	shalt  }
0x4c: {  	_ =	shalt  }
0x4d: {  	_ =	shalt  }
0x4e: {  	_ =	shalt  }
0x4f: {  	_ =	shalt  }
0x50: {  	_ =	shalt  }
0x51: {  	_ =	shalt  }
0x52: {  	_ =	shalt  }
0x53: {  	_ =	shalt  }
0x54: {  	_ =	shalt  }
0x55: {  	_ =	shalt  }
0x56: {  	_ =	shalt  }
0x57: {  	_ =	shalt  }
0x58: {  	_ =	shalt  }
0x59: {  	_ =	shalt  }
0x5a: {  	_ =	shalt  }
0x5b: {  	_ =	shalt  }
0x5c: {  	_ =	shalt  }
0x5d: {  	_ =	shalt  }
0x5e: {  	_ =	shalt  }
0x5f: {  	_ =	shalt  }
0x60: {  	_ =	shalt  }
0x61: {  	_ =	shalt  }
0x62: {  	_ =	shalt  }
0x63: {  	_ =	shalt  }
0x64: {  	_ =	shalt  }
0x65: {  	_ =	shalt  }
0x66: {  	_ =	shalt  }
0x67: {  	_ =	shalt  }
0x68: {  	_ =	shalt  }
0x69: {  	_ =	shalt  }
0x6a: {  	_ =	shalt  }
0x6b: {  	_ =	shalt  }
0x6c: {  	_ =	shalt  }
0x6d: {  	_ =	shalt  }
0x6e: {  	_ =	shalt  }
0x6f: {  	_ =	shalt  }
0x70: {  	_ =	shalt  }
0x71: {  	_ =	shalt  }
0x72: {  	_ =	shalt  }
0x73: {  	_ =	shalt  }
0x74: {  	_ =	shalt  }
0x75: {  	_ =	shalt  }
0x76: {  	_ =	shalt  }
0x77: {  	_ =	shalt  }
0x78: {  	_ =	shalt  }
0x79: {  	_ =	shalt  }
0x7a: {  	_ =	shalt  }
0x7b: {  	_ =	shalt  }
0x7c: {  	_ =	shalt  }
0x7d: {  	_ =	shalt  }
0x7e: {  	_ =	shalt  }
0x7f: {  	_ =	shalt  }
0x80: {  	_ =	shalt  }
0x81: {  	_ =	shalt  }
0x82: {  	_ =	shalt  }
0x83: {  	_ =	shalt  }
0x84: {  	_ =	shalt  }
0x85: {  	_ =	shalt  }
0x86: {  	_ =	shalt  }
0x87: {  	_ =	shalt  }
.Lfunc_end0:
.L_simem_size_0:
called_computation.3_lowered:
.L_overlay_start_0:
0x88: {  	s2 =	sld [smem:$0x3FD9]  }
0x89: {  	s3 =	sld [smem:$0x3FFE];
	_ =	sdelay $0x1  }
0x8a: {  	s1 =	srdreg.scid  }
0x8b: {  	s0 =	sand.u32 $0x1, s1  }
0x8c: {  	s14 =	sshll.u32 s0, $0xA;
	s2 =	sadd.s32 s3, s2  }
0x8d: {  	s2 =	sadd.s32 s2, s14  }
0x8e: {  	[smem:$0x3FB5] =	sst s2  }
0x8f: {  	_ = 	snop  }
0x90: {  	s2 =	sld [smem:$0x3FD0];
	_ =	sdelay $0x2  }
0x91: {  	s15 =	simm.s32 $0xA;
	s4 =	simm.s32 $0x10  }
0x92: {  	[smem:s4], [sflag:s15] =	dma.local [hbm:s2], $0x1  }
0x93: {  	_ =	swait.eq [sflag:s15], $0x1  }
0x94: {  	[sflag:s15] =	ssyncset.done $0x0  }
0x95: {  	s16 =	sld [smem:$0x10];
	[sflag:s15] =	ssyncadd.s32 $0xFFFFFFFF  }
0x96: {  	s17 =	sld [smem:$0x14];
	(tm) =	ssettm $0x1  }
0x97: {  	s18 =	sld [smem:$0x3FFB];
	_ =	sdelay $0x3  }
0x98: {  	_ =	strace s18  }
0x99: {  	s4 =	sld [smem:$0x3FFC];
	_ =	sdelay $0x3  }
0x9a: {  	_ =	strace s4  }
0x9b: {  	s4 =	sld [smem:$0x3FFD];
	_ =	sdelay $0x3  }
0x9c: {  	_ =	strace s4  }
0x9d: {  	_ =	strace $0x8FFFFFFF  }
0x9e: {  	s19 =	sld [smem:$0x3FDB];
	_ =	sdelay $0x1  }
0x9f: {  	s5 =	simm.s32 $_scs_section_size  }
0xa0: {  	s6 =	simm.s32 $_size__tile_overlayer_lowered;
	s7 =	simm.s32 $_tile_overlayer_lowered  }
0xa1: {  	s22 =	simm.s32 $0x1BFF;
	s21 =	sshll.u32 s7, $0x1;
	s4 =	sadd.s32 s5, s19  }
0xa2: {  	s8 =	simm.s32 $0x0;
	s20 =	sshll.u32 s6, $0x1;
	s6 =	sadd.s32 s21, s4  }
0xa3: {  	[timem:s8], [sflag:s22] =	dma.local [hbm:s6], s20  }
0xa4: {  	_ =	swait.ge [sflag:s22], s20  }
0xa5: {  	s5 =	ssub.s32 $0x0, s20;
	[sflag:s22] =	ssyncset.done $0x0  }
0xa6: {  	[sflag:s22] =	ssyncadd.s32 s5;
	_ =	sdelay $0x1  }
0xa7: {  	s23 =	simm.s32 $0x1B8B  }
0xa8: {  	_ =	swait.ge [sflag:s23], $0x1  }
0xa9: {  	[sflag:s23] =	ssyncset.done $0x0  }
0xaa: {  	s25 =	simm.s32 $0x1B8E;
	s24 =	sld [smem:$0x3FFE];
	[sflag:s23] =	ssyncadd.s32 $0xFFFFFFFF  }
0xab: {  	s26 =	simm.s32 $execute0_lowered;
	[smem:$0x3FD2] =	sst s25  }
0xac: {  	s6 =	sshll.u32 s26, $0x1;
	_ =	strace $0x8000004C;
	[dreg:$0x1] =	wrdreg $0xFFFFFFFF  }
0xad: {  	s28 =	simm.s32 $_size_execute0_lowered;
	s4 =	sadd.s32 s4, s6;
	[dreg:$0x0] =	wrdreg $0x0  }
0xae: {  	s6 =	sshll.u32 s28, $0x1;
	[dreg:$0x2] =	wrdreg s4  }
0xaf: {  	[dreg:$0x3] =	wrdreg s6  }
0xb0: {  	[dreg:$0x4] =	wrdreg $0xC0  }
0xb1: {  	_ =	task [dreg:s8], $0x5FFFF  }
0xb2: {  	[dreg:$0x1] =	wrdreg $0xFFFFFFFF  }
0xb3: {  	[dreg:$0x0] =	wrdreg $0x60  }
0xb4: {  	[dreg:$0x2] =	wrdreg s17  }
0xb5: {  	[dreg:$0x3] =	wrdreg s24  }
0xb6: {  	[dreg:$0x4] =	wrdreg s16  }
0xb7: {  	[dreg:$0x5] =	wrdreg $0x0  }
0xb8: {  	[dreg:$0x6] =	wrdreg $0x9  }
0xb9: {  	_ =	task.clear_ibuf [dreg:s8], $0x7FFFF;
	_ =	strace $0x9000004C  }
0xba: {  	s29 =	simm.s32 $0x9;
	_ =	strace $0x8000004E  }
0xbb: {  	_ =	swait.ge [sflag:s29], $0x1  }
0xbc: {  	[sflag:s29] =	ssyncadd.s32 $0xFFFFFFFF  }
0xbd: {  	_ =	strace $0x9000004E  }
0xbe: {  	_ =	sfence  }
0xbf: {  	s30 =	sld [smem:$0x0];
	_ =	sdelay $0x2  }
0xc0: {  	s31 =	sshll.u32 s1, $0xD;
	s1 =	sshrl.u32 s1, $0x2  }
0xc1: {  	s3 =	sand.u32 $0x4000, s31;
	s1 =	sadd.s32 s1, s30  }
0xc2: {  	s0 =	sor.u32 s3, s0;
	s1 =	sshll.u32 s1, $0x11  }
0xc3: {  	s0 =	sor.u32 s1, s0  }
0xc4: {  	s0 =	sadd.s32 $0x8F2B, s0  }
0xc5: {  	[sflag:s0] =	ssyncadd.remote.s32 $0x1  }
0xc6: {  	_ =	sfence.sel $0xFFFF  }
0xc7: {  	[dreg:$0x0] =	wrdreg $0xFFFFFFFF;
	(pc) =	sbr.abs _section_cstart, $3  }
0xc8: {  	[dreg:$0x1] =	wrdreg $0xFFFFFFFF  }
0xc9: {  	_ =	task.clear_ibuf [dreg:s8], $0x2FFFF;
	_ =	strace $0x9FFFFFFF  }
0xca: {  	(tm) =	ssettm $0x7FFFFFFF  }
0xcb: {  	_ =	shalt  }
tec
execute0_lowered:
.L_overlay_start_1:
0x0: {  	(tag) =	ssettag $0x1  }
0x1: {  	s9 =	rddreg [dreg:$0x0]  }
0x2: {  	s5 =	rddreg [dreg:$0x1]  }
0x3: {  	s0 =	srdreg.scid;
	s7 =	rddreg [dreg:$0x2]  }
0x4: {  	s2 =	rddreg [dreg:$0x3];
	s3 =	simm.s32 $0x0;
	s15 =	simm.s32 $0x5E90  }
0x5: {  	s16 =	simm.s32 $0x6690;
	s4 =	sand.u32 $0x1, s0;
	s0 =	stileid.u32  }
0x6: {  	s17 =	simm.s32 $0x6E90;
	s18 =	simm.s32 $0x7690;
	s10 =	smul.u32 $0x2710, s0  }
0x7: {  	s19 =	simm.s32 $0x1;
	s20 =	simm.s32 $0x80;
	s13 =	smul.u32 $0x27100, s4  }
0x8: {  	s21 =	simm.s32 $0x2;
	s1 =	sshll.u32 s4, $0x4;
	s14 =	smul.u32 $0x9C40, s4  }
0x9: {  	s29 =	ssub.s32 $0x2, s4;
	s30 =	smul.u32 $0x9C4, s0;
	s1 =	sor.u32 s0, s1  }
0xa: {  	[smem:$0x7FF] =	sst s3;
	s11 =	sshrl.u32 s29, $0x1;
	s6 =	smul.u32 $0x9C4, s1  }
0xb: {  	s1 =	rddreg [dreg:$0x4];
	s4 =	sadd.s32 s10, s2;
	s10 =	sadd.s32 s10, s13  }
0xc: {  	_ =	strace $0x8000004D;
	s13 =	simm.s32 $0x4E90;
	s10 =	sshrl.u32 s10, $0x3  }
0xd: {  	s8 =	sshrl.u32 s6, $0x1;
	s12 =	sadd.s32 $0x9C4, s6;
	s6 =	sshrl.u32 s6, $0x5  }
0xe: {  	s7 =	sadd.s32 s7, s10;
	s10 =	simm.s32 $0x7E90;
	s8 =	sand.u32 $0xFFF0, s8  }
0xf: {  	s12 =	sshrl.u32 s12, $0x5;
	s5 =	sadd.s32 s8, s5;
	s8 =	ssub.s32 s29, s11  }
0x10: {  	s22 =	ssub.s32 s12, s6;
	s6 =	sshll.u32 s6, $0x8;
	s11 =	sadd.s32 s30, s14  }
0x11: {  	s12 =	simm.s32 $0x2710;
	s14 =	simm.s32 $0x5690;
	s5 =	sadd.s32 $0x7800, s5  }
0x12: {  	s6 =	sadd.s32 s6, s9;
	s11 =	sshll.u32 s11, $0x3;
	s8 =	smax.u32 s8, $0x1  }
0x13: {  	p0 =	sne.s32 s22, $0x4F;
	s22 =	simm.s32 $0x0;
	s31 =	sand.u32 $0xFFF00, s11  }
0x14: {  	v0 =	vimm.f32 $0.0e+00;
	s6 =	sadd.s32 $0x4E00, s6;
	s11 =	simm.s32 $0x3;
	s9 =	sadd.s32 s31, s9  }
.LBB2_1:
0x15: {  	s23 =	simm.s32 $0x40;
	s24 =	simm.s32 $0x0  }
.LBB2_2:
0x16: {  	p1 =	sne.s32 s23, $0x9C00;
	[tilespmem:s24+$0x7E90] =	vst v0;
	s24 =	smov.u32 s23;
	s23 =	sadd.s32 $0x40, s23  }
.Ltmp0:
0x17: {  	(pc) =	sbr.rel @p1 .LBB2_2-.Ltmp0, $2  }
0x18: {  	_ =	sdelay $0x2  }
0x19: {  	s24 =	sshra.s32 s24, $0x2  }
0x1a: {  	[tilespmem:s24+$0x7E90] =	vst v0  }
0x1b: {  	[spmem:s4] =	stream.linear.scatter [tilespmem:s10], [sflag:$0x3], $0x2710, $0x38;
	[tilespmem:$0xA5A0] =	vst v63  }
0x1c: {  	_ =	swait.ge [sflag:s11], $0x2710  }
0x1d: {  	[sflag:s11] =	ssyncset.done $0x0  }
0x1e: {  	s23 =	simm.s32 $0x0;
	[sflag:s11] =	ssyncadd.s32 $0xFFFFD8F0  }
0x1f: {  	[tilespmem:s12], [sflag:$0x3] =	stream.linear.gather [hbm4b:s5+s23], $0x2780, $0x38;
	[tilespmem:$0xA5A0] =	vst v63  }
0x20: {  	_ =	swait.ge [sflag:s11], $0x2780  }
0x21: {  	[sflag:s11] =	ssyncset.done $0x0  }
0x22: {  	[sflag:s11] =	ssyncadd.s32 $0xFFFFD880  }
0x23: {  	[bflag:$0x0] =	sbarrier.arrive $0xFFFF  }
0x24: {  	[tilespmem:s13], [sflag:$0x1] =	stream.linear.gather [hbm4b:s9+s3], $0x800, $0x38;
	[tilespmem:$0xA5A0] =	vst v63  }
0x25: {  	s28 =	sadd.s32 $0x100, s9  }
0x26: {  	[tilespmem:s14], [sflag:$0x1] =	stream.linear.gather [hbm4b:s28+s3], $0x800, $0x38;
	[tilespmem:$0xA5A0] =	vst v63  }
0x27: {  	s29 =	sadd.s32 $0x200, s9  }
0x28: {  	[tilespmem:s15], [sflag:$0x1] =	stream.linear.gather [hbm4b:s29+s3], $0x800, $0x38;
	[tilespmem:$0xA5A0] =	vst v63  }
0x29: {  	s30 =	sadd.s32 $0x300, s9  }
0x2a: {  	[tilespmem:s16], [sflag:$0x1] =	stream.linear.gather [hbm4b:s30+s3], $0x800, $0x38;
	[tilespmem:$0xA5A0] =	vst v63  }
0x2b: {  	s31 =	sadd.s32 $0x400, s9  }
0x2c: {  	[tilespmem:s17], [sflag:$0x1] =	stream.linear.gather [hbm4b:s31+s3], $0x800, $0x38;
	[tilespmem:$0xA5A0] =	vst v63  }
0x2d: {  	s24 =	sadd.s32 $0x500, s9  }
0x2e: {  	[tilespmem:s18], [sflag:$0x1] =	stream.linear.gather [hbm4b:s24+s3], $0x800, $0x38;
	[tilespmem:$0xA5A0] =	vst v63  }
0x2f: {  	_ =	swait.ge [sflag:s19], $0x800  }
0x30: {  	[sflag:s19] =	ssyncset.done $0x0  }
0x31: {  	[sflag:s19] =	ssyncadd.s32 $0xFFFFF800  }
0x32: {  	_ =	swait.ge [sflag:s19], $0x800  }
0x33: {  	[sflag:s19] =	ssyncset.done $0x0  }
0x34: {  	[sflag:s19] =	ssyncadd.s32 $0xFFFFF800  }
0x35: {  	_ =	swait.ge [sflag:s19], $0x800  }
0x36: {  	[sflag:s19] =	ssyncset.done $0x0  }
0x37: {  	[sflag:s19] =	ssyncadd.s32 $0xFFFFF800  }
0x38: {  	_ =	swait.ge [sflag:s19], $0x800  }
0x39: {  	[sflag:s19] =	ssyncset.done $0x0  }
0x3a: {  	[sflag:s19] =	ssyncadd.s32 $0xFFFFF800  }
0x3b: {  	_ =	swait.ge [sflag:s19], $0x800  }
0x3c: {  	[sflag:s19] =	ssyncset.done $0x0  }
0x3d: {  	[sflag:s19] =	ssyncadd.s32 $0xFFFFF800  }
0x3e: {  	_ =	swait.ge [sflag:s19], $0x800  }
0x3f: {  	[sflag:s19] =	ssyncset.done $0x0  }
0x40: {  	s25 =	simm.s32 $0x2710;
	[sflag:s19] =	ssyncadd.s32 $0xFFFFF800  }
0x41: {  	[spmem:s2] =	stream.indirect.scatter.add.f32 [tilespmem:s13], [sflag:$0x2], $0x10, s25, s20, $0xb8;
	[tilespmem:$0xA5A0] =	vst v63  }
0x42: {  	s26 =	simm.s32 $0x2790  }
0x43: {  	[spmem:s2] =	stream.indirect.scatter.add.f32 [tilespmem:s14], [sflag:$0x2], $0x10, s26, s20, $0xb8;
	[tilespmem:$0xA5A0] =	vst v63  }
0x44: {  	s28 =	simm.s32 $0x2810  }
0x45: {  	[spmem:s2] =	stream.indirect.scatter.add.f32 [tilespmem:s15], [sflag:$0x2], $0x10, s28, s20, $0xb8;
	[tilespmem:$0xA5A0] =	vst v63  }
0x46: {  	s29 =	simm.s32 $0x2890  }
0x47: {  	[spmem:s2] =	stream.indirect.scatter.add.f32 [tilespmem:s16], [sflag:$0x2], $0x10, s29, s20, $0xb8;
	[tilespmem:$0xA5A0] =	vst v63  }
0x48: {  	s30 =	simm.s32 $0x2910  }
0x49: {  	[spmem:s2] =	stream.indirect.scatter.add.f32 [tilespmem:s17], [sflag:$0x2], $0x10, s30, s20, $0xb8;
	[tilespmem:$0xA5A0] =	vst v63  }
0x4a: {  	s31 =	simm.s32 $0x2990  }
0x4b: {  	[spmem:s2] =	stream.indirect.scatter.add.f32 [tilespmem:s18], [sflag:$0x2], $0x10, s31, s20, $0xb8;
	[tilespmem:$0xA5A0] =	vst v63  }
0x4c: {  	_ =	swait.ge [sflag:s21], $0x800  }
0x4d: {  	[sflag:s21] =	ssyncset.done $0x0  }
0x4e: {  	[sflag:s21] =	ssyncadd.s32 $0xFFFFF800  }
0x4f: {  	_ =	swait.ge [sflag:s21], $0x800  }
0x50: {  	[sflag:s21] =	ssyncset.done $0x0  }
0x51: {  	[sflag:s21] =	ssyncadd.s32 $0xFFFFF800  }
0x52: {  	_ =	swait.ge [sflag:s21], $0x800  }
0x53: {  	[sflag:s21] =	ssyncset.done $0x0  }
0x54: {  	[sflag:s21] =	ssyncadd.s32 $0xFFFFF800  }
0x55: {  	_ =	swait.ge [sflag:s21], $0x800  }
0x56: {  	[sflag:s21] =	ssyncset.done $0x0  }
0x57: {  	[sflag:s21] =	ssyncadd.s32 $0xFFFFF800  }
0x58: {  	_ =	swait.ge [sflag:s21], $0x800  }
0x59: {  	[sflag:s21] =	ssyncset.done $0x0  }
0x5a: {  	[sflag:s21] =	ssyncadd.s32 $0xFFFFF800  }
0x5b: {  	_ =	swait.ge [sflag:s21], $0x800  }
0x5c: {  	s23 =	simm.s32 $0xC00;
	s24 =	smov.u32 s9;
	[sflag:s21] =	ssyncset.done $0x0  }
.LBB2_4:
0x5d: {  	p1 =	sne.s32 s23, $0x9000;
	[sflag:s21] =	ssyncadd.s32 $0xFFFFF800;
	s24 =	sadd.s32 $0x600, s24  }
0x5e: {  	[tilespmem:s13], [sflag:$0x1] =	stream.linear.gather [hbm4b:s24+s3], $0x800, $0x38;
	[tilespmem:$0xA5A0] =	vst v63  }
0x5f: {  	s26 =	smov.u32 s23;
	s23 =	sadd.s32 $0xC00, s23;
	s25 =	sadd.s32 $0x100, s24  }
0x60: {  	[tilespmem:s14], [sflag:$0x1] =	stream.linear.gather [hbm4b:s25+s3], $0x800, $0x38;
	[tilespmem:$0xA5A0] =	vst v63  }
0x61: {  	s25 =	sadd.s32 $0x200, s24  }
0x62: {  	[tilespmem:s15], [sflag:$0x1] =	stream.linear.gather [hbm4b:s25+s3], $0x800, $0x38;
	[tilespmem:$0xA5A0] =	vst v63  }
0x63: {  	s25 =	sadd.s32 $0x300, s24  }
0x64: {  	[tilespmem:s16], [sflag:$0x1] =	stream.linear.gather [hbm4b:s25+s3], $0x800, $0x38;
	[tilespmem:$0xA5A0] =	vst v63  }
0x65: {  	s25 =	sadd.s32 $0x400, s24  }
0x66: {  	[tilespmem:s17], [sflag:$0x1] =	stream.linear.gather [hbm4b:s25+s3], $0x800, $0x38;
	[tilespmem:$0xA5A0] =	vst v63  }
0x67: {  	s25 =	sadd.s32 $0x500, s24  }
0x68: {  	[tilespmem:s18], [sflag:$0x1] =	stream.linear.gather [hbm4b:s25+s3], $0x800, $0x38;
	[tilespmem:$0xA5A0] =	vst v63  }
0x69: {  	_ =	swait.ge [sflag:s19], $0x800  }
0x6a: {  	[sflag:s19] =	ssyncset.done $0x0  }
0x6b: {  	[sflag:s19] =	ssyncadd.s32 $0xFFFFF800  }
0x6c: {  	_ =	swait.ge [sflag:s19], $0x800  }
0x6d: {  	[sflag:s19] =	ssyncset.done $0x0  }
0x6e: {  	[sflag:s19] =	ssyncadd.s32 $0xFFFFF800  }
0x6f: {  	_ =	swait.ge [sflag:s19], $0x800  }
0x70: {  	[sflag:s19] =	ssyncset.done $0x0  }
0x71: {  	[sflag:s19] =	ssyncadd.s32 $0xFFFFF800  }
0x72: {  	_ =	swait.ge [sflag:s19], $0x800  }
0x73: {  	[sflag:s19] =	ssyncset.done $0x0  }
0x74: {  	[sflag:s19] =	ssyncadd.s32 $0xFFFFF800  }
0x75: {  	_ =	swait.ge [sflag:s19], $0x800  }
0x76: {  	[sflag:s19] =	ssyncset.done $0x0  }
0x77: {  	[sflag:s19] =	ssyncadd.s32 $0xFFFFF800  }
0x78: {  	_ =	swait.ge [sflag:s19], $0x800  }
0x79: {  	s25 =	sshra.s32 s26, $0x2;
	[sflag:s19] =	ssyncset.done $0x0  }
0x7a: {  	s26 =	sadd.s32 $0x2710, s25;
	[sflag:s19] =	ssyncadd.s32 $0xFFFFF800  }
0x7b: {  	[spmem:s2] =	stream.indirect.scatter.add.f32 [tilespmem:s13], [sflag:$0x2], $0x10, s26, s20, $0xb8;
	[tilespmem:$0xA5A0] =	vst v63  }
0x7c: {  	s26 =	sadd.s32 $0x2790, s25  }
0x7d: {  	[spmem:s2] =	stream.indirect.scatter.add.f32 [tilespmem:s14], [sflag:$0x2], $0x10, s26, s20, $0xb8;
	[tilespmem:$0xA5A0] =	vst v63  }
0x7e: {  	s26 =	sadd.s32 $0x2810, s25  }
0x7f: {  	[spmem:s2] =	stream.indirect.scatter.add.f32 [tilespmem:s15], [sflag:$0x2], $0x10, s26, s20, $0xb8;
	[tilespmem:$0xA5A0] =	vst v63  }
0x80: {  	s26 =	sadd.s32 $0x2890, s25  }
0x81: {  	[spmem:s2] =	stream.indirect.scatter.add.f32 [tilespmem:s16], [sflag:$0x2], $0x10, s26, s20, $0xb8;
	[tilespmem:$0xA5A0] =	vst v63  }
0x82: {  	s26 =	sadd.s32 $0x2910, s25  }
0x83: {  	[spmem:s2] =	stream.indirect.scatter.add.f32 [tilespmem:s17], [sflag:$0x2], $0x10, s26, s20, $0xb8;
	[tilespmem:$0xA5A0] =	vst v63  }
0x84: {  	s25 =	sadd.s32 $0x2990, s25  }
0x85: {  	[spmem:s2] =	stream.indirect.scatter.add.f32 [tilespmem:s18], [sflag:$0x2], $0x10, s25, s20, $0xb8;
	[tilespmem:$0xA5A0] =	vst v63  }
0x86: {  	_ =	swait.ge [sflag:s21], $0x800  }
0x87: {  	[sflag:s21] =	ssyncset.done $0x0  }
0x88: {  	[sflag:s21] =	ssyncadd.s32 $0xFFFFF800  }
0x89: {  	_ =	swait.ge [sflag:s21], $0x800  }
0x8a: {  	[sflag:s21] =	ssyncset.done $0x0  }
0x8b: {  	[sflag:s21] =	ssyncadd.s32 $0xFFFFF800  }
0x8c: {  	_ =	swait.ge [sflag:s21], $0x800  }
0x8d: {  	[sflag:s21] =	ssyncset.done $0x0  }
0x8e: {  	[sflag:s21] =	ssyncadd.s32 $0xFFFFF800  }
0x8f: {  	_ =	swait.ge [sflag:s21], $0x800  }
0x90: {  	[sflag:s21] =	ssyncset.done $0x0  }
0x91: {  	[sflag:s21] =	ssyncadd.s32 $0xFFFFF800  }
.Ltmp1:
0x92: {  	_ =	swait.ge [sflag:s21], $0x800;
	(pc) =	sbr.rel @p1 .LBB2_4-.Ltmp1, $4  }
0x93: {  	[sflag:s21] =	ssyncset.done $0x0  }
0x94: {  	[sflag:s21] =	ssyncadd.s32 $0xFFFFF800  }
0x95: {  	_ =	swait.ge [sflag:s21], $0x800  }
0x96: {  	[sflag:s21] =	ssyncset.done $0x0  }
0x97: {  	[sflag:s21] =	ssyncadd.s32 $0xFFFFF800;
	s23 =	simm.s32 @!p0 $0x0;
	s24 =	simm.s32 @!p0 $0x4E90  }
0x98: {  	[tilespmem:s24], [sflag:$0x3] =	stream.linear.gather @!p0 [hbm4b:s6+s23], $0x800, $0x38;
	[tilespmem:$0xA5A0] =	vst v63  }
0x99: {  	s23 =	simm.s32 @!p0 $0x3  }
0x9a: {  	_ =	swait.ge @!p0 [sflag:s23], $0x800  }
0x9b: {  	[sflag:s23] =	ssyncset.done @!p0 $0x0  }
0x9c: {  	s25 =	simm.s32 @!p0 $0x80;
	s26 =	simm.s32 @!p0 $0x4E10;
	[sflag:s23] =	ssyncadd.s32 @!p0 $0xFFFFF800  }
0x9d: {  	[spmem:s2] =	stream.indirect.scatter.add.f32 @!p0 [tilespmem:s24], [sflag:$0x3], $0x10, s26, s25, $0xb8;
	[tilespmem:$0xA5A0] =	vst v63  }
0x9e: {  	_ =	swait.ge @!p0 [sflag:s23], $0x800  }
0x9f: {  	s30 =	sshll.u32 s0, $0x6;
	s22 =	sadd.s32 $0x1, s22;
	[sflag:s23] =	ssyncset.done @!p0 $0x0  }
0xa0: {  	s31 =	sshrl.u32 s4, $0x3;
	p1 =	sne.s32 s22, s8;
	[sflag:s23] =	ssyncadd.s32 @!p0 $0xFFFFF800  }
.Ltmp2:
0xa1: {  	s23 =	sor.u32 $0x1C03, s30;
	[bflag:$0x0] =	sbarrier.arrive $0xFFFF;
	(pc) =	sbr.rel @p1 .LBB2_1-.Ltmp2, $4  }
0xa2: {  	[hbm:s7], [sflag:s23] =	dma.local [spmem:s31], $0x4E2  }
0xa3: {  	_ =	swait.ge [sflag:s11], $0x4E2  }
0xa4: {  	[sflag:s11] =	ssyncset.done $0x0  }
0xa5: {  	[sflag:s11] =	ssyncadd.s32 $0xFFFFFB1E  }
0xa6: {  	_ =	sfence.sel $0x180000  }
0xa7: {  	[bflag:$0x0] =	sbarrier.arrive $0xFFFF  }
0xa8: {  	p0 =	sne.s32 s0, $0x0;
	_ =	strace $0x9000004D  }
0xa9: {  	s0 =	sadd.s32 @!p0 $0x100000, s1;
	[bflag:$0x2] =	sbarrier.arrive $0xFFFF  }
0xaa: {  	[sflag:s0] =	ssyncadd.tile.s32 @!p0 $0x1;
	_ =	shalt  }
.Lfunc_end2:
_tile_overlayer_lowered:
.L_overlay_start_2:
0xab: {  	(tag) =	ssettag $0x2  }
0xac: {  	s0 =	rddreg [dreg:$0x0];
	s2 =	stileid.u32  }
0xad: {  	s1 =	rddreg [dreg:$0x1];
	p0 =	sne.s32 s2, $0x0  }
0xae: {  	s3 =	rddreg [dreg:$0x2];
	[bflag:$0x3] =	sbarrier.arrive $0xFFFF;
	s2 =	simm.s32 @!p0 $0x1C03  }
0xaf: {  	[timem:s3], [sflag:s2] =	dma.local @!p0 [hbm:s0], s1  }
0xb0: {  	s0 =	simm.s32 @!p0 $0x3  }
0xb1: {  	_ =	swait.ge @!p0 [sflag:s0], s1  }
0xb2: {  	s1 =	ssub.s32 @!p0 $0x0, s1;
	[sflag:s0] =	ssyncset.done @!p0 $0x0  }
0xb3: {  	[sflag:s0] =	ssyncadd.s32 @!p0 s1  }
0xb4: {  	[bflag:$0x3] =	sbarrier.arrive $0xFFFF  }
0xb5: {  	_ =	shalt  }

// kernel: kernel.18.cloned.1.call-start
scs
__scs_entry_jumppad:
0x0: {  	(pc) =	sbr.rel $0x88, $3  }
0x1: {  	(tag) =	ssettag $0x0;
	lr =	simm.s32 $0x1  }
0x2: {  	[smem:$0x3F8E] =	sst lr;
	_ =	strace $0xD0000000  }
0x3: {  	_ = 	snop  }
0x4: {  	_ = 	snop  }
0x5: {  	_ = 	snop  }
0x6: {  	_ = 	snop  }
0x7: {  	_ = 	snop  }
__scs_overlays_trampoline_lowered:
0x8: {  	[smem:$0x3F9D] =	sst s0  }
0x9: {  	[smem:$0x3F9E] =	sst s1  }
0xa: {  	[smem:$0x3F9F] =	sst s2  }
0xb: {  	[smem:$0x3FA0] =	sst s3  }
0xc: {  	[smem:$0x3FA1] =	sst s4  }
0xd: {  	[smem:$0x3FA2] =	sst s5  }
0xe: {  	[smem:$0x3FA3] =	sst s6  }
0xf: {  	[smem:$0x3FA4] =	sst s7  }
0x10: {  	[smem:$0x3FA5] =	sst s8  }
0x11: {  	[smem:$0x3FA6] =	sst s9;
	s0 =	simm.s32 @!p0 $0x0  }
0x12: {  	s1 =	sld [smem:$0x3F8C];
	s0 =	simm.s32 @p0 $0x1  }
0x13: {  	[smem:$0x3FA7] =	sst s0;
	s0 =	simm.s32 @!p1 $0x0  }
0x14: {  	s2 =	sld [smem:$0x3F8B];
	s0 =	simm.s32 @p1 $0x1  }
0x15: {  	[smem:$0x3FA8] =	sst s0;
	s0 =	simm.s32 @!p2 $0x0  }
0x16: {  	s3 =	sld [smem:$0x3FDB];
	s0 =	simm.s32 @p2 $0x1  }
0x17: {  	s4 =	simm.s32 $0x1BF5;
	[smem:$0x3FAA] =	sst s0  }
0x18: {  	s0 =	sld [smem:$0x3F8D];
	_ =	swait.ge [sflag:s4], $0x0  }
0x19: {  	s7 =	sld [smem:$0x3F8E]  }
0x1a: {  	s8 =	sadd.s32 $0xFFFFE003, lr  }
0x1b: {  	s9 =	sadd.s32 $0xFFFFFEF7, lr;
	s5 =	simm.s32 $0xFFFFFFFF;
	p2 =	slt.u32 s8, $0xFFFFF086  }
0x1c: {  	p1 =	slt.u32 s9, $0xF7A;
	s5 =	simm.s32 @!p2 $0x0  }
0x1d: {  	s5 =	simm.s32 @p1 $0x1;
	p0 =	seq.s32 s7, s2  }
0x1e: {  	s7 =	smul.u32 @!p0 $0xF7A, s2;
	p2 =	seq.s32 @!p0 s5, $0x0  }
0x1f: {  	s9 =	smul.u32 $0xF7A, s1;
	s8 =	simm.s32 @!p0 $0x1BF5;
	p2 =	por !p2, p0  }
0x20: {  	[sflag:s8] =	ssyncset.s32 @!p0 $0xFFFFF086;
	s6 =	sadd.s32 @!p0 s3, s7;
	s7 =	simm.s32 @!p0 $0x108  }
0x21: {  	s3 =	sadd.s32 s3, s9;
	s6 =	sadd.s32 @!p0 $0x88, s6;
	s7 =	simm.s32 @p2 $0x1082  }
0x22: {  	[simem:s7], [sflag:s8] =	dma.local @!p0 [hbm:s6], $0xF7A  }
0x23: {  	s9 =	sor.u32 $0xD0000000, s2;
	s6 =	simm.s32 $0x108;
	_ =	swait.ge @!p0 [sflag:s8], $0x0  }
0x24: {  	s3 =	sadd.s32 $0x88, s3;
	s6 =	simm.s32 @!p1 $0x1082;
	[sflag:s4] =	ssyncset.s32 $0xFFFFF086  }
0x25: {  	[simem:s6], [sflag:s4] =	dma.local [hbm:s3], $0xF7A  }
0x26: {  	[smem:$0x3F8E] =	sst s1;
	(tag) =	ssettag s2;
	_ =	strace s9  }
0x27: {  	s1 =	sld [smem:$0x3F9E]  }
0x28: {  	s2 =	sld [smem:$0x3F9F]  }
0x29: {  	s4 =	sld [smem:$0x3FA1]  }
0x2a: {  	p0 =	seq.s32 s5, $0x0;
	s5 =	sld [smem:$0x3FA2]  }
0x2b: {  	s6 =	sld [smem:$0x3FA3]  }
0x2c: {  	s7 =	sld [smem:$0x3FA4]  }
0x2d: {  	s3 =	simm.s32 $0x108;
	s8 =	sld [smem:$0x3FA5]  }
0x2e: {  	s3 =	simm.s32 @!p0 $0x1082;
	s9 =	sld [smem:$0x3FA6]  }
0x2f: {  	lr =	sadd.s32 s0, s3;
	s0 =	sld [smem:$0x3F9D]  }
0x30: {  	s3 =	sld [smem:$0x3FA0]  }
0x31: {  	[smem:$0x3FA9] =	sst s10  }
0x32: {  	s10 =	sld [smem:$0x3FA7];
	_ =	sdelay $0x3  }
0x33: {  	p0 =	seq.s32 s10, $0x1;
	s10 =	sld [smem:$0x3FA9];
	_ =	sdelay $0x3  }
0x34: {  	[smem:$0x3FA9] =	sst s10  }
0x35: {  	s10 =	sld [smem:$0x3FA8];
	_ =	sdelay $0x3  }
0x36: {  	p1 =	seq.s32 s10, $0x1;
	s10 =	sld [smem:$0x3FA9];
	_ =	sdelay $0x3  }
0x37: {  	[smem:$0x3FA9] =	sst s10  }
0x38: {  	s10 =	sld [smem:$0x3FAA]  }
0x39: {  	_ = 	snop;
	(pc) =	sbr.ind lr, $3  }
0x3a: {  	_ = 	snop  }
0x3b: {  	_ = 	snop  }
0x3c: {  	p2 =	seq.s32 s10, $0x1;
	s10 =	sld [smem:$0x3FA9]  }
0x3d: {  	_ =	shalt  }
0x3e: {  	_ =	shalt  }
0x3f: {  	_ =	shalt  }
0x40: {  	_ =	shalt  }
0x41: {  	_ =	shalt  }
0x42: {  	_ =	shalt  }
0x43: {  	_ =	shalt  }
0x44: {  	_ =	shalt  }
0x45: {  	_ =	shalt  }
0x46: {  	_ =	shalt  }
0x47: {  	_ =	shalt  }
0x48: {  	_ =	shalt  }
0x49: {  	_ =	shalt  }
0x4a: {  	_ =	shalt  }
0x4b: {  	_ =	shalt  }
0x4c: {  	_ =	shalt  }
0x4d: {  	_ =	shalt  }
0x4e: {  	_ =	shalt  }
0x4f: {  	_ =	shalt  }
0x50: {  	_ =	shalt  }
0x51: {  	_ =	shalt  }
0x52: {  	_ =	shalt  }
0x53: {  	_ =	shalt  }
0x54: {  	_ =	shalt  }
0x55: {  	_ =	shalt  }
0x56: {  	_ =	shalt  }
0x57: {  	_ =	shalt  }
0x58: {  	_ =	shalt  }
0x59: {  	_ =	shalt  }
0x5a: {  	_ =	shalt  }
0x5b: {  	_ =	shalt  }
0x5c: {  	_ =	shalt  }
0x5d: {  	_ =	shalt  }
0x5e: {  	_ =	shalt  }
0x5f: {  	_ =	shalt  }
0x60: {  	_ =	shalt  }
0x61: {  	_ =	shalt  }
0x62: {  	_ =	shalt  }
0x63: {  	_ =	shalt  }
0x64: {  	_ =	shalt  }
0x65: {  	_ =	shalt  }
0x66: {  	_ =	shalt  }
0x67: {  	_ =	shalt  }
0x68: {  	_ =	shalt  }
0x69: {  	_ =	shalt  }
0x6a: {  	_ =	shalt  }
0x6b: {  	_ =	shalt  }
0x6c: {  	_ =	shalt  }
0x6d: {  	_ =	shalt  }
0x6e: {  	_ =	shalt  }
0x6f: {  	_ =	shalt  }
0x70: {  	_ =	shalt  }
0x71: {  	_ =	shalt  }
0x72: {  	_ =	shalt  }
0x73: {  	_ =	shalt  }
0x74: {  	_ =	shalt  }
0x75: {  	_ =	shalt  }
0x76: {  	_ =	shalt  }
0x77: {  	_ =	shalt  }
0x78: {  	_ =	shalt  }
0x79: {  	_ =	shalt  }
0x7a: {  	_ =	shalt  }
0x7b: {  	_ =	shalt  }
0x7c: {  	_ =	shalt  }
0x7d: {  	_ =	shalt  }
0x7e: {  	_ =	shalt  }
0x7f: {  	_ =	shalt  }
0x80: {  	_ =	shalt  }
0x81: {  	_ =	shalt  }
0x82: {  	_ =	shalt  }
0x83: {  	_ =	shalt  }
0x84: {  	_ =	shalt  }
0x85: {  	_ =	shalt  }
0x86: {  	_ =	shalt  }
0x87: {  	_ =	shalt  }
.Lfunc_end0:
.L_simem_size_0:
called_computation.4_lowered:
.L_overlay_start_0:
0x88: {  	s2 =	sld [smem:$0x3FD9]  }
0x89: {  	s3 =	sld [smem:$0x3FFE];
	_ =	sdelay $0x1  }
0x8a: {  	s1 =	srdreg.scid  }
0x8b: {  	s0 =	sand.u32 $0x1, s1  }
0x8c: {  	s14 =	sshll.u32 s0, $0xA;
	s2 =	sadd.s32 s3, s2  }
0x8d: {  	s2 =	sadd.s32 s2, s14  }
0x8e: {  	[smem:$0x3FB5] =	sst s2  }
0x8f: {  	_ = 	snop  }
0x90: {  	s2 =	sld [smem:$0x3FD0];
	_ =	sdelay $0x2  }
0x91: {  	s15 =	simm.s32 $0xA;
	s4 =	simm.s32 $0x10  }
0x92: {  	[smem:s4], [sflag:s15] =	dma.local [hbm:s2], $0x1  }
0x93: {  	_ =	swait.eq [sflag:s15], $0x1  }
0x94: {  	s16 =	sld [smem:$0x11];
	[sflag:s15] =	ssyncset.done $0x0  }
0x95: {  	s17 =	sld [smem:$0x12];
	[sflag:s15] =	ssyncadd.s32 $0xFFFFFFFF  }
0x96: {  	s18 =	sld [smem:$0x14];
	(tm) =	ssettm $0x1  }
0x97: {  	s5 =	sld [smem:$0x3FFB];
	_ =	sdelay $0x3  }
0x98: {  	_ =	strace s5  }
0x99: {  	s5 =	sld [smem:$0x3FFC];
	_ =	sdelay $0x3  }
0x9a: {  	_ =	strace s5  }
0x9b: {  	s5 =	sld [smem:$0x3FFD];
	_ =	sdelay $0x3  }
0x9c: {  	_ =	strace s5  }
0x9d: {  	_ =	strace $0x8FFFFFFF  }
0x9e: {  	s19 =	sld [smem:$0x3FDB];
	_ =	sdelay $0x1  }
0x9f: {  	s6 =	simm.s32 $_scs_section_size  }
0xa0: {  	s7 =	simm.s32 $_size__tile_overlayer_lowered;
	s8 =	simm.s32 $_tile_overlayer_lowered  }
0xa1: {  	s22 =	simm.s32 $0x1BFF;
	s21 =	sshll.u32 s8, $0x1;
	s5 =	sadd.s32 s6, s19  }
0xa2: {  	s9 =	simm.s32 $0x0;
	s20 =	sshll.u32 s7, $0x1;
	s7 =	sadd.s32 s21, s5  }
0xa3: {  	[timem:s9], [sflag:s22] =	dma.local [hbm:s7], s20  }
0xa4: {  	_ =	swait.ge [sflag:s22], s20  }
0xa5: {  	s6 =	ssub.s32 $0x0, s20;
	[sflag:s22] =	ssyncset.done $0x0  }
0xa6: {  	[sflag:s22] =	ssyncadd.s32 s6;
	_ =	sdelay $0x1  }
0xa7: {  	s23 =	simm.s32 $0x1B8B  }
0xa8: {  	_ =	swait.ge [sflag:s23], $0x1  }
0xa9: {  	[sflag:s23] =	ssyncset.done $0x0  }
0xaa: {  	s25 =	simm.s32 $0x1B8E;
	s24 =	sld [smem:$0x3FFE];
	[sflag:s23] =	ssyncadd.s32 $0xFFFFFFFF  }
0xab: {  	s26 =	simm.s32 $execute0_lowered;
	[smem:$0x3FD2] =	sst s25  }
0xac: {  	s7 =	sshll.u32 s26, $0x1;
	_ =	strace $0x8000004F;
	[dreg:$0x1] =	wrdreg $0xFFFFFFFF  }
0xad: {  	s28 =	simm.s32 $_size_execute0_lowered;
	s5 =	sadd.s32 s5, s7;
	[dreg:$0x0] =	wrdreg $0x0  }
0xae: {  	s7 =	sshll.u32 s28, $0x1;
	[dreg:$0x2] =	wrdreg s5  }
0xaf: {  	[dreg:$0x3] =	wrdreg s7  }
0xb0: {  	[dreg:$0x4] =	wrdreg $0xC0  }
0xb1: {  	_ =	task [dreg:s9], $0x5FFFF  }
0xb2: {  	[dreg:$0x1] =	wrdreg $0xFFFFFFFF  }
0xb3: {  	[dreg:$0x0] =	wrdreg $0x60  }
0xb4: {  	[dreg:$0x2] =	wrdreg s18  }
0xb5: {  	[dreg:$0x3] =	wrdreg s17  }
0xb6: {  	[dreg:$0x4] =	wrdreg s24  }
0xb7: {  	[dreg:$0x5] =	wrdreg s16  }
0xb8: {  	[dreg:$0x6] =	wrdreg $0x9  }
0xb9: {  	_ =	task.clear_ibuf [dreg:s9], $0x7FFFF;
	_ =	strace $0x9000004F  }
0xba: {  	s29 =	simm.s32 $0x9;
	_ =	strace $0x80000051  }
0xbb: {  	_ =	swait.ge [sflag:s29], $0x1  }
0xbc: {  	[sflag:s29] =	ssyncadd.s32 $0xFFFFFFFF  }
0xbd: {  	_ =	strace $0x90000051  }
0xbe: {  	_ =	sfence  }
0xbf: {  	s30 =	sld [smem:$0x0];
	_ =	sdelay $0x2  }
0xc0: {  	s31 =	sshll.u32 s1, $0xD;
	s1 =	sshrl.u32 s1, $0x2  }
0xc1: {  	s3 =	sand.u32 $0x4000, s31;
	s1 =	sadd.s32 s1, s30  }
0xc2: {  	s0 =	sor.u32 s3, s0;
	s1 =	sshll.u32 s1, $0x11  }
0xc3: {  	s0 =	sor.u32 s1, s0  }
0xc4: {  	s0 =	sadd.s32 $0x8F2B, s0  }
0xc5: {  	[sflag:s0] =	ssyncadd.remote.s32 $0x1  }
0xc6: {  	_ =	sfence.sel $0xFFFF  }
0xc7: {  	[dreg:$0x0] =	wrdreg $0xFFFFFFFF;
	(pc) =	sbr.abs _section_cstart, $3  }
0xc8: {  	[dreg:$0x1] =	wrdreg $0xFFFFFFFF  }
0xc9: {  	_ =	task.clear_ibuf [dreg:s9], $0x2FFFF;
	_ =	strace $0x9FFFFFFF  }
0xca: {  	(tm) =	ssettm $0x7FFFFFFF  }
0xcb: {  	_ =	shalt  }
tec
execute0_lowered:
.L_overlay_start_1:
0x0: {  	(tag) =	ssettag $0x1  }
0x1: {  	s1 =	rddreg [dreg:$0x0]  }
0x2: {  	s0 =	srdreg.scid;
	s2 =	rddreg [dreg:$0x1]  }
0x3: {  	s4 =	stileid.u32;
	s6 =	rddreg [dreg:$0x2]  }
0x4: {  	s8 =	rddreg [dreg:$0x3];
	s13 =	simm.s32 $0x80;
	s14 =	simm.s32 $0x4F00  }
0x5: {  	s15 =	simm.s32 $0xDF00;
	s16 =	simm.s32 $0x6700;
	s17 =	simm.s32 $0xF700  }
0x6: {  	s18 =	simm.s32 $0x7F00;
	s19 =	simm.s32 $0x10F00;
	s0 =	sand.u32 $0x1, s0  }
0x7: {  	s20 =	simm.s32 $0x9700;
	s21 =	simm.s32 $0x12700;
	s3 =	sshll.u32 s0, $0x4  }
0x8: {  	s22 =	simm.s32 $0xAF00;
	s23 =	simm.s32 $0x13F00;
	s3 =	sor.u32 s4, s3  }
0x9: {  	s24 =	simm.s32 $0xC700;
	s25 =	simm.s32 $0x15700;
	s3 =	smul.u32 $0x9C4, s3  }
0xa: {  	s26 =	simm.s32 $0x1;
	s28 =	simm.s32 $0x2;
	s31 =	simm.s32 $0x0  }
0xb: {  	s0 =	ssub.s32 $0x2, s0;
	s4 =	simm.s32 $0x0;
	s5 =	sshrl.u32 s3, $0x1  }
0xc: {  	s11 =	sshrl.u32 s0, $0x1;
	s9 =	sand.u32 $0xFFF0, s5;
	s5 =	sshrl.u32 s3, $0x5  }
0xd: {  	[smem:$0x7FF] =	sst s4;
	s0 =	ssub.s32 s0, s11;
	s10 =	smul.u32 $0x1800, s5  }
.Ltmp0:
0xe: {  	s11 =	simm.s32 $0x3;
	_ =	strace $0x80000050;
	(pc) =	sbr.rel .LBB2_1-.Ltmp0, $4  }
0xf: {  	s3 =	sadd.s32 $0x9C4, s3;
	s7 =	sadd.s32 s9, s6;
	s6 =	sadd.s32 $0x11600, s6  }
0x10: {  	s3 =	sshrl.u32 s3, $0x5;
	s8 =	sadd.s32 s8, s9;
	s10 =	sshrl.u32 s10, $0x3  }
0x11: {  	s3 =	ssub.s32 s3, s5;
	s7 =	sadd.s32 $0x7800, s7;
	s10 =	sadd.s32 s6, s10  }
0x12: {  	p0 =	sne.s32 s3, $0x4F;
	s9 =	sadd.s32 $0xEA00, s10;
	s10 =	smax.u32 s0, $0x1  }
.LBB2_19:
0x13: {  	s31 =	sadd.s32 $0x1, s31  }
0x14: {  	p1 =	sne.s32 s31, s10  }
.Ltmp1:
0x15: {  	_ = 	snop;
	(pc) =	sbr.rel @!p1 .LBB2_20-.Ltmp1, $1  }
0x16: {  	_ =	sdelay $0x3  }
.LBB2_1:
0x17: {  	[tilespmem:s4], [sflag:$0x3] =	stream.linear.gather [hbm4b:s7+s4], $0x2780, $0x38;
	[tilespmem:$0x16F00] =	vst v63  }
0x18: {  	_ =	swait.ge [sflag:s11], $0x2780  }
0x19: {  	[sflag:s11] =	ssyncset.done $0x0  }
0x1a: {  	s0 =	simm.s32 $0x2780;
	[sflag:s11] =	ssyncadd.s32 $0xFFFFD880  }
0x1b: {  	[tilespmem:s0], [sflag:$0x3] =	stream.linear.gather [hbm4b:s8+s4], $0x2780, $0x38;
	[tilespmem:$0x16F00] =	vst v63  }
0x1c: {  	_ =	swait.ge [sflag:s11], $0x2780  }
0x1d: {  	[sflag:s11] =	ssyncset.done $0x0  }
0x1e: {  	s3 =	simm.s32 $0x0;
	[sflag:s11] =	ssyncadd.s32 $0xFFFFD880  }
.LBB2_2:
0x1f: {  	s0 =	smul.u32 $0x300, s3;
	_ =	sdelay $0x1  }
0x20: {  	[tilespmem:s14], [sflag:$0x1] =	stream.indirect.gather [hbm4b:s1+s13], $0x30, s0, s13, $0xb8;
	[tilespmem:$0x16F00] =	vst v63  }
0x21: {  	s29 =	sadd.s32 $0x2780, s0  }
0x22: {  	[tilespmem:s15], [sflag:$0x1] =	stream.indirect.gather [hbm4b:s2+s13], $0x30, s29, s13, $0xb8;
	[tilespmem:$0x16F00] =	vst v63  }
0x23: {  	s29 =	sor.u32 $0x80, s0  }
0x24: {  	[tilespmem:s16], [sflag:$0x1] =	stream.indirect.gather [hbm4b:s1+s13], $0x30, s29, s13, $0xb8;
	[tilespmem:$0x16F00] =	vst v63  }
0x25: {  	s29 =	sadd.s32 $0x2800, s0  }
0x26: {  	[tilespmem:s17], [sflag:$0x1] =	stream.indirect.gather [hbm4b:s2+s13], $0x30, s29, s13, $0xb8;
	[tilespmem:$0x16F00] =	vst v63  }
0x27: {  	s29 =	sadd.s32 $0x100, s0  }
0x28: {  	[tilespmem:s18], [sflag:$0x1] =	stream.indirect.gather [hbm4b:s1+s13], $0x30, s29, s13, $0xb8;
	[tilespmem:$0x16F00] =	vst v63  }
0x29: {  	s29 =	sadd.s32 $0x2880, s0  }
0x2a: {  	[tilespmem:s19], [sflag:$0x1] =	stream.indirect.gather [hbm4b:s2+s13], $0x30, s29, s13, $0xb8;
	[tilespmem:$0x16F00] =	vst v63  }
0x2b: {  	s29 =	sadd.s32 $0x180, s0  }
0x2c: {  	[tilespmem:s20], [sflag:$0x1] =	stream.indirect.gather [hbm4b:s1+s13], $0x30, s29, s13, $0xb8;
	[tilespmem:$0x16F00] =	vst v63  }
0x2d: {  	s29 =	sadd.s32 $0x2900, s0  }
0x2e: {  	[tilespmem:s21], [sflag:$0x1] =	stream.indirect.gather [hbm4b:s2+s13], $0x30, s29, s13, $0xb8;
	[tilespmem:$0x16F00] =	vst v63  }
0x2f: {  	s29 =	sadd.s32 $0x200, s0  }
0x30: {  	[tilespmem:s22], [sflag:$0x1] =	stream.indirect.gather [hbm4b:s1+s13], $0x30, s29, s13, $0xb8;
	[tilespmem:$0x16F00] =	vst v63  }
0x31: {  	s29 =	sadd.s32 $0x2980, s0  }
0x32: {  	[tilespmem:s23], [sflag:$0x1] =	stream.indirect.gather [hbm4b:s2+s13], $0x30, s29, s13, $0xb8;
	[tilespmem:$0x16F00] =	vst v63  }
0x33: {  	s29 =	sadd.s32 $0x280, s0  }
0x34: {  	[tilespmem:s24], [sflag:$0x1] =	stream.indirect.gather [hbm4b:s1+s13], $0x30, s29, s13, $0xb8;
	[tilespmem:$0x16F00] =	vst v63  }
0x35: {  	s0 =	sadd.s32 $0x2A00, s0  }
0x36: {  	[tilespmem:s25], [sflag:$0x1] =	stream.indirect.gather [hbm4b:s2+s13], $0x30, s0, s13, $0xb8;
	[tilespmem:$0x16F00] =	vst v63  }
0x37: {  	_ =	swait.ge [sflag:s26], $0x1800  }
0x38: {  	[sflag:s26] =	ssyncset.done $0x0  }
0x39: {  	[sflag:s26] =	ssyncadd.s32 $0xFFFFE800  }
0x3a: {  	_ =	swait.ge [sflag:s26], $0x1800  }
0x3b: {  	[sflag:s26] =	ssyncset.done $0x0  }
0x3c: {  	[sflag:s26] =	ssyncadd.s32 $0xFFFFE800  }
0x3d: {  	_ =	swait.ge [sflag:s26], $0x1800  }
0x3e: {  	[sflag:s26] =	ssyncset.done $0x0  }
0x3f: {  	[sflag:s26] =	ssyncadd.s32 $0xFFFFE800  }
0x40: {  	_ =	swait.ge [sflag:s26], $0x1800  }
0x41: {  	[sflag:s26] =	ssyncset.done $0x0  }
0x42: {  	[sflag:s26] =	ssyncadd.s32 $0xFFFFE800  }
0x43: {  	_ =	swait.ge [sflag:s26], $0x1800  }
0x44: {  	[sflag:s26] =	ssyncset.done $0x0  }
0x45: {  	[sflag:s26] =	ssyncadd.s32 $0xFFFFE800  }
0x46: {  	_ =	swait.ge [sflag:s26], $0x1800  }
0x47: {  	[sflag:s26] =	ssyncset.done $0x0  }
0x48: {  	[sflag:s26] =	ssyncadd.s32 $0xFFFFE800  }
0x49: {  	_ =	swait.ge [sflag:s26], $0x1800  }
0x4a: {  	[sflag:s26] =	ssyncset.done $0x0  }
0x4b: {  	[sflag:s26] =	ssyncadd.s32 $0xFFFFE800  }
0x4c: {  	_ =	swait.ge [sflag:s26], $0x1800  }
0x4d: {  	[sflag:s26] =	ssyncset.done $0x0  }
0x4e: {  	[sflag:s26] =	ssyncadd.s32 $0xFFFFE800  }
0x4f: {  	_ =	swait.ge [sflag:s26], $0x1800  }
0x50: {  	[sflag:s26] =	ssyncset.done $0x0  }
0x51: {  	[sflag:s26] =	ssyncadd.s32 $0xFFFFE800  }
0x52: {  	_ =	swait.ge [sflag:s26], $0x1800  }
0x53: {  	[sflag:s26] =	ssyncset.done $0x0  }
0x54: {  	[sflag:s26] =	ssyncadd.s32 $0xFFFFE800  }
0x55: {  	_ =	swait.ge [sflag:s26], $0x1800  }
0x56: {  	[sflag:s26] =	ssyncset.done $0x0  }
0x57: {  	[sflag:s26] =	ssyncadd.s32 $0xFFFFE800  }
0x58: {  	_ =	swait.ge [sflag:s26], $0x1800  }
0x59: {  	[sflag:s26] =	ssyncset.done $0x0  }
0x5a: {  	s29 =	simm.s32 $0x0;
	[sflag:s26] =	ssyncadd.s32 $0xFFFFE800  }
0x5b: {  	v1 =	vld [tilespmem:s29+$0xDF00]  }
0x5c: {  	v2 =	vld [tilespmem:s29+$0xDF10]  }
0x5d: {  	v0 =	vld [tilespmem:s29+$0xDF20]  }
0x5e: {  	v3 =	vld [tilespmem:s29+$0x4F00]  }
0x5f: {  	s0 =	simm.s32 $0xC0;
	v4 =	vld [tilespmem:s29+$0x4F10]  }
.LBB2_3:
0x60: {  	p1 =	sne.s32 s0, $0x5F40;
	v5 =	vld [tilespmem:s29+$0x4F20];
	_ =	sdelay $0x1  }
0x61: {  	s30 =	sshra.s32 s0, $0x2  }
.Ltmp2:
0x62: {  	v3 =	vadd.f32 v1, v3;
	v1 =	vld [tilespmem:s30+$0xDF00];
	(pc) =	sbr.rel @p1 .LBB2_3-.Ltmp2, $4  }
0x63: {  	v4 =	vadd.f32 v2, v4;
	v2 =	vld [tilespmem:s30+$0xDF10]  }
0x64: {  	[tilespmem:s29+$0x4F00] =	vst v3;
	v5 =	vadd.f32 v0, v5;
	v0 =	vld [tilespmem:s30+$0xDF20]  }
0x65: {  	v3 =	vld [tilespmem:s30+$0x4F00];
	[tilespmem:s29+$0x4F10] =	vst v4  }
0x66: {  	s0 =	sadd.s32 $0xC0, s0;
	v4 =	vld [tilespmem:s30+$0x4F10];
	[tilespmem:s29+$0x4F20] =	vst v5;
	s29 =	smov.u32 s30  }
0x67: {  	v5 =	vld [tilespmem:s29+$0x4F20];
	_ =	sdelay $0x1  }
0x68: {  	s0 =	smul.u32 $0x6, s3  }
0x69: {  	v1 =	vadd.f32 v1, v3  }
0x6a: {  	s0 =	sadd.s32 s5, s0;
	v2 =	vadd.f32 v2, v4  }
0x6b: {  	s30 =	smul.u32 $0x300, s0;
	[tilespmem:s29+$0x4F00] =	vst v1;
	v0 =	vadd.f32 v0, v5  }
0x6c: {  	[tilespmem:s29+$0x4F10] =	vst v2  }
0x6d: {  	[tilespmem:s29+$0x4F20] =	vst v0;
	s29 =	sadd.s32 s6, s30;
	s30 =	simm.s32 $0x0  }
0x6e: {  	[hbm4b:s29+s30] =	stream.linear.scatter [tilespmem:s14], [sflag:$0x2], $0x1800, $0x38;
	[tilespmem:$0x16F00] =	vst v63  }
0x6f: {  	s29 =	simm.s32 $0x0  }
0x70: {  	v2 =	vld [tilespmem:s29+$0xF700]  }
0x71: {  	v1 =	vld [tilespmem:s29+$0xF710]  }
0x72: {  	v0 =	vld [tilespmem:s29+$0xF720]  }
0x73: {  	v4 =	vld [tilespmem:s29+$0x6700]  }
0x74: {  	s30 =	simm.s32 $0xC0;
	v3 =	vld [tilespmem:s29+$0x6710]  }
.LBB2_5:
0x75: {  	p1 =	sne.s32 s30, $0x5F40;
	v5 =	vld [tilespmem:s29+$0x6720];
	_ =	sdelay $0x1  }
0x76: {  	s12 =	sshra.s32 s30, $0x2  }
.Ltmp3:
0x77: {  	v4 =	vadd.f32 v2, v4;
	v2 =	vld [tilespmem:s12+$0xF700];
	(pc) =	sbr.rel @p1 .LBB2_5-.Ltmp3, $4  }
0x78: {  	v3 =	vadd.f32 v1, v3;
	v1 =	vld [tilespmem:s12+$0xF710]  }
0x79: {  	[tilespmem:s29+$0x6700] =	vst v4;
	v5 =	vadd.f32 v0, v5;
	v0 =	vld [tilespmem:s12+$0xF720]  }
0x7a: {  	v4 =	vld [tilespmem:s12+$0x6700];
	[tilespmem:s29+$0x6710] =	vst v3  }
0x7b: {  	s30 =	sadd.s32 $0xC0, s30;
	v3 =	vld [tilespmem:s12+$0x6710];
	[tilespmem:s29+$0x6720] =	vst v5;
	s29 =	smov.u32 s12  }
0x7c: {  	v5 =	vld [tilespmem:s29+$0x6720];
	_ =	sdelay $0x2  }
0x7d: {  	s0 =	smul.u32 $0x1800, s0;
	v2 =	vadd.f32 v2, v4  }
0x7e: {  	v1 =	vadd.f32 v1, v3  }
0x7f: {  	s0 =	sshrl.u32 s0, $0x3;
	[tilespmem:s29+$0x6700] =	vst v2;
	v0 =	vadd.f32 v0, v5  }
0x80: {  	s0 =	sadd.s32 s6, s0;
	[tilespmem:s29+$0x6710] =	vst v1  }
0x81: {  	s12 =	sadd.s32 $0x300, s0;
	[tilespmem:s29+$0x6720] =	vst v0;
	s29 =	simm.s32 $0x0  }
0x82: {  	[hbm4b:s12+s29] =	stream.linear.scatter [tilespmem:s16], [sflag:$0x2], $0x1800, $0x38;
	[tilespmem:$0x16F00] =	vst v63  }
0x83: {  	s29 =	simm.s32 $0x0  }
0x84: {  	v1 =	vld [tilespmem:s29+$0x10F00]  }
0x85: {  	v2 =	vld [tilespmem:s29+$0x10F10]  }
0x86: {  	v0 =	vld [tilespmem:s29+$0x10F20]  }
0x87: {  	v3 =	vld [tilespmem:s29+$0x7F00]  }
0x88: {  	s30 =	simm.s32 $0xC0;
	v4 =	vld [tilespmem:s29+$0x7F10]  }
.LBB2_7:
0x89: {  	p1 =	sne.s32 s30, $0x5F40;
	v5 =	vld [tilespmem:s29+$0x7F20];
	_ =	sdelay $0x1  }
0x8a: {  	s12 =	sshra.s32 s30, $0x2  }
.Ltmp4:
0x8b: {  	v3 =	vadd.f32 v1, v3;
	v1 =	vld [tilespmem:s12+$0x10F00];
	(pc) =	sbr.rel @p1 .LBB2_7-.Ltmp4, $4  }
0x8c: {  	v4 =	vadd.f32 v2, v4;
	v2 =	vld [tilespmem:s12+$0x10F10]  }
0x8d: {  	[tilespmem:s29+$0x7F00] =	vst v3;
	v5 =	vadd.f32 v0, v5;
	v0 =	vld [tilespmem:s12+$0x10F20]  }
0x8e: {  	v3 =	vld [tilespmem:s12+$0x7F00];
	[tilespmem:s29+$0x7F10] =	vst v4  }
0x8f: {  	s30 =	sadd.s32 $0xC0, s30;
	v4 =	vld [tilespmem:s12+$0x7F10];
	[tilespmem:s29+$0x7F20] =	vst v5;
	s29 =	smov.u32 s12  }
0x90: {  	v5 =	vld [tilespmem:s29+$0x7F20];
	_ =	sdelay $0x2  }
0x91: {  	v1 =	vadd.f32 v1, v3  }
0x92: {  	v2 =	vadd.f32 v2, v4  }
0x93: {  	[tilespmem:s29+$0x7F00] =	vst v1;
	v0 =	vadd.f32 v0, v5  }
0x94: {  	[tilespmem:s29+$0x7F10] =	vst v2  }
0x95: {  	s12 =	sadd.s32 $0x600, s0;
	[tilespmem:s29+$0x7F20] =	vst v0;
	s29 =	simm.s32 $0x0  }
0x96: {  	[hbm4b:s12+s29] =	stream.linear.scatter [tilespmem:s18], [sflag:$0x2], $0x1800, $0x38;
	[tilespmem:$0x16F00] =	vst v63  }
0x97: {  	s29 =	simm.s32 $0x0  }
0x98: {  	v1 =	vld [tilespmem:s29+$0x12700]  }
0x99: {  	v2 =	vld [tilespmem:s29+$0x12710]  }
0x9a: {  	v0 =	vld [tilespmem:s29+$0x12720]  }
0x9b: {  	v3 =	vld [tilespmem:s29+$0x9700]  }
0x9c: {  	s30 =	simm.s32 $0xC0;
	v4 =	vld [tilespmem:s29+$0x9710]  }
.LBB2_9:
0x9d: {  	p1 =	sne.s32 s30, $0x5F40;
	v5 =	vld [tilespmem:s29+$0x9720];
	_ =	sdelay $0x1  }
0x9e: {  	s12 =	sshra.s32 s30, $0x2  }
.Ltmp5:
0x9f: {  	v3 =	vadd.f32 v1, v3;
	v1 =	vld [tilespmem:s12+$0x12700];
	(pc) =	sbr.rel @p1 .LBB2_9-.Ltmp5, $4  }
0xa0: {  	v4 =	vadd.f32 v2, v4;
	v2 =	vld [tilespmem:s12+$0x12710]  }
0xa1: {  	[tilespmem:s29+$0x9700] =	vst v3;
	v5 =	vadd.f32 v0, v5;
	v0 =	vld [tilespmem:s12+$0x12720]  }
0xa2: {  	v3 =	vld [tilespmem:s12+$0x9700];
	[tilespmem:s29+$0x9710] =	vst v4  }
0xa3: {  	s30 =	sadd.s32 $0xC0, s30;
	v4 =	vld [tilespmem:s12+$0x9710];
	[tilespmem:s29+$0x9720] =	vst v5;
	s29 =	smov.u32 s12  }
0xa4: {  	v5 =	vld [tilespmem:s29+$0x9720];
	_ =	sdelay $0x2  }
0xa5: {  	v1 =	vadd.f32 v1, v3  }
0xa6: {  	v2 =	vadd.f32 v2, v4  }
0xa7: {  	[tilespmem:s29+$0x9700] =	vst v1;
	v0 =	vadd.f32 v0, v5  }
0xa8: {  	[tilespmem:s29+$0x9710] =	vst v2  }
0xa9: {  	s12 =	sadd.s32 $0x900, s0;
	[tilespmem:s29+$0x9720] =	vst v0;
	s29 =	simm.s32 $0x0  }
0xaa: {  	[hbm4b:s12+s29] =	stream.linear.scatter [tilespmem:s20], [sflag:$0x2], $0x1800, $0x38;
	[tilespmem:$0x16F00] =	vst v63  }
0xab: {  	s29 =	simm.s32 $0x0  }
0xac: {  	v1 =	vld [tilespmem:s29+$0x13F00]  }
0xad: {  	v2 =	vld [tilespmem:s29+$0x13F10]  }
0xae: {  	v0 =	vld [tilespmem:s29+$0x13F20]  }
0xaf: {  	v3 =	vld [tilespmem:s29+$0xAF00]  }
0xb0: {  	s30 =	simm.s32 $0xC0;
	v4 =	vld [tilespmem:s29+$0xAF10]  }
.LBB2_11:
0xb1: {  	p1 =	sne.s32 s30, $0x5F40;
	v5 =	vld [tilespmem:s29+$0xAF20];
	_ =	sdelay $0x1  }
0xb2: {  	s12 =	sshra.s32 s30, $0x2  }
.Ltmp6:
0xb3: {  	v3 =	vadd.f32 v1, v3;
	v1 =	vld [tilespmem:s12+$0x13F00];
	(pc) =	sbr.rel @p1 .LBB2_11-.Ltmp6, $4  }
0xb4: {  	v4 =	vadd.f32 v2, v4;
	v2 =	vld [tilespmem:s12+$0x13F10]  }
0xb5: {  	[tilespmem:s29+$0xAF00] =	vst v3;
	v5 =	vadd.f32 v0, v5;
	v0 =	vld [tilespmem:s12+$0x13F20]  }
0xb6: {  	v3 =	vld [tilespmem:s12+$0xAF00];
	[tilespmem:s29+$0xAF10] =	vst v4  }
0xb7: {  	s30 =	sadd.s32 $0xC0, s30;
	v4 =	vld [tilespmem:s12+$0xAF10];
	[tilespmem:s29+$0xAF20] =	vst v5;
	s29 =	smov.u32 s12  }
0xb8: {  	v5 =	vld [tilespmem:s29+$0xAF20];
	_ =	sdelay $0x2  }
0xb9: {  	v1 =	vadd.f32 v1, v3  }
0xba: {  	v2 =	vadd.f32 v2, v4  }
0xbb: {  	[tilespmem:s29+$0xAF00] =	vst v1;
	v0 =	vadd.f32 v0, v5  }
0xbc: {  	[tilespmem:s29+$0xAF10] =	vst v2  }
0xbd: {  	s12 =	sadd.s32 $0xC00, s0;
	[tilespmem:s29+$0xAF20] =	vst v0;
	s29 =	simm.s32 $0x0  }
0xbe: {  	[hbm4b:s12+s29] =	stream.linear.scatter [tilespmem:s22], [sflag:$0x2], $0x1800, $0x38;
	[tilespmem:$0x16F00] =	vst v63  }
0xbf: {  	s29 =	simm.s32 $0x0  }
0xc0: {  	v1 =	vld [tilespmem:s29+$0x15700]  }
0xc1: {  	v2 =	vld [tilespmem:s29+$0x15710]  }
0xc2: {  	v0 =	vld [tilespmem:s29+$0x15720]  }
0xc3: {  	v3 =	vld [tilespmem:s29+$0xC700]  }
0xc4: {  	s30 =	simm.s32 $0xC0;
	v4 =	vld [tilespmem:s29+$0xC710]  }
.LBB2_13:
0xc5: {  	p1 =	sne.s32 s30, $0x5F40;
	v5 =	vld [tilespmem:s29+$0xC720];
	_ =	sdelay $0x1  }
0xc6: {  	s12 =	sshra.s32 s30, $0x2  }
.Ltmp7:
0xc7: {  	v3 =	vadd.f32 v1, v3;
	v1 =	vld [tilespmem:s12+$0x15700];
	(pc) =	sbr.rel @p1 .LBB2_13-.Ltmp7, $4  }
0xc8: {  	v4 =	vadd.f32 v2, v4;
	v2 =	vld [tilespmem:s12+$0x15710]  }
0xc9: {  	[tilespmem:s29+$0xC700] =	vst v3;
	v5 =	vadd.f32 v0, v5;
	v0 =	vld [tilespmem:s12+$0x15720]  }
0xca: {  	v3 =	vld [tilespmem:s12+$0xC700];
	[tilespmem:s29+$0xC710] =	vst v4  }
0xcb: {  	s30 =	sadd.s32 $0xC0, s30;
	v4 =	vld [tilespmem:s12+$0xC710];
	[tilespmem:s29+$0xC720] =	vst v5;
	s29 =	smov.u32 s12  }
0xcc: {  	v5 =	vld [tilespmem:s29+$0xC720];
	_ =	sdelay $0x2  }
0xcd: {  	v1 =	vadd.f32 v1, v3  }
0xce: {  	v2 =	vadd.f32 v2, v4  }
0xcf: {  	[tilespmem:s29+$0xC700] =	vst v1;
	v0 =	vadd.f32 v0, v5  }
0xd0: {  	[tilespmem:s29+$0xC710] =	vst v2  }
0xd1: {  	s0 =	sadd.s32 $0xF00, s0;
	[tilespmem:s29+$0xC720] =	vst v0  }
0xd2: {  	[hbm4b:s0+s4] =	stream.linear.scatter [tilespmem:s24], [sflag:$0x2], $0x1800, $0x38;
	[tilespmem:$0x16F00] =	vst v63  }
0xd3: {  	_ =	swait.ge [sflag:s28], $0x1800  }
0xd4: {  	[sflag:s28] =	ssyncset.done $0x0  }
0xd5: {  	[sflag:s28] =	ssyncadd.s32 $0xFFFFE800  }
0xd6: {  	_ =	swait.ge [sflag:s28], $0x1800  }
0xd7: {  	[sflag:s28] =	ssyncset.done $0x0  }
0xd8: {  	[sflag:s28] =	ssyncadd.s32 $0xFFFFE800  }
0xd9: {  	_ =	swait.ge [sflag:s28], $0x1800  }
0xda: {  	[sflag:s28] =	ssyncset.done $0x0  }
0xdb: {  	[sflag:s28] =	ssyncadd.s32 $0xFFFFE800  }
0xdc: {  	_ =	swait.ge [sflag:s28], $0x1800  }
0xdd: {  	[sflag:s28] =	ssyncset.done $0x0  }
0xde: {  	s3 =	sadd.s32 $0x1, s3;
	[sflag:s28] =	ssyncadd.s32 $0xFFFFE800  }
0xdf: {  	p1 =	sne.s32 s3, $0xD;
	_ =	swait.ge [sflag:s28], $0x1800  }
.Ltmp8:
0xe0: {  	[sflag:s28] =	ssyncset.done $0x0;
	(pc) =	sbr.rel @p1 .LBB2_2-.Ltmp8, $4  }
0xe1: {  	[sflag:s28] =	ssyncadd.s32 $0xFFFFE800  }
0xe2: {  	_ =	swait.ge [sflag:s28], $0x1800  }
0xe3: {  	[sflag:s28] =	ssyncset.done $0x0  }
0xe4: {  	[sflag:s28] =	ssyncadd.s32 $0xFFFFE800  }
.Ltmp9:
0xe5: {  	(pc) =	sbr.rel @p0 .LBB2_19-.Ltmp9, $1  }
0xe6: {  	_ =	sdelay $0x3  }
0xe7: {  	s0 =	simm.s32 $0x2700  }
0xe8: {  	[tilespmem:s14], [sflag:$0x1] =	stream.indirect.gather [hbm4b:s1+s13], $0x30, s0, s13, $0xb8;
	[tilespmem:$0x16F00] =	vst v63  }
0xe9: {  	s30 =	simm.s32 $0x4E80  }
0xea: {  	[tilespmem:s15], [sflag:$0x1] =	stream.indirect.gather [hbm4b:s2+s13], $0x30, s30, s13, $0xb8;
	[tilespmem:$0x16F00] =	vst v63  }
0xeb: {  	_ =	swait.ge [sflag:s26], $0x1800  }
0xec: {  	[sflag:s26] =	ssyncset.done $0x0  }
0xed: {  	[sflag:s26] =	ssyncadd.s32 $0xFFFFE800  }
0xee: {  	_ =	swait.ge [sflag:s26], $0x1800  }
0xef: {  	[sflag:s26] =	ssyncset.done $0x0  }
0xf0: {  	s0 =	simm.s32 $0x0;
	[sflag:s26] =	ssyncadd.s32 $0xFFFFE800  }
0xf1: {  	v1 =	vld [tilespmem:s0+$0xDF00]  }
0xf2: {  	v2 =	vld [tilespmem:s0+$0xDF10]  }
0xf3: {  	v0 =	vld [tilespmem:s0+$0xDF20]  }
0xf4: {  	v3 =	vld [tilespmem:s0+$0x4F00]  }
0xf5: {  	s3 =	simm.s32 $0xC0;
	v4 =	vld [tilespmem:s0+$0x4F10]  }
.LBB2_17:
0xf6: {  	p1 =	sne.s32 s3, $0x5F40;
	v5 =	vld [tilespmem:s0+$0x4F20];
	_ =	sdelay $0x1  }
0xf7: {  	s12 =	sshra.s32 s3, $0x2  }
.Ltmp10:
0xf8: {  	v3 =	vadd.f32 v1, v3;
	v1 =	vld [tilespmem:s12+$0xDF00];
	(pc) =	sbr.rel @p1 .LBB2_17-.Ltmp10, $4  }
0xf9: {  	v4 =	vadd.f32 v2, v4;
	v2 =	vld [tilespmem:s12+$0xDF10]  }
0xfa: {  	[tilespmem:s0+$0x4F00] =	vst v3;
	v5 =	vadd.f32 v0, v5;
	v0 =	vld [tilespmem:s12+$0xDF20]  }
0xfb: {  	v3 =	vld [tilespmem:s12+$0x4F00];
	[tilespmem:s0+$0x4F10] =	vst v4  }
0xfc: {  	s3 =	sadd.s32 $0xC0, s3;
	v4 =	vld [tilespmem:s12+$0x4F10];
	[tilespmem:s0+$0x4F20] =	vst v5;
	s0 =	smov.u32 s12  }
0xfd: {  	v5 =	vld [tilespmem:s0+$0x4F20];
	_ =	sdelay $0x2  }
0xfe: {  	v1 =	vadd.f32 v1, v3  }
0xff: {  	v2 =	vadd.f32 v2, v4  }
0x100: {  	[tilespmem:s0+$0x4F00] =	vst v1;
	v0 =	vadd.f32 v0, v5  }
0x101: {  	[tilespmem:s0+$0x4F10] =	vst v2  }
.Ltmp11:
0x102: {  	[tilespmem:s0+$0x4F20] =	vst v0;
	(pc) =	sbr.rel .LBB2_19-.Ltmp11, $4  }
0x103: {  	[hbm4b:s9+s4] =	stream.linear.scatter [tilespmem:s14], [sflag:$0x3], $0x1800, $0x38;
	[tilespmem:$0x16F00] =	vst v63  }
0x104: {  	_ =	swait.ge [sflag:s11], $0x1800  }
0x105: {  	[sflag:s11] =	ssyncset.done $0x0  }
0x106: {  	[sflag:s11] =	ssyncadd.s32 $0xFFFFE800  }
.LBB2_20:
0x107: {  	_ =	sfence.sel $0x180000  }
0x108: {  	[bflag:$0x0] =	sbarrier.arrive $0xFFFF  }
0x109: {  	_ =	strace $0x90000050  }
0x10a: {  	s0 =	stileid.u32;
	[bflag:$0x2] =	sbarrier.arrive $0xFFFF  }
0x10b: {  	p0 =	sne.s32 s0, $0x0;
	s0 =	rddreg [dreg:$0x4]  }
0x10c: {  	s0 =	sadd.s32 @!p0 $0x100000, s0  }
0x10d: {  	[sflag:s0] =	ssyncadd.tile.s32 @!p0 $0x1;
	_ =	shalt  }
.Lfunc_end2:
_tile_overlayer_lowered:
.L_overlay_start_2:
0x10e: {  	(tag) =	ssettag $0x2  }
0x10f: {  	s0 =	rddreg [dreg:$0x0];
	s2 =	stileid.u32  }
0x110: {  	s1 =	rddreg [dreg:$0x1];
	p0 =	sne.s32 s2, $0x0  }
0x111: {  	s3 =	rddreg [dreg:$0x2];
	[bflag:$0x3] =	sbarrier.arrive $0xFFFF;
	s2 =	simm.s32 @!p0 $0x1C03  }
0x112: {  	[timem:s3], [sflag:s2] =	dma.local @!p0 [hbm:s0], s1  }
0x113: {  	s0 =	simm.s32 @!p0 $0x3  }
0x114: {  	_ =	swait.ge @!p0 [sflag:s0], s1  }
0x115: {  	s1 =	ssub.s32 @!p0 $0x0, s1;
	[sflag:s0] =	ssyncset.done @!p0 $0x0  }
0x116: {  	[sflag:s0] =	ssyncadd.s32 @!p0 s1  }
0x117: {  	[bflag:$0x3] =	sbarrier.arrive $0xFFFF  }
0x118: {  	_ =	shalt  }

// kernel: kernel.21.cloned.1.call-start
scs
__scs_entry_jumppad:
0x0: {  	(pc) =	sbr.rel $0x88, $3  }
0x1: {  	(tag) =	ssettag $0x0;
	lr =	simm.s32 $0x1  }
0x2: {  	[smem:$0x3F8E] =	sst lr;
	_ =	strace $0xD0000000  }
0x3: {  	_ = 	snop  }
0x4: {  	_ = 	snop  }
0x5: {  	_ = 	snop  }
0x6: {  	_ = 	snop  }
0x7: {  	_ = 	snop  }
__scs_overlays_trampoline_lowered:
0x8: {  	[smem:$0x3F9D] =	sst s0  }
0x9: {  	[smem:$0x3F9E] =	sst s1  }
0xa: {  	[smem:$0x3F9F] =	sst s2  }
0xb: {  	[smem:$0x3FA0] =	sst s3  }
0xc: {  	[smem:$0x3FA1] =	sst s4  }
0xd: {  	[smem:$0x3FA2] =	sst s5  }
0xe: {  	[smem:$0x3FA3] =	sst s6  }
0xf: {  	[smem:$0x3FA4] =	sst s7  }
0x10: {  	[smem:$0x3FA5] =	sst s8  }
0x11: {  	[smem:$0x3FA6] =	sst s9;
	s0 =	simm.s32 @!p0 $0x0  }
0x12: {  	s1 =	sld [smem:$0x3F8C];
	s0 =	simm.s32 @p0 $0x1  }
0x13: {  	[smem:$0x3FA7] =	sst s0;
	s0 =	simm.s32 @!p1 $0x0  }
0x14: {  	s2 =	sld [smem:$0x3F8B];
	s0 =	simm.s32 @p1 $0x1  }
0x15: {  	[smem:$0x3FA8] =	sst s0;
	s0 =	simm.s32 @!p2 $0x0  }
0x16: {  	s3 =	sld [smem:$0x3FDB];
	s0 =	simm.s32 @p2 $0x1  }
0x17: {  	s4 =	simm.s32 $0x1BF5;
	[smem:$0x3FAA] =	sst s0  }
0x18: {  	s0 =	sld [smem:$0x3F8D];
	_ =	swait.ge [sflag:s4], $0x0  }
0x19: {  	s7 =	sld [smem:$0x3F8E]  }
0x1a: {  	s8 =	sadd.s32 $0xFFFFE003, lr  }
0x1b: {  	s9 =	sadd.s32 $0xFFFFFEF7, lr;
	s5 =	simm.s32 $0xFFFFFFFF;
	p2 =	slt.u32 s8, $0xFFFFF086  }
0x1c: {  	p1 =	slt.u32 s9, $0xF7A;
	s5 =	simm.s32 @!p2 $0x0  }
0x1d: {  	s5 =	simm.s32 @p1 $0x1;
	p0 =	seq.s32 s7, s2  }
0x1e: {  	s7 =	smul.u32 @!p0 $0xF7A, s2;
	p2 =	seq.s32 @!p0 s5, $0x0  }
0x1f: {  	s9 =	smul.u32 $0xF7A, s1;
	s8 =	simm.s32 @!p0 $0x1BF5;
	p2 =	por !p2, p0  }
0x20: {  	[sflag:s8] =	ssyncset.s32 @!p0 $0xFFFFF086;
	s6 =	sadd.s32 @!p0 s3, s7;
	s7 =	simm.s32 @!p0 $0x108  }
0x21: {  	s3 =	sadd.s32 s3, s9;
	s6 =	sadd.s32 @!p0 $0x88, s6;
	s7 =	simm.s32 @p2 $0x1082  }
0x22: {  	[simem:s7], [sflag:s8] =	dma.local @!p0 [hbm:s6], $0xF7A  }
0x23: {  	s9 =	sor.u32 $0xD0000000, s2;
	s6 =	simm.s32 $0x108;
	_ =	swait.ge @!p0 [sflag:s8], $0x0  }
0x24: {  	s3 =	sadd.s32 $0x88, s3;
	s6 =	simm.s32 @!p1 $0x1082;
	[sflag:s4] =	ssyncset.s32 $0xFFFFF086  }
0x25: {  	[simem:s6], [sflag:s4] =	dma.local [hbm:s3], $0xF7A  }
0x26: {  	[smem:$0x3F8E] =	sst s1;
	(tag) =	ssettag s2;
	_ =	strace s9  }
0x27: {  	s1 =	sld [smem:$0x3F9E]  }
0x28: {  	s2 =	sld [smem:$0x3F9F]  }
0x29: {  	s4 =	sld [smem:$0x3FA1]  }
0x2a: {  	p0 =	seq.s32 s5, $0x0;
	s5 =	sld [smem:$0x3FA2]  }
0x2b: {  	s6 =	sld [smem:$0x3FA3]  }
0x2c: {  	s7 =	sld [smem:$0x3FA4]  }
0x2d: {  	s3 =	simm.s32 $0x108;
	s8 =	sld [smem:$0x3FA5]  }
0x2e: {  	s3 =	simm.s32 @!p0 $0x1082;
	s9 =	sld [smem:$0x3FA6]  }
0x2f: {  	lr =	sadd.s32 s0, s3;
	s0 =	sld [smem:$0x3F9D]  }
0x30: {  	s3 =	sld [smem:$0x3FA0]  }
0x31: {  	[smem:$0x3FA9] =	sst s10  }
0x32: {  	s10 =	sld [smem:$0x3FA7];
	_ =	sdelay $0x3  }
0x33: {  	p0 =	seq.s32 s10, $0x1;
	s10 =	sld [smem:$0x3FA9];
	_ =	sdelay $0x3  }
0x34: {  	[smem:$0x3FA9] =	sst s10  }
0x35: {  	s10 =	sld [smem:$0x3FA8];
	_ =	sdelay $0x3  }
0x36: {  	p1 =	seq.s32 s10, $0x1;
	s10 =	sld [smem:$0x3FA9];
	_ =	sdelay $0x3  }
0x37: {  	[smem:$0x3FA9] =	sst s10  }
0x38: {  	s10 =	sld [smem:$0x3FAA]  }
0x39: {  	_ = 	snop;
	(pc) =	sbr.ind lr, $3  }
0x3a: {  	_ = 	snop  }
0x3b: {  	_ = 	snop  }
0x3c: {  	p2 =	seq.s32 s10, $0x1;
	s10 =	sld [smem:$0x3FA9]  }
0x3d: {  	_ =	shalt  }
0x3e: {  	_ =	shalt  }
0x3f: {  	_ =	shalt  }
0x40: {  	_ =	shalt  }
0x41: {  	_ =	shalt  }
0x42: {  	_ =	shalt  }
0x43: {  	_ =	shalt  }
0x44: {  	_ =	shalt  }
0x45: {  	_ =	shalt  }
0x46: {  	_ =	shalt  }
0x47: {  	_ =	shalt  }
0x48: {  	_ =	shalt  }
0x49: {  	_ =	shalt  }
0x4a: {  	_ =	shalt  }
0x4b: {  	_ =	shalt  }
0x4c: {  	_ =	shalt  }
0x4d: {  	_ =	shalt  }
0x4e: {  	_ =	shalt  }
0x4f: {  	_ =	shalt  }
0x50: {  	_ =	shalt  }
0x51: {  	_ =	shalt  }
0x52: {  	_ =	shalt  }
0x53: {  	_ =	shalt  }
0x54: {  	_ =	shalt  }
0x55: {  	_ =	shalt  }
0x56: {  	_ =	shalt  }
0x57: {  	_ =	shalt  }
0x58: {  	_ =	shalt  }
0x59: {  	_ =	shalt  }
0x5a: {  	_ =	shalt  }
0x5b: {  	_ =	shalt  }
0x5c: {  	_ =	shalt  }
0x5d: {  	_ =	shalt  }
0x5e: {  	_ =	shalt  }
0x5f: {  	_ =	shalt  }
0x60: {  	_ =	shalt  }
0x61: {  	_ =	shalt  }
0x62: {  	_ =	shalt  }
0x63: {  	_ =	shalt  }
0x64: {  	_ =	shalt  }
0x65: {  	_ =	shalt  }
0x66: {  	_ =	shalt  }
0x67: {  	_ =	shalt  }
0x68: {  	_ =	shalt  }
0x69: {  	_ =	shalt  }
0x6a: {  	_ =	shalt  }
0x6b: {  	_ =	shalt  }
0x6c: {  	_ =	shalt  }
0x6d: {  	_ =	shalt  }
0x6e: {  	_ =	shalt  }
0x6f: {  	_ =	shalt  }
0x70: {  	_ =	shalt  }
0x71: {  	_ =	shalt  }
0x72: {  	_ =	shalt  }
0x73: {  	_ =	shalt  }
0x74: {  	_ =	shalt  }
0x75: {  	_ =	shalt  }
0x76: {  	_ =	shalt  }
0x77: {  	_ =	shalt  }
0x78: {  	_ =	shalt  }
0x79: {  	_ =	shalt  }
0x7a: {  	_ =	shalt  }
0x7b: {  	_ =	shalt  }
0x7c: {  	_ =	shalt  }
0x7d: {  	_ =	shalt  }
0x7e: {  	_ =	shalt  }
0x7f: {  	_ =	shalt  }
0x80: {  	_ =	shalt  }
0x81: {  	_ =	shalt  }
0x82: {  	_ =	shalt  }
0x83: {  	_ =	shalt  }
0x84: {  	_ =	shalt  }
0x85: {  	_ =	shalt  }
0x86: {  	_ =	shalt  }
0x87: {  	_ =	shalt  }
.Lfunc_end0:
.L_simem_size_0:
called_computation.5_lowered:
.L_overlay_start_0:
0x88: {  	s2 =	sld [smem:$0x3FD9]  }
0x89: {  	s3 =	sld [smem:$0x3FFE];
	_ =	sdelay $0x1  }
0x8a: {  	s1 =	srdreg.scid  }
0x8b: {  	s0 =	sand.u32 $0x1, s1  }
0x8c: {  	s14 =	sshll.u32 s0, $0xA;
	s2 =	sadd.s32 s3, s2  }
0x8d: {  	s2 =	sadd.s32 s2, s14  }
0x8e: {  	[smem:$0x3FB5] =	sst s2  }
0x8f: {  	_ = 	snop  }
0x90: {  	s2 =	sld [smem:$0x3FD0];
	_ =	sdelay $0x2  }
0x91: {  	s15 =	simm.s32 $0xA;
	s4 =	simm.s32 $0x10  }
0x92: {  	[smem:s4], [sflag:s15] =	dma.local [hbm:s2], $0x1  }
0x93: {  	_ =	swait.eq [sflag:s15], $0x1  }
0x94: {  	[sflag:s15] =	ssyncset.done $0x0  }
0x95: {  	s16 =	sld [smem:$0x12];
	[sflag:s15] =	ssyncadd.s32 $0xFFFFFFFF  }
0x96: {  	s17 =	sld [smem:$0x14];
	(tm) =	ssettm $0x1  }
0x97: {  	s18 =	sld [smem:$0x3FFB];
	_ =	sdelay $0x3  }
0x98: {  	_ =	strace s18  }
0x99: {  	s4 =	sld [smem:$0x3FFC];
	_ =	sdelay $0x3  }
0x9a: {  	_ =	strace s4  }
0x9b: {  	s4 =	sld [smem:$0x3FFD];
	_ =	sdelay $0x3  }
0x9c: {  	_ =	strace s4  }
0x9d: {  	_ =	strace $0x8FFFFFFF  }
0x9e: {  	s19 =	sld [smem:$0x3FDB];
	_ =	sdelay $0x1  }
0x9f: {  	s5 =	simm.s32 $_scs_section_size  }
0xa0: {  	s6 =	simm.s32 $_size__tile_overlayer_lowered;
	s7 =	simm.s32 $_tile_overlayer_lowered  }
0xa1: {  	s22 =	simm.s32 $0x1BFF;
	s21 =	sshll.u32 s7, $0x1;
	s4 =	sadd.s32 s5, s19  }
0xa2: {  	s8 =	simm.s32 $0x0;
	s20 =	sshll.u32 s6, $0x1;
	s6 =	sadd.s32 s21, s4  }
0xa3: {  	[timem:s8], [sflag:s22] =	dma.local [hbm:s6], s20  }
0xa4: {  	_ =	swait.ge [sflag:s22], s20  }
0xa5: {  	s5 =	ssub.s32 $0x0, s20;
	[sflag:s22] =	ssyncset.done $0x0  }
0xa6: {  	[sflag:s22] =	ssyncadd.s32 s5;
	_ =	sdelay $0x1  }
0xa7: {  	s23 =	simm.s32 $0x1B8B  }
0xa8: {  	_ =	swait.ge [sflag:s23], $0x1  }
0xa9: {  	[sflag:s23] =	ssyncset.done $0x0  }
0xaa: {  	s25 =	simm.s32 $0x1B8E;
	s24 =	sld [smem:$0x3FFE];
	[sflag:s23] =	ssyncadd.s32 $0xFFFFFFFF  }
0xab: {  	s26 =	simm.s32 $execute0_lowered;
	[smem:$0x3FD2] =	sst s25  }
0xac: {  	s6 =	sshll.u32 s26, $0x1;
	_ =	strace $0x80000055;
	[dreg:$0x1] =	wrdreg $0xFFFFFFFF  }
0xad: {  	s28 =	simm.s32 $_size_execute0_lowered;
	s4 =	sadd.s32 s4, s6;
	[dreg:$0x0] =	wrdreg $0x0  }
0xae: {  	s6 =	sshll.u32 s28, $0x1;
	[dreg:$0x2] =	wrdreg s4  }
0xaf: {  	[dreg:$0x3] =	wrdreg s6  }
0xb0: {  	[dreg:$0x4] =	wrdreg $0xC0  }
0xb1: {  	_ =	task [dreg:s8], $0x5FFFF  }
0xb2: {  	[dreg:$0x1] =	wrdreg $0xFFFFFFFF  }
0xb3: {  	[dreg:$0x0] =	wrdreg $0x60  }
0xb4: {  	[dreg:$0x2] =	wrdreg s17  }
0xb5: {  	[dreg:$0x3] =	wrdreg s24  }
0xb6: {  	[dreg:$0x4] =	wrdreg s16  }
0xb7: {  	[dreg:$0x5] =	wrdreg $0x0  }
0xb8: {  	[dreg:$0x6] =	wrdreg $0x9  }
0xb9: {  	_ =	task.clear_ibuf [dreg:s8], $0x7FFFF;
	_ =	strace $0x90000055  }
0xba: {  	s29 =	simm.s32 $0x9;
	_ =	strace $0x80000057  }
0xbb: {  	_ =	swait.ge [sflag:s29], $0x1  }
0xbc: {  	[sflag:s29] =	ssyncadd.s32 $0xFFFFFFFF  }
0xbd: {  	_ =	strace $0x90000057  }
0xbe: {  	_ =	sfence  }
0xbf: {  	s30 =	sld [smem:$0x0];
	_ =	sdelay $0x2  }
0xc0: {  	s31 =	sshll.u32 s1, $0xD;
	s1 =	sshrl.u32 s1, $0x2  }
0xc1: {  	s3 =	sand.u32 $0x4000, s31;
	s1 =	sadd.s32 s1, s30  }
0xc2: {  	s0 =	sor.u32 s3, s0;
	s1 =	sshll.u32 s1, $0x11  }
0xc3: {  	s0 =	sor.u32 s1, s0  }
0xc4: {  	s0 =	sadd.s32 $0x8F2B, s0  }
0xc5: {  	[sflag:s0] =	ssyncadd.remote.s32 $0x1  }
0xc6: {  	_ =	sfence.sel $0xFFFF  }
0xc7: {  	[dreg:$0x0] =	wrdreg $0xFFFFFFFF;
	(pc) =	sbr.abs _section_cstart, $3  }
0xc8: {  	[dreg:$0x1] =	wrdreg $0xFFFFFFFF  }
0xc9: {  	_ =	task.clear_ibuf [dreg:s8], $0x2FFFF;
	_ =	strace $0x9FFFFFFF  }
0xca: {  	(tm) =	ssettm $0x7FFFFFFF  }
0xcb: {  	_ =	shalt  }
tec
execute0_lowered:
.L_overlay_start_1:
0x0: {  	(tag) =	ssettag $0x1  }
0x1: {  	s9 =	rddreg [dreg:$0x0]  }
0x2: {  	s5 =	rddreg [dreg:$0x1]  }
0x3: {  	s0 =	srdreg.scid;
	s7 =	rddreg [dreg:$0x2]  }
0x4: {  	s2 =	rddreg [dreg:$0x3];
	s3 =	simm.s32 $0x0;
	s15 =	simm.s32 $0x5E90  }
0x5: {  	s16 =	simm.s32 $0x6690;
	s4 =	sand.u32 $0x1, s0;
	s0 =	stileid.u32  }
0x6: {  	s17 =	simm.s32 $0x6E90;
	s18 =	simm.s32 $0x7690;
	s10 =	smul.u32 $0x2710, s0  }
0x7: {  	s19 =	simm.s32 $0x1;
	s20 =	simm.s32 $0x80;
	s13 =	smul.u32 $0x27100, s4  }
0x8: {  	s21 =	simm.s32 $0x2;
	s1 =	sshll.u32 s4, $0x4;
	s14 =	smul.u32 $0x9C40, s4  }
0x9: {  	s29 =	ssub.s32 $0x2, s4;
	s30 =	smul.u32 $0x9C4, s0;
	s1 =	sor.u32 s0, s1  }
0xa: {  	[smem:$0x7FF] =	sst s3;
	s11 =	sshrl.u32 s29, $0x1;
	s6 =	smul.u32 $0x9C4, s1  }
0xb: {  	s1 =	rddreg [dreg:$0x4];
	s4 =	sadd.s32 s10, s2;
	s10 =	sadd.s32 s10, s13  }
0xc: {  	_ =	strace $0x80000056;
	s13 =	simm.s32 $0x4E90;
	s10 =	sshrl.u32 s10, $0x3  }
0xd: {  	s8 =	sshrl.u32 s6, $0x1;
	s12 =	sadd.s32 $0x9C4, s6;
	s6 =	sshrl.u32 s6, $0x5  }
0xe: {  	s7 =	sadd.s32 s7, s10;
	s10 =	simm.s32 $0x7E90;
	s8 =	sand.u32 $0xFFF0, s8  }
0xf: {  	s12 =	sshrl.u32 s12, $0x5;
	s5 =	sadd.s32 s8, s5;
	s8 =	ssub.s32 s29, s11  }
0x10: {  	s22 =	ssub.s32 s12, s6;
	s6 =	sshll.u32 s6, $0x8;
	s11 =	sadd.s32 s30, s14  }
0x11: {  	s12 =	simm.s32 $0x2710;
	s14 =	simm.s32 $0x5690;
	s5 =	sadd.s32 $0x7800, s5  }
0x12: {  	s6 =	sadd.s32 s6, s9;
	s11 =	sshll.u32 s11, $0x3;
	s8 =	smax.u32 s8, $0x1  }
0x13: {  	p0 =	sne.s32 s22, $0x4F;
	s22 =	simm.s32 $0x0;
	s31 =	sand.u32 $0xFFF00, s11  }
0x14: {  	v0 =	vimm.f32 $0.0e+00;
	s6 =	sadd.s32 $0x4E00, s6;
	s11 =	simm.s32 $0x3;
	s9 =	sadd.s32 s31, s9  }
.LBB2_1:
0x15: {  	s23 =	simm.s32 $0x40;
	s24 =	simm.s32 $0x0  }
.LBB2_2:
0x16: {  	p1 =	sne.s32 s23, $0x9C00;
	[tilespmem:s24+$0x7E90] =	vst v0;
	s24 =	smov.u32 s23;
	s23 =	sadd.s32 $0x40, s23  }
.Ltmp0:
0x17: {  	(pc) =	sbr.rel @p1 .LBB2_2-.Ltmp0, $2  }
0x18: {  	_ =	sdelay $0x2  }
0x19: {  	s24 =	sshra.s32 s24, $0x2  }
0x1a: {  	[tilespmem:s24+$0x7E90] =	vst v0  }
0x1b: {  	[spmem:s4] =	stream.linear.scatter [tilespmem:s10], [sflag:$0x3], $0x2710, $0x38;
	[tilespmem:$0xA5A0] =	vst v63  }
0x1c: {  	_ =	swait.ge [sflag:s11], $0x2710  }
0x1d: {  	[sflag:s11] =	ssyncset.done $0x0  }
0x1e: {  	s23 =	simm.s32 $0x0;
	[sflag:s11] =	ssyncadd.s32 $0xFFFFD8F0  }
0x1f: {  	[tilespmem:s12], [sflag:$0x3] =	stream.linear.gather [hbm4b:s5+s23], $0x2780, $0x38;
	[tilespmem:$0xA5A0] =	vst v63  }
0x20: {  	_ =	swait.ge [sflag:s11], $0x2780  }
0x21: {  	[sflag:s11] =	ssyncset.done $0x0  }
0x22: {  	[sflag:s11] =	ssyncadd.s32 $0xFFFFD880  }
0x23: {  	[bflag:$0x0] =	sbarrier.arrive $0xFFFF  }
0x24: {  	[tilespmem:s13], [sflag:$0x1] =	stream.linear.gather [hbm4b:s9+s3], $0x800, $0x38;
	[tilespmem:$0xA5A0] =	vst v63  }
0x25: {  	s28 =	sadd.s32 $0x100, s9  }
0x26: {  	[tilespmem:s14], [sflag:$0x1] =	stream.linear.gather [hbm4b:s28+s3], $0x800, $0x38;
	[tilespmem:$0xA5A0] =	vst v63  }
0x27: {  	s29 =	sadd.s32 $0x200, s9  }
0x28: {  	[tilespmem:s15], [sflag:$0x1] =	stream.linear.gather [hbm4b:s29+s3], $0x800, $0x38;
	[tilespmem:$0xA5A0] =	vst v63  }
0x29: {  	s30 =	sadd.s32 $0x300, s9  }
0x2a: {  	[tilespmem:s16], [sflag:$0x1] =	stream.linear.gather [hbm4b:s30+s3], $0x800, $0x38;
	[tilespmem:$0xA5A0] =	vst v63  }
0x2b: {  	s31 =	sadd.s32 $0x400, s9  }
0x2c: {  	[tilespmem:s17], [sflag:$0x1] =	stream.linear.gather [hbm4b:s31+s3], $0x800, $0x38;
	[tilespmem:$0xA5A0] =	vst v63  }
0x2d: {  	s24 =	sadd.s32 $0x500, s9  }
0x2e: {  	[tilespmem:s18], [sflag:$0x1] =	stream.linear.gather [hbm4b:s24+s3], $0x800, $0x38;
	[tilespmem:$0xA5A0] =	vst v63  }
0x2f: {  	_ =	swait.ge [sflag:s19], $0x800  }
0x30: {  	[sflag:s19] =	ssyncset.done $0x0  }
0x31: {  	[sflag:s19] =	ssyncadd.s32 $0xFFFFF800  }
0x32: {  	_ =	swait.ge [sflag:s19], $0x800  }
0x33: {  	[sflag:s19] =	ssyncset.done $0x0  }
0x34: {  	[sflag:s19] =	ssyncadd.s32 $0xFFFFF800  }
0x35: {  	_ =	swait.ge [sflag:s19], $0x800  }
0x36: {  	[sflag:s19] =	ssyncset.done $0x0  }
0x37: {  	[sflag:s19] =	ssyncadd.s32 $0xFFFFF800  }
0x38: {  	_ =	swait.ge [sflag:s19], $0x800  }
0x39: {  	[sflag:s19] =	ssyncset.done $0x0  }
0x3a: {  	[sflag:s19] =	ssyncadd.s32 $0xFFFFF800  }
0x3b: {  	_ =	swait.ge [sflag:s19], $0x800  }
0x3c: {  	[sflag:s19] =	ssyncset.done $0x0  }
0x3d: {  	[sflag:s19] =	ssyncadd.s32 $0xFFFFF800  }
0x3e: {  	_ =	swait.ge [sflag:s19], $0x800  }
0x3f: {  	[sflag:s19] =	ssyncset.done $0x0  }
0x40: {  	s25 =	simm.s32 $0x2710;
	[sflag:s19] =	ssyncadd.s32 $0xFFFFF800  }
0x41: {  	[spmem:s2] =	stream.indirect.scatter.add.f32 [tilespmem:s13], [sflag:$0x2], $0x10, s25, s20, $0xb8;
	[tilespmem:$0xA5A0] =	vst v63  }
0x42: {  	s26 =	simm.s32 $0x2790  }
0x43: {  	[spmem:s2] =	stream.indirect.scatter.add.f32 [tilespmem:s14], [sflag:$0x2], $0x10, s26, s20, $0xb8;
	[tilespmem:$0xA5A0] =	vst v63  }
0x44: {  	s28 =	simm.s32 $0x2810  }
0x45: {  	[spmem:s2] =	stream.indirect.scatter.add.f32 [tilespmem:s15], [sflag:$0x2], $0x10, s28, s20, $0xb8;
	[tilespmem:$0xA5A0] =	vst v63  }
0x46: {  	s29 =	simm.s32 $0x2890  }
0x47: {  	[spmem:s2] =	stream.indirect.scatter.add.f32 [tilespmem:s16], [sflag:$0x2], $0x10, s29, s20, $0xb8;
	[tilespmem:$0xA5A0] =	vst v63  }
0x48: {  	s30 =	simm.s32 $0x2910  }
0x49: {  	[spmem:s2] =	stream.indirect.scatter.add.f32 [tilespmem:s17], [sflag:$0x2], $0x10, s30, s20, $0xb8;
	[tilespmem:$0xA5A0] =	vst v63  }
0x4a: {  	s31 =	simm.s32 $0x2990  }
0x4b: {  	[spmem:s2] =	stream.indirect.scatter.add.f32 [tilespmem:s18], [sflag:$0x2], $0x10, s31, s20, $0xb8;
	[tilespmem:$0xA5A0] =	vst v63  }
0x4c: {  	_ =	swait.ge [sflag:s21], $0x800  }
0x4d: {  	[sflag:s21] =	ssyncset.done $0x0  }
0x4e: {  	[sflag:s21] =	ssyncadd.s32 $0xFFFFF800  }
0x4f: {  	_ =	swait.ge [sflag:s21], $0x800  }
0x50: {  	[sflag:s21] =	ssyncset.done $0x0  }
0x51: {  	[sflag:s21] =	ssyncadd.s32 $0xFFFFF800  }
0x52: {  	_ =	swait.ge [sflag:s21], $0x800  }
0x53: {  	[sflag:s21] =	ssyncset.done $0x0  }
0x54: {  	[sflag:s21] =	ssyncadd.s32 $0xFFFFF800  }
0x55: {  	_ =	swait.ge [sflag:s21], $0x800  }
0x56: {  	[sflag:s21] =	ssyncset.done $0x0  }
0x57: {  	[sflag:s21] =	ssyncadd.s32 $0xFFFFF800  }
0x58: {  	_ =	swait.ge [sflag:s21], $0x800  }
0x59: {  	[sflag:s21] =	ssyncset.done $0x0  }
0x5a: {  	[sflag:s21] =	ssyncadd.s32 $0xFFFFF800  }
0x5b: {  	_ =	swait.ge [sflag:s21], $0x800  }
0x5c: {  	s23 =	simm.s32 $0xC00;
	s24 =	smov.u32 s9;
	[sflag:s21] =	ssyncset.done $0x0  }
.LBB2_4:
0x5d: {  	p1 =	sne.s32 s23, $0x9000;
	[sflag:s21] =	ssyncadd.s32 $0xFFFFF800;
	s24 =	sadd.s32 $0x600, s24  }
0x5e: {  	[tilespmem:s13], [sflag:$0x1] =	stream.linear.gather [hbm4b:s24+s3], $0x800, $0x38;
	[tilespmem:$0xA5A0] =	vst v63  }
0x5f: {  	s26 =	smov.u32 s23;
	s23 =	sadd.s32 $0xC00, s23;
	s25 =	sadd.s32 $0x100, s24  }
0x60: {  	[tilespmem:s14], [sflag:$0x1] =	stream.linear.gather [hbm4b:s25+s3], $0x800, $0x38;
	[tilespmem:$0xA5A0] =	vst v63  }
0x61: {  	s25 =	sadd.s32 $0x200, s24  }
0x62: {  	[tilespmem:s15], [sflag:$0x1] =	stream.linear.gather [hbm4b:s25+s3], $0x800, $0x38;
	[tilespmem:$0xA5A0] =	vst v63  }
0x63: {  	s25 =	sadd.s32 $0x300, s24  }
0x64: {  	[tilespmem:s16], [sflag:$0x1] =	stream.linear.gather [hbm4b:s25+s3], $0x800, $0x38;
	[tilespmem:$0xA5A0] =	vst v63  }
0x65: {  	s25 =	sadd.s32 $0x400, s24  }
0x66: {  	[tilespmem:s17], [sflag:$0x1] =	stream.linear.gather [hbm4b:s25+s3], $0x800, $0x38;
	[tilespmem:$0xA5A0] =	vst v63  }
0x67: {  	s25 =	sadd.s32 $0x500, s24  }
0x68: {  	[tilespmem:s18], [sflag:$0x1] =	stream.linear.gather [hbm4b:s25+s3], $0x800, $0x38;
	[tilespmem:$0xA5A0] =	vst v63  }
0x69: {  	_ =	swait.ge [sflag:s19], $0x800  }
0x6a: {  	[sflag:s19] =	ssyncset.done $0x0  }
0x6b: {  	[sflag:s19] =	ssyncadd.s32 $0xFFFFF800  }
0x6c: {  	_ =	swait.ge [sflag:s19], $0x800  }
0x6d: {  	[sflag:s19] =	ssyncset.done $0x0  }
0x6e: {  	[sflag:s19] =	ssyncadd.s32 $0xFFFFF800  }
0x6f: {  	_ =	swait.ge [sflag:s19], $0x800  }
0x70: {  	[sflag:s19] =	ssyncset.done $0x0  }
0x71: {  	[sflag:s19] =	ssyncadd.s32 $0xFFFFF800  }
0x72: {  	_ =	swait.ge [sflag:s19], $0x800  }
0x73: {  	[sflag:s19] =	ssyncset.done $0x0  }
0x74: {  	[sflag:s19] =	ssyncadd.s32 $0xFFFFF800  }
0x75: {  	_ =	swait.ge [sflag:s19], $0x800  }
0x76: {  	[sflag:s19] =	ssyncset.done $0x0  }
0x77: {  	[sflag:s19] =	ssyncadd.s32 $0xFFFFF800  }
0x78: {  	_ =	swait.ge [sflag:s19], $0x800  }
0x79: {  	s25 =	sshra.s32 s26, $0x2;
	[sflag:s19] =	ssyncset.done $0x0  }
0x7a: {  	s26 =	sadd.s32 $0x2710, s25;
	[sflag:s19] =	ssyncadd.s32 $0xFFFFF800  }
0x7b: {  	[spmem:s2] =	stream.indirect.scatter.add.f32 [tilespmem:s13], [sflag:$0x2], $0x10, s26, s20, $0xb8;
	[tilespmem:$0xA5A0] =	vst v63  }
0x7c: {  	s26 =	sadd.s32 $0x2790, s25  }
0x7d: {  	[spmem:s2] =	stream.indirect.scatter.add.f32 [tilespmem:s14], [sflag:$0x2], $0x10, s26, s20, $0xb8;
	[tilespmem:$0xA5A0] =	vst v63  }
0x7e: {  	s26 =	sadd.s32 $0x2810, s25  }
0x7f: {  	[spmem:s2] =	stream.indirect.scatter.add.f32 [tilespmem:s15], [sflag:$0x2], $0x10, s26, s20, $0xb8;
	[tilespmem:$0xA5A0] =	vst v63  }
0x80: {  	s26 =	sadd.s32 $0x2890, s25  }
0x81: {  	[spmem:s2] =	stream.indirect.scatter.add.f32 [tilespmem:s16], [sflag:$0x2], $0x10, s26, s20, $0xb8;
	[tilespmem:$0xA5A0] =	vst v63  }
0x82: {  	s26 =	sadd.s32 $0x2910, s25  }
0x83: {  	[spmem:s2] =	stream.indirect.scatter.add.f32 [tilespmem:s17], [sflag:$0x2], $0x10, s26, s20, $0xb8;
	[tilespmem:$0xA5A0] =	vst v63  }
0x84: {  	s25 =	sadd.s32 $0x2990, s25  }
0x85: {  	[spmem:s2] =	stream.indirect.scatter.add.f32 [tilespmem:s18], [sflag:$0x2], $0x10, s25, s20, $0xb8;
	[tilespmem:$0xA5A0] =	vst v63  }
0x86: {  	_ =	swait.ge [sflag:s21], $0x800  }
0x87: {  	[sflag:s21] =	ssyncset.done $0x0  }
0x88: {  	[sflag:s21] =	ssyncadd.s32 $0xFFFFF800  }
0x89: {  	_ =	swait.ge [sflag:s21], $0x800  }
0x8a: {  	[sflag:s21] =	ssyncset.done $0x0  }
0x8b: {  	[sflag:s21] =	ssyncadd.s32 $0xFFFFF800  }
0x8c: {  	_ =	swait.ge [sflag:s21], $0x800  }
0x8d: {  	[sflag:s21] =	ssyncset.done $0x0  }
0x8e: {  	[sflag:s21] =	ssyncadd.s32 $0xFFFFF800  }
0x8f: {  	_ =	swait.ge [sflag:s21], $0x800  }
0x90: {  	[sflag:s21] =	ssyncset.done $0x0  }
0x91: {  	[sflag:s21] =	ssyncadd.s32 $0xFFFFF800  }
.Ltmp1:
0x92: {  	_ =	swait.ge [sflag:s21], $0x800;
	(pc) =	sbr.rel @p1 .LBB2_4-.Ltmp1, $4  }
0x93: {  	[sflag:s21] =	ssyncset.done $0x0  }
0x94: {  	[sflag:s21] =	ssyncadd.s32 $0xFFFFF800  }
0x95: {  	_ =	swait.ge [sflag:s21], $0x800  }
0x96: {  	[sflag:s21] =	ssyncset.done $0x0  }
0x97: {  	[sflag:s21] =	ssyncadd.s32 $0xFFFFF800;
	s23 =	simm.s32 @!p0 $0x0;
	s24 =	simm.s32 @!p0 $0x4E90  }
0x98: {  	[tilespmem:s24], [sflag:$0x3] =	stream.linear.gather @!p0 [hbm4b:s6+s23], $0x800, $0x38;
	[tilespmem:$0xA5A0] =	vst v63  }
0x99: {  	s23 =	simm.s32 @!p0 $0x3  }
0x9a: {  	_ =	swait.ge @!p0 [sflag:s23], $0x800  }
0x9b: {  	[sflag:s23] =	ssyncset.done @!p0 $0x0  }
0x9c: {  	s25 =	simm.s32 @!p0 $0x80;
	s26 =	simm.s32 @!p0 $0x4E10;
	[sflag:s23] =	ssyncadd.s32 @!p0 $0xFFFFF800  }
0x9d: {  	[spmem:s2] =	stream.indirect.scatter.add.f32 @!p0 [tilespmem:s24], [sflag:$0x3], $0x10, s26, s25, $0xb8;
	[tilespmem:$0xA5A0] =	vst v63  }
0x9e: {  	_ =	swait.ge @!p0 [sflag:s23], $0x800  }
0x9f: {  	s30 =	sshll.u32 s0, $0x6;
	s22 =	sadd.s32 $0x1, s22;
	[sflag:s23] =	ssyncset.done @!p0 $0x0  }
0xa0: {  	s31 =	sshrl.u32 s4, $0x3;
	p1 =	sne.s32 s22, s8;
	[sflag:s23] =	ssyncadd.s32 @!p0 $0xFFFFF800  }
.Ltmp2:
0xa1: {  	s23 =	sor.u32 $0x1C03, s30;
	[bflag:$0x0] =	sbarrier.arrive $0xFFFF;
	(pc) =	sbr.rel @p1 .LBB2_1-.Ltmp2, $4  }
0xa2: {  	[hbm:s7], [sflag:s23] =	dma.local [spmem:s31], $0x4E2  }
0xa3: {  	_ =	swait.ge [sflag:s11], $0x4E2  }
0xa4: {  	[sflag:s11] =	ssyncset.done $0x0  }
0xa5: {  	[sflag:s11] =	ssyncadd.s32 $0xFFFFFB1E  }
0xa6: {  	_ =	sfence.sel $0x180000  }
0xa7: {  	[bflag:$0x0] =	sbarrier.arrive $0xFFFF  }
0xa8: {  	p0 =	sne.s32 s0, $0x0;
	_ =	strace $0x90000056  }
0xa9: {  	s0 =	sadd.s32 @!p0 $0x100000, s1;
	[bflag:$0x2] =	sbarrier.arrive $0xFFFF  }
0xaa: {  	[sflag:s0] =	ssyncadd.tile.s32 @!p0 $0x1;
	_ =	shalt  }
.Lfunc_end2:
_tile_overlayer_lowered:
.L_overlay_start_2:
0xab: {  	(tag) =	ssettag $0x2  }
0xac: {  	s0 =	rddreg [dreg:$0x0];
	s2 =	stileid.u32  }
0xad: {  	s1 =	rddreg [dreg:$0x1];
	p0 =	sne.s32 s2, $0x0  }
0xae: {  	s3 =	rddreg [dreg:$0x2];
	[bflag:$0x3] =	sbarrier.arrive $0xFFFF;
	s2 =	simm.s32 @!p0 $0x1C03  }
0xaf: {  	[timem:s3], [sflag:s2] =	dma.local @!p0 [hbm:s0], s1  }
0xb0: {  	s0 =	simm.s32 @!p0 $0x3  }
0xb1: {  	_ =	swait.ge @!p0 [sflag:s0], s1  }
0xb2: {  	s1 =	ssub.s32 @!p0 $0x0, s1;
	[sflag:s0] =	ssyncset.done @!p0 $0x0  }
0xb3: {  	[sflag:s0] =	ssyncadd.s32 @!p0 s1  }
0xb4: {  	[bflag:$0x3] =	sbarrier.arrive $0xFFFF  }
0xb5: {  	_ =	shalt  }

// kernel: sparse-core-data-format-call.1.cloned.1.call-start
scs
called_computation.1_lowered:
.L_overlay_start_0:
0x0: {  	s1 =	sld [smem:$0x3FD9]  }
0x1: {  	s2 =	sld [smem:$0x3FFE];
	_ =	sdelay $0x1  }
0x2: {  	s3 =	srdreg.scid  }
0x3: {  	s0 =	sand.u32 $0x1, s3  }
0x4: {  	s17 =	sshll.u32 s0, $0xA;
	s1 =	sadd.s32 s2, s1  }
0x5: {  	s1 =	sadd.s32 s1, s17  }
0x6: {  	[smem:$0x3FB5] =	sst s1  }
0x7: {  	_ = 	snop  }
0x8: {  	(tm) =	ssettm $0x1  }
0x9: {  	s18 =	sld [smem:$0x3FFB];
	_ =	sdelay $0x3  }
0xa: {  	_ =	strace s18  }
0xb: {  	s1 =	sld [smem:$0x3FFC];
	_ =	sdelay $0x3  }
0xc: {  	_ =	strace s1  }
0xd: {  	s1 =	sld [smem:$0x3FFD];
	_ =	sdelay $0x3  }
0xe: {  	_ =	strace s1  }
0xf: {  	_ =	strace $0x8FFFFFFF  }
0x10: {  	s19 =	sld [smem:$0x3FDB];
	_ =	sdelay $0x1  }
0x11: {  	s20 =	simm.s32 $_scs_section_size  }
0x12: {  	s4 =	simm.s32 $_size__tile_overlayer_lowered;
	s5 =	simm.s32 $_tile_overlayer_lowered  }
0x13: {  	s23 =	simm.s32 $0x1BFF;
	s22 =	sshll.u32 s5, $0x1;
	s1 =	sadd.s32 s20, s19  }
0x14: {  	s6 =	simm.s32 $0x0;
	s21 =	sshll.u32 s4, $0x1;
	s4 =	sadd.s32 s22, s1  }
0x15: {  	[timem:s6], [sflag:s23] =	dma.local [hbm:s4], s21  }
0x16: {  	_ =	swait.ge [sflag:s23], s21  }
0x17: {  	s2 =	ssub.s32 $0x0, s21;
	[sflag:s23] =	ssyncset.done $0x0  }
0x18: {  	[sflag:s23] =	ssyncadd.s32 s2;
	_ =	sdelay $0x1  }
0x19: {  	s24 =	simm.s32 $0x1B8B  }
0x1a: {  	_ =	swait.ge [sflag:s24], $0x1  }
0x1b: {  	[sflag:s24] =	ssyncset.done $0x0  }
0x1c: {  	s26 =	simm.s32 $0x1B8E;
	s25 =	sld [smem:$0x3FFE];
	[sflag:s24] =	ssyncadd.s32 $0xFFFFFFFF  }
0x1d: {  	s27 =	simm.s32 $execute0_lowered;
	[smem:$0x3FD2] =	sst s26  }
0x1e: {  	s4 =	sshll.u32 s27, $0x1;
	_ =	strace $0x80000049;
	[dreg:$0x1] =	wrdreg $0xFFFFFFFF  }
0x1f: {  	s28 =	simm.s32 $_size_execute0_lowered;
	s1 =	sadd.s32 s1, s4;
	[dreg:$0x0] =	wrdreg $0x0  }
0x20: {  	s4 =	sshll.u32 s28, $0x1;
	[dreg:$0x2] =	wrdreg s1  }
0x21: {  	[dreg:$0x3] =	wrdreg s4  }
0x22: {  	[dreg:$0x4] =	wrdreg $0xC0  }
0x23: {  	_ =	task [dreg:s6], $0x5FFFF  }
0x24: {  	[dreg:$0x1] =	wrdreg $0xFFFFFFFF  }
0x25: {  	[dreg:$0x0] =	wrdreg $0x60  }
0x26: {  	[dreg:$0x2] =	wrdreg s25  }
0x27: {  	[dreg:$0x3] =	wrdreg $0x9  }
0x28: {  	_ =	task.clear_ibuf [dreg:s6], $0x4FFFF;
	_ =	strace $0x90000049  }
0x29: {  	s29 =	simm.s32 $0x9;
	_ =	strace $0x8000004B  }
0x2a: {  	_ =	swait.ge [sflag:s29], $0x1  }
0x2b: {  	[sflag:s29] =	ssyncadd.s32 $0xFFFFFFFF  }
0x2c: {  	_ =	strace $0x9000004B  }
0x2d: {  	_ =	sfence  }
0x2e: {  	s30 =	sld [smem:$0x0];
	_ =	sdelay $0x2  }
0x2f: {  	s31 =	sshll.u32 s3, $0xD;
	s3 =	sshrl.u32 s3, $0x2  }
0x30: {  	s2 =	sand.u32 $0x4000, s31;
	s1 =	sadd.s32 s3, s30  }
0x31: {  	s0 =	sor.u32 s2, s0;
	s1 =	sshll.u32 s1, $0x11  }
0x32: {  	s0 =	sor.u32 s1, s0  }
0x33: {  	s0 =	sadd.s32 $0x8F2B, s0  }
0x34: {  	[sflag:s0] =	ssyncadd.remote.s32 $0x1  }
0x35: {  	_ =	sfence.sel $0xFFFF  }
0x36: {  	[dreg:$0x0] =	wrdreg $0xFFFFFFFF;
	(pc) =	sbr.abs _section_cstart, $3  }
0x37: {  	[dreg:$0x1] =	wrdreg $0xFFFFFFFF  }
0x38: {  	_ =	task.clear_ibuf [dreg:s6], $0x2FFFF;
	_ =	strace $0x9FFFFFFF  }
0x39: {  	(tm) =	ssettm $0x7FFFFFFF  }
tec
execute0_lowered:
.L_overlay_start_1:
0x0: {  	(tag) =	ssettag $0x1  }
0x1: {  	s0 =	srdreg.scid  }
0x2: {  	s5 =	rddreg [dreg:$0x0];
	s1 =	sshll.u32 s0, $0x4  }
0x3: {  	s4 =	simm.s32 $0x1;
	s0 =	stileid.u32;
	s1 =	sand.u32 $0x10, s1  }
0x4: {  	s8 =	simm.s32 $0x2;
	s12 =	simm.s32 $0x0;
	s2 =	sor.u32 s0, s1  }
0x5: {  	s9 =	simm.s32 $0x0;
	s11 =	simm.s32 $0x0;
	s2 =	sshll.u32 s2, $0x7  }
0x6: {  	s3 =	sadd.s32 $0x1E6200, s5;
	s5 =	sadd.s32 $0x11600, s5;
	s6 =	ssub.s32 $0x4E200, s2  }
.Ltmp0:
0x7: {  	s1 =	rddreg [dreg:$0x1];
	s7 =	sand.u32 $0xF80, s6;
	(pc) =	sbr.rel .LBB1_1-.Ltmp0, $4  }
0x8: {  	_ =	strace $0x8000004A;
	p0 =	sne.s32 s7, $0x0;
	s7 =	simm.s32 $0x1  }
0x9: {  	[sflag:s4] =	ssyncpa.u1 $0x0;
	s6 =	sshrl.u32 s6, $0xC;
	s7 =	simm.s32 @!p0 $0x0  }
0xa: {  	[sflag:s8] =	ssyncpa.u1 $0x0;
	s8 =	simm.s32 $0x271000;
	s6 =	sadd.s32 s7, s6  }
0xb: {  	s10 =	smov.u32 s2;
	p0 =	por $0x0, $0x0;
	s7 =	sadd.s32 $0x1, s6  }
.LBB1_4:
0xc: {  	s15 =	sshll.u32 s9, $0x3  }
0xd: {  	s16 =	sand.u32 $0x7F, s9;
	s15 =	sand.u32 $0xFFFFFC00, s15  }
0xe: {  	s16 =	sor.u32 s16, s15;
	s15 =	smulhi.u32 $0xD1B71759, s15;
	_ =	sdelay $0x1  }
0xf: {  	s17 =	smulhi.u32 $0xD1B71759, s16;
	s15 =	sshrl.u32 s15, $0x12  }
0x10: {  	p1 =	sgt.s32 s9, $0x4E180;
	s19 =	smov.u32 s9;
	s18 =	smul.u32 $0x2AAB, s15  }
0x11: {  	s20 =	sshra.s32 s9, $0x1F;
	s19 =	simm.s32 @!p1 $0x4E180;
	s17 =	sshrl.u32 s17, $0x12  }
0x12: {  	s20 =	sand.u32 s20, s9;
	s17 =	smul.u32 $0x4E200, s17;
	s18 =	sshrl.u32 s18, $0x13  }
0x13: {  	s27 =	ssub.s32 s19, s20;
	s18 =	smul.u32 $0x30, s18  }
0x14: {  	s28 =	sadd.s32 $0xFFFB1E80, s27  }
0x15: {  	s16 =	ssub.s32 s16, s17;
	s17 =	ssub.s32 $0x4E200, s27;
	s15 =	ssub.s32 s15, s18  }
0x16: {  	p1 =	sgt.s32 s28, $0x7F;
	s17 =	smul.u32 $0xC0, s17;
	s15 =	sand.u32 $0xFFFF, s15  }
0x17: {  	[tilespmem:s14+$0x810 ss:$0x81] =	vst.msk $0xffff, v2;
	s29 =	sshrl.u32 s16, $0x3;
	s16 =	sand.u32 $0x7, s16;
	s15 =	smul.u32 $0x9C40, s15  }
0x18: {  	[tilespmem:s14+$0x1020 ss:$0x81] =	vst.msk $0xffff, v0;
	s18 =	sadd.s32 s5, s29;
	s16 =	sshll.u32 s16, $0x12;
	s17 =	sshrl.u32 s17, $0x2  }
0x19: {  	[tilespmem:s14+$0x0 ss:$0x81] =	vst.msk $0xffff, v1;
	s31 =	sor.u32 $0x400, s16;
	s17 =	simm.s32 @p1 $0x0;
	s30 =	sadd.s32 s15, s18  }
0x1a: {  	[hbm4b:s30+s31] =	stream.strided.scatter [tilespmem:s13], [sflag:$0x2], s17, s8, s31, $0x20;
	[tilespmem:$0x8080] =	vst v63  }
.LBB1_5:
0x1b: {  	p1 =	slt.u32 s11, $0x2  }
0x1c: {  	p2 =	sgt.s32 @!p1 s12, $0x4E180  }
0x1d: {  	s13 =	smov.u32 s12;
	s14 =	sshra.s32 @!p1 s12, $0x1F;
	p2 =	por !p2, p1  }
0x1e: {  	s12 =	sand.u32 @!p1 s14, s12;
	s13 =	simm.s32 @p2 $0x4E180  }
0x1f: {  	s12 =	ssub.s32 @!p1 s13, s12  }
0x20: {  	s13 =	ssub.s32 @!p1 $0x4E200, s12  }
0x21: {  	s12 =	sadd.s32 @!p1 $0xFFFB1E80, s12;
	s13 =	smul.u32 @!p1 $0xC0, s13  }
0x22: {  	p2 =	sgt.s32 @!p1 s12, $0x7F  }
0x23: {  	s14 =	sadd.s32 $0x1000, s10;
	p2 =	por !p2, p1;
	s12 =	sshrl.u32 @!p1 s13, $0x2  }
0x24: {  	s12 =	simm.s32 @!p2 $0x0;
	p2 =	sgt.s32 s14, $0x4E1FF  }
0x25: {  	s14 =	smov.u32 @p2 s2;
	p2 =	sne.s32 s11, s7  }
.Ltmp1:
0x26: {  	_ = 	snop;
	(pc) =	sbr.rel @!p2 .LBB1_6-.Ltmp1, $4  }
0x27: {  	s13 =	simm.s32 @!p1 $0x2  }
0x28: {  	p0 =	por !p0, !p0;
	_ =	swait.ge @!p1 [sflag:s13], s12;
	s15 =	ssub.s32 @!p1 $0x0, s12  }
0x29: {  	s12 =	smov.u32 s9;
	s11 =	sadd.s32 $0x1, s11;
	[sflag:s13] =	ssyncset.done @!p1 $0x0  }
0x2a: {  	s9 =	smov.u32 s10;
	s10 =	smov.u32 s14;
	[sflag:s13] =	ssyncadd.s32 @!p1 s15  }
.LBB1_1:
0x2b: {  	p1 =	sge.u32 s11, s6  }
0x2c: {  	s13 =	sand.u32 @!p1 $0x1FFFFFF, s10  }
0x2d: {  	s14 =	smulhi.u32 @!p1 $0x1A36E2F, s13;
	_ =	sdelay $0x1  }
0x2e: {  	s14 =	sshrl.u32 @!p1 s14, $0xB  }
0x2f: {  	s14 =	smul.u32 @!p1 $0x4E200, s14;
	_ =	sdelay $0x1  }
0x30: {  	s31 =	sadd.s32 $0xFFFFFFFF, s11;
	s15 =	sxor.u32 @!p1 $0xFFFFFFFF, s11;
	s13 =	ssub.s32 @!p1 s13, s14  }
0x31: {  	s16 =	simm.s32 @!p1 $0x80;
	s15 =	sshll.u32 @!p1 s15, $0xD;
	s13 =	sshll.u32 @!p1 s13, $0x4  }
0x32: {  	s14 =	sand.u32 @!p1 $0x2000, s15;
	s15 =	simm.s32 @!p1 $0x40;
	s13 =	sadd.s32 @!p1 s3, s13  }
0x33: {  	[tilespmem:s14], [sflag:$0x1] =	stream.strided.gather @!p1 [hbm4b:s13+s15], $0x2000, s16, s15, $0x38;
	[tilespmem:$0x8080] =	vst v63  }
0x34: {  	p1 =	sge.u32 s31, s6  }
.Ltmp2:
0x35: {  	_ = 	snop;
	(pc) =	sbr.rel @p1 .LBB1_5-.Ltmp2, $1  }
0x36: {  	_ =	sdelay $0x3  }
0x37: {  	s13 =	simm.s32 $0x1  }
0x38: {  	_ =	swait.ge [sflag:s4], $0x2000;
	s13 =	simm.s32 @!p0 $0x0  }
0x39: {  	[sflag:s4] =	ssyncset.done $0x0;
	s14 =	sshll.u32 s13, $0xD  }
0x3a: {  	[sflag:s4] =	ssyncadd.s32 $0xFFFFE000;
	s17 =	sor.u32 $0x20, s14  }
0x3b: {  	s13 =	smul.u32 $0x8100, s13;
	v3 =	vld [tilespmem:s17+$0x10]  }
0x3c: {  	s30 =	sand.u32 $0x1, s11;
	v2 =	vld [tilespmem:s17+$0xFFFFFFF0]  }
0x3d: {  	s14 =	smul.u32 $0x8100, s30;
	s13 =	sshrl.u32 s13, $0x2;
	v0 =	vld [tilespmem:s17+$0x0]  }
0x3e: {  	v1 =	vld [tilespmem:s17+$0xFFFFFFE0];
	s15 =	sor.u32 $0x4000, s13  }
0x3f: {  	s31 =	sshrl.u32 s14, $0x2;
	s14 =	sadd.s32 $0x0, s15  }
0x40: {  	s16 =	simm.s32 $0x4;
	s17 =	sadd.s32 $0x40, s17;
	s13 =	sor.u32 $0x4000, s31;
	[tilespmem:s14+$0x1830 ss:$0x81] =	vst.msk $0xffff, v3  }
.LBB1_3:
0x41: {  	v3 =	vld [tilespmem:s17+$0x10];
	p1 =	sne.s32 s16, $0x1FC;
	[tilespmem:s14+$0x810 ss:$0x81] =	vst.msk $0xffff, v2;
	s18 =	smov.u32 s16;
	s16 =	sadd.s32 $0x4, s16  }
.Ltmp3:
0x42: {  	v2 =	vld [tilespmem:s17+$0xFFFFFFF0];
	[tilespmem:s14+$0x1020 ss:$0x81] =	vst.msk $0xffff, v0;
	(pc) =	sbr.rel @p1 .LBB1_3-.Ltmp3, $4  }
0x43: {  	v0 =	vld [tilespmem:s17+$0x0];
	[tilespmem:s14+$0x0 ss:$0x81] =	vst.msk $0xffff, v1  }
0x44: {  	s14 =	sshra.s32 s18, $0x2;
	v1 =	vld [tilespmem:s17+$0xFFFFFFE0]  }
0x45: {  	s14 =	sadd.s32 s14, s15  }
0x46: {  	s17 =	sadd.s32 $0x40, s17;
	[tilespmem:s14+$0x1830 ss:$0x81] =	vst.msk $0xffff, v3  }
.Ltmp4:
0x47: {  	_ = 	snop;
	(pc) =	sbr.rel .LBB1_4-.Ltmp4, $1  }
0x48: {  	_ =	sdelay $0x3  }
.LBB1_6:
0x49: {  	_ =	sfence.sel $0x180000  }
0x4a: {  	s2 =	simm.s32 $0x1;
	[bflag:$0x0] =	sbarrier.arrive $0xFFFF  }
0x4b: {  	s31 =	simm.s32 $0x2;
	[sflag:s2] =	ssyncpa.u1 $0x1  }
0x4c: {  	[sflag:s31] =	ssyncpa.u1 $0x1  }
0x4d: {  	p0 =	sne.s32 s0, $0x0;
	_ =	strace $0x9000004A  }
0x4e: {  	s0 =	sadd.s32 @!p0 $0x100000, s1;
	[bflag:$0x2] =	sbarrier.arrive $0xFFFF  }
0x4f: {  	[sflag:s0] =	ssyncadd.tile.s32 @!p0 $0x1;
	_ =	shalt  }
.Lfunc_end1:
_tile_overlayer_lowered:
.L_overlay_start_2:
0x50: {  	(tag) =	ssettag $0x2  }
0x51: {  	s0 =	rddreg [dreg:$0x0];
	s2 =	stileid.u32  }
0x52: {  	s1 =	rddreg [dreg:$0x1];
	p0 =	sne.s32 s2, $0x0  }
0x53: {  	s3 =	rddreg [dreg:$0x2];
	[bflag:$0x3] =	sbarrier.arrive $0xFFFF;
	s2 =	simm.s32 @!p0 $0x1C01  }
0x54: {  	[timem:s3], [sflag:s2] =	dma.local @!p0 [hbm:s0], s1  }
0x55: {  	s0 =	simm.s32 @!p0 $0x1  }
0x56: {  	_ =	swait.ge @!p0 [sflag:s0], s1  }
0x57: {  	s1 =	ssub.s32 @!p0 $0x0, s1;
	[sflag:s0] =	ssyncset.done @!p0 $0x0  }
0x58: {  	[sflag:s0] =	ssyncadd.s32 @!p0 s1  }
0x59: {  	[bflag:$0x3] =	sbarrier.arrive $0xFFFF  }
0x5a: {  	_ =	shalt  }

// kernel: sparse-core-data-format-call.cloned.1.call-start
scs
called_computation_lowered:
.L_overlay_start_0:
0x0: {  	s1 =	sld [smem:$0x3FD9]  }
0x1: {  	s2 =	sld [smem:$0x3FFE];
	_ =	sdelay $0x1  }
0x2: {  	s3 =	srdreg.scid  }
0x3: {  	s0 =	sand.u32 $0x1, s3  }
0x4: {  	s17 =	sshll.u32 s0, $0xA;
	s1 =	sadd.s32 s2, s1  }
0x5: {  	s1 =	sadd.s32 s1, s17  }
0x6: {  	[smem:$0x3FB5] =	sst s1  }
0x7: {  	_ = 	snop  }
0x8: {  	(tm) =	ssettm $0x1  }
0x9: {  	s18 =	sld [smem:$0x3FFB];
	_ =	sdelay $0x3  }
0xa: {  	_ =	strace s18  }
0xb: {  	s1 =	sld [smem:$0x3FFC];
	_ =	sdelay $0x3  }
0xc: {  	_ =	strace s1  }
0xd: {  	s1 =	sld [smem:$0x3FFD];
	_ =	sdelay $0x3  }
0xe: {  	_ =	strace s1  }
0xf: {  	_ =	strace $0x8FFFFFFF  }
0x10: {  	s19 =	sld [smem:$0x3FDB];
	_ =	sdelay $0x1  }
0x11: {  	s20 =	simm.s32 $_scs_section_size  }
0x12: {  	s4 =	simm.s32 $_size__tile_overlayer_lowered;
	s5 =	simm.s32 $_tile_overlayer_lowered  }
0x13: {  	s23 =	simm.s32 $0x1BFF;
	s22 =	sshll.u32 s5, $0x1;
	s1 =	sadd.s32 s20, s19  }
0x14: {  	s6 =	simm.s32 $0x0;
	s21 =	sshll.u32 s4, $0x1;
	s4 =	sadd.s32 s22, s1  }
0x15: {  	[timem:s6], [sflag:s23] =	dma.local [hbm:s4], s21  }
0x16: {  	_ =	swait.ge [sflag:s23], s21  }
0x17: {  	s2 =	ssub.s32 $0x0, s21;
	[sflag:s23] =	ssyncset.done $0x0  }
0x18: {  	[sflag:s23] =	ssyncadd.s32 s2;
	_ =	sdelay $0x1  }
0x19: {  	s24 =	simm.s32 $0x1B8B  }
0x1a: {  	_ =	swait.ge [sflag:s24], $0x1  }
0x1b: {  	[sflag:s24] =	ssyncset.done $0x0  }
0x1c: {  	s26 =	simm.s32 $0x1B8E;
	s25 =	sld [smem:$0x3FFE];
	[sflag:s24] =	ssyncadd.s32 $0xFFFFFFFF  }
0x1d: {  	s27 =	simm.s32 $execute0_lowered;
	[smem:$0x3FD2] =	sst s26  }
0x1e: {  	s4 =	sshll.u32 s27, $0x1;
	_ =	strace $0x80000052;
	[dreg:$0x1] =	wrdreg $0xFFFFFFFF  }
0x1f: {  	s28 =	simm.s32 $_size_execute0_lowered;
	s1 =	sadd.s32 s1, s4;
	[dreg:$0x0] =	wrdreg $0x0  }
0x20: {  	s4 =	sshll.u32 s28, $0x1;
	[dreg:$0x2] =	wrdreg s1  }
0x21: {  	[dreg:$0x3] =	wrdreg s4  }
0x22: {  	[dreg:$0x4] =	wrdreg $0xC0  }
0x23: {  	_ =	task [dreg:s6], $0x5FFFF  }
0x24: {  	[dreg:$0x1] =	wrdreg $0xFFFFFFFF  }
0x25: {  	[dreg:$0x0] =	wrdreg $0x60  }
0x26: {  	[dreg:$0x2] =	wrdreg s25  }
0x27: {  	[dreg:$0x3] =	wrdreg $0x9  }
0x28: {  	_ =	task.clear_ibuf [dreg:s6], $0x4FFFF;
	_ =	strace $0x90000052  }
0x29: {  	s29 =	simm.s32 $0x9;
	_ =	strace $0x80000054  }
0x2a: {  	_ =	swait.ge [sflag:s29], $0x1  }
0x2b: {  	[sflag:s29] =	ssyncadd.s32 $0xFFFFFFFF  }
0x2c: {  	_ =	strace $0x90000054  }
0x2d: {  	_ =	sfence  }
0x2e: {  	s30 =	sld [smem:$0x0];
	_ =	sdelay $0x2  }
0x2f: {  	s31 =	sshll.u32 s3, $0xD;
	s3 =	sshrl.u32 s3, $0x2  }
0x30: {  	s2 =	sand.u32 $0x4000, s31;
	s1 =	sadd.s32 s3, s30  }
0x31: {  	s0 =	sor.u32 s2, s0;
	s1 =	sshll.u32 s1, $0x11  }
0x32: {  	s0 =	sor.u32 s1, s0  }
0x33: {  	s0 =	sadd.s32 $0x8F2B, s0  }
0x34: {  	[sflag:s0] =	ssyncadd.remote.s32 $0x1  }
0x35: {  	_ =	sfence.sel $0xFFFF  }
0x36: {  	[dreg:$0x0] =	wrdreg $0xFFFFFFFF;
	(pc) =	sbr.abs _section_cstart, $3  }
0x37: {  	[dreg:$0x1] =	wrdreg $0xFFFFFFFF  }
0x38: {  	_ =	task.clear_ibuf [dreg:s6], $0x2FFFF;
	_ =	strace $0x9FFFFFFF  }
0x39: {  	(tm) =	ssettm $0x7FFFFFFF  }
tec
execute0_lowered:
.L_overlay_start_1:
0x0: {  	(tag) =	ssettag $0x1  }
0x1: {  	s0 =	srdreg.scid  }
0x2: {  	s5 =	rddreg [dreg:$0x0];
	s1 =	sshll.u32 s0, $0x4  }
0x3: {  	s4 =	simm.s32 $0x1;
	s0 =	stileid.u32;
	s1 =	sand.u32 $0x10, s1  }
0x4: {  	s8 =	simm.s32 $0x2;
	s12 =	simm.s32 $0x0;
	s2 =	sor.u32 s0, s1  }
0x5: {  	s9 =	simm.s32 $0x0;
	s11 =	simm.s32 $0x0;
	s2 =	sshll.u32 s2, $0x7  }
0x6: {  	s3 =	sadd.s32 $0x1E6200, s5;
	s5 =	sadd.s32 $0x11600, s5;
	s6 =	ssub.s32 $0x4E200, s2  }
.Ltmp0:
0x7: {  	s1 =	rddreg [dreg:$0x1];
	s7 =	sand.u32 $0xF80, s6;
	(pc) =	sbr.rel .LBB1_1-.Ltmp0, $4  }
0x8: {  	_ =	strace $0x80000053;
	p0 =	sne.s32 s7, $0x0;
	s7 =	simm.s32 $0x1  }
0x9: {  	[sflag:s4] =	ssyncpa.u1 $0x0;
	s6 =	sshrl.u32 s6, $0xC;
	s7 =	simm.s32 @!p0 $0x0  }
0xa: {  	[sflag:s8] =	ssyncpa.u1 $0x0;
	s8 =	simm.s32 $0x271000;
	s6 =	sadd.s32 s7, s6  }
0xb: {  	s10 =	smov.u32 s2;
	p0 =	por $0x0, $0x0;
	s7 =	sadd.s32 $0x1, s6  }
.LBB1_4:
0xc: {  	s15 =	sshll.u32 s9, $0x3  }
0xd: {  	s16 =	sand.u32 $0x7F, s9;
	s15 =	sand.u32 $0xFFFFFC00, s15  }
0xe: {  	s16 =	sor.u32 s16, s15;
	s15 =	smulhi.u32 $0xD1B71759, s15;
	_ =	sdelay $0x1  }
0xf: {  	s17 =	smulhi.u32 $0xD1B71759, s16;
	s15 =	sshrl.u32 s15, $0x12  }
0x10: {  	p1 =	sgt.s32 s9, $0x4E180;
	s19 =	smov.u32 s9;
	s18 =	smul.u32 $0x2AAB, s15  }
0x11: {  	s20 =	sshra.s32 s9, $0x1F;
	s19 =	simm.s32 @!p1 $0x4E180;
	s17 =	sshrl.u32 s17, $0x12  }
0x12: {  	s20 =	sand.u32 s20, s9;
	s17 =	smul.u32 $0x4E200, s17;
	s18 =	sshrl.u32 s18, $0x13  }
0x13: {  	s27 =	ssub.s32 s19, s20;
	s18 =	smul.u32 $0x30, s18  }
0x14: {  	s28 =	sadd.s32 $0xFFFB1E80, s27  }
0x15: {  	s16 =	ssub.s32 s16, s17;
	s17 =	ssub.s32 $0x4E200, s27;
	s15 =	ssub.s32 s15, s18  }
0x16: {  	p1 =	sgt.s32 s28, $0x7F;
	s17 =	smul.u32 $0xC0, s17;
	s15 =	sand.u32 $0xFFFF, s15  }
0x17: {  	[tilespmem:s14+$0x810 ss:$0x81] =	vst.msk $0xffff, v2;
	s29 =	sshrl.u32 s16, $0x3;
	s16 =	sand.u32 $0x7, s16;
	s15 =	smul.u32 $0x9C40, s15  }
0x18: {  	[tilespmem:s14+$0x1020 ss:$0x81] =	vst.msk $0xffff, v0;
	s18 =	sadd.s32 s5, s29;
	s16 =	sshll.u32 s16, $0x12;
	s17 =	sshrl.u32 s17, $0x2  }
0x19: {  	[tilespmem:s14+$0x0 ss:$0x81] =	vst.msk $0xffff, v1;
	s31 =	sor.u32 $0x400, s16;
	s17 =	simm.s32 @p1 $0x0;
	s30 =	sadd.s32 s15, s18  }
0x1a: {  	[hbm4b:s30+s31] =	stream.strided.scatter [tilespmem:s13], [sflag:$0x2], s17, s8, s31, $0x20;
	[tilespmem:$0x8080] =	vst v63  }
.LBB1_5:
0x1b: {  	p1 =	slt.u32 s11, $0x2  }
0x1c: {  	p2 =	sgt.s32 @!p1 s12, $0x4E180  }
0x1d: {  	s13 =	smov.u32 s12;
	s14 =	sshra.s32 @!p1 s12, $0x1F;
	p2 =	por !p2, p1  }
0x1e: {  	s12 =	sand.u32 @!p1 s14, s12;
	s13 =	simm.s32 @p2 $0x4E180  }
0x1f: {  	s12 =	ssub.s32 @!p1 s13, s12  }
0x20: {  	s13 =	ssub.s32 @!p1 $0x4E200, s12  }
0x21: {  	s12 =	sadd.s32 @!p1 $0xFFFB1E80, s12;
	s13 =	smul.u32 @!p1 $0xC0, s13  }
0x22: {  	p2 =	sgt.s32 @!p1 s12, $0x7F  }
0x23: {  	s14 =	sadd.s32 $0x1000, s10;
	p2 =	por !p2, p1;
	s12 =	sshrl.u32 @!p1 s13, $0x2  }
0x24: {  	s12 =	simm.s32 @!p2 $0x0;
	p2 =	sgt.s32 s14, $0x4E1FF  }
0x25: {  	s14 =	smov.u32 @p2 s2;
	p2 =	sne.s32 s11, s7  }
.Ltmp1:
0x26: {  	_ = 	snop;
	(pc) =	sbr.rel @!p2 .LBB1_6-.Ltmp1, $4  }
0x27: {  	s13 =	simm.s32 @!p1 $0x2  }
0x28: {  	p0 =	por !p0, !p0;
	_ =	swait.ge @!p1 [sflag:s13], s12;
	s15 =	ssub.s32 @!p1 $0x0, s12  }
0x29: {  	s12 =	smov.u32 s9;
	s11 =	sadd.s32 $0x1, s11;
	[sflag:s13] =	ssyncset.done @!p1 $0x0  }
0x2a: {  	s9 =	smov.u32 s10;
	s10 =	smov.u32 s14;
	[sflag:s13] =	ssyncadd.s32 @!p1 s15  }
.LBB1_1:
0x2b: {  	p1 =	sge.u32 s11, s6  }
0x2c: {  	s13 =	sand.u32 @!p1 $0x1FFFFFF, s10  }
0x2d: {  	s14 =	smulhi.u32 @!p1 $0x1A36E2F, s13;
	_ =	sdelay $0x1  }
0x2e: {  	s14 =	sshrl.u32 @!p1 s14, $0xB  }
0x2f: {  	s14 =	smul.u32 @!p1 $0x4E200, s14;
	_ =	sdelay $0x1  }
0x30: {  	s31 =	sadd.s32 $0xFFFFFFFF, s11;
	s15 =	sxor.u32 @!p1 $0xFFFFFFFF, s11;
	s13 =	ssub.s32 @!p1 s13, s14  }
0x31: {  	s16 =	simm.s32 @!p1 $0x80;
	s15 =	sshll.u32 @!p1 s15, $0xD;
	s13 =	sshll.u32 @!p1 s13, $0x4  }
0x32: {  	s14 =	sand.u32 @!p1 $0x2000, s15;
	s15 =	simm.s32 @!p1 $0x40;
	s13 =	sadd.s32 @!p1 s3, s13  }
0x33: {  	[tilespmem:s14], [sflag:$0x1] =	stream.strided.gather @!p1 [hbm4b:s13+s15], $0x2000, s16, s15, $0x38;
	[tilespmem:$0x8080] =	vst v63  }
0x34: {  	p1 =	sge.u32 s31, s6  }
.Ltmp2:
0x35: {  	_ = 	snop;
	(pc) =	sbr.rel @p1 .LBB1_5-.Ltmp2, $1  }
0x36: {  	_ =	sdelay $0x3  }
0x37: {  	s13 =	simm.s32 $0x1  }
0x38: {  	_ =	swait.ge [sflag:s4], $0x2000;
	s13 =	simm.s32 @!p0 $0x0  }
0x39: {  	[sflag:s4] =	ssyncset.done $0x0;
	s14 =	sshll.u32 s13, $0xD  }
0x3a: {  	[sflag:s4] =	ssyncadd.s32 $0xFFFFE000;
	s17 =	sor.u32 $0x20, s14  }
0x3b: {  	s13 =	smul.u32 $0x8100, s13;
	v3 =	vld [tilespmem:s17+$0x10]  }
0x3c: {  	s30 =	sand.u32 $0x1, s11;
	v2 =	vld [tilespmem:s17+$0xFFFFFFF0]  }
0x3d: {  	s14 =	smul.u32 $0x8100, s30;
	s13 =	sshrl.u32 s13, $0x2;
	v0 =	vld [tilespmem:s17+$0x0]  }
0x3e: {  	v1 =	vld [tilespmem:s17+$0xFFFFFFE0];
	s15 =	sor.u32 $0x4000, s13  }
0x3f: {  	s31 =	sshrl.u32 s14, $0x2;
	s14 =	sadd.s32 $0x0, s15  }
0x40: {  	s16 =	simm.s32 $0x4;
	s17 =	sadd.s32 $0x40, s17;
	s13 =	sor.u32 $0x4000, s31;
	[tilespmem:s14+$0x1830 ss:$0x81] =	vst.msk $0xffff, v3  }
.LBB1_3:
0x41: {  	v3 =	vld [tilespmem:s17+$0x10];
	p1 =	sne.s32 s16, $0x1FC;
	[tilespmem:s14+$0x810 ss:$0x81] =	vst.msk $0xffff, v2;
	s18 =	smov.u32 s16;
	s16 =	sadd.s32 $0x4, s16  }
.Ltmp3:
0x42: {  	v2 =	vld [tilespmem:s17+$0xFFFFFFF0];
	[tilespmem:s14+$0x1020 ss:$0x81] =	vst.msk $0xffff, v0;
	(pc) =	sbr.rel @p1 .LBB1_3-.Ltmp3, $4  }
0x43: {  	v0 =	vld [tilespmem:s17+$0x0];
	[tilespmem:s14+$0x0 ss:$0x81] =	vst.msk $0xffff, v1  }
0x44: {  	s14 =	sshra.s32 s18, $0x2;
	v1 =	vld [tilespmem:s17+$0xFFFFFFE0]  }
0x45: {  	s14 =	sadd.s32 s14, s15  }
0x46: {  	s17 =	sadd.s32 $0x40, s17;
	[tilespmem:s14+$0x1830 ss:$0x81] =	vst.msk $0xffff, v3  }
.Ltmp4:
0x47: {  	_ = 	snop;
	(pc) =	sbr.rel .LBB1_4-.Ltmp4, $1  }
0x48: {  	_ =	sdelay $0x3  }
.LBB1_6:
0x49: {  	_ =	sfence.sel $0x180000  }
0x4a: {  	s2 =	simm.s32 $0x1;
	[bflag:$0x0] =	sbarrier.arrive $0xFFFF  }
0x4b: {  	s31 =	simm.s32 $0x2;
	[sflag:s2] =	ssyncpa.u1 $0x1  }
0x4c: {  	[sflag:s31] =	ssyncpa.u1 $0x1  }
0x4d: {  	p0 =	sne.s32 s0, $0x0;
	_ =	strace $0x90000053  }
0x4e: {  	s0 =	sadd.s32 @!p0 $0x100000, s1;
	[bflag:$0x2] =	sbarrier.arrive $0xFFFF  }
0x4f: {  	[sflag:s0] =	ssyncadd.tile.s32 @!p0 $0x1;
	_ =	shalt  }
.Lfunc_end1:
_tile_overlayer_lowered:
.L_overlay_start_2:
0x50: {  	(tag) =	ssettag $0x2  }
0x51: {  	s0 =	rddreg [dreg:$0x0];
	s2 =	stileid.u32  }
0x52: {  	s1 =	rddreg [dreg:$0x1];
	p0 =	sne.s32 s2, $0x0  }
0x53: {  	s3 =	rddreg [dreg:$0x2];
	[bflag:$0x3] =	sbarrier.arrive $0xFFFF;
	s2 =	simm.s32 @!p0 $0x1C01  }
0x54: {  	[timem:s3], [sflag:s2] =	dma.local @!p0 [hbm:s0], s1  }
0x55: {  	s0 =	simm.s32 @!p0 $0x1  }
0x56: {  	_ =	swait.ge @!p0 [sflag:s0], s1  }
0x57: {  	s1 =	ssub.s32 @!p0 $0x0, s1;
	[sflag:s0] =	ssyncset.done @!p0 $0x0  }
0x58: {  	[sflag:s0] =	ssyncadd.s32 @!p0 s1  }
0x59: {  	[bflag:$0x3] =	sbarrier.arrive $0xFFFF  }
0x5a: {  	_ =	shalt  }

</sc_bundles>
